<compile_context>
chip_gen: v7x
topology: tpu7x:2x2x1
jax: 0.10.2.dev20260603
libtpu: 0.0.44.dev20260713+nightly
codegen_flags: <defaults>
</compile_context>

<pallas_src>
import functools

import jax
import jax.numpy as jnp
from jax import lax
from jax.experimental import pallas as pl
from jax.experimental.pallas import tpu as pltpu
from jax.experimental.pallas import tpu_sc as plsc

_B = 8
_NPG = 1250
_EPG = 20000
_IN = 256
_HID = 512
_OUT = 40
_NP1 = 1280

_HI = lax.Precision.HIGHEST


_CH = 2000
_ROWS = 80
_TILE_W = _ROWS * _NP1
_GPC = 4


def _build_counts_sc(src, dst):
    mesh = plsc.VectorSubcoreMesh(core_axis_name="c", subcore_axis_name="s")

    @functools.partial(
        pl.kernel,
        out_type=jax.ShapeDtypeStruct((_B * _NP1 * _NP1,), jnp.float32),
        mesh=mesh,
        scratch_types=[
            pltpu.VMEM((_CH,), jnp.int32),
            pltpu.VMEM((_CH,), jnp.int32),
            pltpu.VMEM((_TILE_W,), jnp.float32),
        ],
        compiler_params=pltpu.CompilerParams(needs_layout_passes=False),
    )
    def kern(src_hbm, dst_hbm, out_hbm, src_v, dst_v, c_v):
        c = lax.axis_index("c")
        s = lax.axis_index("s")
        zeros16 = jnp.zeros((16,), jnp.float32)
        ones16 = jnp.ones((16,), jnp.float32)
        for gi in range(_GPC):
            g = c * _GPC + gi
            nbase = g * _NPG
            rbase = s * _ROWS

            def zbody(j, _):
                b = j * 128
                for u in range(8):
                    c_v[pl.ds(b + u * 16, 16)] = zeros16
                return 0

            lax.fori_loop(0, _TILE_W // 128, zbody, 0)

            for ch in range(_EPG // _CH):
                ebase = g * _EPG + ch * _CH
                pltpu.sync_copy(src_hbm.at[pl.ds(ebase, _CH)], src_v)
                pltpu.sync_copy(dst_hbm.at[pl.ds(ebase, _CH)], dst_v)

                def ebody(j, _):
                    sl = src_v[pl.ds(j * 16, 16)] - nbase
                    dl = dst_v[pl.ds(j * 16, 16)] - nbase - rbase
                    m = (dl >= 0) & (dl < _ROWS)
                    fidx = jnp.where(m, dl * _NP1 + sl, 0)
                    plsc.addupdate_scatter(c_v, [fidx], ones16, mask=m)
                    return 0

                lax.fori_loop(0, _CH // 16, ebody, 0)

            obase = g * (_NP1 * _NP1) + s * _TILE_W
            pltpu.sync_copy(c_v, out_hbm.at[pl.ds(obase, _TILE_W)])

    return kern(src, dst)


def _cumsum0(v):
    n = v.shape[0]
    d = 1
    while d < n:
        w = v.shape[1]
        v = v + jnp.concatenate(
            [jnp.zeros((d, w), jnp.float32), v[: n - d]], axis=0)
        d *= 2
    return v


def _split3(v):
    hi = v.astype(jnp.bfloat16)
    r1 = v - hi.astype(jnp.float32)
    mid = r1.astype(jnp.bfloat16)
    lo = (r1 - mid.astype(jnp.float32)).astype(jnp.bfloat16)
    return hi, mid, lo


def _cdot(Cb, v, dims=(((1,), (0,)), ((), ()))):
    hi, mid, lo = _split3(v)
    return (lax.dot_general(Cb, hi, dims, preferred_element_type=jnp.float32)
            + lax.dot_general(Cb, mid, dims,
                              preferred_element_type=jnp.float32)
            + lax.dot_general(Cb, lo, dims,
                              preferred_element_type=jnp.float32))


def _norms(Cb):
    npp = Cb.shape[0]
    ones = jnp.ones((npp, 1), jnp.bfloat16)
    deg_in = lax.dot_general(Cb, ones, (((1,), (0,)), ((), ())),
                             preferred_element_type=jnp.float32)
    deg_out = lax.dot_general(Cb, ones, (((0,), (0,)), ((), ())),
                              preferred_element_type=jnp.float32)
    cs = 1.0 / jnp.sqrt(jnp.maximum(deg_out, 1.0))
    cd = 1.0 / jnp.sqrt(jnp.maximum(deg_in, 1.0))
    return cs, cd


def _conv(Cb, cs, cd, v, W, b):
    agg = _cdot(Cb, v * cs) * cd
    return lax.dot_general(agg, W, (((1,), (0,)), ((), ())),
                           precision=_HI) + b


def _topk(Cb, h, Wsc, bsc, npg, k):
    npp = Cb.shape[0]
    cs, cd = _norms(Cb)
    v = lax.dot_general(h * cs, Wsc, (((1,), (0,)), ((), ())),
                        precision=_HI)
    score = _cdot(Cb, v) * cd + bsc
    row = lax.broadcasted_iota(jnp.int32, (npp, 1), 0)
    score = jnp.where(row < npg, score, -jnp.inf)

    km = lax.bitcast_convert_type(score, jnp.int32)
    km = jnp.where(km >= 0, km, km ^ jnp.int32(0x7FFFFFFF))
    ku = lax.bitcast_convert_type(km ^ jnp.int32(-2147483648), jnp.uint32)

    def tbody(i, t):
        cand = t | (jnp.uint32(1) << (jnp.uint32(31) - i.astype(jnp.uint32)))
        cnt = jnp.sum((ku >= cand).astype(jnp.int32))
        return jnp.where(cnt >= k, cand, t)

    T = lax.fori_loop(0, 32, tbody, jnp.uint32(0))

    gt = ku > T
    eq = ku == T
    n_gt = jnp.sum(gt.astype(jnp.int32))
    need = (k - n_gt).astype(jnp.float32)
    cums = _cumsum0(jnp.concatenate(
        [eq.astype(jnp.float32), gt.astype(jnp.float32)], axis=1))
    rank_eq = cums[:, 0:1] - eq.astype(jnp.float32)
    sel = gt | (eq & (rank_eq < need))

    gated = h * jnp.tanh(score)
    g = jnp.max(jnp.where(sel, gated, -jnp.inf), axis=0, keepdims=True)
    return gated, sel, score, g


def _chain(Cb, x, W1, b1, W2, b2, Wsc, bsc, npg, k):
    cs, cd = _norms(Cb)
    h = jax.nn.relu(_conv(Cb, cs, cd, x, W1, b1))
    h = jax.nn.relu(_conv(Cb, cs, cd, h, W2, b2))
    h = jax.nn.relu(_conv(Cb, cs, cd, h, W2, b2))
    return _topk(Cb, h, Wsc, bsc, npg, k)


def _conv2_body(C_ref, x_ref, W1_ref, b1_ref, W2_ref, b2_ref, h_ref):
    C = C_ref[0]
    cs, cd = _norms(C)
    h = jax.nn.relu(_conv(C, cs, cd, x_ref[0], W1_ref[...], b1_ref[...]))
    h_ref[0] = jax.nn.relu(_conv(C, cs, cd, h, W2_ref[...], b2_ref[...]))


def _conv1_body(C_ref, x_ref, W_ref, b_ref, h_ref):
    C = C_ref[0]
    cs, cd = _norms(C)
    h_ref[0] = jax.nn.relu(_conv(C, cs, cd, x_ref[0], W_ref[...], b_ref[...]))


def _score_body(C_ref, h_ref, Ws_ref, bs_ref, gated_ref, score_ref,
                sel_ref, *, npg, k):
    C = C_ref[0]
    gated, sel, score, _ = _topk(C, h_ref[0], Ws_ref[...], bs_ref[...],
                                 npg, k)
    gated_ref[0] = gated
    score_ref[0] = score
    sel_ref[0] = sel.astype(jnp.float32)


def _rank_body(sc_ref, sf_ref, sr_ref, fr_ref, rsel_ref):
    s_col = sc_ref[0]
    sf_col = sf_ref[0]
    npp = s_col.shape[0]
    ii = lax.broadcasted_iota(jnp.int32, (npp, 1), 0)
    ch = 256
    rank = jnp.zeros((npp, 1), jnp.float32)
    for c0 in range(0, npp, ch):
        w = min(ch, npp - c0)
        s_j = sr_ref[0, :, c0:c0 + w]
        sf_j = fr_ref[0, :, c0:c0 + w]
        jj = lax.broadcasted_iota(jnp.int32, (1, w), 1) + c0
        before = (s_j > s_col) | ((s_j == s_col) & (jj < ii))
        rank = rank + jnp.sum(jnp.where(before, sf_j, 0.0),
                              axis=1, keepdims=True)
    rsel_ref[0] = jnp.where(sf_col > 0.0, rank, -1.0)


def _pool_body(C_ref, rsel_ref, gated_ref, fn_ref, Cn_ref, g_ref, *, kpad):
    Cb = C_ref[0]
    rsel = rsel_ref[0]
    gated = gated_ref[0]
    npp = Cb.shape[0]
    kio = lax.broadcasted_iota(jnp.int32, (npp, kpad), 1).astype(jnp.float32)
    PTb = (rsel == kio).astype(jnp.bfloat16)
    tdims = (((0,), (0,)), ((), ()))
    fn_ref[0] = _cdot(PTb, gated, tdims)
    tmp = lax.dot_general(PTb, Cb, tdims,
                          preferred_element_type=jnp.float32)
    Cn_ref[0] = lax.dot_general(
        tmp.astype(jnp.bfloat16), PTb, (((1,), (0,)), ((), ())),
        preferred_element_type=jnp.float32).astype(jnp.bfloat16)
    g_ref[0] = jnp.max(jnp.where(rsel >= 0.0, gated, -jnp.inf),
                       axis=0, keepdims=True)


def _final_body(C_ref, x_ref, W1_ref, b1_ref, W2_ref, b2_ref, Ws_ref,
                bs_ref, g1_ref, g2_ref, l1W_ref, l1b_ref, l2W_ref, l2b_ref,
                l3W_ref, l3b_ref, out_ref, *, npg, k):
    C = C_ref[0]
    x = x_ref[0]
    _, _, _, g3 = _chain(
        C, x, W1_ref[...], b1_ref[...], W2_ref[...], b2_ref[...],
        Ws_ref[...], bs_ref[...], npg, k)
    gt = g1_ref[0] + g2_ref[0] + g3
    cat = jnp.concatenate([gt, gt], axis=1)
    f = jax.nn.relu(
        lax.dot_general(cat, l1W_ref[...], (((1,), (0,)), ((), ())),
                        precision=_HI) + l1b_ref[...])
    f = jax.nn.relu(
        lax.dot_general(f, l2W_ref[...], (((1,), (0,)), ((), ())),
                        precision=_HI) + l2b_ref[...])
    out_ref[0] = lax.dot_general(
        f, l3W_ref[...], (((1,), (0,)), ((), ())),
        precision=_HI) + l3b_ref[...]


def _full_spec(shp):
    nd = len(shp)
    return pl.BlockSpec(shp, lambda g, _n=nd: (0,) * _n)


def _block_call_split(C, feat, W1, b1, W2, b2, Wsc, bsc, *, npg, k, kpad,
                      interpret=False):
    bsz, npp, din = feat.shape
    hid = W2.shape[1]
    h2 = pl.pallas_call(
        _conv2_body,
        grid=(bsz,),
        in_specs=[
            pl.BlockSpec((1, npp, npp), lambda g: (g, 0, 0)),
            pl.BlockSpec((1, npp, din), lambda g: (g, 0, 0)),
            _full_spec(W1.shape), _full_spec(b1.shape),
            _full_spec(W2.shape), _full_spec(b2.shape),
        ],
        out_specs=pl.BlockSpec((1, npp, hid), lambda g: (g, 0, 0)),
        out_shape=jax.ShapeDtypeStruct((bsz, npp, hid), jnp.float32),
        interpret=interpret,
    )(C, feat, W1, b1, W2, b2)
    h3 = pl.pallas_call(
        _conv1_body,
        grid=(bsz,),
        in_specs=[
            pl.BlockSpec((1, npp, npp), lambda g: (g, 0, 0)),
            pl.BlockSpec((1, npp, hid), lambda g: (g, 0, 0)),
            _full_spec(W2.shape), _full_spec(b2.shape),
        ],
        out_specs=pl.BlockSpec((1, npp, hid), lambda g: (g, 0, 0)),
        out_shape=jax.ShapeDtypeStruct((bsz, npp, hid), jnp.float32),
        interpret=interpret,
    )(C, h2, W2, b2)
    gated, score, self_ = pl.pallas_call(
        functools.partial(_score_body, npg=npg, k=k),
        grid=(bsz,),
        in_specs=[
            pl.BlockSpec((1, npp, npp), lambda g: (g, 0, 0)),
            pl.BlockSpec((1, npp, hid), lambda g: (g, 0, 0)),
            _full_spec(Wsc.shape), _full_spec(bsc.shape),
        ],
        out_specs=[
            pl.BlockSpec((1, npp, hid), lambda g: (g, 0, 0)),
            pl.BlockSpec((1, npp, 1), lambda g: (g, 0, 0)),
            pl.BlockSpec((1, npp, 1), lambda g: (g, 0, 0)),
        ],
        out_shape=[
            jax.ShapeDtypeStruct((bsz, npp, hid), jnp.float32),
            jax.ShapeDtypeStruct((bsz, npp, 1), jnp.float32),
            jax.ShapeDtypeStruct((bsz, npp, 1), jnp.float32),
        ],
        interpret=interpret,
    )(C, h3, Wsc, bsc)
    rsel = pl.pallas_call(
        _rank_body,
        grid=(bsz,),
        in_specs=[
            pl.BlockSpec((1, npp, 1), lambda g: (g, 0, 0)),
            pl.BlockSpec((1, npp, 1), lambda g: (g, 0, 0)),
            pl.BlockSpec((1, 1, npp), lambda g: (g, 0, 0)),
            pl.BlockSpec((1, 1, npp), lambda g: (g, 0, 0)),
        ],
        out_specs=pl.BlockSpec((1, npp, 1), lambda g: (g, 0, 0)),
        out_shape=jax.ShapeDtypeStruct((bsz, npp, 1), jnp.float32),
        interpret=interpret,
    )(score, self_, score.reshape(bsz, 1, npp), self_.reshape(bsz, 1, npp))
    fn, Cn, g = pl.pallas_call(
        functools.partial(_pool_body, kpad=kpad),
        grid=(bsz,),
        in_specs=[
            pl.BlockSpec((1, npp, npp), lambda g: (g, 0, 0)),
            pl.BlockSpec((1, npp, 1), lambda g: (g, 0, 0)),
            pl.BlockSpec((1, npp, hid), lambda g: (g, 0, 0)),
        ],
        out_specs=[
            pl.BlockSpec((1, kpad, hid), lambda g: (g, 0, 0)),
            pl.BlockSpec((1, kpad, kpad), lambda g: (g, 0, 0)),
            pl.BlockSpec((1, 1, hid), lambda g: (g, 0, 0)),
        ],
        out_shape=[
            jax.ShapeDtypeStruct((bsz, kpad, hid), jnp.float32),
            jax.ShapeDtypeStruct((bsz, kpad, kpad), jnp.bfloat16),
            jax.ShapeDtypeStruct((bsz, 1, hid), jnp.float32),
        ],
        interpret=interpret,
    )(C, rsel, gated)
    return fn, Cn, g


def _final_call(C, feat, W1, b1, W2, b2, Wsc, bsc, g1, g2,
                l1W, l1b, l2W, l2b, l3W, l3b, *, npg, k, interpret=False):
    bsz, npp, din = feat.shape
    return pl.pallas_call(
        functools.partial(_final_body, npg=npg, k=k),
        grid=(bsz,),
        in_specs=[
            pl.BlockSpec((1, npp, npp), lambda g: (g, 0, 0)),
            pl.BlockSpec((1, npp, din), lambda g: (g, 0, 0)),
            _full_spec(W1.shape), _full_spec(b1.shape),
            _full_spec(W2.shape), _full_spec(b2.shape),
            _full_spec(Wsc.shape), _full_spec(bsc.shape),
            pl.BlockSpec((1, 1, _HID), lambda g: (g, 0, 0)),
            pl.BlockSpec((1, 1, _HID), lambda g: (g, 0, 0)),
            _full_spec(l1W.shape), _full_spec(l1b.shape),
            _full_spec(l2W.shape), _full_spec(l2b.shape),
            _full_spec(l3W.shape), _full_spec(l3b.shape),
        ],
        out_specs=pl.BlockSpec((1, 1, _OUT), lambda g: (g, 0, 0)),
        out_shape=jax.ShapeDtypeStruct((bsz, 1, _OUT), jnp.float32),
        interpret=interpret,
    )(C, feat, W1, b1, W2, b2, Wsc, bsc, g1, g2,
      l1W, l1b, l2W, l2b, l3W, l3b)


def _wprep(p):
    Wsc = (p["Ws1"] + p["Ws2"]) * 0.5
    bsc = ((p["bs1"] + p["bs2"]) * 0.5).reshape(1, 1)
    return (p["W1"], p["b1"].reshape(1, -1), p["W2"], p["b2"].reshape(1, -1),
            Wsc, bsc)


def _tc_forward(C1, xp, params, interpret=False):
    C1 = C1.astype(jnp.bfloat16)
    blocks = params["blocks"]
    f2, C2, g1 = _block_call_split(C1, xp, *_wprep(blocks[0]),
                                   npg=1250, k=625, kpad=640,
                                   interpret=interpret)
    f3, C3, g2 = _block_call_split(C2, f2, *_wprep(blocks[1]),
                                   npg=625, k=313, kpad=320,
                                   interpret=interpret)
    out = _final_call(
        C3, f3, *_wprep(blocks[2]), g1, g2,
        params["lin1_W"], params["lin1_b"].reshape(1, -1),
        params["lin2_W"], params["lin2_b"].reshape(1, -1),
        params["lin3_W"], params["lin3_b"].reshape(1, -1),
        npg=313, k=157, interpret=interpret)
    return out.reshape(_B, _OUT)


def kernel(x, params, edge_index):
    Cf = _build_counts_sc(edge_index[0], edge_index[1])
    C1 = Cf.reshape(_B, _NP1, _NP1)
    xp = jnp.pad(x.reshape(_B, _NPG, _IN), ((0, 0), (0, _NP1 - _NPG), (0, 0)))
    return _tc_forward(C1, xp, params)

# --- scband reference (transcript-rebuilt; emitter-appended) ---
"""Pipeline reference for scband-sagnetwork-hierarchical-34076270526879 (READ-ONLY COPY).

The authoritative reference and input builder live on the scoring server;
editing this copy changes nothing except your own understanding.
"""

import jax, jax.numpy as jnp
import numpy as np

B = 8
NPG = 1250
N = 10000
EPG = 20000
E = 160000
IN = 256
HID = 512
OUT = 40


def _init_linear(key, fan_in, fan_out):
    kw, _ = jax.random.split(key)
    W = jax.random.normal(kw, (fan_in, fan_out), jnp.float32) / np.sqrt(fan_in)
    b = jnp.zeros((fan_out,), jnp.float32)
    return W, b


def setup_inputs(seed: int = 0):
    key = jax.random.key(seed)
    ks = jax.random.split(key, 20)
    x = jax.random.normal(ks[0], (N, IN), jnp.float32)
    off = (jnp.arange(B, dtype=jnp.int32) * NPG)[:, None]
    src = (jax.random.randint(ks[1], (B, EPG), 0, NPG) + off).reshape(-1)
    dst = (jax.random.randint(ks[2], (B, EPG), 0, NPG) + off).reshape(-1)
    edge_index = jnp.stack([src, dst]).astype(jnp.int32)
    blocks = []
    dims = [IN, HID, HID]
    kidx = 3
    for i in range(3):
        W1, b1 = _init_linear(ks[kidx], dims[i], HID)
        W2, b2 = _init_linear(ks[kidx + 1], HID, HID)
        Ws1, bs1 = _init_linear(ks[kidx + 2], HID, 1)
        Ws2, bs2 = _init_linear(ks[kidx + 3], HID, 1)
        kidx += 4
        blocks.append(dict(W1=W1, b1=b1, W2=W2, b2=b2, Ws1=Ws1, bs1=bs1, Ws2=Ws2, bs2=bs2))
    lin1_W, lin1_b = _init_linear(ks[15], 2 * HID, HID)
    lin2_W, lin2_b = _init_linear(ks[16], HID, HID)
    lin3_W, lin3_b = _init_linear(ks[17], HID, OUT)
    params = dict(blocks=blocks, lin1_W=lin1_W, lin1_b=lin1_b, lin2_W=lin2_W,
                  lin2_b=lin2_b, lin3_W=lin3_W, lin3_b=lin3_b)
    return {"x": x, "params": params, "edge_index": edge_index}


def _graph_conv(x, W, b, src, dst, valid, n):
    # DGL GraphConv, norm='both', allow_zero_in_degree=True
    vf = valid.astype(x.dtype)
    deg_out = jnp.zeros((n,), x.dtype).at[src].add(vf)
    deg_in = jnp.zeros((n,), x.dtype).at[dst].add(vf)
    cs = 1.0 / jnp.sqrt(jnp.maximum(deg_out, 1.0))
    cd = 1.0 / jnp.sqrt(jnp.maximum(deg_in, 1.0))
    m = x[src] * (cs[src] * vf)[:, None]
    agg = jnp.zeros((n, x.shape[1]), x.dtype).at[dst].add(m)
    return (agg * cd[:, None]) @ W + b


def _forward(x, params, src, dst):
    valid = jnp.ones((E,), bool)
    n_total = N
    npg = NPG
    feat = x
    final = jnp.zeros((B, 2 * HID), x.dtype)
    for i in range(3):
        p = params["blocks"][i]
        # ConvPoolBlock: conv1, conv2, conv2 (reused), each with ReLU
        h = jax.nn.relu(_graph_conv(feat, p["W1"], p["b1"], src, dst, valid, n_total))
        h = jax.nn.relu(_graph_conv(h, p["W2"], p["b2"], src, dst, valid, n_total))
        h = jax.nn.relu(_graph_conv(h, p["W2"], p["b2"], src, dst, valid, n_total))
        # SAGPool: two score GraphConvs, averaged
        s1 = _graph_conv(h, p["Ws1"], p["bs1"], src, dst, valid, n_total)[:, 0]
        s2 = _graph_conv(h, p["Ws2"], p["bs2"], src, dst, valid, n_total)[:, 0]
        score = (s1 + s2) * 0.5
        # top-k per graph (equal-sized graphs -> static k)
        k = int(np.ceil(0.5 * npg))
        order = jnp.argsort(-score.reshape(B, npg), axis=1)[:, :k]
        perm = (order + (jnp.arange(B, dtype=order.dtype) * npg)[:, None]).reshape(-1)
        feat = h[perm] * jnp.tanh(score[perm])[:, None]
        # induced node subgraph: relabel kept nodes, mask dropped edges
        mask = jnp.zeros((n_total,), bool).at[perm].set(True)
        mapping = jnp.zeros((n_total,), src.dtype).at[perm].set(jnp.arange(B * k, dtype=src.dtype))
        valid = valid & mask[src] & mask[dst]
        src = mapping[src]
        dst = mapping[dst]
        n_total = B * k
        npg = k
        # readout: cat([maxpool, maxpool]) as in the original code
        g = feat.reshape(B, k, HID).max(axis=1)
        final = final + jnp.concatenate([g, g], axis=-1)
    f = jax.nn.relu(final @ params["lin1_W"] + params["lin1_b"])
    # dropout is identity in eval mode
    f = jax.nn.relu(f @ params["lin2_W"] + params["lin2_b"])
    return f @ params["lin3_W"] + params["lin3_b"]


def reference(x, params, edge_index):
    return _forward(x, params, edge_index[0], edge_index[1])

if __name__ == "__main__":
    import jax
    _d = setup_inputs()
    print(jax.jit(kernel)(*tuple(_d.values())))

</pallas_src>

<mosaic_0001>
#map = affine_map<(d0, d1) -> (0)>
module attributes {stable_mosaic.version = 14 : i64} {
  func.func @kern(%arg0: i32, %arg1: i32, %arg2: memref<160000xi32, #tpu.memory_space<hbm>>, %arg3: memref<160000xi32, #tpu.memory_space<hbm>>, %arg4: memref<13107200xf32, #tpu.memory_space<hbm>>, %arg5: memref<2000xi32, #tpu.memory_space<vmem>>, %arg6: memref<2000xi32, #tpu.memory_space<vmem>>, %arg7: memref<102400xf32, #tpu.memory_space<vmem>>) attributes {dimension_semantics = [#tpu.dimension_semantics<core_parallel>, #tpu.dimension_semantics<subcore_parallel>], iteration_bounds = array<i64: 2, 16>, scalar_prefetch = 0 : i64, scratch_operands = 3 : i64, tpu.core_type = #tpu.core_type<sc_vector_subcore>, window_params = [{transform_indices = #map}, {transform_indices = #map}, {transform_indices = #map}]} {
    %broadcast_in_dim3A = arith.constant 0.000000e+00 : f32
    %broadcast_in_dim3A_0 = vector.broadcast %broadcast_in_dim3A : f32 to vector<16xf32>
    %broadcast_in_dim3A_1 = arith.constant 1.000000e+00 : f32
    %broadcast_in_dim3A_2 = vector.broadcast %broadcast_in_dim3A_1 : f32 to vector<16xf32>
    %mul3A = arith.constant 4 : i32
    %mul3A_3 = arith.muli %arg0, %mul3A : i32
    %add3A = arith.constant 0 : i32
    %add3A_4 = arith.addi %mul3A_3, %add3A : i32
    %mul3A_5 = arith.constant 1250 : i32
    %mul3A_6 = arith.muli %add3A_4, %mul3A_5 : i32
    %mul3A_7 = arith.constant 80 : i32
    %mul3A_8 = arith.muli %arg1, %mul3A_7 : i32
    %scan3A = arith.constant 0 : i32
    %scan3A_9 = arith.constant 0 : i32
    %scan3A_10 = arith.constant 800 : i32
    %scan3A_11 = arith.addi %scan3A_9, %scan3A_10 : i32
    %scan3A_12 = arith.constant 1 : i32
    %scan3A_13 = scf.for %scan3A_520 = %scan3A_9 to %scan3A_11 step %scan3A_12 iter_args(%scan3A_521 = %scan3A) -> (i32)  : i32 {
      %mul3A_522 = arith.constant 128 : i32
      %mul3A_523 = arith.muli %scan3A_520, %mul3A_522 : i32
      %add3A_524 = arith.constant 0 : i32
      %add3A_525 = arith.addi %mul3A_523, %add3A_524 : i32
      %swap3A = arith.index_cast %add3A_525 : i32 to index
      %swap3A_526 = tpu.vector_load %arg7[%swap3A] {strides = array<i32>} : memref<102400xf32, #tpu.memory_space<vmem>>, vector<16xf32>,
      tpu.vector_store %arg7[%swap3A], %broadcast_in_dim3A_0 {strides = array<i32>} : memref<102400xf32, #tpu.memory_space<vmem>>, vector<16xf32>,
      %add3A_527 = arith.constant 16 : i32
      %add3A_528 = arith.addi %mul3A_523, %add3A_527 : i32
      %swap3A_529 = arith.index_cast %add3A_528 : i32 to index
      %swap3A_530 = tpu.vector_load %arg7[%swap3A_529] {strides = array<i32>} : memref<102400xf32, #tpu.memory_space<vmem>>, vector<16xf32>,
      tpu.vector_store %arg7[%swap3A_529], %broadcast_in_dim3A_0 {strides = array<i32>} : memref<102400xf32, #tpu.memory_space<vmem>>, vector<16xf32>,
      %add3A_531 = arith.constant 32 : i32
      %add3A_532 = arith.addi %mul3A_523, %add3A_531 : i32
      %swap3A_533 = arith.index_cast %add3A_532 : i32 to index
      %swap3A_534 = tpu.vector_load %arg7[%swap3A_533] {strides = array<i32>} : memref<102400xf32, #tpu.memory_space<vmem>>, vector<16xf32>,
      tpu.vector_store %arg7[%swap3A_533], %broadcast_in_dim3A_0 {strides = array<i32>} : memref<102400xf32, #tpu.memory_space<vmem>>, vector<16xf32>,
      %add3A_535 = arith.constant 48 : i32
      %add3A_536 = arith.addi %mul3A_523, %add3A_535 : i32
      %swap3A_537 = arith.index_cast %add3A_536 : i32 to index
      %swap3A_538 = tpu.vector_load %arg7[%swap3A_537] {strides = array<i32>} : memref<102400xf32, #tpu.memory_space<vmem>>, vector<16xf32>,
      tpu.vector_store %arg7[%swap3A_537], %broadcast_in_dim3A_0 {strides = array<i32>} : memref<102400xf32, #tpu.memory_space<vmem>>, vector<16xf32>,
      %add3A_539 = arith.constant 64 : i32
      %add3A_540 = arith.addi %mul3A_523, %add3A_539 : i32
      %swap3A_541 = arith.index_cast %add3A_540 : i32 to index
      %swap3A_542 = tpu.vector_load %arg7[%swap3A_541] {strides = array<i32>} : memref<102400xf32, #tpu.memory_space<vmem>>, vector<16xf32>,
      tpu.vector_store %arg7[%swap3A_541], %broadcast_in_dim3A_0 {strides = array<i32>} : memref<102400xf32, #tpu.memory_space<vmem>>, vector<16xf32>,
      %add3A_543 = arith.constant 80 : i32
      %add3A_544 = arith.addi %mul3A_523, %add3A_543 : i32
      %swap3A_545 = arith.index_cast %add3A_544 : i32 to index
      %swap3A_546 = tpu.vector_load %arg7[%swap3A_545] {strides = array<i32>} : memref<102400xf32, #tpu.memory_space<vmem>>, vector<16xf32>,
      tpu.vector_store %arg7[%swap3A_545], %broadcast_in_dim3A_0 {strides = array<i32>} : memref<102400xf32, #tpu.memory_space<vmem>>, vector<16xf32>,
      %add3A_547 = arith.constant 96 : i32
      %add3A_548 = arith.addi %mul3A_523, %add3A_547 : i32
      %swap3A_549 = arith.index_cast %add3A_548 : i32 to index
      %swap3A_550 = tpu.vector_load %arg7[%swap3A_549] {strides = array<i32>} : memref<102400xf32, #tpu.memory_space<vmem>>, vector<16xf32>,
      tpu.vector_store %arg7[%swap3A_549], %broadcast_in_dim3A_0 {strides = array<i32>} : memref<102400xf32, #tpu.memory_space<vmem>>, vector<16xf32>,
      %add3A_551 = arith.constant 112 : i32
      %add3A_552 = arith.addi %mul3A_523, %add3A_551 : i32
      %swap3A_553 = arith.index_cast %add3A_552 : i32 to index
      %swap3A_554 = tpu.vector_load %arg7[%swap3A_553] {strides = array<i32>} : memref<102400xf32, #tpu.memory_space<vmem>>, vector<16xf32>,
      tpu.vector_store %arg7[%swap3A_553], %broadcast_in_dim3A_0 {strides = array<i32>} : memref<102400xf32, #tpu.memory_space<vmem>>, vector<16xf32>,
      %scan3A_555 = arith.constant 0 : i32
      scf.yield %scan3A_555 : i32
    }
    %scan3A_14 = arith.constant 800 : i32
    %mul3A_15 = arith.constant 20000 : i32
    %mul3A_16 = arith.muli %add3A_4, %mul3A_15 : i32
    %add3A_17 = arith.constant 0 : i32
    %add3A_18 = arith.addi %mul3A_16, %add3A_17 : i32
    "tpu.region"() ({
      %run_scoped3A = tpu.sem_alloc : memref<!tpu.dma_semaphore, #tpu.memory_space<semaphore_mem>>
      %dma_start3A = tpu.memref_slice %arg2[%add3A_18] : memref<160000xi32, #tpu.memory_space<hbm>> -> memref<2000xi32, #tpu.memory_space<hbm>>
      %dma_start3A_520 = tpu.memref_slice %arg2[%add3A_18] : memref<160000xi32, #tpu.memory_space<hbm>> -> memref<2000xi32, #tpu.memory_space<hbm>>
      tpu.enqueue_dma source(%dma_start3A_520 : memref<2000xi32, #tpu.memory_space<hbm>>) target(%arg5 : memref<2000xi32, #tpu.memory_space<vmem>>) target_semaphore(%run_scoped3A : memref<!tpu.dma_semaphore, #tpu.memory_space<semaphore_mem>>)
      %dma_wait3A = tpu.memref_slice %arg2[%add3A_18] : memref<160000xi32, #tpu.memory_space<hbm>> -> memref<2000xi32, #tpu.memory_space<hbm>>
      %dma_wait3A_521 = tpu.memref_slice %arg2[%add3A_18] : memref<160000xi32, #tpu.memory_space<hbm>> -> memref<2000xi32, #tpu.memory_space<hbm>>
      tpu.wait_dma2 semaphore(%run_scoped3A : memref<!tpu.dma_semaphore, #tpu.memory_space<semaphore_mem>>) src(%dma_wait3A_521 : memref<2000xi32, #tpu.memory_space<hbm>>) dst(%arg5 : memref<2000xi32, #tpu.memory_space<vmem>>)
      tpu.yield
    }) : () -> ()
    "tpu.region"() ({
      %run_scoped3A = tpu.sem_alloc : memref<!tpu.dma_semaphore, #tpu.memory_space<semaphore_mem>>
      %dma_start3A = tpu.memref_slice %arg3[%add3A_18] : memref<160000xi32, #tpu.memory_space<hbm>> -> memref<2000xi32, #tpu.memory_space<hbm>>
      %dma_start3A_520 = tpu.memref_slice %arg3[%add3A_18] : memref<160000xi32, #tpu.memory_space<hbm>> -> memref<2000xi32, #tpu.memory_space<hbm>>
      tpu.enqueue_dma source(%dma_start3A_520 : memref<2000xi32, #tpu.memory_space<hbm>>) target(%arg6 : memref<2000xi32, #tpu.memory_space<vmem>>) target_semaphore(%run_scoped3A : memref<!tpu.dma_semaphore, #tpu.memory_space<semaphore_mem>>)
      %dma_wait3A = tpu.memref_slice %arg3[%add3A_18] : memref<160000xi32, #tpu.memory_space<hbm>> -> memref<2000xi32, #tpu.memory_space<hbm>>
      %dma_wait3A_521 = tpu.memref_slice %arg3[%add3A_18] : memref<160000xi32, #tpu.memory_space<hbm>> -> memref<2000xi32, #tpu.memory_space<hbm>>
      tpu.wait_dma2 semaphore(%run_scoped3A : memref<!tpu.dma_semaphore, #tpu.memory_space<semaphore_mem>>) src(%dma_wait3A_521 : memref<2000xi32, #tpu.memory_space<hbm>>) dst(%arg6 : memref<2000xi32, #tpu.memory_space<vmem>>)
      tpu.yield
    }) : () -> ()
    %scan3A_19 = arith.constant 0 : i32
    %scan3A_20 = arith.constant 0 : i32
    %scan3A_21 = arith.constant 125 : i32
    %scan3A_22 = arith.addi %scan3A_20, %scan3A_21 : i32
    %scan3A_23 = arith.constant 1 : i32
    %scan3A_24 = scf.for %scan3A_520 = %scan3A_20 to %scan3A_22 step %scan3A_23 iter_args(%scan3A_521 = %scan3A_19) -> (i32)  : i32 {
      %mul3A_522 = arith.constant 16 : i32
      %mul3A_523 = arith.muli %scan3A_520, %mul3A_522 : i32
      %get3A = arith.index_cast %mul3A_523 : i32 to index
      %get3A_524 = tpu.vector_load %arg5[%get3A] {strides = array<i32>} : memref<2000xi32, #tpu.memory_space<vmem>>, vector<16xi32>,
      %sub3A = vector.broadcast %mul3A_6 : i32 to vector<16xi32>
      %sub3A_525 = arith.subi %get3A_524, %sub3A : vector<16xi32>
      %mul3A_526 = arith.constant 16 : i32
      %mul3A_527 = arith.muli %scan3A_520, %mul3A_526 : i32
      %get3A_528 = arith.index_cast %mul3A_527 : i32 to index
      %get3A_529 = tpu.vector_load %arg6[%get3A_528] {strides = array<i32>} : memref<2000xi32, #tpu.memory_space<vmem>>, vector<16xi32>,
      %sub3A_530 = vector.broadcast %mul3A_6 : i32 to vector<16xi32>
      %sub3A_531 = arith.subi %get3A_529, %sub3A_530 : vector<16xi32>
      %sub3A_532 = vector.broadcast %mul3A_8 : i32 to vector<16xi32>
      %sub3A_533 = arith.subi %sub3A_531, %sub3A_532 : vector<16xi32>
      %ge3A = arith.constant 0 : i32
      %ge3A_534 = vector.broadcast %ge3A : i32 to vector<16xi32>
      %ge3A_535 = arith.cmpi sge, %sub3A_533, %ge3A_534 : vector<16xi32>
      %lt3A = arith.constant 80 : i32
      %lt3A_536 = vector.broadcast %lt3A : i32 to vector<16xi32>
      %lt3A_537 = arith.cmpi slt, %sub3A_533, %lt3A_536 : vector<16xi32>
      %and3A = arith.andi %ge3A_535, %lt3A_537 : vector<16xi1>
      %mul3A_538 = arith.constant 1280 : i32
      %mul3A_539 = vector.broadcast %mul3A_538 : i32 to vector<16xi32>
      %mul3A_540 = arith.muli %sub3A_533, %mul3A_539 : vector<16xi32>
      %add3A_541 = arith.addi %mul3A_540, %sub3A_525 : vector<16xi32>
      %jit3A = arith.constant 0 : i32
      %broadcast_in_dim3A_542 = vector.broadcast %jit3A : i32 to vector<16xi32>
      %select_n3A = arith.select %and3A, %add3A_541, %broadcast_in_dim3A_542 : vector<16xi1>, vector<16xi32>
      tpu.vector_store_idx %arg7[%select_n3A], %broadcast_in_dim3A_2 masked %and3A {add = true} : memref<102400xf32, #tpu.memory_space<vmem>>[vector<16xi32>], vector<16xf32>, vector<16xi1>
      %scan3A_543 = arith.constant 0 : i32
      scf.yield %scan3A_543 : i32
    }
    %scan3A_25 = arith.constant 125 : i32
    %mul3A_26 = arith.constant 20000 : i32
    %mul3A_27 = arith.muli %add3A_4, %mul3A_26 : i32
    %add3A_28 = arith.constant 2000 : i32
    %add3A_29 = arith.addi %mul3A_27, %add3A_28 : i32
    "tpu.region"() ({
      %run_scoped3A = tpu.sem_alloc : memref<!tpu.dma_semaphore, #tpu.memory_space<semaphore_mem>>
      %dma_start3A = tpu.memref_slice %arg2[%add3A_29] : memref<160000xi32, #tpu.memory_space<hbm>> -> memref<2000xi32, #tpu.memory_space<hbm>>
      %dma_start3A_520 = tpu.memref_slice %arg2[%add3A_29] : memref<160000xi32, #tpu.memory_space<hbm>> -> memref<2000xi32, #tpu.memory_space<hbm>>
      tpu.enqueue_dma source(%dma_start3A_520 : memref<2000xi32, #tpu.memory_space<hbm>>) target(%arg5 : memref<2000xi32, #tpu.memory_space<vmem>>) target_semaphore(%run_scoped3A : memref<!tpu.dma_semaphore, #tpu.memory_space<semaphore_mem>>)
      %dma_wait3A = tpu.memref_slice %arg2[%add3A_29] : memref<160000xi32, #tpu.memory_space<hbm>> -> memref<2000xi32, #tpu.memory_space<hbm>>
      %dma_wait3A_521 = tpu.memref_slice %arg2[%add3A_29] : memref<160000xi32, #tpu.memory_space<hbm>> -> memref<2000xi32, #tpu.memory_space<hbm>>
      tpu.wait_dma2 semaphore(%run_scoped3A : memref<!tpu.dma_semaphore, #tpu.memory_space<semaphore_mem>>) src(%dma_wait3A_521 : memref<2000xi32, #tpu.memory_space<hbm>>) dst(%arg5 : memref<2000xi32, #tpu.memory_space<vmem>>)
      tpu.yield
    }) : () -> ()
    "tpu.region"() ({
      %run_scoped3A = tpu.sem_alloc : memref<!tpu.dma_semaphore, #tpu.memory_space<semaphore_mem>>
      %dma_start3A = tpu.memref_slice %arg3[%add3A_29] : memref<160000xi32, #tpu.memory_space<hbm>> -> memref<2000xi32, #tpu.memory_space<hbm>>
      %dma_start3A_520 = tpu.memref_slice %arg3[%add3A_29] : memref<160000xi32, #tpu.memory_space<hbm>> -> memref<2000xi32, #tpu.memory_space<hbm>>
      tpu.enqueue_dma source(%dma_start3A_520 : memref<2000xi32, #tpu.memory_space<hbm>>) target(%arg6 : memref<2000xi32, #tpu.memory_space<vmem>>) target_semaphore(%run_scoped3A : memref<!tpu.dma_semaphore, #tpu.memory_space<semaphore_mem>>)
      %dma_wait3A = tpu.memref_slice %arg3[%add3A_29] : memref<160000xi32, #tpu.memory_space<hbm>> -> memref<2000xi32, #tpu.memory_space<hbm>>
      %dma_wait3A_521 = tpu.memref_slice %arg3[%add3A_29] : memref<160000xi32, #tpu.memory_space<hbm>> -> memref<2000xi32, #tpu.memory_space<hbm>>
      tpu.wait_dma2 semaphore(%run_scoped3A : memref<!tpu.dma_semaphore, #tpu.memory_space<semaphore_mem>>) src(%dma_wait3A_521 : memref<2000xi32, #tpu.memory_space<hbm>>) dst(%arg6 : memref<2000xi32, #tpu.memory_space<vmem>>)
      tpu.yield
    }) : () -> ()
    %scan3A_30 = arith.constant 0 : i32
    %scan3A_31 = arith.constant 0 : i32
    %scan3A_32 = arith.constant 125 : i32
    %scan3A_33 = arith.addi %scan3A_31, %scan3A_32 : i32
    %scan3A_34 = arith.constant 1 : i32
    %scan3A_35 = scf.for %scan3A_520 = %scan3A_31 to %scan3A_33 step %scan3A_34 iter_args(%scan3A_521 = %scan3A_30) -> (i32)  : i32 {
      %mul3A_522 = arith.constant 16 : i32
      %mul3A_523 = arith.muli %scan3A_520, %mul3A_522 : i32
      %get3A = arith.index_cast %mul3A_523 : i32 to index
      %get3A_524 = tpu.vector_load %arg5[%get3A] {strides = array<i32>} : memref<2000xi32, #tpu.memory_space<vmem>>, vector<16xi32>,
      %sub3A = vector.broadcast %mul3A_6 : i32 to vector<16xi32>
      %sub3A_525 = arith.subi %get3A_524, %sub3A : vector<16xi32>
      %mul3A_526 = arith.constant 16 : i32
      %mul3A_527 = arith.muli %scan3A_520, %mul3A_526 : i32
      %get3A_528 = arith.index_cast %mul3A_527 : i32 to index
      %get3A_529 = tpu.vector_load %arg6[%get3A_528] {strides = array<i32>} : memref<2000xi32, #tpu.memory_space<vmem>>, vector<16xi32>,
      %sub3A_530 = vector.broadcast %mul3A_6 : i32 to vector<16xi32>
      %sub3A_531 = arith.subi %get3A_529, %sub3A_530 : vector<16xi32>
      %sub3A_532 = vector.broadcast %mul3A_8 : i32 to vector<16xi32>
      %sub3A_533 = arith.subi %sub3A_531, %sub3A_532 : vector<16xi32>
      %ge3A = arith.constant 0 : i32
      %ge3A_534 = vector.broadcast %ge3A : i32 to vector<16xi32>
      %ge3A_535 = arith.cmpi sge, %sub3A_533, %ge3A_534 : vector<16xi32>
      %lt3A = arith.constant 80 : i32
      %lt3A_536 = vector.broadcast %lt3A : i32 to vector<16xi32>
      %lt3A_537 = arith.cmpi slt, %sub3A_533, %lt3A_536 : vector<16xi32>
      %and3A = arith.andi %ge3A_535, %lt3A_537 : vector<16xi1>
      %mul3A_538 = arith.constant 1280 : i32
      %mul3A_539 = vector.broadcast %mul3A_538 : i32 to vector<16xi32>
      %mul3A_540 = arith.muli %sub3A_533, %mul3A_539 : vector<16xi32>
      %add3A_541 = arith.addi %mul3A_540, %sub3A_525 : vector<16xi32>
      %jit3A = arith.constant 0 : i32
      %broadcast_in_dim3A_542 = vector.broadcast %jit3A : i32 to vector<16xi32>
      %select_n3A = arith.select %and3A, %add3A_541, %broadcast_in_dim3A_542 : vector<16xi1>, vector<16xi32>
      tpu.vector_store_idx %arg7[%select_n3A], %broadcast_in_dim3A_2 masked %and3A {add = true} : memref<102400xf32, #tpu.memory_space<vmem>>[vector<16xi32>], vector<16xf32>, vector<16xi1>
      %scan3A_543 = arith.constant 0 : i32
      scf.yield %scan3A_543 : i32
    }
    %scan3A_36 = arith.constant 125 : i32
    %mul3A_37 = arith.constant 20000 : i32
    %mul3A_38 = arith.muli %add3A_4, %mul3A_37 : i32
    %add3A_39 = arith.constant 4000 : i32
    %add3A_40 = arith.addi %mul3A_38, %add3A_39 : i32
    "tpu.region"() ({
      %run_scoped3A = tpu.sem_alloc : memref<!tpu.dma_semaphore, #tpu.memory_space<semaphore_mem>>
      %dma_start3A = tpu.memref_slice %arg2[%add3A_40] : memref<160000xi32, #tpu.memory_space<hbm>> -> memref<2000xi32, #tpu.memory_space<hbm>>
      %dma_start3A_520 = tpu.memref_slice %arg2[%add3A_40] : memref<160000xi32, #tpu.memory_space<hbm>> -> memref<2000xi32, #tpu.memory_space<hbm>>
      tpu.enqueue_dma source(%dma_start3A_520 : memref<2000xi32, #tpu.memory_space<hbm>>) target(%arg5 : memref<2000xi32, #tpu.memory_space<vmem>>) target_semaphore(%run_scoped3A : memref<!tpu.dma_semaphore, #tpu.memory_space<semaphore_mem>>)
      %dma_wait3A = tpu.memref_slice %arg2[%add3A_40] : memref<160000xi32, #tpu.memory_space<hbm>> -> memref<2000xi32, #tpu.memory_space<hbm>>
      %dma_wait3A_521 = tpu.memref_slice %arg2[%add3A_40] : memref<160000xi32, #tpu.memory_space<hbm>> -> memref<2000xi32, #tpu.memory_space<hbm>>
      tpu.wait_dma2 semaphore(%run_scoped3A : memref<!tpu.dma_semaphore, #tpu.memory_space<semaphore_mem>>) src(%dma_wait3A_521 : memref<2000xi32, #tpu.memory_space<hbm>>) dst(%arg5 : memref<2000xi32, #tpu.memory_space<vmem>>)
      tpu.yield
    }) : () -> ()
    "tpu.region"() ({
      %run_scoped3A = tpu.sem_alloc : memref<!tpu.dma_semaphore, #tpu.memory_space<semaphore_mem>>
      %dma_start3A = tpu.memref_slice %arg3[%add3A_40] : memref<160000xi32, #tpu.memory_space<hbm>> -> memref<2000xi32, #tpu.memory_space<hbm>>
      %dma_start3A_520 = tpu.memref_slice %arg3[%add3A_40] : memref<160000xi32, #tpu.memory_space<hbm>> -> memref<2000xi32, #tpu.memory_space<hbm>>
      tpu.enqueue_dma source(%dma_start3A_520 : memref<2000xi32, #tpu.memory_space<hbm>>) target(%arg6 : memref<2000xi32, #tpu.memory_space<vmem>>) target_semaphore(%run_scoped3A : memref<!tpu.dma_semaphore, #tpu.memory_space<semaphore_mem>>)
      %dma_wait3A = tpu.memref_slice %arg3[%add3A_40] : memref<160000xi32, #tpu.memory_space<hbm>> -> memref<2000xi32, #tpu.memory_space<hbm>>
      %dma_wait3A_521 = tpu.memref_slice %arg3[%add3A_40] : memref<160000xi32, #tpu.memory_space<hbm>> -> memref<2000xi32, #tpu.memory_space<hbm>>
      tpu.wait_dma2 semaphore(%run_scoped3A : memref<!tpu.dma_semaphore, #tpu.memory_space<semaphore_mem>>) src(%dma_wait3A_521 : memref<2000xi32, #tpu.memory_space<hbm>>) dst(%arg6 : memref<2000xi32, #tpu.memory_space<vmem>>)
      tpu.yield
    }) : () -> ()
    %scan3A_41 = arith.constant 0 : i32
    %scan3A_42 = arith.constant 0 : i32
    %scan3A_43 = arith.constant 125 : i32
    %scan3A_44 = arith.addi %scan3A_42, %scan3A_43 : i32
    %scan3A_45 = arith.constant 1 : i32
    %scan3A_46 = scf.for %scan3A_520 = %scan3A_42 to %scan3A_44 step %scan3A_45 iter_args(%scan3A_521 = %scan3A_41) -> (i32)  : i32 {
      %mul3A_522 = arith.constant 16 : i32
      %mul3A_523 = arith.muli %scan3A_520, %mul3A_522 : i32
      %get3A = arith.index_cast %mul3A_523 : i32 to index
      %get3A_524 = tpu.vector_load %arg5[%get3A] {strides = array<i32>} : memref<2000xi32, #tpu.memory_space<vmem>>, vector<16xi32>,
      %sub3A = vector.broadcast %mul3A_6 : i32 to vector<16xi32>
      %sub3A_525 = arith.subi %get3A_524, %sub3A : vector<16xi32>
      %mul3A_526 = arith.constant 16 : i32
      %mul3A_527 = arith.muli %scan3A_520, %mul3A_526 : i32
      %get3A_528 = arith.index_cast %mul3A_527 : i32 to index
      %get3A_529 = tpu.vector_load %arg6[%get3A_528] {strides = array<i32>} : memref<2000xi32, #tpu.memory_space<vmem>>, vector<16xi32>,
      %sub3A_530 = vector.broadcast %mul3A_6 : i32 to vector<16xi32>
      %sub3A_531 = arith.subi %get3A_529, %sub3A_530 : vector<16xi32>
      %sub3A_532 = vector.broadcast %mul3A_8 : i32 to vector<16xi32>
      %sub3A_533 = arith.subi %sub3A_531, %sub3A_532 : vector<16xi32>
      %ge3A = arith.constant 0 : i32
      %ge3A_534 = vector.broadcast %ge3A : i32 to vector<16xi32>
      %ge3A_535 = arith.cmpi sge, %sub3A_533, %ge3A_534 : vector<16xi32>
      %lt3A = arith.constant 80 : i32
      %lt3A_536 = vector.broadcast %lt3A : i32 to vector<16xi32>
      %lt3A_537 = arith.cmpi slt, %sub3A_533, %lt3A_536 : vector<16xi32>
      %and3A = arith.andi %ge3A_535, %lt3A_537 : vector<16xi1>
      %mul3A_538 = arith.constant 1280 : i32
      %mul3A_539 = vector.broadcast %mul3A_538 : i32 to vector<16xi32>
      %mul3A_540 = arith.muli %sub3A_533, %mul3A_539 : vector<16xi32>
      %add3A_541 = arith.addi %mul3A_540, %sub3A_525 : vector<16xi32>
      %jit3A = arith.constant 0 : i32
      %broadcast_in_dim3A_542 = vector.broadcast %jit3A : i32 to vector<16xi32>
      %select_n3A = arith.select %and3A, %add3A_541, %broadcast_in_dim3A_542 : vector<16xi1>, vector<16xi32>
      tpu.vector_store_idx %arg7[%select_n3A], %broadcast_in_dim3A_2 masked %and3A {add = true} : memref<102400xf32, #tpu.memory_space<vmem>>[vector<16xi32>], vector<16xf32>, vector<16xi1>
      %scan3A_543 = arith.constant 0 : i32
      scf.yield %scan3A_543 : i32
    }
    %scan3A_47 = arith.constant 125 : i32
    %mul3A_48 = arith.constant 20000 : i32
    %mul3A_49 = arith.muli %add3A_4, %mul3A_48 : i32
    %add3A_50 = arith.constant 6000 : i32
    %add3A_51 = arith.addi %mul3A_49, %add3A_50 : i32
    "tpu.region"() ({
      %run_scoped3A = tpu.sem_alloc : memref<!tpu.dma_semaphore, #tpu.memory_space<semaphore_mem>>
      %dma_start3A = tpu.memref_slice %arg2[%add3A_51] : memref<160000xi32, #tpu.memory_space<hbm>> -> memref<2000xi32, #tpu.memory_space<hbm>>
      %dma_start3A_520 = tpu.memref_slice %arg2[%add3A_51] : memref<160000xi32, #tpu.memory_space<hbm>> -> memref<2000xi32, #tpu.memory_space<hbm>>
      tpu.enqueue_dma source(%dma_start3A_520 : memref<2000xi32, #tpu.memory_space<hbm>>) target(%arg5 : memref<2000xi32, #tpu.memory_space<vmem>>) target_semaphore(%run_scoped3A : memref<!tpu.dma_semaphore, #tpu.memory_space<semaphore_mem>>)
      %dma_wait3A = tpu.memref_slice %arg2[%add3A_51] : memref<160000xi32, #tpu.memory_space<hbm>> -> memref<2000xi32, #tpu.memory_space<hbm>>
      %dma_wait3A_521 = tpu.memref_slice %arg2[%add3A_51] : memref<160000xi32, #tpu.memory_space<hbm>> -> memref<2000xi32, #tpu.memory_space<hbm>>
      tpu.wait_dma2 semaphore(%run_scoped3A : memref<!tpu.dma_semaphore, #tpu.memory_space<semaphore_mem>>) src(%dma_wait3A_521 : memref<2000xi32, #tpu.memory_space<hbm>>) dst(%arg5 : memref<2000xi32, #tpu.memory_space<vmem>>)
      tpu.yield
    }) : () -> ()
    "tpu.region"() ({
      %run_scoped3A = tpu.sem_alloc : memref<!tpu.dma_semaphore, #tpu.memory_space<semaphore_mem>>
      %dma_start3A = tpu.memref_slice %arg3[%add3A_51] : memref<160000xi32, #tpu.memory_space<hbm>> -> memref<2000xi32, #tpu.memory_space<hbm>>
      %dma_start3A_520 = tpu.memref_slice %arg3[%add3A_51] : memref<160000xi32, #tpu.memory_space<hbm>> -> memref<2000xi32, #tpu.memory_space<hbm>>
      tpu.enqueue_dma source(%dma_start3A_520 : memref<2000xi32, #tpu.memory_space<hbm>>) target(%arg6 : memref<2000xi32, #tpu.memory_space<vmem>>) target_semaphore(%run_scoped3A : memref<!tpu.dma_semaphore, #tpu.memory_space<semaphore_mem>>)
      %dma_wait3A = tpu.memref_slice %arg3[%add3A_51] : memref<160000xi32, #tpu.memory_space<hbm>> -> memref<2000xi32, #tpu.memory_space<hbm>>
      %dma_wait3A_521 = tpu.memref_slice %arg3[%add3A_51] : memref<160000xi32, #tpu.memory_space<hbm>> -> memref<2000xi32, #tpu.memory_space<hbm>>
      tpu.wait_dma2 semaphore(%run_scoped3A : memref<!tpu.dma_semaphore, #tpu.memory_space<semaphore_mem>>) src(%dma_wait3A_521 : memref<2000xi32, #tpu.memory_space<hbm>>) dst(%arg6 : memref<2000xi32, #tpu.memory_space<vmem>>)
      tpu.yield
    }) : () -> ()
    %scan3A_52 = arith.constant 0 : i32
    %scan3A_53 = arith.constant 0 : i32
    %scan3A_54 = arith.constant 125 : i32
    %scan3A_55 = arith.addi %scan3A_53, %scan3A_54 : i32
    %scan3A_56 = arith.constant 1 : i32
    %scan3A_57 = scf.for %scan3A_520 = %scan3A_53 to %scan3A_55 step %scan3A_56 iter_args(%scan3A_521 = %scan3A_52) -> (i32)  : i32 {
      %mul3A_522 = arith.constant 16 : i32
      %mul3A_523 = arith.muli %scan3A_520, %mul3A_522 : i32
      %get3A = arith.index_cast %mul3A_523 : i32 to index
      %get3A_524 = tpu.vector_load %arg5[%get3A] {strides = array<i32>} : memref<2000xi32, #tpu.memory_space<vmem>>, vector<16xi32>,
      %sub3A = vector.broadcast %mul3A_6 : i32 to vector<16xi32>
      %sub3A_525 = arith.subi %get3A_524, %sub3A : vector<16xi32>
      %mul3A_526 = arith.constant 16 : i32
      %mul3A_527 = arith.muli %scan3A_520, %mul3A_526 : i32
      %get3A_528 = arith.index_cast %mul3A_527 : i32 to index
      %get3A_529 = tpu.vector_load %arg6[%get3A_528] {strides = array<i32>} : memref<2000xi32, #tpu.memory_space<vmem>>, vector<16xi32>,
      %sub3A_530 = vector.broadcast %mul3A_6 : i32 to vector<16xi32>
      %sub3A_531 = arith.subi %get3A_529, %sub3A_530 : vector<16xi32>
      %sub3A_532 = vector.broadcast %mul3A_8 : i32 to vector<16xi32>
      %sub3A_533 = arith.subi %sub3A_531, %sub3A_532 : vector<16xi32>
      %ge3A = arith.constant 0 : i32
      %ge3A_534 = vector.broadcast %ge3A : i32 to vector<16xi32>
      %ge3A_535 = arith.cmpi sge, %sub3A_533, %ge3A_534 : vector<16xi32>
      %lt3A = arith.constant 80 : i32
      %lt3A_536 = vector.broadcast %lt3A : i32 to vector<16xi32>
      %lt3A_537 = arith.cmpi slt, %sub3A_533, %lt3A_536 : vector<16xi32>
      %and3A = arith.andi %ge3A_535, %lt3A_537 : vector<16xi1>
      %mul3A_538 = arith.constant 1280 : i32
      %mul3A_539 = vector.broadcast %mul3A_538 : i32 to vector<16xi32>
      %mul3A_540 = arith.muli %sub3A_533, %mul3A_539 : vector<16xi32>
      %add3A_541 = arith.addi %mul3A_540, %sub3A_525 : vector<16xi32>
      %jit3A = arith.constant 0 : i32
      %broadcast_in_dim3A_542 = vector.broadcast %jit3A : i32 to vector<16xi32>
      %select_n3A = arith.select %and3A, %add3A_541, %broadcast_in_dim3A_542 : vector<16xi1>, vector<16xi32>
      tpu.vector_store_idx %arg7[%select_n3A], %broadcast_in_dim3A_2 masked %and3A {add = true} : memref<102400xf32, #tpu.memory_space<vmem>>[vector<16xi32>], vector<16xf32>, vector<16xi1>
      %scan3A_543 = arith.constant 0 : i32
      scf.yield %scan3A_543 : i32
    }
    %scan3A_58 = arith.constant 125 : i32
    %mul3A_59 = arith.constant 20000 : i32
    %mul3A_60 = arith.muli %add3A_4, %mul3A_59 : i32
    %add3A_61 = arith.constant 8000 : i32
    %add3A_62 = arith.addi %mul3A_60, %add3A_61 : i32
    "tpu.region"() ({
      %run_scoped3A = tpu.sem_alloc : memref<!tpu.dma_semaphore, #tpu.memory_space<semaphore_mem>>
      %dma_start3A = tpu.memref_slice %arg2[%add3A_62] : memref<160000xi32, #tpu.memory_space<hbm>> -> memref<2000xi32, #tpu.memory_space<hbm>>
      %dma_start3A_520 = tpu.memref_slice %arg2[%add3A_62] : memref<160000xi32, #tpu.memory_space<hbm>> -> memref<2000xi32, #tpu.memory_space<hbm>>
      tpu.enqueue_dma source(%dma_start3A_520 : memref<2000xi32, #tpu.memory_space<hbm>>) target(%arg5 : memref<2000xi32, #tpu.memory_space<vmem>>) target_semaphore(%run_scoped3A : memref<!tpu.dma_semaphore, #tpu.memory_space<semaphore_mem>>)
      %dma_wait3A = tpu.memref_slice %arg2[%add3A_62] : memref<160000xi32, #tpu.memory_space<hbm>> -> memref<2000xi32, #tpu.memory_space<hbm>>
      %dma_wait3A_521 = tpu.memref_slice %arg2[%add3A_62] : memref<160000xi32, #tpu.memory_space<hbm>> -> memref<2000xi32, #tpu.memory_space<hbm>>
      tpu.wait_dma2 semaphore(%run_scoped3A : memref<!tpu.dma_semaphore, #tpu.memory_space<semaphore_mem>>) src(%dma_wait3A_521 : memref<2000xi32, #tpu.memory_space<hbm>>) dst(%arg5 : memref<2000xi32, #tpu.memory_space<vmem>>)
      tpu.yield
    }) : () -> ()
    "tpu.region"() ({
      %run_scoped3A = tpu.sem_alloc : memref<!tpu.dma_semaphore, #tpu.memory_space<semaphore_mem>>
      %dma_start3A = tpu.memref_slice %arg3[%add3A_62] : memref<160000xi32, #tpu.memory_space<hbm>> -> memref<2000xi32, #tpu.memory_space<hbm>>
      %dma_start3A_520 = tpu.memref_slice %arg3[%add3A_62] : memref<160000xi32, #tpu.memory_space<hbm>> -> memref<2000xi32, #tpu.memory_space<hbm>>
      tpu.enqueue_dma source(%dma_start3A_520 : memref<2000xi32, #tpu.memory_space<hbm>>) target(%arg6 : memref<2000xi32, #tpu.memory_space<vmem>>) target_semaphore(%run_scoped3A : memref<!tpu.dma_semaphore, #tpu.memory_space<semaphore_mem>>)
      %dma_wait3A = tpu.memref_slice %arg3[%add3A_62] : memref<160000xi32, #tpu.memory_space<hbm>> -> memref<2000xi32, #tpu.memory_space<hbm>>
      %dma_wait3A_521 = tpu.memref_slice %arg3[%add3A_62] : memref<160000xi32, #tpu.memory_space<hbm>> -> memref<2000xi32, #tpu.memory_space<hbm>>
      tpu.wait_dma2 semaphore(%run_scoped3A : memref<!tpu.dma_semaphore, #tpu.memory_space<semaphore_mem>>) src(%dma_wait3A_521 : memref<2000xi32, #tpu.memory_space<hbm>>) dst(%arg6 : memref<2000xi32, #tpu.memory_space<vmem>>)
      tpu.yield
    }) : () -> ()
    %scan3A_63 = arith.constant 0 : i32
    %scan3A_64 = arith.constant 0 : i32
    %scan3A_65 = arith.constant 125 : i32
    %scan3A_66 = arith.addi %scan3A_64, %scan3A_65 : i32
    %scan3A_67 = arith.constant 1 : i32
    %scan3A_68 = scf.for %scan3A_520 = %scan3A_64 to %scan3A_66 step %scan3A_67 iter_args(%scan3A_521 = %scan3A_63) -> (i32)  : i32 {
      %mul3A_522 = arith.constant 16 : i32
      %mul3A_523 = arith.muli %scan3A_520, %mul3A_522 : i32
      %get3A = arith.index_cast %mul3A_523 : i32 to index
      %get3A_524 = tpu.vector_load %arg5[%get3A] {strides = array<i32>} : memref<2000xi32, #tpu.memory_space<vmem>>, vector<16xi32>,
      %sub3A = vector.broadcast %mul3A_6 : i32 to vector<16xi32>
      %sub3A_525 = arith.subi %get3A_524, %sub3A : vector<16xi32>
      %mul3A_526 = arith.constant 16 : i32
      %mul3A_527 = arith.muli %scan3A_520, %mul3A_526 : i32
      %get3A_528 = arith.index_cast %mul3A_527 : i32 to index
      %get3A_529 = tpu.vector_load %arg6[%get3A_528] {strides = array<i32>} : memref<2000xi32, #tpu.memory_space<vmem>>, vector<16xi32>,
      %sub3A_530 = vector.broadcast %mul3A_6 : i32 to vector<16xi32>
      %sub3A_531 = arith.subi %get3A_529, %sub3A_530 : vector<16xi32>
      %sub3A_532 = vector.broadcast %mul3A_8 : i32 to vector<16xi32>
      %sub3A_533 = arith.subi %sub3A_531, %sub3A_532 : vector<16xi32>
      %ge3A = arith.constant 0 : i32
      %ge3A_534 = vector.broadcast %ge3A : i32 to vector<16xi32>
      %ge3A_535 = arith.cmpi sge, %sub3A_533, %ge3A_534 : vector<16xi32>
      %lt3A = arith.constant 80 : i32
      %lt3A_536 = vector.broadcast %lt3A : i32 to vector<16xi32>
      %lt3A_537 = arith.cmpi slt, %sub3A_533, %lt3A_536 : vector<16xi32>
      %and3A = arith.andi %ge3A_535, %lt3A_537 : vector<16xi1>
      %mul3A_538 = arith.constant 1280 : i32
      %mul3A_539 = vector.broadcast %mul3A_538 : i32 to vector<16xi32>
      %mul3A_540 = arith.muli %sub3A_533, %mul3A_539 : vector<16xi32>
      %add3A_541 = arith.addi %mul3A_540, %sub3A_525 : vector<16xi32>
      %jit3A = arith.constant 0 : i32
      %broadcast_in_dim3A_542 = vector.broadcast %jit3A : i32 to vector<16xi32>
      %select_n3A = arith.select %and3A, %add3A_541, %broadcast_in_dim3A_542 : vector<16xi1>, vector<16xi32>
      tpu.vector_store_idx %arg7[%select_n3A], %broadcast_in_dim3A_2 masked %and3A {add = true} : memref<102400xf32, #tpu.memory_space<vmem>>[vector<16xi32>], vector<16xf32>, vector<16xi1>
      %scan3A_543 = arith.constant 0 : i32
      scf.yield %scan3A_543 : i32
    }
    %scan3A_69 = arith.constant 125 : i32
    %mul3A_70 = arith.constant 20000 : i32
    %mul3A_71 = arith.muli %add3A_4, %mul3A_70 : i32
    %add3A_72 = arith.constant 10000 : i32
    %add3A_73 = arith.addi %mul3A_71, %add3A_72 : i32
    "tpu.region"() ({
      %run_scoped3A = tpu.sem_alloc : memref<!tpu.dma_semaphore, #tpu.memory_space<semaphore_mem>>
      %dma_start3A = tpu.memref_slice %arg2[%add3A_73] : memref<160000xi32, #tpu.memory_space<hbm>> -> memref<2000xi32, #tpu.memory_space<hbm>>
      %dma_start3A_520 = tpu.memref_slice %arg2[%add3A_73] : memref<160000xi32, #tpu.memory_space<hbm>> -> memref<2000xi32, #tpu.memory_space<hbm>>
      tpu.enqueue_dma source(%dma_start3A_520 : memref<2000xi32, #tpu.memory_space<hbm>>) target(%arg5 : memref<2000xi32, #tpu.memory_space<vmem>>) target_semaphore(%run_scoped3A : memref<!tpu.dma_semaphore, #tpu.memory_space<semaphore_mem>>)
      %dma_wait3A = tpu.memref_slice %arg2[%add3A_73] : memref<160000xi32, #tpu.memory_space<hbm>> -> memref<2000xi32, #tpu.memory_space<hbm>>
      %dma_wait3A_521 = tpu.memref_slice %arg2[%add3A_73] : memref<160000xi32, #tpu.memory_space<hbm>> -> memref<2000xi32, #tpu.memory_space<hbm>>
      tpu.wait_dma2 semaphore(%run_scoped3A : memref<!tpu.dma_semaphore, #tpu.memory_space<semaphore_mem>>) src(%dma_wait3A_521 : memref<2000xi32, #tpu.memory_space<hbm>>) dst(%arg5 : memref<2000xi32, #tpu.memory_space<vmem>>)
      tpu.yield
    }) : () -> ()
    "tpu.region"() ({
      %run_scoped3A = tpu.sem_alloc : memref<!tpu.dma_semaphore, #tpu.memory_space<semaphore_mem>>
      %dma_start3A = tpu.memref_slice %arg3[%add3A_73] : memref<160000xi32, #tpu.memory_space<hbm>> -> memref<2000xi32, #tpu.memory_space<hbm>>
      %dma_start3A_520 = tpu.memref_slice %arg3[%add3A_73] : memref<160000xi32, #tpu.memory_space<hbm>> -> memref<2000xi32, #tpu.memory_space<hbm>>
      tpu.enqueue_dma source(%dma_start3A_520 : memref<2000xi32, #tpu.memory_space<hbm>>) target(%arg6 : memref<2000xi32, #tpu.memory_space<vmem>>) target_semaphore(%run_scoped3A : memref<!tpu.dma_semaphore, #tpu.memory_space<semaphore_mem>>)
      %dma_wait3A = tpu.memref_slice %arg3[%add3A_73] : memref<160000xi32, #tpu.memory_space<hbm>> -> memref<2000xi32, #tpu.memory_space<hbm>>
      %dma_wait3A_521 = tpu.memref_slice %arg3[%add3A_73] : memref<160000xi32, #tpu.memory_space<hbm>> -> memref<2000xi32, #tpu.memory_space<hbm>>
      tpu.wait_dma2 semaphore(%run_scoped3A : memref<!tpu.dma_semaphore, #tpu.memory_space<semaphore_mem>>) src(%dma_wait3A_521 : memref<2000xi32, #tpu.memory_space<hbm>>) dst(%arg6 : memref<2000xi32, #tpu.memory_space<vmem>>)
      tpu.yield
    }) : () -> ()
    %scan3A_74 = arith.constant 0 : i32
    %scan3A_75 = arith.constant 0 : i32
    %scan3A_76 = arith.constant 125 : i32
    %scan3A_77 = arith.addi %scan3A_75, %scan3A_76 : i32
    %scan3A_78 = arith.constant 1 : i32
    %scan3A_79 = scf.for %scan3A_520 = %scan3A_75 to %scan3A_77 step %scan3A_78 iter_args(%scan3A_521 = %scan3A_74) -> (i32)  : i32 {
      %mul3A_522 = arith.constant 16 : i32
      %mul3A_523 = arith.muli %scan3A_520, %mul3A_522 : i32
      %get3A = arith.index_cast %mul3A_523 : i32 to index
      %get3A_524 = tpu.vector_load %arg5[%get3A] {strides = array<i32>} : memref<2000xi32, #tpu.memory_space<vmem>>, vector<16xi32>,
      %sub3A = vector.broadcast %mul3A_6 : i32 to vector<16xi32>
      %sub3A_525 = arith.subi %get3A_524, %sub3A : vector<16xi32>
      %mul3A_526 = arith.constant 16 : i32
      %mul3A_527 = arith.muli %scan3A_520, %mul3A_526 : i32
      %get3A_528 = arith.index_cast %mul3A_527 : i32 to index
      %get3A_529 = tpu.vector_load %arg6[%get3A_528] {strides = array<i32>} : memref<2000xi32, #tpu.memory_space<vmem>>, vector<16xi32>,
      %sub3A_530 = vector.broadcast %mul3A_6 : i32 to vector<16xi32>
      %sub3A_531 = arith.subi %get3A_529, %sub3A_530 : vector<16xi32>
      %sub3A_532 = vector.broadcast %mul3A_8 : i32 to vector<16xi32>
      %sub3A_533 = arith.subi %sub3A_531, %sub3A_532 : vector<16xi32>
      %ge3A = arith.constant 0 : i32
      %ge3A_534 = vector.broadcast %ge3A : i32 to vector<16xi32>
      %ge3A_535 = arith.cmpi sge, %sub3A_533, %ge3A_534 : vector<16xi32>
      %lt3A = arith.constant 80 : i32
      %lt3A_536 = vector.broadcast %lt3A : i32 to vector<16xi32>
      %lt3A_537 = arith.cmpi slt, %sub3A_533, %lt3A_536 : vector<16xi32>
      %and3A = arith.andi %ge3A_535, %lt3A_537 : vector<16xi1>
      %mul3A_538 = arith.constant 1280 : i32
      %mul3A_539 = vector.broadcast %mul3A_538 : i32 to vector<16xi32>
      %mul3A_540 = arith.muli %sub3A_533, %mul3A_539 : vector<16xi32>
      %add3A_541 = arith.addi %mul3A_540, %sub3A_525 : vector<16xi32>
      %jit3A = arith.constant 0 : i32
      %broadcast_in_dim3A_542 = vector.broadcast %jit3A : i32 to vector<16xi32>
      %select_n3A = arith.select %and3A, %add3A_541, %broadcast_in_dim3A_542 : vector<16xi1>, vector<16xi32>
      tpu.vector_store_idx %arg7[%select_n3A], %broadcast_in_dim3A_2 masked %and3A {add = true} : memref<102400xf32, #tpu.memory_space<vmem>>[vector<16xi32>], vector<16xf32>, vector<16xi1>
      %scan3A_543 = arith.constant 0 : i32
      scf.yield %scan3A_543 : i32
    }
    %scan3A_80 = arith.constant 125 : i32
    %mul3A_81 = arith.constant 20000 : i32
    %mul3A_82 = arith.muli %add3A_4, %mul3A_81 : i32
    %add3A_83 = arith.constant 12000 : i32
    %add3A_84 = arith.addi %mul3A_82, %add3A_83 : i32
    "tpu.region"() ({
      %run_scoped3A = tpu.sem_alloc : memref<!tpu.dma_semaphore, #tpu.memory_space<semaphore_mem>>
      %dma_start3A = tpu.memref_slice %arg2[%add3A_84] : memref<160000xi32, #tpu.memory_space<hbm>> -> memref<2000xi32, #tpu.memory_space<hbm>>
      %dma_start3A_520 = tpu.memref_slice %arg2[%add3A_84] : memref<160000xi32, #tpu.memory_space<hbm>> -> memref<2000xi32, #tpu.memory_space<hbm>>
      tpu.enqueue_dma source(%dma_start3A_520 : memref<2000xi32, #tpu.memory_space<hbm>>) target(%arg5 : memref<2000xi32, #tpu.memory_space<vmem>>) target_semaphore(%run_scoped3A : memref<!tpu.dma_semaphore, #tpu.memory_space<semaphore_mem>>)
      %dma_wait3A = tpu.memref_slice %arg2[%add3A_84] : memref<160000xi32, #tpu.memory_space<hbm>> -> memref<2000xi32, #tpu.memory_space<hbm>>
      %dma_wait3A_521 = tpu.memref_slice %arg2[%add3A_84] : memref<160000xi32, #tpu.memory_space<hbm>> -> memref<2000xi32, #tpu.memory_space<hbm>>
      tpu.wait_dma2 semaphore(%run_scoped3A : memref<!tpu.dma_semaphore, #tpu.memory_space<semaphore_mem>>) src(%dma_wait3A_521 : memref<2000xi32, #tpu.memory_space<hbm>>) dst(%arg5 : memref<2000xi32, #tpu.memory_space<vmem>>)
      tpu.yield
    }) : () -> ()
    "tpu.region"() ({
      %run_scoped3A = tpu.sem_alloc : memref<!tpu.dma_semaphore, #tpu.memory_space<semaphore_mem>>
      %dma_start3A = tpu.memref_slice %arg3[%add3A_84] : memref<160000xi32, #tpu.memory_space<hbm>> -> memref<2000xi32, #tpu.memory_space<hbm>>
      %dma_start3A_520 = tpu.memref_slice %arg3[%add3A_84] : memref<160000xi32, #tpu.memory_space<hbm>> -> memref<2000xi32, #tpu.memory_space<hbm>>
      tpu.enqueue_dma source(%dma_start3A_520 : memref<2000xi32, #tpu.memory_space<hbm>>) target(%arg6 : memref<2000xi32, #tpu.memory_space<vmem>>) target_semaphore(%run_scoped3A : memref<!tpu.dma_semaphore, #tpu.memory_space<semaphore_mem>>)
      %dma_wait3A = tpu.memref_slice %arg3[%add3A_84] : memref<160000xi32, #tpu.memory_space<hbm>> -> memref<2000xi32, #tpu.memory_space<hbm>>
      %dma_wait3A_521 = tpu.memref_slice %arg3[%add3A_84] : memref<160000xi32, #tpu.memory_space<hbm>> -> memref<2000xi32, #tpu.memory_space<hbm>>
      tpu.wait_dma2 semaphore(%run_scoped3A : memref<!tpu.dma_semaphore, #tpu.memory_space<semaphore_mem>>) src(%dma_wait3A_521 : memref<2000xi32, #tpu.memory_space<hbm>>) dst(%arg6 : memref<2000xi32, #tpu.memory_space<vmem>>)
      tpu.yield
    }) : () -> ()
    %scan3A_85 = arith.constant 0 : i32
    %scan3A_86 = arith.constant 0 : i32
    %scan3A_87 = arith.constant 125 : i32
    %scan3A_88 = arith.addi %scan3A_86, %scan3A_87 : i32
    %scan3A_89 = arith.constant 1 : i32
    %scan3A_90 = scf.for %scan3A_520 = %scan3A_86 to %scan3A_88 step %scan3A_89 iter_args(%scan3A_521 = %scan3A_85) -> (i32)  : i32 {
      %mul3A_522 = arith.constant 16 : i32
      %mul3A_523 = arith.muli %scan3A_520, %mul3A_522 : i32
      %get3A = arith.index_cast %mul3A_523 : i32 to index
      %get3A_524 = tpu.vector_load %arg5[%get3A] {strides = array<i32>} : memref<2000xi32, #tpu.memory_space<vmem>>, vector<16xi32>,
      %sub3A = vector.broadcast %mul3A_6 : i32 to vector<16xi32>
      %sub3A_525 = arith.subi %get3A_524, %sub3A : vector<16xi32>
      %mul3A_526 = arith.constant 16 : i32
      %mul3A_527 = arith.muli %scan3A_520, %mul3A_526 : i32
      %get3A_528 = arith.index_cast %mul3A_527 : i32 to index
      %get3A_529 = tpu.vector_load %arg6[%get3A_528] {strides = array<i32>} : memref<2000xi32, #tpu.memory_space<vmem>>, vector<16xi32>,
      %sub3A_530 = vector.broadcast %mul3A_6 : i32 to vector<16xi32>
      %sub3A_531 = arith.subi %get3A_529, %sub3A_530 : vector<16xi32>
      %sub3A_532 = vector.broadcast %mul3A_8 : i32 to vector<16xi32>
      %sub3A_533 = arith.subi %sub3A_531, %sub3A_532 : vector<16xi32>
      %ge3A = arith.constant 0 : i32
      %ge3A_534 = vector.broadcast %ge3A : i32 to vector<16xi32>
      %ge3A_535 = arith.cmpi sge, %sub3A_533, %ge3A_534 : vector<16xi32>
      %lt3A = arith.constant 80 : i32
      %lt3A_536 = vector.broadcast %lt3A : i32 to vector<16xi32>
      %lt3A_537 = arith.cmpi slt, %sub3A_533, %lt3A_536 : vector<16xi32>
      %and3A = arith.andi %ge3A_535, %lt3A_537 : vector<16xi1>
      %mul3A_538 = arith.constant 1280 : i32
      %mul3A_539 = vector.broadcast %mul3A_538 : i32 to vector<16xi32>
      %mul3A_540 = arith.muli %sub3A_533, %mul3A_539 : vector<16xi32>
      %add3A_541 = arith.addi %mul3A_540, %sub3A_525 : vector<16xi32>
      %jit3A = arith.constant 0 : i32
      %broadcast_in_dim3A_542 = vector.broadcast %jit3A : i32 to vector<16xi32>
      %select_n3A = arith.select %and3A, %add3A_541, %broadcast_in_dim3A_542 : vector<16xi1>, vector<16xi32>
      tpu.vector_store_idx %arg7[%select_n3A], %broadcast_in_dim3A_2 masked %and3A {add = true} : memref<102400xf32, #tpu.memory_space<vmem>>[vector<16xi32>], vector<16xf32>, vector<16xi1>
      %scan3A_543 = arith.constant 0 : i32
      scf.yield %scan3A_543 : i32
    }
    %scan3A_91 = arith.constant 125 : i32
    %mul3A_92 = arith.constant 20000 : i32
    %mul3A_93 = arith.muli %add3A_4, %mul3A_92 : i32
    %add3A_94 = arith.constant 14000 : i32
    %add3A_95 = arith.addi %mul3A_93, %add3A_94 : i32
    "tpu.region"() ({
      %run_scoped3A = tpu.sem_alloc : memref<!tpu.dma_semaphore, #tpu.memory_space<semaphore_mem>>
      %dma_start3A = tpu.memref_slice %arg2[%add3A_95] : memref<160000xi32, #tpu.memory_space<hbm>> -> memref<2000xi32, #tpu.memory_space<hbm>>
      %dma_start3A_520 = tpu.memref_slice %arg2[%add3A_95] : memref<160000xi32, #tpu.memory_space<hbm>> -> memref<2000xi32, #tpu.memory_space<hbm>>
      tpu.enqueue_dma source(%dma_start3A_520 : memref<2000xi32, #tpu.memory_space<hbm>>) target(%arg5 : memref<2000xi32, #tpu.memory_space<vmem>>) target_semaphore(%run_scoped3A : memref<!tpu.dma_semaphore, #tpu.memory_space<semaphore_mem>>)
      %dma_wait3A = tpu.memref_slice %arg2[%add3A_95] : memref<160000xi32, #tpu.memory_space<hbm>> -> memref<2000xi32, #tpu.memory_space<hbm>>
      %dma_wait3A_521 = tpu.memref_slice %arg2[%add3A_95] : memref<160000xi32, #tpu.memory_space<hbm>> -> memref<2000xi32, #tpu.memory_space<hbm>>
      tpu.wait_dma2 semaphore(%run_scoped3A : memref<!tpu.dma_semaphore, #tpu.memory_space<semaphore_mem>>) src(%dma_wait3A_521 : memref<2000xi32, #tpu.memory_space<hbm>>) dst(%arg5 : memref<2000xi32, #tpu.memory_space<vmem>>)
      tpu.yield
    }) : () -> ()
    "tpu.region"() ({
      %run_scoped3A = tpu.sem_alloc : memref<!tpu.dma_semaphore, #tpu.memory_space<semaphore_mem>>
      %dma_start3A = tpu.memref_slice %arg3[%add3A_95] : memref<160000xi32, #tpu.memory_space<hbm>> -> memref<2000xi32, #tpu.memory_space<hbm>>
      %dma_start3A_520 = tpu.memref_slice %arg3[%add3A_95] : memref<160000xi32, #tpu.memory_space<hbm>> -> memref<2000xi32, #tpu.memory_space<hbm>>
      tpu.enqueue_dma source(%dma_start3A_520 : memref<2000xi32, #tpu.memory_space<hbm>>) target(%arg6 : memref<2000xi32, #tpu.memory_space<vmem>>) target_semaphore(%run_scoped3A : memref<!tpu.dma_semaphore, #tpu.memory_space<semaphore_mem>>)
      %dma_wait3A = tpu.memref_slice %arg3[%add3A_95] : memref<160000xi32, #tpu.memory_space<hbm>> -> memref<2000xi32, #tpu.memory_space<hbm>>
      %dma_wait3A_521 = tpu.memref_slice %arg3[%add3A_95] : memref<160000xi32, #tpu.memory_space<hbm>> -> memref<2000xi32, #tpu.memory_space<hbm>>
      tpu.wait_dma2 semaphore(%run_scoped3A : memref<!tpu.dma_semaphore, #tpu.memory_space<semaphore_mem>>) src(%dma_wait3A_521 : memref<2000xi32, #tpu.memory_space<hbm>>) dst(%arg6 : memref<2000xi32, #tpu.memory_space<vmem>>)
      tpu.yield
    }) : () -> ()
    %scan3A_96 = arith.constant 0 : i32
    %scan3A_97 = arith.constant 0 : i32
    %scan3A_98 = arith.constant 125 : i32
    %scan3A_99 = arith.addi %scan3A_97, %scan3A_98 : i32
    %scan3A_100 = arith.constant 1 : i32
    %scan3A_101 = scf.for %scan3A_520 = %scan3A_97 to %scan3A_99 step %scan3A_100 iter_args(%scan3A_521 = %scan3A_96) -> (i32)  : i32 {
      %mul3A_522 = arith.constant 16 : i32
      %mul3A_523 = arith.muli %scan3A_520, %mul3A_522 : i32
      %get3A = arith.index_cast %mul3A_523 : i32 to index
      %get3A_524 = tpu.vector_load %arg5[%get3A] {strides = array<i32>} : memref<2000xi32, #tpu.memory_space<vmem>>, vector<16xi32>,
      %sub3A = vector.broadcast %mul3A_6 : i32 to vector<16xi32>
      %sub3A_525 = arith.subi %get3A_524, %sub3A : vector<16xi32>
      %mul3A_526 = arith.constant 16 : i32
      %mul3A_527 = arith.muli %scan3A_520, %mul3A_526 : i32
      %get3A_528 = arith.index_cast %mul3A_527 : i32 to index
      %get3A_529 = tpu.vector_load %arg6[%get3A_528] {strides = array<i32>} : memref<2000xi32, #tpu.memory_space<vmem>>, vector<16xi32>,
      %sub3A_530 = vector.broadcast %mul3A_6 : i32 to vector<16xi32>
      %sub3A_531 = arith.subi %get3A_529, %sub3A_530 : vector<16xi32>
      %sub3A_532 = vector.broadcast %mul3A_8 : i32 to vector<16xi32>
      %sub3A_533 = arith.subi %sub3A_531, %sub3A_532 : vector<16xi32>
      %ge3A = arith.constant 0 : i32
      %ge3A_534 = vector.broadcast %ge3A : i32 to vector<16xi32>
      %ge3A_535 = arith.cmpi sge, %sub3A_533, %ge3A_534 : vector<16xi32>
      %lt3A = arith.constant 80 : i32
      %lt3A_536 = vector.broadcast %lt3A : i32 to vector<16xi32>
      %lt3A_537 = arith.cmpi slt, %sub3A_533, %lt3A_536 : vector<16xi32>
      %and3A = arith.andi %ge3A_535, %lt3A_537 : vector<16xi1>
      %mul3A_538 = arith.constant 1280 : i32
      %mul3A_539 = vector.broadcast %mul3A_538 : i32 to vector<16xi32>
      %mul3A_540 = arith.muli %sub3A_533, %mul3A_539 : vector<16xi32>
      %add3A_541 = arith.addi %mul3A_540, %sub3A_525 : vector<16xi32>
      %jit3A = arith.constant 0 : i32
      %broadcast_in_dim3A_542 = vector.broadcast %jit3A : i32 to vector<16xi32>
      %select_n3A = arith.select %and3A, %add3A_541, %broadcast_in_dim3A_542 : vector<16xi1>, vector<16xi32>
      tpu.vector_store_idx %arg7[%select_n3A], %broadcast_in_dim3A_2 masked %and3A {add = true} : memref<102400xf32, #tpu.memory_space<vmem>>[vector<16xi32>], vector<16xf32>, vector<16xi1>
      %scan3A_543 = arith.constant 0 : i32
      scf.yield %scan3A_543 : i32
    }
    %scan3A_102 = arith.constant 125 : i32
    %mul3A_103 = arith.constant 20000 : i32
    %mul3A_104 = arith.muli %add3A_4, %mul3A_103 : i32
    %add3A_105 = arith.constant 16000 : i32
    %add3A_106 = arith.addi %mul3A_104, %add3A_105 : i32
    "tpu.region"() ({
      %run_scoped3A = tpu.sem_alloc : memref<!tpu.dma_semaphore, #tpu.memory_space<semaphore_mem>>
      %dma_start3A = tpu.memref_slice %arg2[%add3A_106] : memref<160000xi32, #tpu.memory_space<hbm>> -> memref<2000xi32, #tpu.memory_space<hbm>>
      %dma_start3A_520 = tpu.memref_slice %arg2[%add3A_106] : memref<160000xi32, #tpu.memory_space<hbm>> -> memref<2000xi32, #tpu.memory_space<hbm>>
      tpu.enqueue_dma source(%dma_start3A_520 : memref<2000xi32, #tpu.memory_space<hbm>>) target(%arg5 : memref<2000xi32, #tpu.memory_space<vmem>>) target_semaphore(%run_scoped3A : memref<!tpu.dma_semaphore, #tpu.memory_space<semaphore_mem>>)
      %dma_wait3A = tpu.memref_slice %arg2[%add3A_106] : memref<160000xi32, #tpu.memory_space<hbm>> -> memref<2000xi32, #tpu.memory_space<hbm>>
      %dma_wait3A_521 = tpu.memref_slice %arg2[%add3A_106] : memref<160000xi32, #tpu.memory_space<hbm>> -> memref<2000xi32, #tpu.memory_space<hbm>>
      tpu.wait_dma2 semaphore(%run_scoped3A : memref<!tpu.dma_semaphore, #tpu.memory_space<semaphore_mem>>) src(%dma_wait3A_521 : memref<2000xi32, #tpu.memory_space<hbm>>) dst(%arg5 : memref<2000xi32, #tpu.memory_space<vmem>>)
      tpu.yield
    }) : () -> ()
    "tpu.region"() ({
      %run_scoped3A = tpu.sem_alloc : memref<!tpu.dma_semaphore, #tpu.memory_space<semaphore_mem>>
      %dma_start3A = tpu.memref_slice %arg3[%add3A_106] : memref<160000xi32, #tpu.memory_space<hbm>> -> memref<2000xi32, #tpu.memory_space<hbm>>
      %dma_start3A_520 = tpu.memref_slice %arg3[%add3A_106] : memref<160000xi32, #tpu.memory_space<hbm>> -> memref<2000xi32, #tpu.memory_space<hbm>>
      tpu.enqueue_dma source(%dma_start3A_520 : memref<2000xi32, #tpu.memory_space<hbm>>) target(%arg6 : memref<2000xi32, #tpu.memory_space<vmem>>) target_semaphore(%run_scoped3A : memref<!tpu.dma_semaphore, #tpu.memory_space<semaphore_mem>>)
      %dma_wait3A = tpu.memref_slice %arg3[%add3A_106] : memref<160000xi32, #tpu.memory_space<hbm>> -> memref<2000xi32, #tpu.memory_space<hbm>>
      %dma_wait3A_521 = tpu.memref_slice %arg3[%add3A_106] : memref<160000xi32, #tpu.memory_space<hbm>> -> memref<2000xi32, #tpu.memory_space<hbm>>
      tpu.wait_dma2 semaphore(%run_scoped3A : memref<!tpu.dma_semaphore, #tpu.memory_space<semaphore_mem>>) src(%dma_wait3A_521 : memref<2000xi32, #tpu.memory_space<hbm>>) dst(%arg6 : memref<2000xi32, #tpu.memory_space<vmem>>)
      tpu.yield
    }) : () -> ()
    %scan3A_107 = arith.constant 0 : i32
    %scan3A_108 = arith.constant 0 : i32
    %scan3A_109 = arith.constant 125 : i32
    %scan3A_110 = arith.addi %scan3A_108, %scan3A_109 : i32
    %scan3A_111 = arith.constant 1 : i32
    %scan3A_112 = scf.for %scan3A_520 = %scan3A_108 to %scan3A_110 step %scan3A_111 iter_args(%scan3A_521 = %scan3A_107) -> (i32)  : i32 {
      %mul3A_522 = arith.constant 16 : i32
      %mul3A_523 = arith.muli %scan3A_520, %mul3A_522 : i32
      %get3A = arith.index_cast %mul3A_523 : i32 to index
      %get3A_524 = tpu.vector_load %arg5[%get3A] {strides = array<i32>} : memref<2000xi32, #tpu.memory_space<vmem>>, vector<16xi32>,
      %sub3A = vector.broadcast %mul3A_6 : i32 to vector<16xi32>
      %sub3A_525 = arith.subi %get3A_524, %sub3A : vector<16xi32>
      %mul3A_526 = arith.constant 16 : i32
      %mul3A_527 = arith.muli %scan3A_520, %mul3A_526 : i32
      %get3A_528 = arith.index_cast %mul3A_527 : i32 to index
      %get3A_529 = tpu.vector_load %arg6[%get3A_528] {strides = array<i32>} : memref<2000xi32, #tpu.memory_space<vmem>>, vector<16xi32>,
      %sub3A_530 = vector.broadcast %mul3A_6 : i32 to vector<16xi32>
      %sub3A_531 = arith.subi %get3A_529, %sub3A_530 : vector<16xi32>
      %sub3A_532 = vector.broadcast %mul3A_8 : i32 to vector<16xi32>
      %sub3A_533 = arith.subi %sub3A_531, %sub3A_532 : vector<16xi32>
      %ge3A = arith.constant 0 : i32
      %ge3A_534 = vector.broadcast %ge3A : i32 to vector<16xi32>
      %ge3A_535 = arith.cmpi sge, %sub3A_533, %ge3A_534 : vector<16xi32>
      %lt3A = arith.constant 80 : i32
      %lt3A_536 = vector.broadcast %lt3A : i32 to vector<16xi32>
      %lt3A_537 = arith.cmpi slt, %sub3A_533, %lt3A_536 : vector<16xi32>
      %and3A = arith.andi %ge3A_535, %lt3A_537 : vector<16xi1>
      %mul3A_538 = arith.constant 1280 : i32
      %mul3A_539 = vector.broadcast %mul3A_538 : i32 to vector<16xi32>
      %mul3A_540 = arith.muli %sub3A_533, %mul3A_539 : vector<16xi32>
      %add3A_541 = arith.addi %mul3A_540, %sub3A_525 : vector<16xi32>
      %jit3A = arith.constant 0 : i32
      %broadcast_in_dim3A_542 = vector.broadcast %jit3A : i32 to vector<16xi32>
      %select_n3A = arith.select %and3A, %add3A_541, %broadcast_in_dim3A_542 : vector<16xi1>, vector<16xi32>
      tpu.vector_store_idx %arg7[%select_n3A], %broadcast_in_dim3A_2 masked %and3A {add = true} : memref<102400xf32, #tpu.memory_space<vmem>>[vector<16xi32>], vector<16xf32>, vector<16xi1>
      %scan3A_543 = arith.constant 0 : i32
      scf.yield %scan3A_543 : i32
    }
    %scan3A_113 = arith.constant 125 : i32
    %mul3A_114 = arith.constant 20000 : i32
    %mul3A_115 = arith.muli %add3A_4, %mul3A_114 : i32
    %add3A_116 = arith.constant 18000 : i32
    %add3A_117 = arith.addi %mul3A_115, %add3A_116 : i32
    "tpu.region"() ({
      %run_scoped3A = tpu.sem_alloc : memref<!tpu.dma_semaphore, #tpu.memory_space<semaphore_mem>>
      %dma_start3A = tpu.memref_slice %arg2[%add3A_117] : memref<160000xi32, #tpu.memory_space<hbm>> -> memref<2000xi32, #tpu.memory_space<hbm>>
      %dma_start3A_520 = tpu.memref_slice %arg2[%add3A_117] : memref<160000xi32, #tpu.memory_space<hbm>> -> memref<2000xi32, #tpu.memory_space<hbm>>
      tpu.enqueue_dma source(%dma_start3A_520 : memref<2000xi32, #tpu.memory_space<hbm>>) target(%arg5 : memref<2000xi32, #tpu.memory_space<vmem>>) target_semaphore(%run_scoped3A : memref<!tpu.dma_semaphore, #tpu.memory_space<semaphore_mem>>)
      %dma_wait3A = tpu.memref_slice %arg2[%add3A_117] : memref<160000xi32, #tpu.memory_space<hbm>> -> memref<2000xi32, #tpu.memory_space<hbm>>
      %dma_wait3A_521 = tpu.memref_slice %arg2[%add3A_117] : memref<160000xi32, #tpu.memory_space<hbm>> -> memref<2000xi32, #tpu.memory_space<hbm>>
      tpu.wait_dma2 semaphore(%run_scoped3A : memref<!tpu.dma_semaphore, #tpu.memory_space<semaphore_mem>>) src(%dma_wait3A_521 : memref<2000xi32, #tpu.memory_space<hbm>>) dst(%arg5 : memref<2000xi32, #tpu.memory_space<vmem>>)
      tpu.yield
    }) : () -> ()
    "tpu.region"() ({
      %run_scoped3A = tpu.sem_alloc : memref<!tpu.dma_semaphore, #tpu.memory_space<semaphore_mem>>
      %dma_start3A = tpu.memref_slice %arg3[%add3A_117] : memref<160000xi32, #tpu.memory_space<hbm>> -> memref<2000xi32, #tpu.memory_space<hbm>>
      %dma_start3A_520 = tpu.memref_slice %arg3[%add3A_117] : memref<160000xi32, #tpu.memory_space<hbm>> -> memref<2000xi32, #tpu.memory_space<hbm>>
      tpu.enqueue_dma source(%dma_start3A_520 : memref<2000xi32, #tpu.memory_space<hbm>>) target(%arg6 : memref<2000xi32, #tpu.memory_space<vmem>>) target_semaphore(%run_scoped3A : memref<!tpu.dma_semaphore, #tpu.memory_space<semaphore_mem>>)
      %dma_wait3A = tpu.memref_slice %arg3[%add3A_117] : memref<160000xi32, #tpu.memory_space<hbm>> -> memref<2000xi32, #tpu.memory_space<hbm>>
      %dma_wait3A_521 = tpu.memref_slice %arg3[%add3A_117] : memref<160000xi32, #tpu.memory_space<hbm>> -> memref<2000xi32, #tpu.memory_space<hbm>>
      tpu.wait_dma2 semaphore(%run_scoped3A : memref<!tpu.dma_semaphore, #tpu.memory_space<semaphore_mem>>) src(%dma_wait3A_521 : memref<2000xi32, #tpu.memory_space<hbm>>) dst(%arg6 : memref<2000xi32, #tpu.memory_space<vmem>>)
      tpu.yield
    }) : () -> ()
    %scan3A_118 = arith.constant 0 : i32
    %scan3A_119 = arith.constant 0 : i32
    %scan3A_120 = arith.constant 125 : i32
    %scan3A_121 = arith.addi %scan3A_119, %scan3A_120 : i32
    %scan3A_122 = arith.constant 1 : i32
    %scan3A_123 = scf.for %scan3A_520 = %scan3A_119 to %scan3A_121 step %scan3A_122 iter_args(%scan3A_521 = %scan3A_118) -> (i32)  : i32 {
      %mul3A_522 = arith.constant 16 : i32
      %mul3A_523 = arith.muli %scan3A_520, %mul3A_522 : i32
      %get3A = arith.index_cast %mul3A_523 : i32 to index
      %get3A_524 = tpu.vector_load %arg5[%get3A] {strides = array<i32>} : memref<2000xi32, #tpu.memory_space<vmem>>, vector<16xi32>,
      %sub3A = vector.broadcast %mul3A_6 : i32 to vector<16xi32>
      %sub3A_525 = arith.subi %get3A_524, %sub3A : vector<16xi32>
      %mul3A_526 = arith.constant 16 : i32
      %mul3A_527 = arith.muli %scan3A_520, %mul3A_526 : i32
      %get3A_528 = arith.index_cast %mul3A_527 : i32 to index
      %get3A_529 = tpu.vector_load %arg6[%get3A_528] {strides = array<i32>} : memref<2000xi32, #tpu.memory_space<vmem>>, vector<16xi32>,
      %sub3A_530 = vector.broadcast %mul3A_6 : i32 to vector<16xi32>
      %sub3A_531 = arith.subi %get3A_529, %sub3A_530 : vector<16xi32>
      %sub3A_532 = vector.broadcast %mul3A_8 : i32 to vector<16xi32>
      %sub3A_533 = arith.subi %sub3A_531, %sub3A_532 : vector<16xi32>
      %ge3A = arith.constant 0 : i32
      %ge3A_534 = vector.broadcast %ge3A : i32 to vector<16xi32>
      %ge3A_535 = arith.cmpi sge, %sub3A_533, %ge3A_534 : vector<16xi32>
      %lt3A = arith.constant 80 : i32
      %lt3A_536 = vector.broadcast %lt3A : i32 to vector<16xi32>
      %lt3A_537 = arith.cmpi slt, %sub3A_533, %lt3A_536 : vector<16xi32>
      %and3A = arith.andi %ge3A_535, %lt3A_537 : vector<16xi1>
      %mul3A_538 = arith.constant 1280 : i32
      %mul3A_539 = vector.broadcast %mul3A_538 : i32 to vector<16xi32>
      %mul3A_540 = arith.muli %sub3A_533, %mul3A_539 : vector<16xi32>
      %add3A_541 = arith.addi %mul3A_540, %sub3A_525 : vector<16xi32>
      %jit3A = arith.constant 0 : i32
      %broadcast_in_dim3A_542 = vector.broadcast %jit3A : i32 to vector<16xi32>
      %select_n3A = arith.select %and3A, %add3A_541, %broadcast_in_dim3A_542 : vector<16xi1>, vector<16xi32>
      tpu.vector_store_idx %arg7[%select_n3A], %broadcast_in_dim3A_2 masked %and3A {add = true} : memref<102400xf32, #tpu.memory_space<vmem>>[vector<16xi32>], vector<16xf32>, vector<16xi1>
      %scan3A_543 = arith.constant 0 : i32
      scf.yield %scan3A_543 : i32
    }
    %scan3A_124 = arith.constant 125 : i32
    %mul3A_125 = arith.constant 1638400 : i32
    %mul3A_126 = arith.muli %add3A_4, %mul3A_125 : i32
    %mul3A_127 = arith.constant 102400 : i32
    %mul3A_128 = arith.muli %arg1, %mul3A_127 : i32
    %add3A_129 = arith.addi %mul3A_126, %mul3A_128 : i32
    "tpu.region"() ({
      %run_scoped3A = tpu.sem_alloc : memref<!tpu.dma_semaphore, #tpu.memory_space<semaphore_mem>>
      %dma_start3A = tpu.memref_slice %arg4[%add3A_129] : memref<13107200xf32, #tpu.memory_space<hbm>> -> memref<102400xf32, #tpu.memory_space<hbm>>
      %dma_start3A_520 = tpu.memref_slice %arg4[%add3A_129] : memref<13107200xf32, #tpu.memory_space<hbm>> -> memref<102400xf32, #tpu.memory_space<hbm>>
      tpu.enqueue_dma source(%arg7 : memref<102400xf32, #tpu.memory_space<vmem>>) target(%dma_start3A_520 : memref<102400xf32, #tpu.memory_space<hbm>>) target_semaphore(%run_scoped3A : memref<!tpu.dma_semaphore, #tpu.memory_space<semaphore_mem>>)
      %dma_wait3A = tpu.memref_slice %arg4[%add3A_129] : memref<13107200xf32, #tpu.memory_space<hbm>> -> memref<102400xf32, #tpu.memory_space<hbm>>
      %dma_wait3A_521 = tpu.memref_slice %arg4[%add3A_129] : memref<13107200xf32, #tpu.memory_space<hbm>> -> memref<102400xf32, #tpu.memory_space<hbm>>
      tpu.wait_dma2 semaphore(%run_scoped3A : memref<!tpu.dma_semaphore, #tpu.memory_space<semaphore_mem>>) src(%arg7 : memref<102400xf32, #tpu.memory_space<vmem>>) dst(%dma_wait3A_521 : memref<102400xf32, #tpu.memory_space<hbm>>)
      tpu.yield
    }) : () -> ()
    %mul3A_130 = arith.constant 4 : i32
    %mul3A_131 = arith.muli %arg0, %mul3A_130 : i32
    %add3A_132 = arith.constant 1 : i32
    %add3A_133 = arith.addi %mul3A_131, %add3A_132 : i32
    %mul3A_134 = arith.constant 1250 : i32
    %mul3A_135 = arith.muli %add3A_133, %mul3A_134 : i32
    %mul3A_136 = arith.constant 80 : i32
    %mul3A_137 = arith.muli %arg1, %mul3A_136 : i32
    %scan3A_138 = arith.constant 0 : i32
    %scan3A_139 = arith.constant 0 : i32
    %scan3A_140 = arith.constant 800 : i32
    %scan3A_141 = arith.addi %scan3A_139, %scan3A_140 : i32
    %scan3A_142 = arith.constant 1 : i32
    %scan3A_143 = scf.for %scan3A_520 = %scan3A_139 to %scan3A_141 step %scan3A_142 iter_args(%scan3A_521 = %scan3A_138) -> (i32)  : i32 {
      %mul3A_522 = arith.constant 128 : i32
      %mul3A_523 = arith.muli %scan3A_520, %mul3A_522 : i32
      %add3A_524 = arith.constant 0 : i32
      %add3A_525 = arith.addi %mul3A_523, %add3A_524 : i32
      %swap3A = arith.index_cast %add3A_525 : i32 to index
      %swap3A_526 = tpu.vector_load %arg7[%swap3A] {strides = array<i32>} : memref<102400xf32, #tpu.memory_space<vmem>>, vector<16xf32>,
      tpu.vector_store %arg7[%swap3A], %broadcast_in_dim3A_0 {strides = array<i32>} : memref<102400xf32, #tpu.memory_space<vmem>>, vector<16xf32>,
      %add3A_527 = arith.constant 16 : i32
      %add3A_528 = arith.addi %mul3A_523, %add3A_527 : i32
      %swap3A_529 = arith.index_cast %add3A_528 : i32 to index
      %swap3A_530 = tpu.vector_load %arg7[%swap3A_529] {strides = array<i32>} : memref<102400xf32, #tpu.memory_space<vmem>>, vector<16xf32>,
      tpu.vector_store %arg7[%swap3A_529], %broadcast_in_dim3A_0 {strides = array<i32>} : memref<102400xf32, #tpu.memory_space<vmem>>, vector<16xf32>,
      %add3A_531 = arith.constant 32 : i32
      %add3A_532 = arith.addi %mul3A_523, %add3A_531 : i32
      %swap3A_533 = arith.index_cast %add3A_532 : i32 to index
      %swap3A_534 = tpu.vector_load %arg7[%swap3A_533] {strides = array<i32>} : memref<102400xf32, #tpu.memory_space<vmem>>, vector<16xf32>,
      tpu.vector_store %arg7[%swap3A_533], %broadcast_in_dim3A_0 {strides = array<i32>} : memref<102400xf32, #tpu.memory_space<vmem>>, vector<16xf32>,
      %add3A_535 = arith.constant 48 : i32
      %add3A_536 = arith.addi %mul3A_523, %add3A_535 : i32
      %swap3A_537 = arith.index_cast %add3A_536 : i32 to index
      %swap3A_538 = tpu.vector_load %arg7[%swap3A_537] {strides = array<i32>} : memref<102400xf32, #tpu.memory_space<vmem>>, vector<16xf32>,
      tpu.vector_store %arg7[%swap3A_537], %broadcast_in_dim3A_0 {strides = array<i32>} : memref<102400xf32, #tpu.memory_space<vmem>>, vector<16xf32>,
      %add3A_539 = arith.constant 64 : i32
      %add3A_540 = arith.addi %mul3A_523, %add3A_539 : i32
      %swap3A_541 = arith.index_cast %add3A_540 : i32 to index
      %swap3A_542 = tpu.vector_load %arg7[%swap3A_541] {strides = array<i32>} : memref<102400xf32, #tpu.memory_space<vmem>>, vector<16xf32>,
      tpu.vector_store %arg7[%swap3A_541], %broadcast_in_dim3A_0 {strides = array<i32>} : memref<102400xf32, #tpu.memory_space<vmem>>, vector<16xf32>,
      %add3A_543 = arith.constant 80 : i32
      %add3A_544 = arith.addi %mul3A_523, %add3A_543 : i32
      %swap3A_545 = arith.index_cast %add3A_544 : i32 to index
      %swap3A_546 = tpu.vector_load %arg7[%swap3A_545] {strides = array<i32>} : memref<102400xf32, #tpu.memory_space<vmem>>, vector<16xf32>,
      tpu.vector_store %arg7[%swap3A_545], %broadcast_in_dim3A_0 {strides = array<i32>} : memref<102400xf32, #tpu.memory_space<vmem>>, vector<16xf32>,
      %add3A_547 = arith.constant 96 : i32
      %add3A_548 = arith.addi %mul3A_523, %add3A_547 : i32
      %swap3A_549 = arith.index_cast %add3A_548 : i32 to index
      %swap3A_550 = tpu.vector_load %arg7[%swap3A_549] {strides = array<i32>} : memref<102400xf32, #tpu.memory_space<vmem>>, vector<16xf32>,
      tpu.vector_store %arg7[%swap3A_549], %broadcast_in_dim3A_0 {strides = array<i32>} : memref<102400xf32, #tpu.memory_space<vmem>>, vector<16xf32>,
      %add3A_551 = arith.constant 112 : i32
      %add3A_552 = arith.addi %mul3A_523, %add3A_551 : i32
      %swap3A_553 = arith.index_cast %add3A_552 : i32 to index
      %swap3A_554 = tpu.vector_load %arg7[%swap3A_553] {strides = array<i32>} : memref<102400xf32, #tpu.memory_space<vmem>>, vector<16xf32>,
      tpu.vector_store %arg7[%swap3A_553], %broadcast_in_dim3A_0 {strides = array<i32>} : memref<102400xf32, #tpu.memory_space<vmem>>, vector<16xf32>,
      %scan3A_555 = arith.constant 0 : i32
      scf.yield %scan3A_555 : i32
    }
    %scan3A_144 = arith.constant 800 : i32
    %mul3A_145 = arith.constant 20000 : i32
    %mul3A_146 = arith.muli %add3A_133, %mul3A_145 : i32
    %add3A_147 = arith.constant 0 : i32
    %add3A_148 = arith.addi %mul3A_146, %add3A_147 : i32
    "tpu.region"() ({
      %run_scoped3A = tpu.sem_alloc : memref<!tpu.dma_semaphore, #tpu.memory_space<semaphore_mem>>
      %dma_start3A = tpu.memref_slice %arg2[%add3A_148] : memref<160000xi32, #tpu.memory_space<hbm>> -> memref<2000xi32, #tpu.memory_space<hbm>>
      %dma_start3A_520 = tpu.memref_slice %arg2[%add3A_148] : memref<160000xi32, #tpu.memory_space<hbm>> -> memref<2000xi32, #tpu.memory_space<hbm>>
      tpu.enqueue_dma source(%dma_start3A_520 : memref<2000xi32, #tpu.memory_space<hbm>>) target(%arg5 : memref<2000xi32, #tpu.memory_space<vmem>>) target_semaphore(%run_scoped3A : memref<!tpu.dma_semaphore, #tpu.memory_space<semaphore_mem>>)
      %dma_wait3A = tpu.memref_slice %arg2[%add3A_148] : memref<160000xi32, #tpu.memory_space<hbm>> -> memref<2000xi32, #tpu.memory_space<hbm>>
      %dma_wait3A_521 = tpu.memref_slice %arg2[%add3A_148] : memref<160000xi32, #tpu.memory_space<hbm>> -> memref<2000xi32, #tpu.memory_space<hbm>>
      tpu.wait_dma2 semaphore(%run_scoped3A : memref<!tpu.dma_semaphore, #tpu.memory_space<semaphore_mem>>) src(%dma_wait3A_521 : memref<2000xi32, #tpu.memory_space<hbm>>) dst(%arg5 : memref<2000xi32, #tpu.memory_space<vmem>>)
      tpu.yield
    }) : () -> ()
    "tpu.region"() ({
      %run_scoped3A = tpu.sem_alloc : memref<!tpu.dma_semaphore, #tpu.memory_space<semaphore_mem>>
      %dma_start3A = tpu.memref_slice %arg3[%add3A_148] : memref<160000xi32, #tpu.memory_space<hbm>> -> memref<2000xi32, #tpu.memory_space<hbm>>
      %dma_start3A_520 = tpu.memref_slice %arg3[%add3A_148] : memref<160000xi32, #tpu.memory_space<hbm>> -> memref<2000xi32, #tpu.memory_space<hbm>>
      tpu.enqueue_dma source(%dma_start3A_520 : memref<2000xi32, #tpu.memory_space<hbm>>) target(%arg6 : memref<2000xi32, #tpu.memory_space<vmem>>) target_semaphore(%run_scoped3A : memref<!tpu.dma_semaphore, #tpu.memory_space<semaphore_mem>>)
      %dma_wait3A = tpu.memref_slice %arg3[%add3A_148] : memref<160000xi32, #tpu.memory_space<hbm>> -> memref<2000xi32, #tpu.memory_space<hbm>>
      %dma_wait3A_521 = tpu.memref_slice %arg3[%add3A_148] : memref<160000xi32, #tpu.memory_space<hbm>> -> memref<2000xi32, #tpu.memory_space<hbm>>
      tpu.wait_dma2 semaphore(%run_scoped3A : memref<!tpu.dma_semaphore, #tpu.memory_space<semaphore_mem>>) src(%dma_wait3A_521 : memref<2000xi32, #tpu.memory_space<hbm>>) dst(%arg6 : memref<2000xi32, #tpu.memory_space<vmem>>)
      tpu.yield
    }) : () -> ()
    %scan3A_149 = arith.constant 0 : i32
    %scan3A_150 = arith.constant 0 : i32
    %scan3A_151 = arith.constant 125 : i32
    %scan3A_152 = arith.addi %scan3A_150, %scan3A_151 : i32
    %scan3A_153 = arith.constant 1 : i32
    %scan3A_154 = scf.for %scan3A_520 = %scan3A_150 to %scan3A_152 step %scan3A_153 iter_args(%scan3A_521 = %scan3A_149) -> (i32)  : i32 {
      %mul3A_522 = arith.constant 16 : i32
      %mul3A_523 = arith.muli %scan3A_520, %mul3A_522 : i32
      %get3A = arith.index_cast %mul3A_523 : i32 to index
      %get3A_524 = tpu.vector_load %arg5[%get3A] {strides = array<i32>} : memref<2000xi32, #tpu.memory_space<vmem>>, vector<16xi32>,
      %sub3A = vector.broadcast %mul3A_135 : i32 to vector<16xi32>
      %sub3A_525 = arith.subi %get3A_524, %sub3A : vector<16xi32>
      %mul3A_526 = arith.constant 16 : i32
      %mul3A_527 = arith.muli %scan3A_520, %mul3A_526 : i32
      %get3A_528 = arith.index_cast %mul3A_527 : i32 to index
      %get3A_529 = tpu.vector_load %arg6[%get3A_528] {strides = array<i32>} : memref<2000xi32, #tpu.memory_space<vmem>>, vector<16xi32>,
      %sub3A_530 = vector.broadcast %mul3A_135 : i32 to vector<16xi32>
      %sub3A_531 = arith.subi %get3A_529, %sub3A_530 : vector<16xi32>
      %sub3A_532 = vector.broadcast %mul3A_137 : i32 to vector<16xi32>
      %sub3A_533 = arith.subi %sub3A_531, %sub3A_532 : vector<16xi32>
      %ge3A = arith.constant 0 : i32
      %ge3A_534 = vector.broadcast %ge3A : i32 to vector<16xi32>
      %ge3A_535 = arith.cmpi sge, %sub3A_533, %ge3A_534 : vector<16xi32>
      %lt3A = arith.constant 80 : i32
      %lt3A_536 = vector.broadcast %lt3A : i32 to vector<16xi32>
      %lt3A_537 = arith.cmpi slt, %sub3A_533, %lt3A_536 : vector<16xi32>
      %and3A = arith.andi %ge3A_535, %lt3A_537 : vector<16xi1>
      %mul3A_538 = arith.constant 1280 : i32
      %mul3A_539 = vector.broadcast %mul3A_538 : i32 to vector<16xi32>
      %mul3A_540 = arith.muli %sub3A_533, %mul3A_539 : vector<16xi32>
      %add3A_541 = arith.addi %mul3A_540, %sub3A_525 : vector<16xi32>
      %jit3A = arith.constant 0 : i32
      %broadcast_in_dim3A_542 = vector.broadcast %jit3A : i32 to vector<16xi32>
      %select_n3A = arith.select %and3A, %add3A_541, %broadcast_in_dim3A_542 : vector<16xi1>, vector<16xi32>
      tpu.vector_store_idx %arg7[%select_n3A], %broadcast_in_dim3A_2 masked %and3A {add = true} : memref<102400xf32, #tpu.memory_space<vmem>>[vector<16xi32>], vector<16xf32>, vector<16xi1>
      %scan3A_543 = arith.constant 0 : i32
      scf.yield %scan3A_543 : i32
    }
    %scan3A_155 = arith.constant 125 : i32
    %mul3A_156 = arith.constant 20000 : i32
    %mul3A_157 = arith.muli %add3A_133, %mul3A_156 : i32
    %add3A_158 = arith.constant 2000 : i32
    %add3A_159 = arith.addi %mul3A_157, %add3A_158 : i32
    "tpu.region"() ({
      %run_scoped3A = tpu.sem_alloc : memref<!tpu.dma_semaphore, #tpu.memory_space<semaphore_mem>>
      %dma_start3A = tpu.memref_slice %arg2[%add3A_159] : memref<160000xi32, #tpu.memory_space<hbm>> -> memref<2000xi32, #tpu.memory_space<hbm>>
      %dma_start3A_520 = tpu.memref_slice %arg2[%add3A_159] : memref<160000xi32, #tpu.memory_space<hbm>> -> memref<2000xi32, #tpu.memory_space<hbm>>
      tpu.enqueue_dma source(%dma_start3A_520 : memref<2000xi32, #tpu.memory_space<hbm>>) target(%arg5 : memref<2000xi32, #tpu.memory_space<vmem>>) target_semaphore(%run_scoped3A : memref<!tpu.dma_semaphore, #tpu.memory_space<semaphore_mem>>)
      %dma_wait3A = tpu.memref_slice %arg2[%add3A_159] : memref<160000xi32, #tpu.memory_space<hbm>> -> memref<2000xi32, #tpu.memory_space<hbm>>
      %dma_wait3A_521 = tpu.memref_slice %arg2[%add3A_159] : memref<160000xi32, #tpu.memory_space<hbm>> -> memref<2000xi32, #tpu.memory_space<hbm>>
      tpu.wait_dma2 semaphore(%run_scoped3A : memref<!tpu.dma_semaphore, #tpu.memory_space<semaphore_mem>>) src(%dma_wait3A_521 : memref<2000xi32, #tpu.memory_space<hbm>>) dst(%arg5 : memref<2000xi32, #tpu.memory_space<vmem>>)
      tpu.yield
    }) : () -> ()
    "tpu.region"() ({
      %run_scoped3A = tpu.sem_alloc : memref<!tpu.dma_semaphore, #tpu.memory_space<semaphore_mem>>
      %dma_start3A = tpu.memref_slice %arg3[%add3A_159] : memref<160000xi32, #tpu.memory_space<hbm>> -> memref<2000xi32, #tpu.memory_space<hbm>>
      %dma_start3A_520 = tpu.memref_slice %arg3[%add3A_159] : memref<160000xi32, #tpu.memory_space<hbm>> -> memref<2000xi32, #tpu.memory_space<hbm>>
      tpu.enqueue_dma source(%dma_start3A_520 : memref<2000xi32, #tpu.memory_space<hbm>>) target(%arg6 : memref<2000xi32, #tpu.memory_space<vmem>>) target_semaphore(%run_scoped3A : memref<!tpu.dma_semaphore, #tpu.memory_space<semaphore_mem>>)
      %dma_wait3A = tpu.memref_slice %arg3[%add3A_159] : memref<160000xi32, #tpu.memory_space<hbm>> -> memref<2000xi32, #tpu.memory_space<hbm>>
      %dma_wait3A_521 = tpu.memref_slice %arg3[%add3A_159] : memref<160000xi32, #tpu.memory_space<hbm>> -> memref<2000xi32, #tpu.memory_space<hbm>>
      tpu.wait_dma2 semaphore(%run_scoped3A : memref<!tpu.dma_semaphore, #tpu.memory_space<semaphore_mem>>) src(%dma_wait3A_521 : memref<2000xi32, #tpu.memory_space<hbm>>) dst(%arg6 : memref<2000xi32, #tpu.memory_space<vmem>>)
      tpu.yield
    }) : () -> ()
    %scan3A_160 = arith.constant 0 : i32
    %scan3A_161 = arith.constant 0 : i32
    %scan3A_162 = arith.constant 125 : i32
    %scan3A_163 = arith.addi %scan3A_161, %scan3A_162 : i32
    %scan3A_164 = arith.constant 1 : i32
    %scan3A_165 = scf.for %scan3A_520 = %scan3A_161 to %scan3A_163 step %scan3A_164 iter_args(%scan3A_521 = %scan3A_160) -> (i32)  : i32 {
      %mul3A_522 = arith.constant 16 : i32
      %mul3A_523 = arith.muli %scan3A_520, %mul3A_522 : i32
      %get3A = arith.index_cast %mul3A_523 : i32 to index
      %get3A_524 = tpu.vector_load %arg5[%get3A] {strides = array<i32>} : memref<2000xi32, #tpu.memory_space<vmem>>, vector<16xi32>,
      %sub3A = vector.broadcast %mul3A_135 : i32 to vector<16xi32>
      %sub3A_525 = arith.subi %get3A_524, %sub3A : vector<16xi32>
      %mul3A_526 = arith.constant 16 : i32
      %mul3A_527 = arith.muli %scan3A_520, %mul3A_526 : i32
      %get3A_528 = arith.index_cast %mul3A_527 : i32 to index
      %get3A_529 = tpu.vector_load %arg6[%get3A_528] {strides = array<i32>} : memref<2000xi32, #tpu.memory_space<vmem>>, vector<16xi32>,
      %sub3A_530 = vector.broadcast %mul3A_135 : i32 to vector<16xi32>
      %sub3A_531 = arith.subi %get3A_529, %sub3A_530 : vector<16xi32>
      %sub3A_532 = vector.broadcast %mul3A_137 : i32 to vector<16xi32>
      %sub3A_533 = arith.subi %sub3A_531, %sub3A_532 : vector<16xi32>
      %ge3A = arith.constant 0 : i32
      %ge3A_534 = vector.broadcast %ge3A : i32 to vector<16xi32>
      %ge3A_535 = arith.cmpi sge, %sub3A_533, %ge3A_534 : vector<16xi32>
      %lt3A = arith.constant 80 : i32
      %lt3A_536 = vector.broadcast %lt3A : i32 to vector<16xi32>
      %lt3A_537 = arith.cmpi slt, %sub3A_533, %lt3A_536 : vector<16xi32>
      %and3A = arith.andi %ge3A_535, %lt3A_537 : vector<16xi1>
      %mul3A_538 = arith.constant 1280 : i32
      %mul3A_539 = vector.broadcast %mul3A_538 : i32 to vector<16xi32>
      %mul3A_540 = arith.muli %sub3A_533, %mul3A_539 : vector<16xi32>
      %add3A_541 = arith.addi %mul3A_540, %sub3A_525 : vector<16xi32>
      %jit3A = arith.constant 0 : i32
      %broadcast_in_dim3A_542 = vector.broadcast %jit3A : i32 to vector<16xi32>
      %select_n3A = arith.select %and3A, %add3A_541, %broadcast_in_dim3A_542 : vector<16xi1>, vector<16xi32>
      tpu.vector_store_idx %arg7[%select_n3A], %broadcast_in_dim3A_2 masked %and3A {add = true} : memref<102400xf32, #tpu.memory_space<vmem>>[vector<16xi32>], vector<16xf32>, vector<16xi1>
      %scan3A_543 = arith.constant 0 : i32
      scf.yield %scan3A_543 : i32
    }
    %scan3A_166 = arith.constant 125 : i32
    %mul3A_167 = arith.constant 20000 : i32
    %mul3A_168 = arith.muli %add3A_133, %mul3A_167 : i32
    %add3A_169 = arith.constant 4000 : i32
    %add3A_170 = arith.addi %mul3A_168, %add3A_169 : i32
    "tpu.region"() ({
      %run_scoped3A = tpu.sem_alloc : memref<!tpu.dma_semaphore, #tpu.memory_space<semaphore_mem>>
      %dma_start3A = tpu.memref_slice %arg2[%add3A_170] : memref<160000xi32, #tpu.memory_space<hbm>> -> memref<2000xi32, #tpu.memory_space<hbm>>
      %dma_start3A_520 = tpu.memref_slice %arg2[%add3A_170] : memref<160000xi32, #tpu.memory_space<hbm>> -> memref<2000xi32, #tpu.memory_space<hbm>>
      tpu.enqueue_dma source(%dma_start3A_520 : memref<2000xi32, #tpu.memory_space<hbm>>) target(%arg5 : memref<2000xi32, #tpu.memory_space<vmem>>) target_semaphore(%run_scoped3A : memref<!tpu.dma_semaphore, #tpu.memory_space<semaphore_mem>>)
      %dma_wait3A = tpu.memref_slice %arg2[%add3A_170] : memref<160000xi32, #tpu.memory_space<hbm>> -> memref<2000xi32, #tpu.memory_space<hbm>>
      %dma_wait3A_521 = tpu.memref_slice %arg2[%add3A_170] : memref<160000xi32, #tpu.memory_space<hbm>> -> memref<2000xi32, #tpu.memory_space<hbm>>
      tpu.wait_dma2 semaphore(%run_scoped3A : memref<!tpu.dma_semaphore, #tpu.memory_space<semaphore_mem>>) src(%dma_wait3A_521 : memref<2000xi32, #tpu.memory_space<hbm>>) dst(%arg5 : memref<2000xi32, #tpu.memory_space<vmem>>)
      tpu.yield
    }) : () -> ()
    "tpu.region"() ({
      %run_scoped3A = tpu.sem_alloc : memref<!tpu.dma_semaphore, #tpu.memory_space<semaphore_mem>>
      %dma_start3A = tpu.memref_slice %arg3[%add3A_170] : memref<160000xi32, #tpu.memory_space<hbm>> -> memref<2000xi32, #tpu.memory_space<hbm>>
      %dma_start3A_520 = tpu.memref_slice %arg3[%add3A_170] : memref<160000xi32, #tpu.memory_space<hbm>> -> memref<2000xi32, #tpu.memory_space<hbm>>
      tpu.enqueue_dma source(%dma_start3A_520 : memref<2000xi32, #tpu.memory_space<hbm>>) target(%arg6 : memref<2000xi32, #tpu.memory_space<vmem>>) target_semaphore(%run_scoped3A : memref<!tpu.dma_semaphore, #tpu.memory_space<semaphore_mem>>)
      %dma_wait3A = tpu.memref_slice %arg3[%add3A_170] : memref<160000xi32, #tpu.memory_space<hbm>> -> memref<2000xi32, #tpu.memory_space<hbm>>
      %dma_wait3A_521 = tpu.memref_slice %arg3[%add3A_170] : memref<160000xi32, #tpu.memory_space<hbm>> -> memref<2000xi32, #tpu.memory_space<hbm>>
      tpu.wait_dma2 semaphore(%run_scoped3A : memref<!tpu.dma_semaphore, #tpu.memory_space<semaphore_mem>>) src(%dma_wait3A_521 : memref<2000xi32, #tpu.memory_space<hbm>>) dst(%arg6 : memref<2000xi32, #tpu.memory_space<vmem>>)
      tpu.yield
    }) : () -> ()
    %scan3A_171 = arith.constant 0 : i32
    %scan3A_172 = arith.constant 0 : i32
    %scan3A_173 = arith.constant 125 : i32
    %scan3A_174 = arith.addi %scan3A_172, %scan3A_173 : i32
    %scan3A_175 = arith.constant 1 : i32
    %scan3A_176 = scf.for %scan3A_520 = %scan3A_172 to %scan3A_174 step %scan3A_175 iter_args(%scan3A_521 = %scan3A_171) -> (i32)  : i32 {
      %mul3A_522 = arith.constant 16 : i32
      %mul3A_523 = arith.muli %scan3A_520, %mul3A_522 : i32
      %get3A = arith.index_cast %mul3A_523 : i32 to index
      %get3A_524 = tpu.vector_load %arg5[%get3A] {strides = array<i32>} : memref<2000xi32, #tpu.memory_space<vmem>>, vector<16xi32>,
      %sub3A = vector.broadcast %mul3A_135 : i32 to vector<16xi32>
      %sub3A_525 = arith.subi %get3A_524, %sub3A : vector<16xi32>
      %mul3A_526 = arith.constant 16 : i32
      %mul3A_527 = arith.muli %scan3A_520, %mul3A_526 : i32
      %get3A_528 = arith.index_cast %mul3A_527 : i32 to index
      %get3A_529 = tpu.vector_load %arg6[%get3A_528] {strides = array<i32>} : memref<2000xi32, #tpu.memory_space<vmem>>, vector<16xi32>,
      %sub3A_530 = vector.broadcast %mul3A_135 : i32 to vector<16xi32>
      %sub3A_531 = arith.subi %get3A_529, %sub3A_530 : vector<16xi32>
      %sub3A_532 = vector.broadcast %mul3A_137 : i32 to vector<16xi32>
      %sub3A_533 = arith.subi %sub3A_531, %sub3A_532 : vector<16xi32>
      %ge3A = arith.constant 0 : i32
      %ge3A_534 = vector.broadcast %ge3A : i32 to vector<16xi32>
      %ge3A_535 = arith.cmpi sge, %sub3A_533, %ge3A_534 : vector<16xi32>
      %lt3A = arith.constant 80 : i32
      %lt3A_536 = vector.broadcast %lt3A : i32 to vector<16xi32>
      %lt3A_537 = arith.cmpi slt, %sub3A_533, %lt3A_536 : vector<16xi32>
      %and3A = arith.andi %ge3A_535, %lt3A_537 : vector<16xi1>
      %mul3A_538 = arith.constant 1280 : i32
      %mul3A_539 = vector.broadcast %mul3A_538 : i32 to vector<16xi32>
      %mul3A_540 = arith.muli %sub3A_533, %mul3A_539 : vector<16xi32>
      %add3A_541 = arith.addi %mul3A_540, %sub3A_525 : vector<16xi32>
      %jit3A = arith.constant 0 : i32
      %broadcast_in_dim3A_542 = vector.broadcast %jit3A : i32 to vector<16xi32>
      %select_n3A = arith.select %and3A, %add3A_541, %broadcast_in_dim3A_542 : vector<16xi1>, vector<16xi32>
      tpu.vector_store_idx %arg7[%select_n3A], %broadcast_in_dim3A_2 masked %and3A {add = true} : memref<102400xf32, #tpu.memory_space<vmem>>[vector<16xi32>], vector<16xf32>, vector<16xi1>
      %scan3A_543 = arith.constant 0 : i32
      scf.yield %scan3A_543 : i32
    }
    %scan3A_177 = arith.constant 125 : i32
    %mul3A_178 = arith.constant 20000 : i32
    %mul3A_179 = arith.muli %add3A_133, %mul3A_178 : i32
    %add3A_180 = arith.constant 6000 : i32
    %add3A_181 = arith.addi %mul3A_179, %add3A_180 : i32
    "tpu.region"() ({
      %run_scoped3A = tpu.sem_alloc : memref<!tpu.dma_semaphore, #tpu.memory_space<semaphore_mem>>
      %dma_start3A = tpu.memref_slice %arg2[%add3A_181] : memref<160000xi32, #tpu.memory_space<hbm>> -> memref<2000xi32, #tpu.memory_space<hbm>>
      %dma_start3A_520 = tpu.memref_slice %arg2[%add3A_181] : memref<160000xi32, #tpu.memory_space<hbm>> -> memref<2000xi32, #tpu.memory_space<hbm>>
      tpu.enqueue_dma source(%dma_start3A_520 : memref<2000xi32, #tpu.memory_space<hbm>>) target(%arg5 : memref<2000xi32, #tpu.memory_space<vmem>>) target_semaphore(%run_scoped3A : memref<!tpu.dma_semaphore, #tpu.memory_space<semaphore_mem>>)
      %dma_wait3A = tpu.memref_slice %arg2[%add3A_181] : memref<160000xi32, #tpu.memory_space<hbm>> -> memref<2000xi32, #tpu.memory_space<hbm>>
      %dma_wait3A_521 = tpu.memref_slice %arg2[%add3A_181] : memref<160000xi32, #tpu.memory_space<hbm>> -> memref<2000xi32, #tpu.memory_space<hbm>>
      tpu.wait_dma2 semaphore(%run_scoped3A : memref<!tpu.dma_semaphore, #tpu.memory_space<semaphore_mem>>) src(%dma_wait3A_521 : memref<2000xi32, #tpu.memory_space<hbm>>) dst(%arg5 : memref<2000xi32, #tpu.memory_space<vmem>>)
      tpu.yield
    }) : () -> ()
    "tpu.region"() ({
      %run_scoped3A = tpu.sem_alloc : memref<!tpu.dma_semaphore, #tpu.memory_space<semaphore_mem>>
      %dma_start3A = tpu.memref_slice %arg3[%add3A_181] : memref<160000xi32, #tpu.memory_space<hbm>> -> memref<2000xi32, #tpu.memory_space<hbm>>
      %dma_start3A_520 = tpu.memref_slice %arg3[%add3A_181] : memref<160000xi32, #tpu.memory_space<hbm>> -> memref<2000xi32, #tpu.memory_space<hbm>>
      tpu.enqueue_dma source(%dma_start3A_520 : memref<2000xi32, #tpu.memory_space<hbm>>) target(%arg6 : memref<2000xi32, #tpu.memory_space<vmem>>) target_semaphore(%run_scoped3A : memref<!tpu.dma_semaphore, #tpu.memory_space<semaphore_mem>>)
      %dma_wait3A = tpu.memref_slice %arg3[%add3A_181] : memref<160000xi32, #tpu.memory_space<hbm>> -> memref<2000xi32, #tpu.memory_space<hbm>>
      %dma_wait3A_521 = tpu.memref_slice %arg3[%add3A_181] : memref<160000xi32, #tpu.memory_space<hbm>> -> memref<2000xi32, #tpu.memory_space<hbm>>
      tpu.wait_dma2 semaphore(%run_scoped3A : memref<!tpu.dma_semaphore, #tpu.memory_space<semaphore_mem>>) src(%dma_wait3A_521 : memref<2000xi32, #tpu.memory_space<hbm>>) dst(%arg6 : memref<2000xi32, #tpu.memory_space<vmem>>)
      tpu.yield
    }) : () -> ()
    %scan3A_182 = arith.constant 0 : i32
    %scan3A_183 = arith.constant 0 : i32
    %scan3A_184 = arith.constant 125 : i32
    %scan3A_185 = arith.addi %scan3A_183, %scan3A_184 : i32
    %scan3A_186 = arith.constant 1 : i32
    %scan3A_187 = scf.for %scan3A_520 = %scan3A_183 to %scan3A_185 step %scan3A_186 iter_args(%scan3A_521 = %scan3A_182) -> (i32)  : i32 {
      %mul3A_522 = arith.constant 16 : i32
      %mul3A_523 = arith.muli %scan3A_520, %mul3A_522 : i32
      %get3A = arith.index_cast %mul3A_523 : i32 to index
      %get3A_524 = tpu.vector_load %arg5[%get3A] {strides = array<i32>} : memref<2000xi32, #tpu.memory_space<vmem>>, vector<16xi32>,
      %sub3A = vector.broadcast %mul3A_135 : i32 to vector<16xi32>
      %sub3A_525 = arith.subi %get3A_524, %sub3A : vector<16xi32>
      %mul3A_526 = arith.constant 16 : i32
      %mul3A_527 = arith.muli %scan3A_520, %mul3A_526 : i32
      %get3A_528 = arith.index_cast %mul3A_527 : i32 to index
      %get3A_529 = tpu.vector_load %arg6[%get3A_528] {strides = array<i32>} : memref<2000xi32, #tpu.memory_space<vmem>>, vector<16xi32>,
      %sub3A_530 = vector.broadcast %mul3A_135 : i32 to vector<16xi32>
      %sub3A_531 = arith.subi %get3A_529, %sub3A_530 : vector<16xi32>
      %sub3A_532 = vector.broadcast %mul3A_137 : i32 to vector<16xi32>
      %sub3A_533 = arith.subi %sub3A_531, %sub3A_532 : vector<16xi32>
      %ge3A = arith.constant 0 : i32
      %ge3A_534 = vector.broadcast %ge3A : i32 to vector<16xi32>
      %ge3A_535 = arith.cmpi sge, %sub3A_533, %ge3A_534 : vector<16xi32>
      %lt3A = arith.constant 80 : i32
      %lt3A_536 = vector.broadcast %lt3A : i32 to vector<16xi32>
      %lt3A_537 = arith.cmpi slt, %sub3A_533, %lt3A_536 : vector<16xi32>
      %and3A = arith.andi %ge3A_535, %lt3A_537 : vector<16xi1>
      %mul3A_538 = arith.constant 1280 : i32
      %mul3A_539 = vector.broadcast %mul3A_538 : i32 to vector<16xi32>
      %mul3A_540 = arith.muli %sub3A_533, %mul3A_539 : vector<16xi32>
      %add3A_541 = arith.addi %mul3A_540, %sub3A_525 : vector<16xi32>
      %jit3A = arith.constant 0 : i32
      %broadcast_in_dim3A_542 = vector.broadcast %jit3A : i32 to vector<16xi32>
      %select_n3A = arith.select %and3A, %add3A_541, %broadcast_in_dim3A_542 : vector<16xi1>, vector<16xi32>
      tpu.vector_store_idx %arg7[%select_n3A], %broadcast_in_dim3A_2 masked %and3A {add = true} : memref<102400xf32, #tpu.memory_space<vmem>>[vector<16xi32>], vector<16xf32>, vector<16xi1>
      %scan3A_543 = arith.constant 0 : i32
      scf.yield %scan3A_543 : i32
    }
    %scan3A_188 = arith.constant 125 : i32
    %mul3A_189 = arith.constant 20000 : i32
    %mul3A_190 = arith.muli %add3A_133, %mul3A_189 : i32
    %add3A_191 = arith.constant 8000 : i32
    %add3A_192 = arith.addi %mul3A_190, %add3A_191 : i32
    "tpu.region"() ({
      %run_scoped3A = tpu.sem_alloc : memref<!tpu.dma_semaphore, #tpu.memory_space<semaphore_mem>>
      %dma_start3A = tpu.memref_slice %arg2[%add3A_192] : memref<160000xi32, #tpu.memory_space<hbm>> -> memref<2000xi32, #tpu.memory_space<hbm>>
      %dma_start3A_520 = tpu.memref_slice %arg2[%add3A_192] : memref<160000xi32, #tpu.memory_space<hbm>> -> memref<2000xi32, #tpu.memory_space<hbm>>
      tpu.enqueue_dma source(%dma_start3A_520 : memref<2000xi32, #tpu.memory_space<hbm>>) target(%arg5 : memref<2000xi32, #tpu.memory_space<vmem>>) target_semaphore(%run_scoped3A : memref<!tpu.dma_semaphore, #tpu.memory_space<semaphore_mem>>)
      %dma_wait3A = tpu.memref_slice %arg2[%add3A_192] : memref<160000xi32, #tpu.memory_space<hbm>> -> memref<2000xi32, #tpu.memory_space<hbm>>
      %dma_wait3A_521 = tpu.memref_slice %arg2[%add3A_192] : memref<160000xi32, #tpu.memory_space<hbm>> -> memref<2000xi32, #tpu.memory_space<hbm>>
      tpu.wait_dma2 semaphore(%run_scoped3A : memref<!tpu.dma_semaphore, #tpu.memory_space<semaphore_mem>>) src(%dma_wait3A_521 : memref<2000xi32, #tpu.memory_space<hbm>>) dst(%arg5 : memref<2000xi32, #tpu.memory_space<vmem>>)
      tpu.yield
    }) : () -> ()
    "tpu.region"() ({
      %run_scoped3A = tpu.sem_alloc : memref<!tpu.dma_semaphore, #tpu.memory_space<semaphore_mem>>
      %dma_start3A = tpu.memref_slice %arg3[%add3A_192] : memref<160000xi32, #tpu.memory_space<hbm>> -> memref<2000xi32, #tpu.memory_space<hbm>>
      %dma_start3A_520 = tpu.memref_slice %arg3[%add3A_192] : memref<160000xi32, #tpu.memory_space<hbm>> -> memref<2000xi32, #tpu.memory_space<hbm>>
      tpu.enqueue_dma source(%dma_start3A_520 : memref<2000xi32, #tpu.memory_space<hbm>>) target(%arg6 : memref<2000xi32, #tpu.memory_space<vmem>>) target_semaphore(%run_scoped3A : memref<!tpu.dma_semaphore, #tpu.memory_space<semaphore_mem>>)
      %dma_wait3A = tpu.memref_slice %arg3[%add3A_192] : memref<160000xi32, #tpu.memory_space<hbm>> -> memref<2000xi32, #tpu.memory_space<hbm>>
      %dma_wait3A_521 = tpu.memref_slice %arg3[%add3A_192] : memref<160000xi32, #tpu.memory_space<hbm>> -> memref<2000xi32, #tpu.memory_space<hbm>>
      tpu.wait_dma2 semaphore(%run_scoped3A : memref<!tpu.dma_semaphore, #tpu.memory_space<semaphore_mem>>) src(%dma_wait3A_521 : memref<2000xi32, #tpu.memory_space<hbm>>) dst(%arg6 : memref<2000xi32, #tpu.memory_space<vmem>>)
      tpu.yield
    }) : () -> ()
    %scan3A_193 = arith.constant 0 : i32
    %scan3A_194 = arith.constant 0 : i32
    %scan3A_195 = arith.constant 125 : i32
    %scan3A_196 = arith.addi %scan3A_194, %scan3A_195 : i32
    %scan3A_197 = arith.constant 1 : i32
    %scan3A_198 = scf.for %scan3A_520 = %scan3A_194 to %scan3A_196 step %scan3A_197 iter_args(%scan3A_521 = %scan3A_193) -> (i32)  : i32 {
      %mul3A_522 = arith.constant 16 : i32
      %mul3A_523 = arith.muli %scan3A_520, %mul3A_522 : i32
      %get3A = arith.index_cast %mul3A_523 : i32 to index
      %get3A_524 = tpu.vector_load %arg5[%get3A] {strides = array<i32>} : memref<2000xi32, #tpu.memory_space<vmem>>, vector<16xi32>,
      %sub3A = vector.broadcast %mul3A_135 : i32 to vector<16xi32>
      %sub3A_525 = arith.subi %get3A_524, %sub3A : vector<16xi32>
      %mul3A_526 = arith.constant 16 : i32
      %mul3A_527 = arith.muli %scan3A_520, %mul3A_526 : i32
      %get3A_528 = arith.index_cast %mul3A_527 : i32 to index
      %get3A_529 = tpu.vector_load %arg6[%get3A_528] {strides = array<i32>} : memref<2000xi32, #tpu.memory_space<vmem>>, vector<16xi32>,
      %sub3A_530 = vector.broadcast %mul3A_135 : i32 to vector<16xi32>
      %sub3A_531 = arith.subi %get3A_529, %sub3A_530 : vector<16xi32>
      %sub3A_532 = vector.broadcast %mul3A_137 : i32 to vector<16xi32>
      %sub3A_533 = arith.subi %sub3A_531, %sub3A_532 : vector<16xi32>
      %ge3A = arith.constant 0 : i32
      %ge3A_534 = vector.broadcast %ge3A : i32 to vector<16xi32>
      %ge3A_535 = arith.cmpi sge, %sub3A_533, %ge3A_534 : vector<16xi32>
      %lt3A = arith.constant 80 : i32
      %lt3A_536 = vector.broadcast %lt3A : i32 to vector<16xi32>
      %lt3A_537 = arith.cmpi slt, %sub3A_533, %lt3A_536 : vector<16xi32>
      %and3A = arith.andi %ge3A_535, %lt3A_537 : vector<16xi1>
      %mul3A_538 = arith.constant 1280 : i32
      %mul3A_539 = vector.broadcast %mul3A_538 : i32 to vector<16xi32>
      %mul3A_540 = arith.muli %sub3A_533, %mul3A_539 : vector<16xi32>
      %add3A_541 = arith.addi %mul3A_540, %sub3A_525 : vector<16xi32>
      %jit3A = arith.constant 0 : i32
      %broadcast_in_dim3A_542 = vector.broadcast %jit3A : i32 to vector<16xi32>
      %select_n3A = arith.select %and3A, %add3A_541, %broadcast_in_dim3A_542 : vector<16xi1>, vector<16xi32>
      tpu.vector_store_idx %arg7[%select_n3A], %broadcast_in_dim3A_2 masked %and3A {add = true} : memref<102400xf32, #tpu.memory_space<vmem>>[vector<16xi32>], vector<16xf32>, vector<16xi1>
      %scan3A_543 = arith.constant 0 : i32
      scf.yield %scan3A_543 : i32
    }
    %scan3A_199 = arith.constant 125 : i32
    %mul3A_200 = arith.constant 20000 : i32
    %mul3A_201 = arith.muli %add3A_133, %mul3A_200 : i32
    %add3A_202 = arith.constant 10000 : i32
    %add3A_203 = arith.addi %mul3A_201, %add3A_202 : i32
    "tpu.region"() ({
      %run_scoped3A = tpu.sem_alloc : memref<!tpu.dma_semaphore, #tpu.memory_space<semaphore_mem>>
      %dma_start3A = tpu.memref_slice %arg2[%add3A_203] : memref<160000xi32, #tpu.memory_space<hbm>> -> memref<2000xi32, #tpu.memory_space<hbm>>
      %dma_start3A_520 = tpu.memref_slice %arg2[%add3A_203] : memref<160000xi32, #tpu.memory_space<hbm>> -> memref<2000xi32, #tpu.memory_space<hbm>>
      tpu.enqueue_dma source(%dma_start3A_520 : memref<2000xi32, #tpu.memory_space<hbm>>) target(%arg5 : memref<2000xi32, #tpu.memory_space<vmem>>) target_semaphore(%run_scoped3A : memref<!tpu.dma_semaphore, #tpu.memory_space<semaphore_mem>>)
      %dma_wait3A = tpu.memref_slice %arg2[%add3A_203] : memref<160000xi32, #tpu.memory_space<hbm>> -> memref<2000xi32, #tpu.memory_space<hbm>>
      %dma_wait3A_521 = tpu.memref_slice %arg2[%add3A_203] : memref<160000xi32, #tpu.memory_space<hbm>> -> memref<2000xi32, #tpu.memory_space<hbm>>
      tpu.wait_dma2 semaphore(%run_scoped3A : memref<!tpu.dma_semaphore, #tpu.memory_space<semaphore_mem>>) src(%dma_wait3A_521 : memref<2000xi32, #tpu.memory_space<hbm>>) dst(%arg5 : memref<2000xi32, #tpu.memory_space<vmem>>)
      tpu.yield
    }) : () -> ()
    "tpu.region"() ({
      %run_scoped3A = tpu.sem_alloc : memref<!tpu.dma_semaphore, #tpu.memory_space<semaphore_mem>>
      %dma_start3A = tpu.memref_slice %arg3[%add3A_203] : memref<160000xi32, #tpu.memory_space<hbm>> -> memref<2000xi32, #tpu.memory_space<hbm>>
      %dma_start3A_520 = tpu.memref_slice %arg3[%add3A_203] : memref<160000xi32, #tpu.memory_space<hbm>> -> memref<2000xi32, #tpu.memory_space<hbm>>
      tpu.enqueue_dma source(%dma_start3A_520 : memref<2000xi32, #tpu.memory_space<hbm>>) target(%arg6 : memref<2000xi32, #tpu.memory_space<vmem>>) target_semaphore(%run_scoped3A : memref<!tpu.dma_semaphore, #tpu.memory_space<semaphore_mem>>)
      %dma_wait3A = tpu.memref_slice %arg3[%add3A_203] : memref<160000xi32, #tpu.memory_space<hbm>> -> memref<2000xi32, #tpu.memory_space<hbm>>
      %dma_wait3A_521 = tpu.memref_slice %arg3[%add3A_203] : memref<160000xi32, #tpu.memory_space<hbm>> -> memref<2000xi32, #tpu.memory_space<hbm>>
      tpu.wait_dma2 semaphore(%run_scoped3A : memref<!tpu.dma_semaphore, #tpu.memory_space<semaphore_mem>>) src(%dma_wait3A_521 : memref<2000xi32, #tpu.memory_space<hbm>>) dst(%arg6 : memref<2000xi32, #tpu.memory_space<vmem>>)
      tpu.yield
    }) : () -> ()
    %scan3A_204 = arith.constant 0 : i32
    %scan3A_205 = arith.constant 0 : i32
    %scan3A_206 = arith.constant 125 : i32
    %scan3A_207 = arith.addi %scan3A_205, %scan3A_206 : i32
    %scan3A_208 = arith.constant 1 : i32
    %scan3A_209 = scf.for %scan3A_520 = %scan3A_205 to %scan3A_207 step %scan3A_208 iter_args(%scan3A_521 = %scan3A_204) -> (i32)  : i32 {
      %mul3A_522 = arith.constant 16 : i32
      %mul3A_523 = arith.muli %scan3A_520, %mul3A_522 : i32
      %get3A = arith.index_cast %mul3A_523 : i32 to index
      %get3A_524 = tpu.vector_load %arg5[%get3A] {strides = array<i32>} : memref<2000xi32, #tpu.memory_space<vmem>>, vector<16xi32>,
      %sub3A = vector.broadcast %mul3A_135 : i32 to vector<16xi32>
      %sub3A_525 = arith.subi %get3A_524, %sub3A : vector<16xi32>
      %mul3A_526 = arith.constant 16 : i32
      %mul3A_527 = arith.muli %scan3A_520, %mul3A_526 : i32
      %get3A_528 = arith.index_cast %mul3A_527 : i32 to index
      %get3A_529 = tpu.vector_load %arg6[%get3A_528] {strides = array<i32>} : memref<2000xi32, #tpu.memory_space<vmem>>, vector<16xi32>,
      %sub3A_530 = vector.broadcast %mul3A_135 : i32 to vector<16xi32>
      %sub3A_531 = arith.subi %get3A_529, %sub3A_530 : vector<16xi32>
      %sub3A_532 = vector.broadcast %mul3A_137 : i32 to vector<16xi32>
      %sub3A_533 = arith.subi %sub3A_531, %sub3A_532 : vector<16xi32>
      %ge3A = arith.constant 0 : i32
      %ge3A_534 = vector.broadcast %ge3A : i32 to vector<16xi32>
      %ge3A_535 = arith.cmpi sge, %sub3A_533, %ge3A_534 : vector<16xi32>
      %lt3A = arith.constant 80 : i32
      %lt3A_536 = vector.broadcast %lt3A : i32 to vector<16xi32>
      %lt3A_537 = arith.cmpi slt, %sub3A_533, %lt3A_536 : vector<16xi32>
      %and3A = arith.andi %ge3A_535, %lt3A_537 : vector<16xi1>
      %mul3A_538 = arith.constant 1280 : i32
      %mul3A_539 = vector.broadcast %mul3A_538 : i32 to vector<16xi32>
      %mul3A_540 = arith.muli %sub3A_533, %mul3A_539 : vector<16xi32>
      %add3A_541 = arith.addi %mul3A_540, %sub3A_525 : vector<16xi32>
      %jit3A = arith.constant 0 : i32
      %broadcast_in_dim3A_542 = vector.broadcast %jit3A : i32 to vector<16xi32>
      %select_n3A = arith.select %and3A, %add3A_541, %broadcast_in_dim3A_542 : vector<16xi1>, vector<16xi32>
      tpu.vector_store_idx %arg7[%select_n3A], %broadcast_in_dim3A_2 masked %and3A {add = true} : memref<102400xf32, #tpu.memory_space<vmem>>[vector<16xi32>], vector<16xf32>, vector<16xi1>
      %scan3A_543 = arith.constant 0 : i32
      scf.yield %scan3A_543 : i32
    }
    %scan3A_210 = arith.constant 125 : i32
    %mul3A_211 = arith.constant 20000 : i32
    %mul3A_212 = arith.muli %add3A_133, %mul3A_211 : i32
    %add3A_213 = arith.constant 12000 : i32
    %add3A_214 = arith.addi %mul3A_212, %add3A_213 : i32
    "tpu.region"() ({
      %run_scoped3A = tpu.sem_alloc : memref<!tpu.dma_semaphore, #tpu.memory_space<semaphore_mem>>
      %dma_start3A = tpu.memref_slice %arg2[%add3A_214] : memref<160000xi32, #tpu.memory_space<hbm>> -> memref<2000xi32, #tpu.memory_space<hbm>>
      %dma_start3A_520 = tpu.memref_slice %arg2[%add3A_214] : memref<160000xi32, #tpu.memory_space<hbm>> -> memref<2000xi32, #tpu.memory_space<hbm>>
      tpu.enqueue_dma source(%dma_start3A_520 : memref<2000xi32, #tpu.memory_space<hbm>>) target(%arg5 : memref<2000xi32, #tpu.memory_space<vmem>>) target_semaphore(%run_scoped3A : memref<!tpu.dma_semaphore, #tpu.memory_space<semaphore_mem>>)
      %dma_wait3A = tpu.memref_slice %arg2[%add3A_214] : memref<160000xi32, #tpu.memory_space<hbm>> -> memref<2000xi32, #tpu.memory_space<hbm>>
      %dma_wait3A_521 = tpu.memref_slice %arg2[%add3A_214] : memref<160000xi32, #tpu.memory_space<hbm>> -> memref<2000xi32, #tpu.memory_space<hbm>>
      tpu.wait_dma2 semaphore(%run_scoped3A : memref<!tpu.dma_semaphore, #tpu.memory_space<semaphore_mem>>) src(%dma_wait3A_521 : memref<2000xi32, #tpu.memory_space<hbm>>) dst(%arg5 : memref<2000xi32, #tpu.memory_space<vmem>>)
      tpu.yield
    }) : () -> ()
    "tpu.region"() ({
      %run_scoped3A = tpu.sem_alloc : memref<!tpu.dma_semaphore, #tpu.memory_space<semaphore_mem>>
      %dma_start3A = tpu.memref_slice %arg3[%add3A_214] : memref<160000xi32, #tpu.memory_space<hbm>> -> memref<2000xi32, #tpu.memory_space<hbm>>
      %dma_start3A_520 = tpu.memref_slice %arg3[%add3A_214] : memref<160000xi32, #tpu.memory_space<hbm>> -> memref<2000xi32, #tpu.memory_space<hbm>>
      tpu.enqueue_dma source(%dma_start3A_520 : memref<2000xi32, #tpu.memory_space<hbm>>) target(%arg6 : memref<2000xi32, #tpu.memory_space<vmem>>) target_semaphore(%run_scoped3A : memref<!tpu.dma_semaphore, #tpu.memory_space<semaphore_mem>>)
      %dma_wait3A = tpu.memref_slice %arg3[%add3A_214] : memref<160000xi32, #tpu.memory_space<hbm>> -> memref<2000xi32, #tpu.memory_space<hbm>>
      %dma_wait3A_521 = tpu.memref_slice %arg3[%add3A_214] : memref<160000xi32, #tpu.memory_space<hbm>> -> memref<2000xi32, #tpu.memory_space<hbm>>
      tpu.wait_dma2 semaphore(%run_scoped3A : memref<!tpu.dma_semaphore, #tpu.memory_space<semaphore_mem>>) src(%dma_wait3A_521 : memref<2000xi32, #tpu.memory_space<hbm>>) dst(%arg6 : memref<2000xi32, #tpu.memory_space<vmem>>)
      tpu.yield
    }) : () -> ()
    %scan3A_215 = arith.constant 0 : i32
    %scan3A_216 = arith.constant 0 : i32
    %scan3A_217 = arith.constant 125 : i32
    %scan3A_218 = arith.addi %scan3A_216, %scan3A_217 : i32
    %scan3A_219 = arith.constant 1 : i32
    %scan3A_220 = scf.for %scan3A_520 = %scan3A_216 to %scan3A_218 step %scan3A_219 iter_args(%scan3A_521 = %scan3A_215) -> (i32)  : i32 {
      %mul3A_522 = arith.constant 16 : i32
      %mul3A_523 = arith.muli %scan3A_520, %mul3A_522 : i32
      %get3A = arith.index_cast %mul3A_523 : i32 to index
      %get3A_524 = tpu.vector_load %arg5[%get3A] {strides = array<i32>} : memref<2000xi32, #tpu.memory_space<vmem>>, vector<16xi32>,
      %sub3A = vector.broadcast %mul3A_135 : i32 to vector<16xi32>
      %sub3A_525 = arith.subi %get3A_524, %sub3A : vector<16xi32>
      %mul3A_526 = arith.constant 16 : i32
      %mul3A_527 = arith.muli %scan3A_520, %mul3A_526 : i32
      %get3A_528 = arith.index_cast %mul3A_527 : i32 to index
      %get3A_529 = tpu.vector_load %arg6[%get3A_528] {strides = array<i32>} : memref<2000xi32, #tpu.memory_space<vmem>>, vector<16xi32>,
      %sub3A_530 = vector.broadcast %mul3A_135 : i32 to vector<16xi32>
      %sub3A_531 = arith.subi %get3A_529, %sub3A_530 : vector<16xi32>
      %sub3A_532 = vector.broadcast %mul3A_137 : i32 to vector<16xi32>
      %sub3A_533 = arith.subi %sub3A_531, %sub3A_532 : vector<16xi32>
      %ge3A = arith.constant 0 : i32
      %ge3A_534 = vector.broadcast %ge3A : i32 to vector<16xi32>
      %ge3A_535 = arith.cmpi sge, %sub3A_533, %ge3A_534 : vector<16xi32>
      %lt3A = arith.constant 80 : i32
      %lt3A_536 = vector.broadcast %lt3A : i32 to vector<16xi32>
      %lt3A_537 = arith.cmpi slt, %sub3A_533, %lt3A_536 : vector<16xi32>
      %and3A = arith.andi %ge3A_535, %lt3A_537 : vector<16xi1>
      %mul3A_538 = arith.constant 1280 : i32
      %mul3A_539 = vector.broadcast %mul3A_538 : i32 to vector<16xi32>
      %mul3A_540 = arith.muli %sub3A_533, %mul3A_539 : vector<16xi32>
      %add3A_541 = arith.addi %mul3A_540, %sub3A_525 : vector<16xi32>
      %jit3A = arith.constant 0 : i32
      %broadcast_in_dim3A_542 = vector.broadcast %jit3A : i32 to vector<16xi32>
      %select_n3A = arith.select %and3A, %add3A_541, %broadcast_in_dim3A_542 : vector<16xi1>, vector<16xi32>
      tpu.vector_store_idx %arg7[%select_n3A], %broadcast_in_dim3A_2 masked %and3A {add = true} : memref<102400xf32, #tpu.memory_space<vmem>>[vector<16xi32>], vector<16xf32>, vector<16xi1>
      %scan3A_543 = arith.constant 0 : i32
      scf.yield %scan3A_543 : i32
    }
    %scan3A_221 = arith.constant 125 : i32
    %mul3A_222 = arith.constant 20000 : i32
    %mul3A_223 = arith.muli %add3A_133, %mul3A_222 : i32
    %add3A_224 = arith.constant 14000 : i32
    %add3A_225 = arith.addi %mul3A_223, %add3A_224 : i32
    "tpu.region"() ({
      %run_scoped3A = tpu.sem_alloc : memref<!tpu.dma_semaphore, #tpu.memory_space<semaphore_mem>>
      %dma_start3A = tpu.memref_slice %arg2[%add3A_225] : memref<160000xi32, #tpu.memory_space<hbm>> -> memref<2000xi32, #tpu.memory_space<hbm>>
      %dma_start3A_520 = tpu.memref_slice %arg2[%add3A_225] : memref<160000xi32, #tpu.memory_space<hbm>> -> memref<2000xi32, #tpu.memory_space<hbm>>
      tpu.enqueue_dma source(%dma_start3A_520 : memref<2000xi32, #tpu.memory_space<hbm>>) target(%arg5 : memref<2000xi32, #tpu.memory_space<vmem>>) target_semaphore(%run_scoped3A : memref<!tpu.dma_semaphore, #tpu.memory_space<semaphore_mem>>)
      %dma_wait3A = tpu.memref_slice %arg2[%add3A_225] : memref<160000xi32, #tpu.memory_space<hbm>> -> memref<2000xi32, #tpu.memory_space<hbm>>
      %dma_wait3A_521 = tpu.memref_slice %arg2[%add3A_225] : memref<160000xi32, #tpu.memory_space<hbm>> -> memref<2000xi32, #tpu.memory_space<hbm>>
      tpu.wait_dma2 semaphore(%run_scoped3A : memref<!tpu.dma_semaphore, #tpu.memory_space<semaphore_mem>>) src(%dma_wait3A_521 : memref<2000xi32, #tpu.memory_space<hbm>>) dst(%arg5 : memref<2000xi32, #tpu.memory_space<vmem>>)
      tpu.yield
    }) : () -> ()
    "tpu.region"() ({
      %run_scoped3A = tpu.sem_alloc : memref<!tpu.dma_semaphore, #tpu.memory_space<semaphore_mem>>
      %dma_start3A = tpu.memref_slice %arg3[%add3A_225] : memref<160000xi32, #tpu.memory_space<hbm>> -> memref<2000xi32, #tpu.memory_space<hbm>>
      %dma_start3A_520 = tpu.memref_slice %arg3[%add3A_225] : memref<160000xi32, #tpu.memory_space<hbm>> -> memref<2000xi32, #tpu.memory_space<hbm>>
      tpu.enqueue_dma source(%dma_start3A_520 : memref<2000xi32, #tpu.memory_space<hbm>>) target(%arg6 : memref<2000xi32, #tpu.memory_space<vmem>>) target_semaphore(%run_scoped3A : memref<!tpu.dma_semaphore, #tpu.memory_space<semaphore_mem>>)
      %dma_wait3A = tpu.memref_slice %arg3[%add3A_225] : memref<160000xi32, #tpu.memory_space<hbm>> -> memref<2000xi32, #tpu.memory_space<hbm>>
      %dma_wait3A_521 = tpu.memref_slice %arg3[%add3A_225] : memref<160000xi32, #tpu.memory_space<hbm>> -> memref<2000xi32, #tpu.memory_space<hbm>>
      tpu.wait_dma2 semaphore(%run_scoped3A : memref<!tpu.dma_semaphore, #tpu.memory_space<semaphore_mem>>) src(%dma_wait3A_521 : memref<2000xi32, #tpu.memory_space<hbm>>) dst(%arg6 : memref<2000xi32, #tpu.memory_space<vmem>>)
      tpu.yield
    }) : () -> ()
    %scan3A_226 = arith.constant 0 : i32
    %scan3A_227 = arith.constant 0 : i32
    %scan3A_228 = arith.constant 125 : i32
    %scan3A_229 = arith.addi %scan3A_227, %scan3A_228 : i32
    %scan3A_230 = arith.constant 1 : i32
    %scan3A_231 = scf.for %scan3A_520 = %scan3A_227 to %scan3A_229 step %scan3A_230 iter_args(%scan3A_521 = %scan3A_226) -> (i32)  : i32 {
      %mul3A_522 = arith.constant 16 : i32
      %mul3A_523 = arith.muli %scan3A_520, %mul3A_522 : i32
      %get3A = arith.index_cast %mul3A_523 : i32 to index
      %get3A_524 = tpu.vector_load %arg5[%get3A] {strides = array<i32>} : memref<2000xi32, #tpu.memory_space<vmem>>, vector<16xi32>,
      %sub3A = vector.broadcast %mul3A_135 : i32 to vector<16xi32>
      %sub3A_525 = arith.subi %get3A_524, %sub3A : vector<16xi32>
      %mul3A_526 = arith.constant 16 : i32
      %mul3A_527 = arith.muli %scan3A_520, %mul3A_526 : i32
      %get3A_528 = arith.index_cast %mul3A_527 : i32 to index
      %get3A_529 = tpu.vector_load %arg6[%get3A_528] {strides = array<i32>} : memref<2000xi32, #tpu.memory_space<vmem>>, vector<16xi32>,
      %sub3A_530 = vector.broadcast %mul3A_135 : i32 to vector<16xi32>
      %sub3A_531 = arith.subi %get3A_529, %sub3A_530 : vector<16xi32>
      %sub3A_532 = vector.broadcast %mul3A_137 : i32 to vector<16xi32>
      %sub3A_533 = arith.subi %sub3A_531, %sub3A_532 : vector<16xi32>
      %ge3A = arith.constant 0 : i32
      %ge3A_534 = vector.broadcast %ge3A : i32 to vector<16xi32>
      %ge3A_535 = arith.cmpi sge, %sub3A_533, %ge3A_534 : vector<16xi32>
      %lt3A = arith.constant 80 : i32
      %lt3A_536 = vector.broadcast %lt3A : i32 to vector<16xi32>
      %lt3A_537 = arith.cmpi slt, %sub3A_533, %lt3A_536 : vector<16xi32>
      %and3A = arith.andi %ge3A_535, %lt3A_537 : vector<16xi1>
      %mul3A_538 = arith.constant 1280 : i32
      %mul3A_539 = vector.broadcast %mul3A_538 : i32 to vector<16xi32>
      %mul3A_540 = arith.muli %sub3A_533, %mul3A_539 : vector<16xi32>
      %add3A_541 = arith.addi %mul3A_540, %sub3A_525 : vector<16xi32>
      %jit3A = arith.constant 0 : i32
      %broadcast_in_dim3A_542 = vector.broadcast %jit3A : i32 to vector<16xi32>
      %select_n3A = arith.select %and3A, %add3A_541, %broadcast_in_dim3A_542 : vector<16xi1>, vector<16xi32>
      tpu.vector_store_idx %arg7[%select_n3A], %broadcast_in_dim3A_2 masked %and3A {add = true} : memref<102400xf32, #tpu.memory_space<vmem>>[vector<16xi32>], vector<16xf32>, vector<16xi1>
      %scan3A_543 = arith.constant 0 : i32
      scf.yield %scan3A_543 : i32
    }
    %scan3A_232 = arith.constant 125 : i32
    %mul3A_233 = arith.constant 20000 : i32
    %mul3A_234 = arith.muli %add3A_133, %mul3A_233 : i32
    %add3A_235 = arith.constant 16000 : i32
    %add3A_236 = arith.addi %mul3A_234, %add3A_235 : i32
    "tpu.region"() ({
      %run_scoped3A = tpu.sem_alloc : memref<!tpu.dma_semaphore, #tpu.memory_space<semaphore_mem>>
      %dma_start3A = tpu.memref_slice %arg2[%add3A_236] : memref<160000xi32, #tpu.memory_space<hbm>> -> memref<2000xi32, #tpu.memory_space<hbm>>
      %dma_start3A_520 = tpu.memref_slice %arg2[%add3A_236] : memref<160000xi32, #tpu.memory_space<hbm>> -> memref<2000xi32, #tpu.memory_space<hbm>>
      tpu.enqueue_dma source(%dma_start3A_520 : memref<2000xi32, #tpu.memory_space<hbm>>) target(%arg5 : memref<2000xi32, #tpu.memory_space<vmem>>) target_semaphore(%run_scoped3A : memref<!tpu.dma_semaphore, #tpu.memory_space<semaphore_mem>>)
      %dma_wait3A = tpu.memref_slice %arg2[%add3A_236] : memref<160000xi32, #tpu.memory_space<hbm>> -> memref<2000xi32, #tpu.memory_space<hbm>>
      %dma_wait3A_521 = tpu.memref_slice %arg2[%add3A_236] : memref<160000xi32, #tpu.memory_space<hbm>> -> memref<2000xi32, #tpu.memory_space<hbm>>
      tpu.wait_dma2 semaphore(%run_scoped3A : memref<!tpu.dma_semaphore, #tpu.memory_space<semaphore_mem>>) src(%dma_wait3A_521 : memref<2000xi32, #tpu.memory_space<hbm>>) dst(%arg5 : memref<2000xi32, #tpu.memory_space<vmem>>)
      tpu.yield
    }) : () -> ()
    "tpu.region"() ({
      %run_scoped3A = tpu.sem_alloc : memref<!tpu.dma_semaphore, #tpu.memory_space<semaphore_mem>>
      %dma_start3A = tpu.memref_slice %arg3[%add3A_236] : memref<160000xi32, #tpu.memory_space<hbm>> -> memref<2000xi32, #tpu.memory_space<hbm>>
      %dma_start3A_520 = tpu.memref_slice %arg3[%add3A_236] : memref<160000xi32, #tpu.memory_space<hbm>> -> memref<2000xi32, #tpu.memory_space<hbm>>
      tpu.enqueue_dma source(%dma_start3A_520 : memref<2000xi32, #tpu.memory_space<hbm>>) target(%arg6 : memref<2000xi32, #tpu.memory_space<vmem>>) target_semaphore(%run_scoped3A : memref<!tpu.dma_semaphore, #tpu.memory_space<semaphore_mem>>)
      %dma_wait3A = tpu.memref_slice %arg3[%add3A_236] : memref<160000xi32, #tpu.memory_space<hbm>> -> memref<2000xi32, #tpu.memory_space<hbm>>
      %dma_wait3A_521 = tpu.memref_slice %arg3[%add3A_236] : memref<160000xi32, #tpu.memory_space<hbm>> -> memref<2000xi32, #tpu.memory_space<hbm>>
      tpu.wait_dma2 semaphore(%run_scoped3A : memref<!tpu.dma_semaphore, #tpu.memory_space<semaphore_mem>>) src(%dma_wait3A_521 : memref<2000xi32, #tpu.memory_space<hbm>>) dst(%arg6 : memref<2000xi32, #tpu.memory_space<vmem>>)
      tpu.yield
    }) : () -> ()
    %scan3A_237 = arith.constant 0 : i32
    %scan3A_238 = arith.constant 0 : i32
    %scan3A_239 = arith.constant 125 : i32
    %scan3A_240 = arith.addi %scan3A_238, %scan3A_239 : i32
    %scan3A_241 = arith.constant 1 : i32
    %scan3A_242 = scf.for %scan3A_520 = %scan3A_238 to %scan3A_240 step %scan3A_241 iter_args(%scan3A_521 = %scan3A_237) -> (i32)  : i32 {
      %mul3A_522 = arith.constant 16 : i32
      %mul3A_523 = arith.muli %scan3A_520, %mul3A_522 : i32
      %get3A = arith.index_cast %mul3A_523 : i32 to index
      %get3A_524 = tpu.vector_load %arg5[%get3A] {strides = array<i32>} : memref<2000xi32, #tpu.memory_space<vmem>>, vector<16xi32>,
      %sub3A = vector.broadcast %mul3A_135 : i32 to vector<16xi32>
      %sub3A_525 = arith.subi %get3A_524, %sub3A : vector<16xi32>
      %mul3A_526 = arith.constant 16 : i32
      %mul3A_527 = arith.muli %scan3A_520, %mul3A_526 : i32
      %get3A_528 = arith.index_cast %mul3A_527 : i32 to index
      %get3A_529 = tpu.vector_load %arg6[%get3A_528] {strides = array<i32>} : memref<2000xi32, #tpu.memory_space<vmem>>, vector<16xi32>,
      %sub3A_530 = vector.broadcast %mul3A_135 : i32 to vector<16xi32>
      %sub3A_531 = arith.subi %get3A_529, %sub3A_530 : vector<16xi32>
      %sub3A_532 = vector.broadcast %mul3A_137 : i32 to vector<16xi32>
      %sub3A_533 = arith.subi %sub3A_531, %sub3A_532 : vector<16xi32>
      %ge3A = arith.constant 0 : i32
      %ge3A_534 = vector.broadcast %ge3A : i32 to vector<16xi32>
      %ge3A_535 = arith.cmpi sge, %sub3A_533, %ge3A_534 : vector<16xi32>
      %lt3A = arith.constant 80 : i32
      %lt3A_536 = vector.broadcast %lt3A : i32 to vector<16xi32>
      %lt3A_537 = arith.cmpi slt, %sub3A_533, %lt3A_536 : vector<16xi32>
      %and3A = arith.andi %ge3A_535, %lt3A_537 : vector<16xi1>
      %mul3A_538 = arith.constant 1280 : i32
      %mul3A_539 = vector.broadcast %mul3A_538 : i32 to vector<16xi32>
      %mul3A_540 = arith.muli %sub3A_533, %mul3A_539 : vector<16xi32>
      %add3A_541 = arith.addi %mul3A_540, %sub3A_525 : vector<16xi32>
      %jit3A = arith.constant 0 : i32
      %broadcast_in_dim3A_542 = vector.broadcast %jit3A : i32 to vector<16xi32>
      %select_n3A = arith.select %and3A, %add3A_541, %broadcast_in_dim3A_542 : vector<16xi1>, vector<16xi32>
      tpu.vector_store_idx %arg7[%select_n3A], %broadcast_in_dim3A_2 masked %and3A {add = true} : memref<102400xf32, #tpu.memory_space<vmem>>[vector<16xi32>], vector<16xf32>, vector<16xi1>
      %scan3A_543 = arith.constant 0 : i32
      scf.yield %scan3A_543 : i32
    }
    %scan3A_243 = arith.constant 125 : i32
    %mul3A_244 = arith.constant 20000 : i32
    %mul3A_245 = arith.muli %add3A_133, %mul3A_244 : i32
    %add3A_246 = arith.constant 18000 : i32
    %add3A_247 = arith.addi %mul3A_245, %add3A_246 : i32
    "tpu.region"() ({
      %run_scoped3A = tpu.sem_alloc : memref<!tpu.dma_semaphore, #tpu.memory_space<semaphore_mem>>
      %dma_start3A = tpu.memref_slice %arg2[%add3A_247] : memref<160000xi32, #tpu.memory_space<hbm>> -> memref<2000xi32, #tpu.memory_space<hbm>>
      %dma_start3A_520 = tpu.memref_slice %arg2[%add3A_247] : memref<160000xi32, #tpu.memory_space<hbm>> -> memref<2000xi32, #tpu.memory_space<hbm>>
      tpu.enqueue_dma source(%dma_start3A_520 : memref<2000xi32, #tpu.memory_space<hbm>>) target(%arg5 : memref<2000xi32, #tpu.memory_space<vmem>>) target_semaphore(%run_scoped3A : memref<!tpu.dma_semaphore, #tpu.memory_space<semaphore_mem>>)
      %dma_wait3A = tpu.memref_slice %arg2[%add3A_247] : memref<160000xi32, #tpu.memory_space<hbm>> -> memref<2000xi32, #tpu.memory_space<hbm>>
      %dma_wait3A_521 = tpu.memref_slice %arg2[%add3A_247] : memref<160000xi32, #tpu.memory_space<hbm>> -> memref<2000xi32, #tpu.memory_space<hbm>>
      tpu.wait_dma2 semaphore(%run_scoped3A : memref<!tpu.dma_semaphore, #tpu.memory_space<semaphore_mem>>) src(%dma_wait3A_521 : memref<2000xi32, #tpu.memory_space<hbm>>) dst(%arg5 : memref<2000xi32, #tpu.memory_space<vmem>>)
      tpu.yield
    }) : () -> ()
    "tpu.region"() ({
      %run_scoped3A = tpu.sem_alloc : memref<!tpu.dma_semaphore, #tpu.memory_space<semaphore_mem>>
      %dma_start3A = tpu.memref_slice %arg3[%add3A_247] : memref<160000xi32, #tpu.memory_space<hbm>> -> memref<2000xi32, #tpu.memory_space<hbm>>
      %dma_start3A_520 = tpu.memref_slice %arg3[%add3A_247] : memref<160000xi32, #tpu.memory_space<hbm>> -> memref<2000xi32, #tpu.memory_space<hbm>>
      tpu.enqueue_dma source(%dma_start3A_520 : memref<2000xi32, #tpu.memory_space<hbm>>) target(%arg6 : memref<2000xi32, #tpu.memory_space<vmem>>) target_semaphore(%run_scoped3A : memref<!tpu.dma_semaphore, #tpu.memory_space<semaphore_mem>>)
      %dma_wait3A = tpu.memref_slice %arg3[%add3A_247] : memref<160000xi32, #tpu.memory_space<hbm>> -> memref<2000xi32, #tpu.memory_space<hbm>>
      %dma_wait3A_521 = tpu.memref_slice %arg3[%add3A_247] : memref<160000xi32, #tpu.memory_space<hbm>> -> memref<2000xi32, #tpu.memory_space<hbm>>
      tpu.wait_dma2 semaphore(%run_scoped3A : memref<!tpu.dma_semaphore, #tpu.memory_space<semaphore_mem>>) src(%dma_wait3A_521 : memref<2000xi32, #tpu.memory_space<hbm>>) dst(%arg6 : memref<2000xi32, #tpu.memory_space<vmem>>)
      tpu.yield
    }) : () -> ()
    %scan3A_248 = arith.constant 0 : i32
    %scan3A_249 = arith.constant 0 : i32
    %scan3A_250 = arith.constant 125 : i32
    %scan3A_251 = arith.addi %scan3A_249, %scan3A_250 : i32
    %scan3A_252 = arith.constant 1 : i32
    %scan3A_253 = scf.for %scan3A_520 = %scan3A_249 to %scan3A_251 step %scan3A_252 iter_args(%scan3A_521 = %scan3A_248) -> (i32)  : i32 {
      %mul3A_522 = arith.constant 16 : i32
      %mul3A_523 = arith.muli %scan3A_520, %mul3A_522 : i32
      %get3A = arith.index_cast %mul3A_523 : i32 to index
      %get3A_524 = tpu.vector_load %arg5[%get3A] {strides = array<i32>} : memref<2000xi32, #tpu.memory_space<vmem>>, vector<16xi32>,
      %sub3A = vector.broadcast %mul3A_135 : i32 to vector<16xi32>
      %sub3A_525 = arith.subi %get3A_524, %sub3A : vector<16xi32>
      %mul3A_526 = arith.constant 16 : i32
      %mul3A_527 = arith.muli %scan3A_520, %mul3A_526 : i32
      %get3A_528 = arith.index_cast %mul3A_527 : i32 to index
      %get3A_529 = tpu.vector_load %arg6[%get3A_528] {strides = array<i32>} : memref<2000xi32, #tpu.memory_space<vmem>>, vector<16xi32>,
      %sub3A_530 = vector.broadcast %mul3A_135 : i32 to vector<16xi32>
      %sub3A_531 = arith.subi %get3A_529, %sub3A_530 : vector<16xi32>
      %sub3A_532 = vector.broadcast %mul3A_137 : i32 to vector<16xi32>
      %sub3A_533 = arith.subi %sub3A_531, %sub3A_532 : vector<16xi32>
      %ge3A = arith.constant 0 : i32
      %ge3A_534 = vector.broadcast %ge3A : i32 to vector<16xi32>
      %ge3A_535 = arith.cmpi sge, %sub3A_533, %ge3A_534 : vector<16xi32>
      %lt3A = arith.constant 80 : i32
      %lt3A_536 = vector.broadcast %lt3A : i32 to vector<16xi32>
      %lt3A_537 = arith.cmpi slt, %sub3A_533, %lt3A_536 : vector<16xi32>
      %and3A = arith.andi %ge3A_535, %lt3A_537 : vector<16xi1>
      %mul3A_538 = arith.constant 1280 : i32
      %mul3A_539 = vector.broadcast %mul3A_538 : i32 to vector<16xi32>
      %mul3A_540 = arith.muli %sub3A_533, %mul3A_539 : vector<16xi32>
      %add3A_541 = arith.addi %mul3A_540, %sub3A_525 : vector<16xi32>
      %jit3A = arith.constant 0 : i32
      %broadcast_in_dim3A_542 = vector.broadcast %jit3A : i32 to vector<16xi32>
      %select_n3A = arith.select %and3A, %add3A_541, %broadcast_in_dim3A_542 : vector<16xi1>, vector<16xi32>
      tpu.vector_store_idx %arg7[%select_n3A], %broadcast_in_dim3A_2 masked %and3A {add = true} : memref<102400xf32, #tpu.memory_space<vmem>>[vector<16xi32>], vector<16xf32>, vector<16xi1>
      %scan3A_543 = arith.constant 0 : i32
      scf.yield %scan3A_543 : i32
    }
    %scan3A_254 = arith.constant 125 : i32
    %mul3A_255 = arith.constant 1638400 : i32
    %mul3A_256 = arith.muli %add3A_133, %mul3A_255 : i32
    %mul3A_257 = arith.constant 102400 : i32
    %mul3A_258 = arith.muli %arg1, %mul3A_257 : i32
    %add3A_259 = arith.addi %mul3A_256, %mul3A_258 : i32
    "tpu.region"() ({
      %run_scoped3A = tpu.sem_alloc : memref<!tpu.dma_semaphore, #tpu.memory_space<semaphore_mem>>
      %dma_start3A = tpu.memref_slice %arg4[%add3A_259] : memref<13107200xf32, #tpu.memory_space<hbm>> -> memref<102400xf32, #tpu.memory_space<hbm>>
      %dma_start3A_520 = tpu.memref_slice %arg4[%add3A_259] : memref<13107200xf32, #tpu.memory_space<hbm>> -> memref<102400xf32, #tpu.memory_space<hbm>>
      tpu.enqueue_dma source(%arg7 : memref<102400xf32, #tpu.memory_space<vmem>>) target(%dma_start3A_520 : memref<102400xf32, #tpu.memory_space<hbm>>) target_semaphore(%run_scoped3A : memref<!tpu.dma_semaphore, #tpu.memory_space<semaphore_mem>>)
      %dma_wait3A = tpu.memref_slice %arg4[%add3A_259] : memref<13107200xf32, #tpu.memory_space<hbm>> -> memref<102400xf32, #tpu.memory_space<hbm>>
      %dma_wait3A_521 = tpu.memref_slice %arg4[%add3A_259] : memref<13107200xf32, #tpu.memory_space<hbm>> -> memref<102400xf32, #tpu.memory_space<hbm>>
      tpu.wait_dma2 semaphore(%run_scoped3A : memref<!tpu.dma_semaphore, #tpu.memory_space<semaphore_mem>>) src(%arg7 : memref<102400xf32, #tpu.memory_space<vmem>>) dst(%dma_wait3A_521 : memref<102400xf32, #tpu.memory_space<hbm>>)
      tpu.yield
    }) : () -> ()
    %mul3A_260 = arith.constant 4 : i32
    %mul3A_261 = arith.muli %arg0, %mul3A_260 : i32
    %add3A_262 = arith.constant 2 : i32
    %add3A_263 = arith.addi %mul3A_261, %add3A_262 : i32
    %mul3A_264 = arith.constant 1250 : i32
    %mul3A_265 = arith.muli %add3A_263, %mul3A_264 : i32
    %mul3A_266 = arith.constant 80 : i32
    %mul3A_267 = arith.muli %arg1, %mul3A_266 : i32
    %scan3A_268 = arith.constant 0 : i32
    %scan3A_269 = arith.constant 0 : i32
    %scan3A_270 = arith.constant 800 : i32
    %scan3A_271 = arith.addi %scan3A_269, %scan3A_270 : i32
    %scan3A_272 = arith.constant 1 : i32
    %scan3A_273 = scf.for %scan3A_520 = %scan3A_269 to %scan3A_271 step %scan3A_272 iter_args(%scan3A_521 = %scan3A_268) -> (i32)  : i32 {
      %mul3A_522 = arith.constant 128 : i32
      %mul3A_523 = arith.muli %scan3A_520, %mul3A_522 : i32
      %add3A_524 = arith.constant 0 : i32
      %add3A_525 = arith.addi %mul3A_523, %add3A_524 : i32
      %swap3A = arith.index_cast %add3A_525 : i32 to index
      %swap3A_526 = tpu.vector_load %arg7[%swap3A] {strides = array<i32>} : memref<102400xf32, #tpu.memory_space<vmem>>, vector<16xf32>,
      tpu.vector_store %arg7[%swap3A], %broadcast_in_dim3A_0 {strides = array<i32>} : memref<102400xf32, #tpu.memory_space<vmem>>, vector<16xf32>,
      %add3A_527 = arith.constant 16 : i32
      %add3A_528 = arith.addi %mul3A_523, %add3A_527 : i32
      %swap3A_529 = arith.index_cast %add3A_528 : i32 to index
      %swap3A_530 = tpu.vector_load %arg7[%swap3A_529] {strides = array<i32>} : memref<102400xf32, #tpu.memory_space<vmem>>, vector<16xf32>,
      tpu.vector_store %arg7[%swap3A_529], %broadcast_in_dim3A_0 {strides = array<i32>} : memref<102400xf32, #tpu.memory_space<vmem>>, vector<16xf32>,
      %add3A_531 = arith.constant 32 : i32
      %add3A_532 = arith.addi %mul3A_523, %add3A_531 : i32
      %swap3A_533 = arith.index_cast %add3A_532 : i32 to index
      %swap3A_534 = tpu.vector_load %arg7[%swap3A_533] {strides = array<i32>} : memref<102400xf32, #tpu.memory_space<vmem>>, vector<16xf32>,
      tpu.vector_store %arg7[%swap3A_533], %broadcast_in_dim3A_0 {strides = array<i32>} : memref<102400xf32, #tpu.memory_space<vmem>>, vector<16xf32>,
      %add3A_535 = arith.constant 48 : i32
      %add3A_536 = arith.addi %mul3A_523, %add3A_535 : i32
      %swap3A_537 = arith.index_cast %add3A_536 : i32 to index
      %swap3A_538 = tpu.vector_load %arg7[%swap3A_537] {strides = array<i32>} : memref<102400xf32, #tpu.memory_space<vmem>>, vector<16xf32>,
      tpu.vector_store %arg7[%swap3A_537], %broadcast_in_dim3A_0 {strides = array<i32>} : memref<102400xf32, #tpu.memory_space<vmem>>, vector<16xf32>,
      %add3A_539 = arith.constant 64 : i32
      %add3A_540 = arith.addi %mul3A_523, %add3A_539 : i32
      %swap3A_541 = arith.index_cast %add3A_540 : i32 to index
      %swap3A_542 = tpu.vector_load %arg7[%swap3A_541] {strides = array<i32>} : memref<102400xf32, #tpu.memory_space<vmem>>, vector<16xf32>,
      tpu.vector_store %arg7[%swap3A_541], %broadcast_in_dim3A_0 {strides = array<i32>} : memref<102400xf32, #tpu.memory_space<vmem>>, vector<16xf32>,
      %add3A_543 = arith.constant 80 : i32
      %add3A_544 = arith.addi %mul3A_523, %add3A_543 : i32
      %swap3A_545 = arith.index_cast %add3A_544 : i32 to index
      %swap3A_546 = tpu.vector_load %arg7[%swap3A_545] {strides = array<i32>} : memref<102400xf32, #tpu.memory_space<vmem>>, vector<16xf32>,
      tpu.vector_store %arg7[%swap3A_545], %broadcast_in_dim3A_0 {strides = array<i32>} : memref<102400xf32, #tpu.memory_space<vmem>>, vector<16xf32>,
      %add3A_547 = arith.constant 96 : i32
      %add3A_548 = arith.addi %mul3A_523, %add3A_547 : i32
      %swap3A_549 = arith.index_cast %add3A_548 : i32 to index
      %swap3A_550 = tpu.vector_load %arg7[%swap3A_549] {strides = array<i32>} : memref<102400xf32, #tpu.memory_space<vmem>>, vector<16xf32>,
      tpu.vector_store %arg7[%swap3A_549], %broadcast_in_dim3A_0 {strides = array<i32>} : memref<102400xf32, #tpu.memory_space<vmem>>, vector<16xf32>,
      %add3A_551 = arith.constant 112 : i32
      %add3A_552 = arith.addi %mul3A_523, %add3A_551 : i32
      %swap3A_553 = arith.index_cast %add3A_552 : i32 to index
      %swap3A_554 = tpu.vector_load %arg7[%swap3A_553] {strides = array<i32>} : memref<102400xf32, #tpu.memory_space<vmem>>, vector<16xf32>,
      tpu.vector_store %arg7[%swap3A_553], %broadcast_in_dim3A_0 {strides = array<i32>} : memref<102400xf32, #tpu.memory_space<vmem>>, vector<16xf32>,
      %scan3A_555 = arith.constant 0 : i32
      scf.yield %scan3A_555 : i32
    }
    %scan3A_274 = arith.constant 800 : i32
    %mul3A_275 = arith.constant 20000 : i32
    %mul3A_276 = arith.muli %add3A_263, %mul3A_275 : i32
    %add3A_277 = arith.constant 0 : i32
    %add3A_278 = arith.addi %mul3A_276, %add3A_277 : i32
    "tpu.region"() ({
      %run_scoped3A = tpu.sem_alloc : memref<!tpu.dma_semaphore, #tpu.memory_space<semaphore_mem>>
      %dma_start3A = tpu.memref_slice %arg2[%add3A_278] : memref<160000xi32, #tpu.memory_space<hbm>> -> memref<2000xi32, #tpu.memory_space<hbm>>
      %dma_start3A_520 = tpu.memref_slice %arg2[%add3A_278] : memref<160000xi32, #tpu.memory_space<hbm>> -> memref<2000xi32, #tpu.memory_space<hbm>>
      tpu.enqueue_dma source(%dma_start3A_520 : memref<2000xi32, #tpu.memory_space<hbm>>) target(%arg5 : memref<2000xi32, #tpu.memory_space<vmem>>) target_semaphore(%run_scoped3A : memref<!tpu.dma_semaphore, #tpu.memory_space<semaphore_mem>>)
      %dma_wait3A = tpu.memref_slice %arg2[%add3A_278] : memref<160000xi32, #tpu.memory_space<hbm>> -> memref<2000xi32, #tpu.memory_space<hbm>>
      %dma_wait3A_521 = tpu.memref_slice %arg2[%add3A_278] : memref<160000xi32, #tpu.memory_space<hbm>> -> memref<2000xi32, #tpu.memory_space<hbm>>
      tpu.wait_dma2 semaphore(%run_scoped3A : memref<!tpu.dma_semaphore, #tpu.memory_space<semaphore_mem>>) src(%dma_wait3A_521 : memref<2000xi32, #tpu.memory_space<hbm>>) dst(%arg5 : memref<2000xi32, #tpu.memory_space<vmem>>)
      tpu.yield
    }) : () -> ()
    "tpu.region"() ({
      %run_scoped3A = tpu.sem_alloc : memref<!tpu.dma_semaphore, #tpu.memory_space<semaphore_mem>>
      %dma_start3A = tpu.memref_slice %arg3[%add3A_278] : memref<160000xi32, #tpu.memory_space<hbm>> -> memref<2000xi32, #tpu.memory_space<hbm>>
      %dma_start3A_520 = tpu.memref_slice %arg3[%add3A_278] : memref<160000xi32, #tpu.memory_space<hbm>> -> memref<2000xi32, #tpu.memory_space<hbm>>
      tpu.enqueue_dma source(%dma_start3A_520 : memref<2000xi32, #tpu.memory_space<hbm>>) target(%arg6 : memref<2000xi32, #tpu.memory_space<vmem>>) target_semaphore(%run_scoped3A : memref<!tpu.dma_semaphore, #tpu.memory_space<semaphore_mem>>)
      %dma_wait3A = tpu.memref_slice %arg3[%add3A_278] : memref<160000xi32, #tpu.memory_space<hbm>> -> memref<2000xi32, #tpu.memory_space<hbm>>
      %dma_wait3A_521 = tpu.memref_slice %arg3[%add3A_278] : memref<160000xi32, #tpu.memory_space<hbm>> -> memref<2000xi32, #tpu.memory_space<hbm>>
      tpu.wait_dma2 semaphore(%run_scoped3A : memref<!tpu.dma_semaphore, #tpu.memory_space<semaphore_mem>>) src(%dma_wait3A_521 : memref<2000xi32, #tpu.memory_space<hbm>>) dst(%arg6 : memref<2000xi32, #tpu.memory_space<vmem>>)
      tpu.yield
    }) : () -> ()
    %scan3A_279 = arith.constant 0 : i32
    %scan3A_280 = arith.constant 0 : i32
    %scan3A_281 = arith.constant 125 : i32
    %scan3A_282 = arith.addi %scan3A_280, %scan3A_281 : i32
    %scan3A_283 = arith.constant 1 : i32
    %scan3A_284 = scf.for %scan3A_520 = %scan3A_280 to %scan3A_282 step %scan3A_283 iter_args(%scan3A_521 = %scan3A_279) -> (i32)  : i32 {
      %mul3A_522 = arith.constant 16 : i32
      %mul3A_523 = arith.muli %scan3A_520, %mul3A_522 : i32
      %get3A = arith.index_cast %mul3A_523 : i32 to index
      %get3A_524 = tpu.vector_load %arg5[%get3A] {strides = array<i32>} : memref<2000xi32, #tpu.memory_space<vmem>>, vector<16xi32>,
      %sub3A = vector.broadcast %mul3A_265 : i32 to vector<16xi32>
      %sub3A_525 = arith.subi %get3A_524, %sub3A : vector<16xi32>
      %mul3A_526 = arith.constant 16 : i32
      %mul3A_527 = arith.muli %scan3A_520, %mul3A_526 : i32
      %get3A_528 = arith.index_cast %mul3A_527 : i32 to index
      %get3A_529 = tpu.vector_load %arg6[%get3A_528] {strides = array<i32>} : memref<2000xi32, #tpu.memory_space<vmem>>, vector<16xi32>,
      %sub3A_530 = vector.broadcast %mul3A_265 : i32 to vector<16xi32>
      %sub3A_531 = arith.subi %get3A_529, %sub3A_530 : vector<16xi32>
      %sub3A_532 = vector.broadcast %mul3A_267 : i32 to vector<16xi32>
      %sub3A_533 = arith.subi %sub3A_531, %sub3A_532 : vector<16xi32>
      %ge3A = arith.constant 0 : i32
      %ge3A_534 = vector.broadcast %ge3A : i32 to vector<16xi32>
      %ge3A_535 = arith.cmpi sge, %sub3A_533, %ge3A_534 : vector<16xi32>
      %lt3A = arith.constant 80 : i32
      %lt3A_536 = vector.broadcast %lt3A : i32 to vector<16xi32>
      %lt3A_537 = arith.cmpi slt, %sub3A_533, %lt3A_536 : vector<16xi32>
      %and3A = arith.andi %ge3A_535, %lt3A_537 : vector<16xi1>
      %mul3A_538 = arith.constant 1280 : i32
      %mul3A_539 = vector.broadcast %mul3A_538 : i32 to vector<16xi32>
      %mul3A_540 = arith.muli %sub3A_533, %mul3A_539 : vector<16xi32>
      %add3A_541 = arith.addi %mul3A_540, %sub3A_525 : vector<16xi32>
      %jit3A = arith.constant 0 : i32
      %broadcast_in_dim3A_542 = vector.broadcast %jit3A : i32 to vector<16xi32>
      %select_n3A = arith.select %and3A, %add3A_541, %broadcast_in_dim3A_542 : vector<16xi1>, vector<16xi32>
      tpu.vector_store_idx %arg7[%select_n3A], %broadcast_in_dim3A_2 masked %and3A {add = true} : memref<102400xf32, #tpu.memory_space<vmem>>[vector<16xi32>], vector<16xf32>, vector<16xi1>
      %scan3A_543 = arith.constant 0 : i32
      scf.yield %scan3A_543 : i32
    }
    %scan3A_285 = arith.constant 125 : i32
    %mul3A_286 = arith.constant 20000 : i32
    %mul3A_287 = arith.muli %add3A_263, %mul3A_286 : i32
    %add3A_288 = arith.constant 2000 : i32
    %add3A_289 = arith.addi %mul3A_287, %add3A_288 : i32
    "tpu.region"() ({
      %run_scoped3A = tpu.sem_alloc : memref<!tpu.dma_semaphore, #tpu.memory_space<semaphore_mem>>
      %dma_start3A = tpu.memref_slice %arg2[%add3A_289] : memref<160000xi32, #tpu.memory_space<hbm>> -> memref<2000xi32, #tpu.memory_space<hbm>>
      %dma_start3A_520 = tpu.memref_slice %arg2[%add3A_289] : memref<160000xi32, #tpu.memory_space<hbm>> -> memref<2000xi32, #tpu.memory_space<hbm>>
      tpu.enqueue_dma source(%dma_start3A_520 : memref<2000xi32, #tpu.memory_space<hbm>>) target(%arg5 : memref<2000xi32, #tpu.memory_space<vmem>>) target_semaphore(%run_scoped3A : memref<!tpu.dma_semaphore, #tpu.memory_space<semaphore_mem>>)
      %dma_wait3A = tpu.memref_slice %arg2[%add3A_289] : memref<160000xi32, #tpu.memory_space<hbm>> -> memref<2000xi32, #tpu.memory_space<hbm>>
      %dma_wait3A_521 = tpu.memref_slice %arg2[%add3A_289] : memref<160000xi32, #tpu.memory_space<hbm>> -> memref<2000xi32, #tpu.memory_space<hbm>>
      tpu.wait_dma2 semaphore(%run_scoped3A : memref<!tpu.dma_semaphore, #tpu.memory_space<semaphore_mem>>) src(%dma_wait3A_521 : memref<2000xi32, #tpu.memory_space<hbm>>) dst(%arg5 : memref<2000xi32, #tpu.memory_space<vmem>>)
      tpu.yield
    }) : () -> ()
    "tpu.region"() ({
      %run_scoped3A = tpu.sem_alloc : memref<!tpu.dma_semaphore, #tpu.memory_space<semaphore_mem>>
      %dma_start3A = tpu.memref_slice %arg3[%add3A_289] : memref<160000xi32, #tpu.memory_space<hbm>> -> memref<2000xi32, #tpu.memory_space<hbm>>
      %dma_start3A_520 = tpu.memref_slice %arg3[%add3A_289] : memref<160000xi32, #tpu.memory_space<hbm>> -> memref<2000xi32, #tpu.memory_space<hbm>>
      tpu.enqueue_dma source(%dma_start3A_520 : memref<2000xi32, #tpu.memory_space<hbm>>) target(%arg6 : memref<2000xi32, #tpu.memory_space<vmem>>) target_semaphore(%run_scoped3A : memref<!tpu.dma_semaphore, #tpu.memory_space<semaphore_mem>>)
      %dma_wait3A = tpu.memref_slice %arg3[%add3A_289] : memref<160000xi32, #tpu.memory_space<hbm>> -> memref<2000xi32, #tpu.memory_space<hbm>>
      %dma_wait3A_521 = tpu.memref_slice %arg3[%add3A_289] : memref<160000xi32, #tpu.memory_space<hbm>> -> memref<2000xi32, #tpu.memory_space<hbm>>
      tpu.wait_dma2 semaphore(%run_scoped3A : memref<!tpu.dma_semaphore, #tpu.memory_space<semaphore_mem>>) src(%dma_wait3A_521 : memref<2000xi32, #tpu.memory_space<hbm>>) dst(%arg6 : memref<2000xi32, #tpu.memory_space<vmem>>)
      tpu.yield
    }) : () -> ()
    %scan3A_290 = arith.constant 0 : i32
    %scan3A_291 = arith.constant 0 : i32
    %scan3A_292 = arith.constant 125 : i32
    %scan3A_293 = arith.addi %scan3A_291, %scan3A_292 : i32
    %scan3A_294 = arith.constant 1 : i32
    %scan3A_295 = scf.for %scan3A_520 = %scan3A_291 to %scan3A_293 step %scan3A_294 iter_args(%scan3A_521 = %scan3A_290) -> (i32)  : i32 {
      %mul3A_522 = arith.constant 16 : i32
      %mul3A_523 = arith.muli %scan3A_520, %mul3A_522 : i32
      %get3A = arith.index_cast %mul3A_523 : i32 to index
      %get3A_524 = tpu.vector_load %arg5[%get3A] {strides = array<i32>} : memref<2000xi32, #tpu.memory_space<vmem>>, vector<16xi32>,
      %sub3A = vector.broadcast %mul3A_265 : i32 to vector<16xi32>
      %sub3A_525 = arith.subi %get3A_524, %sub3A : vector<16xi32>
      %mul3A_526 = arith.constant 16 : i32
      %mul3A_527 = arith.muli %scan3A_520, %mul3A_526 : i32
      %get3A_528 = arith.index_cast %mul3A_527 : i32 to index
      %get3A_529 = tpu.vector_load %arg6[%get3A_528] {strides = array<i32>} : memref<2000xi32, #tpu.memory_space<vmem>>, vector<16xi32>,
      %sub3A_530 = vector.broadcast %mul3A_265 : i32 to vector<16xi32>
      %sub3A_531 = arith.subi %get3A_529, %sub3A_530 : vector<16xi32>
      %sub3A_532 = vector.broadcast %mul3A_267 : i32 to vector<16xi32>
      %sub3A_533 = arith.subi %sub3A_531, %sub3A_532 : vector<16xi32>
      %ge3A = arith.constant 0 : i32
      %ge3A_534 = vector.broadcast %ge3A : i32 to vector<16xi32>
      %ge3A_535 = arith.cmpi sge, %sub3A_533, %ge3A_534 : vector<16xi32>
      %lt3A = arith.constant 80 : i32
      %lt3A_536 = vector.broadcast %lt3A : i32 to vector<16xi32>
      %lt3A_537 = arith.cmpi slt, %sub3A_533, %lt3A_536 : vector<16xi32>
      %and3A = arith.andi %ge3A_535, %lt3A_537 : vector<16xi1>
      %mul3A_538 = arith.constant 1280 : i32
      %mul3A_539 = vector.broadcast %mul3A_538 : i32 to vector<16xi32>
      %mul3A_540 = arith.muli %sub3A_533, %mul3A_539 : vector<16xi32>
      %add3A_541 = arith.addi %mul3A_540, %sub3A_525 : vector<16xi32>
      %jit3A = arith.constant 0 : i32
      %broadcast_in_dim3A_542 = vector.broadcast %jit3A : i32 to vector<16xi32>
      %select_n3A = arith.select %and3A, %add3A_541, %broadcast_in_dim3A_542 : vector<16xi1>, vector<16xi32>
      tpu.vector_store_idx %arg7[%select_n3A], %broadcast_in_dim3A_2 masked %and3A {add = true} : memref<102400xf32, #tpu.memory_space<vmem>>[vector<16xi32>], vector<16xf32>, vector<16xi1>
      %scan3A_543 = arith.constant 0 : i32
      scf.yield %scan3A_543 : i32
    }
    %scan3A_296 = arith.constant 125 : i32
    %mul3A_297 = arith.constant 20000 : i32
    %mul3A_298 = arith.muli %add3A_263, %mul3A_297 : i32
    %add3A_299 = arith.constant 4000 : i32
    %add3A_300 = arith.addi %mul3A_298, %add3A_299 : i32
    "tpu.region"() ({
      %run_scoped3A = tpu.sem_alloc : memref<!tpu.dma_semaphore, #tpu.memory_space<semaphore_mem>>
      %dma_start3A = tpu.memref_slice %arg2[%add3A_300] : memref<160000xi32, #tpu.memory_space<hbm>> -> memref<2000xi32, #tpu.memory_space<hbm>>
      %dma_start3A_520 = tpu.memref_slice %arg2[%add3A_300] : memref<160000xi32, #tpu.memory_space<hbm>> -> memref<2000xi32, #tpu.memory_space<hbm>>
      tpu.enqueue_dma source(%dma_start3A_520 : memref<2000xi32, #tpu.memory_space<hbm>>) target(%arg5 : memref<2000xi32, #tpu.memory_space<vmem>>) target_semaphore(%run_scoped3A : memref<!tpu.dma_semaphore, #tpu.memory_space<semaphore_mem>>)
      %dma_wait3A = tpu.memref_slice %arg2[%add3A_300] : memref<160000xi32, #tpu.memory_space<hbm>> -> memref<2000xi32, #tpu.memory_space<hbm>>
      %dma_wait3A_521 = tpu.memref_slice %arg2[%add3A_300] : memref<160000xi32, #tpu.memory_space<hbm>> -> memref<2000xi32, #tpu.memory_space<hbm>>
      tpu.wait_dma2 semaphore(%run_scoped3A : memref<!tpu.dma_semaphore, #tpu.memory_space<semaphore_mem>>) src(%dma_wait3A_521 : memref<2000xi32, #tpu.memory_space<hbm>>) dst(%arg5 : memref<2000xi32, #tpu.memory_space<vmem>>)
      tpu.yield
    }) : () -> ()
    "tpu.region"() ({
      %run_scoped3A = tpu.sem_alloc : memref<!tpu.dma_semaphore, #tpu.memory_space<semaphore_mem>>
      %dma_start3A = tpu.memref_slice %arg3[%add3A_300] : memref<160000xi32, #tpu.memory_space<hbm>> -> memref<2000xi32, #tpu.memory_space<hbm>>
      %dma_start3A_520 = tpu.memref_slice %arg3[%add3A_300] : memref<160000xi32, #tpu.memory_space<hbm>> -> memref<2000xi32, #tpu.memory_space<hbm>>
      tpu.enqueue_dma source(%dma_start3A_520 : memref<2000xi32, #tpu.memory_space<hbm>>) target(%arg6 : memref<2000xi32, #tpu.memory_space<vmem>>) target_semaphore(%run_scoped3A : memref<!tpu.dma_semaphore, #tpu.memory_space<semaphore_mem>>)
      %dma_wait3A = tpu.memref_slice %arg3[%add3A_300] : memref<160000xi32, #tpu.memory_space<hbm>> -> memref<2000xi32, #tpu.memory_space<hbm>>
      %dma_wait3A_521 = tpu.memref_slice %arg3[%add3A_300] : memref<160000xi32, #tpu.memory_space<hbm>> -> memref<2000xi32, #tpu.memory_space<hbm>>
      tpu.wait_dma2 semaphore(%run_scoped3A : memref<!tpu.dma_semaphore, #tpu.memory_space<semaphore_mem>>) src(%dma_wait3A_521 : memref<2000xi32, #tpu.memory_space<hbm>>) dst(%arg6 : memref<2000xi32, #tpu.memory_space<vmem>>)
      tpu.yield
    }) : () -> ()
    %scan3A_301 = arith.constant 0 : i32
    %scan3A_302 = arith.constant 0 : i32
    %scan3A_303 = arith.constant 125 : i32
    %scan3A_304 = arith.addi %scan3A_302, %scan3A_303 : i32
    %scan3A_305 = arith.constant 1 : i32
    %scan3A_306 = scf.for %scan3A_520 = %scan3A_302 to %scan3A_304 step %scan3A_305 iter_args(%scan3A_521 = %scan3A_301) -> (i32)  : i32 {
      %mul3A_522 = arith.constant 16 : i32
      %mul3A_523 = arith.muli %scan3A_520, %mul3A_522 : i32
      %get3A = arith.index_cast %mul3A_523 : i32 to index
      %get3A_524 = tpu.vector_load %arg5[%get3A] {strides = array<i32>} : memref<2000xi32, #tpu.memory_space<vmem>>, vector<16xi32>,
      %sub3A = vector.broadcast %mul3A_265 : i32 to vector<16xi32>
      %sub3A_525 = arith.subi %get3A_524, %sub3A : vector<16xi32>
      %mul3A_526 = arith.constant 16 : i32
      %mul3A_527 = arith.muli %scan3A_520, %mul3A_526 : i32
      %get3A_528 = arith.index_cast %mul3A_527 : i32 to index
      %get3A_529 = tpu.vector_load %arg6[%get3A_528] {strides = array<i32>} : memref<2000xi32, #tpu.memory_space<vmem>>, vector<16xi32>,
      %sub3A_530 = vector.broadcast %mul3A_265 : i32 to vector<16xi32>
      %sub3A_531 = arith.subi %get3A_529, %sub3A_530 : vector<16xi32>
      %sub3A_532 = vector.broadcast %mul3A_267 : i32 to vector<16xi32>
      %sub3A_533 = arith.subi %sub3A_531, %sub3A_532 : vector<16xi32>
      %ge3A = arith.constant 0 : i32
      %ge3A_534 = vector.broadcast %ge3A : i32 to vector<16xi32>
      %ge3A_535 = arith.cmpi sge, %sub3A_533, %ge3A_534 : vector<16xi32>
      %lt3A = arith.constant 80 : i32
      %lt3A_536 = vector.broadcast %lt3A : i32 to vector<16xi32>
      %lt3A_537 = arith.cmpi slt, %sub3A_533, %lt3A_536 : vector<16xi32>
      %and3A = arith.andi %ge3A_535, %lt3A_537 : vector<16xi1>
      %mul3A_538 = arith.constant 1280 : i32
      %mul3A_539 = vector.broadcast %mul3A_538 : i32 to vector<16xi32>
      %mul3A_540 = arith.muli %sub3A_533, %mul3A_539 : vector<16xi32>
      %add3A_541 = arith.addi %mul3A_540, %sub3A_525 : vector<16xi32>
      %jit3A = arith.constant 0 : i32
      %broadcast_in_dim3A_542 = vector.broadcast %jit3A : i32 to vector<16xi32>
      %select_n3A = arith.select %and3A, %add3A_541, %broadcast_in_dim3A_542 : vector<16xi1>, vector<16xi32>
      tpu.vector_store_idx %arg7[%select_n3A], %broadcast_in_dim3A_2 masked %and3A {add = true} : memref<102400xf32, #tpu.memory_space<vmem>>[vector<16xi32>], vector<16xf32>, vector<16xi1>
      %scan3A_543 = arith.constant 0 : i32
      scf.yield %scan3A_543 : i32
    }
    %scan3A_307 = arith.constant 125 : i32
    %mul3A_308 = arith.constant 20000 : i32
    %mul3A_309 = arith.muli %add3A_263, %mul3A_308 : i32
    %add3A_310 = arith.constant 6000 : i32
    %add3A_311 = arith.addi %mul3A_309, %add3A_310 : i32
    "tpu.region"() ({
      %run_scoped3A = tpu.sem_alloc : memref<!tpu.dma_semaphore, #tpu.memory_space<semaphore_mem>>
      %dma_start3A = tpu.memref_slice %arg2[%add3A_311] : memref<160000xi32, #tpu.memory_space<hbm>> -> memref<2000xi32, #tpu.memory_space<hbm>>
      %dma_start3A_520 = tpu.memref_slice %arg2[%add3A_311] : memref<160000xi32, #tpu.memory_space<hbm>> -> memref<2000xi32, #tpu.memory_space<hbm>>
      tpu.enqueue_dma source(%dma_start3A_520 : memref<2000xi32, #tpu.memory_space<hbm>>) target(%arg5 : memref<2000xi32, #tpu.memory_space<vmem>>) target_semaphore(%run_scoped3A : memref<!tpu.dma_semaphore, #tpu.memory_space<semaphore_mem>>)
      %dma_wait3A = tpu.memref_slice %arg2[%add3A_311] : memref<160000xi32, #tpu.memory_space<hbm>> -> memref<2000xi32, #tpu.memory_space<hbm>>
      %dma_wait3A_521 = tpu.memref_slice %arg2[%add3A_311] : memref<160000xi32, #tpu.memory_space<hbm>> -> memref<2000xi32, #tpu.memory_space<hbm>>
      tpu.wait_dma2 semaphore(%run_scoped3A : memref<!tpu.dma_semaphore, #tpu.memory_space<semaphore_mem>>) src(%dma_wait3A_521 : memref<2000xi32, #tpu.memory_space<hbm>>) dst(%arg5 : memref<2000xi32, #tpu.memory_space<vmem>>)
      tpu.yield
    }) : () -> ()
    "tpu.region"() ({
      %run_scoped3A = tpu.sem_alloc : memref<!tpu.dma_semaphore, #tpu.memory_space<semaphore_mem>>
      %dma_start3A = tpu.memref_slice %arg3[%add3A_311] : memref<160000xi32, #tpu.memory_space<hbm>> -> memref<2000xi32, #tpu.memory_space<hbm>>
      %dma_start3A_520 = tpu.memref_slice %arg3[%add3A_311] : memref<160000xi32, #tpu.memory_space<hbm>> -> memref<2000xi32, #tpu.memory_space<hbm>>
      tpu.enqueue_dma source(%dma_start3A_520 : memref<2000xi32, #tpu.memory_space<hbm>>) target(%arg6 : memref<2000xi32, #tpu.memory_space<vmem>>) target_semaphore(%run_scoped3A : memref<!tpu.dma_semaphore, #tpu.memory_space<semaphore_mem>>)
      %dma_wait3A = tpu.memref_slice %arg3[%add3A_311] : memref<160000xi32, #tpu.memory_space<hbm>> -> memref<2000xi32, #tpu.memory_space<hbm>>
      %dma_wait3A_521 = tpu.memref_slice %arg3[%add3A_311] : memref<160000xi32, #tpu.memory_space<hbm>> -> memref<2000xi32, #tpu.memory_space<hbm>>
      tpu.wait_dma2 semaphore(%run_scoped3A : memref<!tpu.dma_semaphore, #tpu.memory_space<semaphore_mem>>) src(%dma_wait3A_521 : memref<2000xi32, #tpu.memory_space<hbm>>) dst(%arg6 : memref<2000xi32, #tpu.memory_space<vmem>>)
      tpu.yield
    }) : () -> ()
    %scan3A_312 = arith.constant 0 : i32
    %scan3A_313 = arith.constant 0 : i32
    %scan3A_314 = arith.constant 125 : i32
    %scan3A_315 = arith.addi %scan3A_313, %scan3A_314 : i32
    %scan3A_316 = arith.constant 1 : i32
    %scan3A_317 = scf.for %scan3A_520 = %scan3A_313 to %scan3A_315 step %scan3A_316 iter_args(%scan3A_521 = %scan3A_312) -> (i32)  : i32 {
      %mul3A_522 = arith.constant 16 : i32
      %mul3A_523 = arith.muli %scan3A_520, %mul3A_522 : i32
      %get3A = arith.index_cast %mul3A_523 : i32 to index
      %get3A_524 = tpu.vector_load %arg5[%get3A] {strides = array<i32>} : memref<2000xi32, #tpu.memory_space<vmem>>, vector<16xi32>,
      %sub3A = vector.broadcast %mul3A_265 : i32 to vector<16xi32>
      %sub3A_525 = arith.subi %get3A_524, %sub3A : vector<16xi32>
      %mul3A_526 = arith.constant 16 : i32
      %mul3A_527 = arith.muli %scan3A_520, %mul3A_526 : i32
      %get3A_528 = arith.index_cast %mul3A_527 : i32 to index
      %get3A_529 = tpu.vector_load %arg6[%get3A_528] {strides = array<i32>} : memref<2000xi32, #tpu.memory_space<vmem>>, vector<16xi32>,
      %sub3A_530 = vector.broadcast %mul3A_265 : i32 to vector<16xi32>
      %sub3A_531 = arith.subi %get3A_529, %sub3A_530 : vector<16xi32>
      %sub3A_532 = vector.broadcast %mul3A_267 : i32 to vector<16xi32>
      %sub3A_533 = arith.subi %sub3A_531, %sub3A_532 : vector<16xi32>
      %ge3A = arith.constant 0 : i32
      %ge3A_534 = vector.broadcast %ge3A : i32 to vector<16xi32>
      %ge3A_535 = arith.cmpi sge, %sub3A_533, %ge3A_534 : vector<16xi32>
      %lt3A = arith.constant 80 : i32
      %lt3A_536 = vector.broadcast %lt3A : i32 to vector<16xi32>
      %lt3A_537 = arith.cmpi slt, %sub3A_533, %lt3A_536 : vector<16xi32>
      %and3A = arith.andi %ge3A_535, %lt3A_537 : vector<16xi1>
      %mul3A_538 = arith.constant 1280 : i32
      %mul3A_539 = vector.broadcast %mul3A_538 : i32 to vector<16xi32>
      %mul3A_540 = arith.muli %sub3A_533, %mul3A_539 : vector<16xi32>
      %add3A_541 = arith.addi %mul3A_540, %sub3A_525 : vector<16xi32>
      %jit3A = arith.constant 0 : i32
      %broadcast_in_dim3A_542 = vector.broadcast %jit3A : i32 to vector<16xi32>
      %select_n3A = arith.select %and3A, %add3A_541, %broadcast_in_dim3A_542 : vector<16xi1>, vector<16xi32>
      tpu.vector_store_idx %arg7[%select_n3A], %broadcast_in_dim3A_2 masked %and3A {add = true} : memref<102400xf32, #tpu.memory_space<vmem>>[vector<16xi32>], vector<16xf32>, vector<16xi1>
      %scan3A_543 = arith.constant 0 : i32
      scf.yield %scan3A_543 : i32
    }
    %scan3A_318 = arith.constant 125 : i32
    %mul3A_319 = arith.constant 20000 : i32
    %mul3A_320 = arith.muli %add3A_263, %mul3A_319 : i32
    %add3A_321 = arith.constant 8000 : i32
    %add3A_322 = arith.addi %mul3A_320, %add3A_321 : i32
    "tpu.region"() ({
      %run_scoped3A = tpu.sem_alloc : memref<!tpu.dma_semaphore, #tpu.memory_space<semaphore_mem>>
      %dma_start3A = tpu.memref_slice %arg2[%add3A_322] : memref<160000xi32, #tpu.memory_space<hbm>> -> memref<2000xi32, #tpu.memory_space<hbm>>
      %dma_start3A_520 = tpu.memref_slice %arg2[%add3A_322] : memref<160000xi32, #tpu.memory_space<hbm>> -> memref<2000xi32, #tpu.memory_space<hbm>>
      tpu.enqueue_dma source(%dma_start3A_520 : memref<2000xi32, #tpu.memory_space<hbm>>) target(%arg5 : memref<2000xi32, #tpu.memory_space<vmem>>) target_semaphore(%run_scoped3A : memref<!tpu.dma_semaphore, #tpu.memory_space<semaphore_mem>>)
      %dma_wait3A = tpu.memref_slice %arg2[%add3A_322] : memref<160000xi32, #tpu.memory_space<hbm>> -> memref<2000xi32, #tpu.memory_space<hbm>>
      %dma_wait3A_521 = tpu.memref_slice %arg2[%add3A_322] : memref<160000xi32, #tpu.memory_space<hbm>> -> memref<2000xi32, #tpu.memory_space<hbm>>
      tpu.wait_dma2 semaphore(%run_scoped3A : memref<!tpu.dma_semaphore, #tpu.memory_space<semaphore_mem>>) src(%dma_wait3A_521 : memref<2000xi32, #tpu.memory_space<hbm>>) dst(%arg5 : memref<2000xi32, #tpu.memory_space<vmem>>)
      tpu.yield
    }) : () -> ()
    "tpu.region"() ({
      %run_scoped3A = tpu.sem_alloc : memref<!tpu.dma_semaphore, #tpu.memory_space<semaphore_mem>>
      %dma_start3A = tpu.memref_slice %arg3[%add3A_322] : memref<160000xi32, #tpu.memory_space<hbm>> -> memref<2000xi32, #tpu.memory_space<hbm>>
      %dma_start3A_520 = tpu.memref_slice %arg3[%add3A_322] : memref<160000xi32, #tpu.memory_space<hbm>> -> memref<2000xi32, #tpu.memory_space<hbm>>
      tpu.enqueue_dma source(%dma_start3A_520 : memref<2000xi32, #tpu.memory_space<hbm>>) target(%arg6 : memref<2000xi32, #tpu.memory_space<vmem>>) target_semaphore(%run_scoped3A : memref<!tpu.dma_semaphore, #tpu.memory_space<semaphore_mem>>)
      %dma_wait3A = tpu.memref_slice %arg3[%add3A_322] : memref<160000xi32, #tpu.memory_space<hbm>> -> memref<2000xi32, #tpu.memory_space<hbm>>
      %dma_wait3A_521 = tpu.memref_slice %arg3[%add3A_322] : memref<160000xi32, #tpu.memory_space<hbm>> -> memref<2000xi32, #tpu.memory_space<hbm>>
      tpu.wait_dma2 semaphore(%run_scoped3A : memref<!tpu.dma_semaphore, #tpu.memory_space<semaphore_mem>>) src(%dma_wait3A_521 : memref<2000xi32, #tpu.memory_space<hbm>>) dst(%arg6 : memref<2000xi32, #tpu.memory_space<vmem>>)
      tpu.yield
    }) : () -> ()
    %scan3A_323 = arith.constant 0 : i32
    %scan3A_324 = arith.constant 0 : i32
    %scan3A_325 = arith.constant 125 : i32
    %scan3A_326 = arith.addi %scan3A_324, %scan3A_325 : i32
    %scan3A_327 = arith.constant 1 : i32
    %scan3A_328 = scf.for %scan3A_520 = %scan3A_324 to %scan3A_326 step %scan3A_327 iter_args(%scan3A_521 = %scan3A_323) -> (i32)  : i32 {
      %mul3A_522 = arith.constant 16 : i32
      %mul3A_523 = arith.muli %scan3A_520, %mul3A_522 : i32
      %get3A = arith.index_cast %mul3A_523 : i32 to index
      %get3A_524 = tpu.vector_load %arg5[%get3A] {strides = array<i32>} : memref<2000xi32, #tpu.memory_space<vmem>>, vector<16xi32>,
      %sub3A = vector.broadcast %mul3A_265 : i32 to vector<16xi32>
      %sub3A_525 = arith.subi %get3A_524, %sub3A : vector<16xi32>
      %mul3A_526 = arith.constant 16 : i32
      %mul3A_527 = arith.muli %scan3A_520, %mul3A_526 : i32
      %get3A_528 = arith.index_cast %mul3A_527 : i32 to index
      %get3A_529 = tpu.vector_load %arg6[%get3A_528] {strides = array<i32>} : memref<2000xi32, #tpu.memory_space<vmem>>, vector<16xi32>,
      %sub3A_530 = vector.broadcast %mul3A_265 : i32 to vector<16xi32>
      %sub3A_531 = arith.subi %get3A_529, %sub3A_530 : vector<16xi32>
      %sub3A_532 = vector.broadcast %mul3A_267 : i32 to vector<16xi32>
      %sub3A_533 = arith.subi %sub3A_531, %sub3A_532 : vector<16xi32>
      %ge3A = arith.constant 0 : i32
      %ge3A_534 = vector.broadcast %ge3A : i32 to vector<16xi32>
      %ge3A_535 = arith.cmpi sge, %sub3A_533, %ge3A_534 : vector<16xi32>
      %lt3A = arith.constant 80 : i32
      %lt3A_536 = vector.broadcast %lt3A : i32 to vector<16xi32>
      %lt3A_537 = arith.cmpi slt, %sub3A_533, %lt3A_536 : vector<16xi32>
      %and3A = arith.andi %ge3A_535, %lt3A_537 : vector<16xi1>
      %mul3A_538 = arith.constant 1280 : i32
      %mul3A_539 = vector.broadcast %mul3A_538 : i32 to vector<16xi32>
      %mul3A_540 = arith.muli %sub3A_533, %mul3A_539 : vector<16xi32>
      %add3A_541 = arith.addi %mul3A_540, %sub3A_525 : vector<16xi32>
      %jit3A = arith.constant 0 : i32
      %broadcast_in_dim3A_542 = vector.broadcast %jit3A : i32 to vector<16xi32>
      %select_n3A = arith.select %and3A, %add3A_541, %broadcast_in_dim3A_542 : vector<16xi1>, vector<16xi32>
      tpu.vector_store_idx %arg7[%select_n3A], %broadcast_in_dim3A_2 masked %and3A {add = true} : memref<102400xf32, #tpu.memory_space<vmem>>[vector<16xi32>], vector<16xf32>, vector<16xi1>
      %scan3A_543 = arith.constant 0 : i32
      scf.yield %scan3A_543 : i32
    }
    %scan3A_329 = arith.constant 125 : i32
    %mul3A_330 = arith.constant 20000 : i32
    %mul3A_331 = arith.muli %add3A_263, %mul3A_330 : i32
    %add3A_332 = arith.constant 10000 : i32
    %add3A_333 = arith.addi %mul3A_331, %add3A_332 : i32
    "tpu.region"() ({
      %run_scoped3A = tpu.sem_alloc : memref<!tpu.dma_semaphore, #tpu.memory_space<semaphore_mem>>
      %dma_start3A = tpu.memref_slice %arg2[%add3A_333] : memref<160000xi32, #tpu.memory_space<hbm>> -> memref<2000xi32, #tpu.memory_space<hbm>>
      %dma_start3A_520 = tpu.memref_slice %arg2[%add3A_333] : memref<160000xi32, #tpu.memory_space<hbm>> -> memref<2000xi32, #tpu.memory_space<hbm>>
      tpu.enqueue_dma source(%dma_start3A_520 : memref<2000xi32, #tpu.memory_space<hbm>>) target(%arg5 : memref<2000xi32, #tpu.memory_space<vmem>>) target_semaphore(%run_scoped3A : memref<!tpu.dma_semaphore, #tpu.memory_space<semaphore_mem>>)
      %dma_wait3A = tpu.memref_slice %arg2[%add3A_333] : memref<160000xi32, #tpu.memory_space<hbm>> -> memref<2000xi32, #tpu.memory_space<hbm>>
      %dma_wait3A_521 = tpu.memref_slice %arg2[%add3A_333] : memref<160000xi32, #tpu.memory_space<hbm>> -> memref<2000xi32, #tpu.memory_space<hbm>>
      tpu.wait_dma2 semaphore(%run_scoped3A : memref<!tpu.dma_semaphore, #tpu.memory_space<semaphore_mem>>) src(%dma_wait3A_521 : memref<2000xi32, #tpu.memory_space<hbm>>) dst(%arg5 : memref<2000xi32, #tpu.memory_space<vmem>>)
      tpu.yield
    }) : () -> ()
    "tpu.region"() ({
      %run_scoped3A = tpu.sem_alloc : memref<!tpu.dma_semaphore, #tpu.memory_space<semaphore_mem>>
      %dma_start3A = tpu.memref_slice %arg3[%add3A_333] : memref<160000xi32, #tpu.memory_space<hbm>> -> memref<2000xi32, #tpu.memory_space<hbm>>
      %dma_start3A_520 = tpu.memref_slice %arg3[%add3A_333] : memref<160000xi32, #tpu.memory_space<hbm>> -> memref<2000xi32, #tpu.memory_space<hbm>>
      tpu.enqueue_dma source(%dma_start3A_520 : memref<2000xi32, #tpu.memory_space<hbm>>) target(%arg6 : memref<2000xi32, #tpu.memory_space<vmem>>) target_semaphore(%run_scoped3A : memref<!tpu.dma_semaphore, #tpu.memory_space<semaphore_mem>>)
      %dma_wait3A = tpu.memref_slice %arg3[%add3A_333] : memref<160000xi32, #tpu.memory_space<hbm>> -> memref<2000xi32, #tpu.memory_space<hbm>>
      %dma_wait3A_521 = tpu.memref_slice %arg3[%add3A_333] : memref<160000xi32, #tpu.memory_space<hbm>> -> memref<2000xi32, #tpu.memory_space<hbm>>
      tpu.wait_dma2 semaphore(%run_scoped3A : memref<!tpu.dma_semaphore, #tpu.memory_space<semaphore_mem>>) src(%dma_wait3A_521 : memref<2000xi32, #tpu.memory_space<hbm>>) dst(%arg6 : memref<2000xi32, #tpu.memory_space<vmem>>)
      tpu.yield
    }) : () -> ()
    %scan3A_334 = arith.constant 0 : i32
    %scan3A_335 = arith.constant 0 : i32
    %scan3A_336 = arith.constant 125 : i32
    %scan3A_337 = arith.addi %scan3A_335, %scan3A_336 : i32
    %scan3A_338 = arith.constant 1 : i32
    %scan3A_339 = scf.for %scan3A_520 = %scan3A_335 to %scan3A_337 step %scan3A_338 iter_args(%scan3A_521 = %scan3A_334) -> (i32)  : i32 {
      %mul3A_522 = arith.constant 16 : i32
      %mul3A_523 = arith.muli %scan3A_520, %mul3A_522 : i32
      %get3A = arith.index_cast %mul3A_523 : i32 to index
      %get3A_524 = tpu.vector_load %arg5[%get3A] {strides = array<i32>} : memref<2000xi32, #tpu.memory_space<vmem>>, vector<16xi32>,
      %sub3A = vector.broadcast %mul3A_265 : i32 to vector<16xi32>
      %sub3A_525 = arith.subi %get3A_524, %sub3A : vector<16xi32>
      %mul3A_526 = arith.constant 16 : i32
      %mul3A_527 = arith.muli %scan3A_520, %mul3A_526 : i32
      %get3A_528 = arith.index_cast %mul3A_527 : i32 to index
      %get3A_529 = tpu.vector_load %arg6[%get3A_528] {strides = array<i32>} : memref<2000xi32, #tpu.memory_space<vmem>>, vector<16xi32>,
      %sub3A_530 = vector.broadcast %mul3A_265 : i32 to vector<16xi32>
      %sub3A_531 = arith.subi %get3A_529, %sub3A_530 : vector<16xi32>
      %sub3A_532 = vector.broadcast %mul3A_267 : i32 to vector<16xi32>
      %sub3A_533 = arith.subi %sub3A_531, %sub3A_532 : vector<16xi32>
      %ge3A = arith.constant 0 : i32
      %ge3A_534 = vector.broadcast %ge3A : i32 to vector<16xi32>
      %ge3A_535 = arith.cmpi sge, %sub3A_533, %ge3A_534 : vector<16xi32>
      %lt3A = arith.constant 80 : i32
      %lt3A_536 = vector.broadcast %lt3A : i32 to vector<16xi32>
      %lt3A_537 = arith.cmpi slt, %sub3A_533, %lt3A_536 : vector<16xi32>
      %and3A = arith.andi %ge3A_535, %lt3A_537 : vector<16xi1>
      %mul3A_538 = arith.constant 1280 : i32
      %mul3A_539 = vector.broadcast %mul3A_538 : i32 to vector<16xi32>
      %mul3A_540 = arith.muli %sub3A_533, %mul3A_539 : vector<16xi32>
      %add3A_541 = arith.addi %mul3A_540, %sub3A_525 : vector<16xi32>
      %jit3A = arith.constant 0 : i32
      %broadcast_in_dim3A_542 = vector.broadcast %jit3A : i32 to vector<16xi32>
      %select_n3A = arith.select %and3A, %add3A_541, %broadcast_in_dim3A_542 : vector<16xi1>, vector<16xi32>
      tpu.vector_store_idx %arg7[%select_n3A], %broadcast_in_dim3A_2 masked %and3A {add = true} : memref<102400xf32, #tpu.memory_space<vmem>>[vector<16xi32>], vector<16xf32>, vector<16xi1>
      %scan3A_543 = arith.constant 0 : i32
      scf.yield %scan3A_543 : i32
    }
    %scan3A_340 = arith.constant 125 : i32
    %mul3A_341 = arith.constant 20000 : i32
    %mul3A_342 = arith.muli %add3A_263, %mul3A_341 : i32
    %add3A_343 = arith.constant 12000 : i32
    %add3A_344 = arith.addi %mul3A_342, %add3A_343 : i32
    "tpu.region"() ({
      %run_scoped3A = tpu.sem_alloc : memref<!tpu.dma_semaphore, #tpu.memory_space<semaphore_mem>>
      %dma_start3A = tpu.memref_slice %arg2[%add3A_344] : memref<160000xi32, #tpu.memory_space<hbm>> -> memref<2000xi32, #tpu.memory_space<hbm>>
      %dma_start3A_520 = tpu.memref_slice %arg2[%add3A_344] : memref<160000xi32, #tpu.memory_space<hbm>> -> memref<2000xi32, #tpu.memory_space<hbm>>
      tpu.enqueue_dma source(%dma_start3A_520 : memref<2000xi32, #tpu.memory_space<hbm>>) target(%arg5 : memref<2000xi32, #tpu.memory_space<vmem>>) target_semaphore(%run_scoped3A : memref<!tpu.dma_semaphore, #tpu.memory_space<semaphore_mem>>)
      %dma_wait3A = tpu.memref_slice %arg2[%add3A_344] : memref<160000xi32, #tpu.memory_space<hbm>> -> memref<2000xi32, #tpu.memory_space<hbm>>
      %dma_wait3A_521 = tpu.memref_slice %arg2[%add3A_344] : memref<160000xi32, #tpu.memory_space<hbm>> -> memref<2000xi32, #tpu.memory_space<hbm>>
      tpu.wait_dma2 semaphore(%run_scoped3A : memref<!tpu.dma_semaphore, #tpu.memory_space<semaphore_mem>>) src(%dma_wait3A_521 : memref<2000xi32, #tpu.memory_space<hbm>>) dst(%arg5 : memref<2000xi32, #tpu.memory_space<vmem>>)
      tpu.yield
    }) : () -> ()
    "tpu.region"() ({
      %run_scoped3A = tpu.sem_alloc : memref<!tpu.dma_semaphore, #tpu.memory_space<semaphore_mem>>
      %dma_start3A = tpu.memref_slice %arg3[%add3A_344] : memref<160000xi32, #tpu.memory_space<hbm>> -> memref<2000xi32, #tpu.memory_space<hbm>>
      %dma_start3A_520 = tpu.memref_slice %arg3[%add3A_344] : memref<160000xi32, #tpu.memory_space<hbm>> -> memref<2000xi32, #tpu.memory_space<hbm>>
      tpu.enqueue_dma source(%dma_start3A_520 : memref<2000xi32, #tpu.memory_space<hbm>>) target(%arg6 : memref<2000xi32, #tpu.memory_space<vmem>>) target_semaphore(%run_scoped3A : memref<!tpu.dma_semaphore, #tpu.memory_space<semaphore_mem>>)
      %dma_wait3A = tpu.memref_slice %arg3[%add3A_344] : memref<160000xi32, #tpu.memory_space<hbm>> -> memref<2000xi32, #tpu.memory_space<hbm>>
      %dma_wait3A_521 = tpu.memref_slice %arg3[%add3A_344] : memref<160000xi32, #tpu.memory_space<hbm>> -> memref<2000xi32, #tpu.memory_space<hbm>>
      tpu.wait_dma2 semaphore(%run_scoped3A : memref<!tpu.dma_semaphore, #tpu.memory_space<semaphore_mem>>) src(%dma_wait3A_521 : memref<2000xi32, #tpu.memory_space<hbm>>) dst(%arg6 : memref<2000xi32, #tpu.memory_space<vmem>>)
      tpu.yield
    }) : () -> ()
    %scan3A_345 = arith.constant 0 : i32
    %scan3A_346 = arith.constant 0 : i32
    %scan3A_347 = arith.constant 125 : i32
    %scan3A_348 = arith.addi %scan3A_346, %scan3A_347 : i32
    %scan3A_349 = arith.constant 1 : i32
    %scan3A_350 = scf.for %scan3A_520 = %scan3A_346 to %scan3A_348 step %scan3A_349 iter_args(%scan3A_521 = %scan3A_345) -> (i32)  : i32 {
      %mul3A_522 = arith.constant 16 : i32
      %mul3A_523 = arith.muli %scan3A_520, %mul3A_522 : i32
      %get3A = arith.index_cast %mul3A_523 : i32 to index
      %get3A_524 = tpu.vector_load %arg5[%get3A] {strides = array<i32>} : memref<2000xi32, #tpu.memory_space<vmem>>, vector<16xi32>,
      %sub3A = vector.broadcast %mul3A_265 : i32 to vector<16xi32>
      %sub3A_525 = arith.subi %get3A_524, %sub3A : vector<16xi32>
      %mul3A_526 = arith.constant 16 : i32
      %mul3A_527 = arith.muli %scan3A_520, %mul3A_526 : i32
      %get3A_528 = arith.index_cast %mul3A_527 : i32 to index
      %get3A_529 = tpu.vector_load %arg6[%get3A_528] {strides = array<i32>} : memref<2000xi32, #tpu.memory_space<vmem>>, vector<16xi32>,
      %sub3A_530 = vector.broadcast %mul3A_265 : i32 to vector<16xi32>
      %sub3A_531 = arith.subi %get3A_529, %sub3A_530 : vector<16xi32>
      %sub3A_532 = vector.broadcast %mul3A_267 : i32 to vector<16xi32>
      %sub3A_533 = arith.subi %sub3A_531, %sub3A_532 : vector<16xi32>
      %ge3A = arith.constant 0 : i32
      %ge3A_534 = vector.broadcast %ge3A : i32 to vector<16xi32>
      %ge3A_535 = arith.cmpi sge, %sub3A_533, %ge3A_534 : vector<16xi32>
      %lt3A = arith.constant 80 : i32
      %lt3A_536 = vector.broadcast %lt3A : i32 to vector<16xi32>
      %lt3A_537 = arith.cmpi slt, %sub3A_533, %lt3A_536 : vector<16xi32>
      %and3A = arith.andi %ge3A_535, %lt3A_537 : vector<16xi1>
      %mul3A_538 = arith.constant 1280 : i32
      %mul3A_539 = vector.broadcast %mul3A_538 : i32 to vector<16xi32>
      %mul3A_540 = arith.muli %sub3A_533, %mul3A_539 : vector<16xi32>
      %add3A_541 = arith.addi %mul3A_540, %sub3A_525 : vector<16xi32>
      %jit3A = arith.constant 0 : i32
      %broadcast_in_dim3A_542 = vector.broadcast %jit3A : i32 to vector<16xi32>
      %select_n3A = arith.select %and3A, %add3A_541, %broadcast_in_dim3A_542 : vector<16xi1>, vector<16xi32>
      tpu.vector_store_idx %arg7[%select_n3A], %broadcast_in_dim3A_2 masked %and3A {add = true} : memref<102400xf32, #tpu.memory_space<vmem>>[vector<16xi32>], vector<16xf32>, vector<16xi1>
      %scan3A_543 = arith.constant 0 : i32
      scf.yield %scan3A_543 : i32
    }
    %scan3A_351 = arith.constant 125 : i32
    %mul3A_352 = arith.constant 20000 : i32
    %mul3A_353 = arith.muli %add3A_263, %mul3A_352 : i32
    %add3A_354 = arith.constant 14000 : i32
    %add3A_355 = arith.addi %mul3A_353, %add3A_354 : i32
    "tpu.region"() ({
      %run_scoped3A = tpu.sem_alloc : memref<!tpu.dma_semaphore, #tpu.memory_space<semaphore_mem>>
      %dma_start3A = tpu.memref_slice %arg2[%add3A_355] : memref<160000xi32, #tpu.memory_space<hbm>> -> memref<2000xi32, #tpu.memory_space<hbm>>
      %dma_start3A_520 = tpu.memref_slice %arg2[%add3A_355] : memref<160000xi32, #tpu.memory_space<hbm>> -> memref<2000xi32, #tpu.memory_space<hbm>>
      tpu.enqueue_dma source(%dma_start3A_520 : memref<2000xi32, #tpu.memory_space<hbm>>) target(%arg5 : memref<2000xi32, #tpu.memory_space<vmem>>) target_semaphore(%run_scoped3A : memref<!tpu.dma_semaphore, #tpu.memory_space<semaphore_mem>>)
      %dma_wait3A = tpu.memref_slice %arg2[%add3A_355] : memref<160000xi32, #tpu.memory_space<hbm>> -> memref<2000xi32, #tpu.memory_space<hbm>>
      %dma_wait3A_521 = tpu.memref_slice %arg2[%add3A_355] : memref<160000xi32, #tpu.memory_space<hbm>> -> memref<2000xi32, #tpu.memory_space<hbm>>
      tpu.wait_dma2 semaphore(%run_scoped3A : memref<!tpu.dma_semaphore, #tpu.memory_space<semaphore_mem>>) src(%dma_wait3A_521 : memref<2000xi32, #tpu.memory_space<hbm>>) dst(%arg5 : memref<2000xi32, #tpu.memory_space<vmem>>)
      tpu.yield
    }) : () -> ()
    "tpu.region"() ({
      %run_scoped3A = tpu.sem_alloc : memref<!tpu.dma_semaphore, #tpu.memory_space<semaphore_mem>>
      %dma_start3A = tpu.memref_slice %arg3[%add3A_355] : memref<160000xi32, #tpu.memory_space<hbm>> -> memref<2000xi32, #tpu.memory_space<hbm>>
      %dma_start3A_520 = tpu.memref_slice %arg3[%add3A_355] : memref<160000xi32, #tpu.memory_space<hbm>> -> memref<2000xi32, #tpu.memory_space<hbm>>
      tpu.enqueue_dma source(%dma_start3A_520 : memref<2000xi32, #tpu.memory_space<hbm>>) target(%arg6 : memref<2000xi32, #tpu.memory_space<vmem>>) target_semaphore(%run_scoped3A : memref<!tpu.dma_semaphore, #tpu.memory_space<semaphore_mem>>)
      %dma_wait3A = tpu.memref_slice %arg3[%add3A_355] : memref<160000xi32, #tpu.memory_space<hbm>> -> memref<2000xi32, #tpu.memory_space<hbm>>
      %dma_wait3A_521 = tpu.memref_slice %arg3[%add3A_355] : memref<160000xi32, #tpu.memory_space<hbm>> -> memref<2000xi32, #tpu.memory_space<hbm>>
      tpu.wait_dma2 semaphore(%run_scoped3A : memref<!tpu.dma_semaphore, #tpu.memory_space<semaphore_mem>>) src(%dma_wait3A_521 : memref<2000xi32, #tpu.memory_space<hbm>>) dst(%arg6 : memref<2000xi32, #tpu.memory_space<vmem>>)
      tpu.yield
    }) : () -> ()
    %scan3A_356 = arith.constant 0 : i32
    %scan3A_357 = arith.constant 0 : i32
    %scan3A_358 = arith.constant 125 : i32
    %scan3A_359 = arith.addi %scan3A_357, %scan3A_358 : i32
    %scan3A_360 = arith.constant 1 : i32
    %scan3A_361 = scf.for %scan3A_520 = %scan3A_357 to %scan3A_359 step %scan3A_360 iter_args(%scan3A_521 = %scan3A_356) -> (i32)  : i32 {
      %mul3A_522 = arith.constant 16 : i32
      %mul3A_523 = arith.muli %scan3A_520, %mul3A_522 : i32
      %get3A = arith.index_cast %mul3A_523 : i32 to index
      %get3A_524 = tpu.vector_load %arg5[%get3A] {strides = array<i32>} : memref<2000xi32, #tpu.memory_space<vmem>>, vector<16xi32>,
      %sub3A = vector.broadcast %mul3A_265 : i32 to vector<16xi32>
      %sub3A_525 = arith.subi %get3A_524, %sub3A : vector<16xi32>
      %mul3A_526 = arith.constant 16 : i32
      %mul3A_527 = arith.muli %scan3A_520, %mul3A_526 : i32
      %get3A_528 = arith.index_cast %mul3A_527 : i32 to index
      %get3A_529 = tpu.vector_load %arg6[%get3A_528] {strides = array<i32>} : memref<2000xi32, #tpu.memory_space<vmem>>, vector<16xi32>,
      %sub3A_530 = vector.broadcast %mul3A_265 : i32 to vector<16xi32>
      %sub3A_531 = arith.subi %get3A_529, %sub3A_530 : vector<16xi32>
      %sub3A_532 = vector.broadcast %mul3A_267 : i32 to vector<16xi32>
      %sub3A_533 = arith.subi %sub3A_531, %sub3A_532 : vector<16xi32>
      %ge3A = arith.constant 0 : i32
      %ge3A_534 = vector.broadcast %ge3A : i32 to vector<16xi32>
      %ge3A_535 = arith.cmpi sge, %sub3A_533, %ge3A_534 : vector<16xi32>
      %lt3A = arith.constant 80 : i32
      %lt3A_536 = vector.broadcast %lt3A : i32 to vector<16xi32>
      %lt3A_537 = arith.cmpi slt, %sub3A_533, %lt3A_536 : vector<16xi32>
      %and3A = arith.andi %ge3A_535, %lt3A_537 : vector<16xi1>
      %mul3A_538 = arith.constant 1280 : i32
      %mul3A_539 = vector.broadcast %mul3A_538 : i32 to vector<16xi32>
      %mul3A_540 = arith.muli %sub3A_533, %mul3A_539 : vector<16xi32>
      %add3A_541 = arith.addi %mul3A_540, %sub3A_525 : vector<16xi32>
      %jit3A = arith.constant 0 : i32
      %broadcast_in_dim3A_542 = vector.broadcast %jit3A : i32 to vector<16xi32>
      %select_n3A = arith.select %and3A, %add3A_541, %broadcast_in_dim3A_542 : vector<16xi1>, vector<16xi32>
      tpu.vector_store_idx %arg7[%select_n3A], %broadcast_in_dim3A_2 masked %and3A {add = true} : memref<102400xf32, #tpu.memory_space<vmem>>[vector<16xi32>], vector<16xf32>, vector<16xi1>
      %scan3A_543 = arith.constant 0 : i32
      scf.yield %scan3A_543 : i32
    }
    %scan3A_362 = arith.constant 125 : i32
    %mul3A_363 = arith.constant 20000 : i32
    %mul3A_364 = arith.muli %add3A_263, %mul3A_363 : i32
    %add3A_365 = arith.constant 16000 : i32
    %add3A_366 = arith.addi %mul3A_364, %add3A_365 : i32
    "tpu.region"() ({
      %run_scoped3A = tpu.sem_alloc : memref<!tpu.dma_semaphore, #tpu.memory_space<semaphore_mem>>
      %dma_start3A = tpu.memref_slice %arg2[%add3A_366] : memref<160000xi32, #tpu.memory_space<hbm>> -> memref<2000xi32, #tpu.memory_space<hbm>>
      %dma_start3A_520 = tpu.memref_slice %arg2[%add3A_366] : memref<160000xi32, #tpu.memory_space<hbm>> -> memref<2000xi32, #tpu.memory_space<hbm>>
      tpu.enqueue_dma source(%dma_start3A_520 : memref<2000xi32, #tpu.memory_space<hbm>>) target(%arg5 : memref<2000xi32, #tpu.memory_space<vmem>>) target_semaphore(%run_scoped3A : memref<!tpu.dma_semaphore, #tpu.memory_space<semaphore_mem>>)
      %dma_wait3A = tpu.memref_slice %arg2[%add3A_366] : memref<160000xi32, #tpu.memory_space<hbm>> -> memref<2000xi32, #tpu.memory_space<hbm>>
      %dma_wait3A_521 = tpu.memref_slice %arg2[%add3A_366] : memref<160000xi32, #tpu.memory_space<hbm>> -> memref<2000xi32, #tpu.memory_space<hbm>>
      tpu.wait_dma2 semaphore(%run_scoped3A : memref<!tpu.dma_semaphore, #tpu.memory_space<semaphore_mem>>) src(%dma_wait3A_521 : memref<2000xi32, #tpu.memory_space<hbm>>) dst(%arg5 : memref<2000xi32, #tpu.memory_space<vmem>>)
      tpu.yield
    }) : () -> ()
    "tpu.region"() ({
      %run_scoped3A = tpu.sem_alloc : memref<!tpu.dma_semaphore, #tpu.memory_space<semaphore_mem>>
      %dma_start3A = tpu.memref_slice %arg3[%add3A_366] : memref<160000xi32, #tpu.memory_space<hbm>> -> memref<2000xi32, #tpu.memory_space<hbm>>
      %dma_start3A_520 = tpu.memref_slice %arg3[%add3A_366] : memref<160000xi32, #tpu.memory_space<hbm>> -> memref<2000xi32, #tpu.memory_space<hbm>>
      tpu.enqueue_dma source(%dma_start3A_520 : memref<2000xi32, #tpu.memory_space<hbm>>) target(%arg6 : memref<2000xi32, #tpu.memory_space<vmem>>) target_semaphore(%run_scoped3A : memref<!tpu.dma_semaphore, #tpu.memory_space<semaphore_mem>>)
      %dma_wait3A = tpu.memref_slice %arg3[%add3A_366] : memref<160000xi32, #tpu.memory_space<hbm>> -> memref<2000xi32, #tpu.memory_space<hbm>>
      %dma_wait3A_521 = tpu.memref_slice %arg3[%add3A_366] : memref<160000xi32, #tpu.memory_space<hbm>> -> memref<2000xi32, #tpu.memory_space<hbm>>
      tpu.wait_dma2 semaphore(%run_scoped3A : memref<!tpu.dma_semaphore, #tpu.memory_space<semaphore_mem>>) src(%dma_wait3A_521 : memref<2000xi32, #tpu.memory_space<hbm>>) dst(%arg6 : memref<2000xi32, #tpu.memory_space<vmem>>)
      tpu.yield
    }) : () -> ()
    %scan3A_367 = arith.constant 0 : i32
    %scan3A_368 = arith.constant 0 : i32
    %scan3A_369 = arith.constant 125 : i32
    %scan3A_370 = arith.addi %scan3A_368, %scan3A_369 : i32
    %scan3A_371 = arith.constant 1 : i32
    %scan3A_372 = scf.for %scan3A_520 = %scan3A_368 to %scan3A_370 step %scan3A_371 iter_args(%scan3A_521 = %scan3A_367) -> (i32)  : i32 {
      %mul3A_522 = arith.constant 16 : i32
      %mul3A_523 = arith.muli %scan3A_520, %mul3A_522 : i32
      %get3A = arith.index_cast %mul3A_523 : i32 to index
      %get3A_524 = tpu.vector_load %arg5[%get3A] {strides = array<i32>} : memref<2000xi32, #tpu.memory_space<vmem>>, vector<16xi32>,
      %sub3A = vector.broadcast %mul3A_265 : i32 to vector<16xi32>
      %sub3A_525 = arith.subi %get3A_524, %sub3A : vector<16xi32>
      %mul3A_526 = arith.constant 16 : i32
      %mul3A_527 = arith.muli %scan3A_520, %mul3A_526 : i32
      %get3A_528 = arith.index_cast %mul3A_527 : i32 to index
      %get3A_529 = tpu.vector_load %arg6[%get3A_528] {strides = array<i32>} : memref<2000xi32, #tpu.memory_space<vmem>>, vector<16xi32>,
      %sub3A_530 = vector.broadcast %mul3A_265 : i32 to vector<16xi32>
      %sub3A_531 = arith.subi %get3A_529, %sub3A_530 : vector<16xi32>
      %sub3A_532 = vector.broadcast %mul3A_267 : i32 to vector<16xi32>
      %sub3A_533 = arith.subi %sub3A_531, %sub3A_532 : vector<16xi32>
      %ge3A = arith.constant 0 : i32
      %ge3A_534 = vector.broadcast %ge3A : i32 to vector<16xi32>
      %ge3A_535 = arith.cmpi sge, %sub3A_533, %ge3A_534 : vector<16xi32>
      %lt3A = arith.constant 80 : i32
      %lt3A_536 = vector.broadcast %lt3A : i32 to vector<16xi32>
      %lt3A_537 = arith.cmpi slt, %sub3A_533, %lt3A_536 : vector<16xi32>
      %and3A = arith.andi %ge3A_535, %lt3A_537 : vector<16xi1>
      %mul3A_538 = arith.constant 1280 : i32
      %mul3A_539 = vector.broadcast %mul3A_538 : i32 to vector<16xi32>
      %mul3A_540 = arith.muli %sub3A_533, %mul3A_539 : vector<16xi32>
      %add3A_541 = arith.addi %mul3A_540, %sub3A_525 : vector<16xi32>
      %jit3A = arith.constant 0 : i32
      %broadcast_in_dim3A_542 = vector.broadcast %jit3A : i32 to vector<16xi32>
      %select_n3A = arith.select %and3A, %add3A_541, %broadcast_in_dim3A_542 : vector<16xi1>, vector<16xi32>
      tpu.vector_store_idx %arg7[%select_n3A], %broadcast_in_dim3A_2 masked %and3A {add = true} : memref<102400xf32, #tpu.memory_space<vmem>>[vector<16xi32>], vector<16xf32>, vector<16xi1>
      %scan3A_543 = arith.constant 0 : i32
      scf.yield %scan3A_543 : i32
    }
    %scan3A_373 = arith.constant 125 : i32
    %mul3A_374 = arith.constant 20000 : i32
    %mul3A_375 = arith.muli %add3A_263, %mul3A_374 : i32
    %add3A_376 = arith.constant 18000 : i32
    %add3A_377 = arith.addi %mul3A_375, %add3A_376 : i32
    "tpu.region"() ({
      %run_scoped3A = tpu.sem_alloc : memref<!tpu.dma_semaphore, #tpu.memory_space<semaphore_mem>>
      %dma_start3A = tpu.memref_slice %arg2[%add3A_377] : memref<160000xi32, #tpu.memory_space<hbm>> -> memref<2000xi32, #tpu.memory_space<hbm>>
      %dma_start3A_520 = tpu.memref_slice %arg2[%add3A_377] : memref<160000xi32, #tpu.memory_space<hbm>> -> memref<2000xi32, #tpu.memory_space<hbm>>
      tpu.enqueue_dma source(%dma_start3A_520 : memref<2000xi32, #tpu.memory_space<hbm>>) target(%arg5 : memref<2000xi32, #tpu.memory_space<vmem>>) target_semaphore(%run_scoped3A : memref<!tpu.dma_semaphore, #tpu.memory_space<semaphore_mem>>)
      %dma_wait3A = tpu.memref_slice %arg2[%add3A_377] : memref<160000xi32, #tpu.memory_space<hbm>> -> memref<2000xi32, #tpu.memory_space<hbm>>
      %dma_wait3A_521 = tpu.memref_slice %arg2[%add3A_377] : memref<160000xi32, #tpu.memory_space<hbm>> -> memref<2000xi32, #tpu.memory_space<hbm>>
      tpu.wait_dma2 semaphore(%run_scoped3A : memref<!tpu.dma_semaphore, #tpu.memory_space<semaphore_mem>>) src(%dma_wait3A_521 : memref<2000xi32, #tpu.memory_space<hbm>>) dst(%arg5 : memref<2000xi32, #tpu.memory_space<vmem>>)
      tpu.yield
    }) : () -> ()
    "tpu.region"() ({
      %run_scoped3A = tpu.sem_alloc : memref<!tpu.dma_semaphore, #tpu.memory_space<semaphore_mem>>
      %dma_start3A = tpu.memref_slice %arg3[%add3A_377] : memref<160000xi32, #tpu.memory_space<hbm>> -> memref<2000xi32, #tpu.memory_space<hbm>>
      %dma_start3A_520 = tpu.memref_slice %arg3[%add3A_377] : memref<160000xi32, #tpu.memory_space<hbm>> -> memref<2000xi32, #tpu.memory_space<hbm>>
      tpu.enqueue_dma source(%dma_start3A_520 : memref<2000xi32, #tpu.memory_space<hbm>>) target(%arg6 : memref<2000xi32, #tpu.memory_space<vmem>>) target_semaphore(%run_scoped3A : memref<!tpu.dma_semaphore, #tpu.memory_space<semaphore_mem>>)
      %dma_wait3A = tpu.memref_slice %arg3[%add3A_377] : memref<160000xi32, #tpu.memory_space<hbm>> -> memref<2000xi32, #tpu.memory_space<hbm>>
      %dma_wait3A_521 = tpu.memref_slice %arg3[%add3A_377] : memref<160000xi32, #tpu.memory_space<hbm>> -> memref<2000xi32, #tpu.memory_space<hbm>>
      tpu.wait_dma2 semaphore(%run_scoped3A : memref<!tpu.dma_semaphore, #tpu.memory_space<semaphore_mem>>) src(%dma_wait3A_521 : memref<2000xi32, #tpu.memory_space<hbm>>) dst(%arg6 : memref<2000xi32, #tpu.memory_space<vmem>>)
      tpu.yield
    }) : () -> ()
    %scan3A_378 = arith.constant 0 : i32
    %scan3A_379 = arith.constant 0 : i32
    %scan3A_380 = arith.constant 125 : i32
    %scan3A_381 = arith.addi %scan3A_379, %scan3A_380 : i32
    %scan3A_382 = arith.constant 1 : i32
    %scan3A_383 = scf.for %scan3A_520 = %scan3A_379 to %scan3A_381 step %scan3A_382 iter_args(%scan3A_521 = %scan3A_378) -> (i32)  : i32 {
      %mul3A_522 = arith.constant 16 : i32
      %mul3A_523 = arith.muli %scan3A_520, %mul3A_522 : i32
      %get3A = arith.index_cast %mul3A_523 : i32 to index
      %get3A_524 = tpu.vector_load %arg5[%get3A] {strides = array<i32>} : memref<2000xi32, #tpu.memory_space<vmem>>, vector<16xi32>,
      %sub3A = vector.broadcast %mul3A_265 : i32 to vector<16xi32>
      %sub3A_525 = arith.subi %get3A_524, %sub3A : vector<16xi32>
      %mul3A_526 = arith.constant 16 : i32
      %mul3A_527 = arith.muli %scan3A_520, %mul3A_526 : i32
      %get3A_528 = arith.index_cast %mul3A_527 : i32 to index
      %get3A_529 = tpu.vector_load %arg6[%get3A_528] {strides = array<i32>} : memref<2000xi32, #tpu.memory_space<vmem>>, vector<16xi32>,
      %sub3A_530 = vector.broadcast %mul3A_265 : i32 to vector<16xi32>
      %sub3A_531 = arith.subi %get3A_529, %sub3A_530 : vector<16xi32>
      %sub3A_532 = vector.broadcast %mul3A_267 : i32 to vector<16xi32>
      %sub3A_533 = arith.subi %sub3A_531, %sub3A_532 : vector<16xi32>
      %ge3A = arith.constant 0 : i32
      %ge3A_534 = vector.broadcast %ge3A : i32 to vector<16xi32>
      %ge3A_535 = arith.cmpi sge, %sub3A_533, %ge3A_534 : vector<16xi32>
      %lt3A = arith.constant 80 : i32
      %lt3A_536 = vector.broadcast %lt3A : i32 to vector<16xi32>
      %lt3A_537 = arith.cmpi slt, %sub3A_533, %lt3A_536 : vector<16xi32>
      %and3A = arith.andi %ge3A_535, %lt3A_537 : vector<16xi1>
      %mul3A_538 = arith.constant 1280 : i32
      %mul3A_539 = vector.broadcast %mul3A_538 : i32 to vector<16xi32>
      %mul3A_540 = arith.muli %sub3A_533, %mul3A_539 : vector<16xi32>
      %add3A_541 = arith.addi %mul3A_540, %sub3A_525 : vector<16xi32>
      %jit3A = arith.constant 0 : i32
      %broadcast_in_dim3A_542 = vector.broadcast %jit3A : i32 to vector<16xi32>
      %select_n3A = arith.select %and3A, %add3A_541, %broadcast_in_dim3A_542 : vector<16xi1>, vector<16xi32>
      tpu.vector_store_idx %arg7[%select_n3A], %broadcast_in_dim3A_2 masked %and3A {add = true} : memref<102400xf32, #tpu.memory_space<vmem>>[vector<16xi32>], vector<16xf32>, vector<16xi1>
      %scan3A_543 = arith.constant 0 : i32
      scf.yield %scan3A_543 : i32
    }
    %scan3A_384 = arith.constant 125 : i32
    %mul3A_385 = arith.constant 1638400 : i32
    %mul3A_386 = arith.muli %add3A_263, %mul3A_385 : i32
    %mul3A_387 = arith.constant 102400 : i32
    %mul3A_388 = arith.muli %arg1, %mul3A_387 : i32
    %add3A_389 = arith.addi %mul3A_386, %mul3A_388 : i32
    "tpu.region"() ({
      %run_scoped3A = tpu.sem_alloc : memref<!tpu.dma_semaphore, #tpu.memory_space<semaphore_mem>>
      %dma_start3A = tpu.memref_slice %arg4[%add3A_389] : memref<13107200xf32, #tpu.memory_space<hbm>> -> memref<102400xf32, #tpu.memory_space<hbm>>
      %dma_start3A_520 = tpu.memref_slice %arg4[%add3A_389] : memref<13107200xf32, #tpu.memory_space<hbm>> -> memref<102400xf32, #tpu.memory_space<hbm>>
      tpu.enqueue_dma source(%arg7 : memref<102400xf32, #tpu.memory_space<vmem>>) target(%dma_start3A_520 : memref<102400xf32, #tpu.memory_space<hbm>>) target_semaphore(%run_scoped3A : memref<!tpu.dma_semaphore, #tpu.memory_space<semaphore_mem>>)
      %dma_wait3A = tpu.memref_slice %arg4[%add3A_389] : memref<13107200xf32, #tpu.memory_space<hbm>> -> memref<102400xf32, #tpu.memory_space<hbm>>
      %dma_wait3A_521 = tpu.memref_slice %arg4[%add3A_389] : memref<13107200xf32, #tpu.memory_space<hbm>> -> memref<102400xf32, #tpu.memory_space<hbm>>
      tpu.wait_dma2 semaphore(%run_scoped3A : memref<!tpu.dma_semaphore, #tpu.memory_space<semaphore_mem>>) src(%arg7 : memref<102400xf32, #tpu.memory_space<vmem>>) dst(%dma_wait3A_521 : memref<102400xf32, #tpu.memory_space<hbm>>)
      tpu.yield
    }) : () -> ()
    %mul3A_390 = arith.constant 4 : i32
    %mul3A_391 = arith.muli %arg0, %mul3A_390 : i32
    %add3A_392 = arith.constant 3 : i32
    %add3A_393 = arith.addi %mul3A_391, %add3A_392 : i32
    %mul3A_394 = arith.constant 1250 : i32
    %mul3A_395 = arith.muli %add3A_393, %mul3A_394 : i32
    %mul3A_396 = arith.constant 80 : i32
    %mul3A_397 = arith.muli %arg1, %mul3A_396 : i32
    %scan3A_398 = arith.constant 0 : i32
    %scan3A_399 = arith.constant 0 : i32
    %scan3A_400 = arith.constant 800 : i32
    %scan3A_401 = arith.addi %scan3A_399, %scan3A_400 : i32
    %scan3A_402 = arith.constant 1 : i32
    %scan3A_403 = scf.for %scan3A_520 = %scan3A_399 to %scan3A_401 step %scan3A_402 iter_args(%scan3A_521 = %scan3A_398) -> (i32)  : i32 {
      %mul3A_522 = arith.constant 128 : i32
      %mul3A_523 = arith.muli %scan3A_520, %mul3A_522 : i32
      %add3A_524 = arith.constant 0 : i32
      %add3A_525 = arith.addi %mul3A_523, %add3A_524 : i32
      %swap3A = arith.index_cast %add3A_525 : i32 to index
      %swap3A_526 = tpu.vector_load %arg7[%swap3A] {strides = array<i32>} : memref<102400xf32, #tpu.memory_space<vmem>>, vector<16xf32>,
      tpu.vector_store %arg7[%swap3A], %broadcast_in_dim3A_0 {strides = array<i32>} : memref<102400xf32, #tpu.memory_space<vmem>>, vector<16xf32>,
      %add3A_527 = arith.constant 16 : i32
      %add3A_528 = arith.addi %mul3A_523, %add3A_527 : i32
      %swap3A_529 = arith.index_cast %add3A_528 : i32 to index
      %swap3A_530 = tpu.vector_load %arg7[%swap3A_529] {strides = array<i32>} : memref<102400xf32, #tpu.memory_space<vmem>>, vector<16xf32>,
      tpu.vector_store %arg7[%swap3A_529], %broadcast_in_dim3A_0 {strides = array<i32>} : memref<102400xf32, #tpu.memory_space<vmem>>, vector<16xf32>,
      %add3A_531 = arith.constant 32 : i32
      %add3A_532 = arith.addi %mul3A_523, %add3A_531 : i32
      %swap3A_533 = arith.index_cast %add3A_532 : i32 to index
      %swap3A_534 = tpu.vector_load %arg7[%swap3A_533] {strides = array<i32>} : memref<102400xf32, #tpu.memory_space<vmem>>, vector<16xf32>,
      tpu.vector_store %arg7[%swap3A_533], %broadcast_in_dim3A_0 {strides = array<i32>} : memref<102400xf32, #tpu.memory_space<vmem>>, vector<16xf32>,
      %add3A_535 = arith.constant 48 : i32
      %add3A_536 = arith.addi %mul3A_523, %add3A_535 : i32
      %swap3A_537 = arith.index_cast %add3A_536 : i32 to index
      %swap3A_538 = tpu.vector_load %arg7[%swap3A_537] {strides = array<i32>} : memref<102400xf32, #tpu.memory_space<vmem>>, vector<16xf32>,
      tpu.vector_store %arg7[%swap3A_537], %broadcast_in_dim3A_0 {strides = array<i32>} : memref<102400xf32, #tpu.memory_space<vmem>>, vector<16xf32>,
      %add3A_539 = arith.constant 64 : i32
      %add3A_540 = arith.addi %mul3A_523, %add3A_539 : i32
      %swap3A_541 = arith.index_cast %add3A_540 : i32 to index
      %swap3A_542 = tpu.vector_load %arg7[%swap3A_541] {strides = array<i32>} : memref<102400xf32, #tpu.memory_space<vmem>>, vector<16xf32>,
      tpu.vector_store %arg7[%swap3A_541], %broadcast_in_dim3A_0 {strides = array<i32>} : memref<102400xf32, #tpu.memory_space<vmem>>, vector<16xf32>,
      %add3A_543 = arith.constant 80 : i32
      %add3A_544 = arith.addi %mul3A_523, %add3A_543 : i32
      %swap3A_545 = arith.index_cast %add3A_544 : i32 to index
      %swap3A_546 = tpu.vector_load %arg7[%swap3A_545] {strides = array<i32>} : memref<102400xf32, #tpu.memory_space<vmem>>, vector<16xf32>,
      tpu.vector_store %arg7[%swap3A_545], %broadcast_in_dim3A_0 {strides = array<i32>} : memref<102400xf32, #tpu.memory_space<vmem>>, vector<16xf32>,
      %add3A_547 = arith.constant 96 : i32
      %add3A_548 = arith.addi %mul3A_523, %add3A_547 : i32
      %swap3A_549 = arith.index_cast %add3A_548 : i32 to index
      %swap3A_550 = tpu.vector_load %arg7[%swap3A_549] {strides = array<i32>} : memref<102400xf32, #tpu.memory_space<vmem>>, vector<16xf32>,
      tpu.vector_store %arg7[%swap3A_549], %broadcast_in_dim3A_0 {strides = array<i32>} : memref<102400xf32, #tpu.memory_space<vmem>>, vector<16xf32>,
      %add3A_551 = arith.constant 112 : i32
      %add3A_552 = arith.addi %mul3A_523, %add3A_551 : i32
      %swap3A_553 = arith.index_cast %add3A_552 : i32 to index
      %swap3A_554 = tpu.vector_load %arg7[%swap3A_553] {strides = array<i32>} : memref<102400xf32, #tpu.memory_space<vmem>>, vector<16xf32>,
      tpu.vector_store %arg7[%swap3A_553], %broadcast_in_dim3A_0 {strides = array<i32>} : memref<102400xf32, #tpu.memory_space<vmem>>, vector<16xf32>,
      %scan3A_555 = arith.constant 0 : i32
      scf.yield %scan3A_555 : i32
    }
    %scan3A_404 = arith.constant 800 : i32
    %mul3A_405 = arith.constant 20000 : i32
    %mul3A_406 = arith.muli %add3A_393, %mul3A_405 : i32
    %add3A_407 = arith.constant 0 : i32
    %add3A_408 = arith.addi %mul3A_406, %add3A_407 : i32
    "tpu.region"() ({
      %run_scoped3A = tpu.sem_alloc : memref<!tpu.dma_semaphore, #tpu.memory_space<semaphore_mem>>
      %dma_start3A = tpu.memref_slice %arg2[%add3A_408] : memref<160000xi32, #tpu.memory_space<hbm>> -> memref<2000xi32, #tpu.memory_space<hbm>>
      %dma_start3A_520 = tpu.memref_slice %arg2[%add3A_408] : memref<160000xi32, #tpu.memory_space<hbm>> -> memref<2000xi32, #tpu.memory_space<hbm>>
      tpu.enqueue_dma source(%dma_start3A_520 : memref<2000xi32, #tpu.memory_space<hbm>>) target(%arg5 : memref<2000xi32, #tpu.memory_space<vmem>>) target_semaphore(%run_scoped3A : memref<!tpu.dma_semaphore, #tpu.memory_space<semaphore_mem>>)
      %dma_wait3A = tpu.memref_slice %arg2[%add3A_408] : memref<160000xi32, #tpu.memory_space<hbm>> -> memref<2000xi32, #tpu.memory_space<hbm>>
      %dma_wait3A_521 = tpu.memref_slice %arg2[%add3A_408] : memref<160000xi32, #tpu.memory_space<hbm>> -> memref<2000xi32, #tpu.memory_space<hbm>>
      tpu.wait_dma2 semaphore(%run_scoped3A : memref<!tpu.dma_semaphore, #tpu.memory_space<semaphore_mem>>) src(%dma_wait3A_521 : memref<2000xi32, #tpu.memory_space<hbm>>) dst(%arg5 : memref<2000xi32, #tpu.memory_space<vmem>>)
      tpu.yield
    }) : () -> ()
    "tpu.region"() ({
      %run_scoped3A = tpu.sem_alloc : memref<!tpu.dma_semaphore, #tpu.memory_space<semaphore_mem>>
      %dma_start3A = tpu.memref_slice %arg3[%add3A_408] : memref<160000xi32, #tpu.memory_space<hbm>> -> memref<2000xi32, #tpu.memory_space<hbm>>
      %dma_start3A_520 = tpu.memref_slice %arg3[%add3A_408] : memref<160000xi32, #tpu.memory_space<hbm>> -> memref<2000xi32, #tpu.memory_space<hbm>>
      tpu.enqueue_dma source(%dma_start3A_520 : memref<2000xi32, #tpu.memory_space<hbm>>) target(%arg6 : memref<2000xi32, #tpu.memory_space<vmem>>) target_semaphore(%run_scoped3A : memref<!tpu.dma_semaphore, #tpu.memory_space<semaphore_mem>>)
      %dma_wait3A = tpu.memref_slice %arg3[%add3A_408] : memref<160000xi32, #tpu.memory_space<hbm>> -> memref<2000xi32, #tpu.memory_space<hbm>>
      %dma_wait3A_521 = tpu.memref_slice %arg3[%add3A_408] : memref<160000xi32, #tpu.memory_space<hbm>> -> memref<2000xi32, #tpu.memory_space<hbm>>
      tpu.wait_dma2 semaphore(%run_scoped3A : memref<!tpu.dma_semaphore, #tpu.memory_space<semaphore_mem>>) src(%dma_wait3A_521 : memref<2000xi32, #tpu.memory_space<hbm>>) dst(%arg6 : memref<2000xi32, #tpu.memory_space<vmem>>)
      tpu.yield
    }) : () -> ()
    %scan3A_409 = arith.constant 0 : i32
    %scan3A_410 = arith.constant 0 : i32
    %scan3A_411 = arith.constant 125 : i32
    %scan3A_412 = arith.addi %scan3A_410, %scan3A_411 : i32
    %scan3A_413 = arith.constant 1 : i32
    %scan3A_414 = scf.for %scan3A_520 = %scan3A_410 to %scan3A_412 step %scan3A_413 iter_args(%scan3A_521 = %scan3A_409) -> (i32)  : i32 {
      %mul3A_522 = arith.constant 16 : i32
      %mul3A_523 = arith.muli %scan3A_520, %mul3A_522 : i32
      %get3A = arith.index_cast %mul3A_523 : i32 to index
      %get3A_524 = tpu.vector_load %arg5[%get3A] {strides = array<i32>} : memref<2000xi32, #tpu.memory_space<vmem>>, vector<16xi32>,
      %sub3A = vector.broadcast %mul3A_395 : i32 to vector<16xi32>
      %sub3A_525 = arith.subi %get3A_524, %sub3A : vector<16xi32>
      %mul3A_526 = arith.constant 16 : i32
      %mul3A_527 = arith.muli %scan3A_520, %mul3A_526 : i32
      %get3A_528 = arith.index_cast %mul3A_527 : i32 to index
      %get3A_529 = tpu.vector_load %arg6[%get3A_528] {strides = array<i32>} : memref<2000xi32, #tpu.memory_space<vmem>>, vector<16xi32>,
      %sub3A_530 = vector.broadcast %mul3A_395 : i32 to vector<16xi32>
      %sub3A_531 = arith.subi %get3A_529, %sub3A_530 : vector<16xi32>
      %sub3A_532 = vector.broadcast %mul3A_397 : i32 to vector<16xi32>
      %sub3A_533 = arith.subi %sub3A_531, %sub3A_532 : vector<16xi32>
      %ge3A = arith.constant 0 : i32
      %ge3A_534 = vector.broadcast %ge3A : i32 to vector<16xi32>
      %ge3A_535 = arith.cmpi sge, %sub3A_533, %ge3A_534 : vector<16xi32>
      %lt3A = arith.constant 80 : i32
      %lt3A_536 = vector.broadcast %lt3A : i32 to vector<16xi32>
      %lt3A_537 = arith.cmpi slt, %sub3A_533, %lt3A_536 : vector<16xi32>
      %and3A = arith.andi %ge3A_535, %lt3A_537 : vector<16xi1>
      %mul3A_538 = arith.constant 1280 : i32
      %mul3A_539 = vector.broadcast %mul3A_538 : i32 to vector<16xi32>
      %mul3A_540 = arith.muli %sub3A_533, %mul3A_539 : vector<16xi32>
      %add3A_541 = arith.addi %mul3A_540, %sub3A_525 : vector<16xi32>
      %jit3A = arith.constant 0 : i32
      %broadcast_in_dim3A_542 = vector.broadcast %jit3A : i32 to vector<16xi32>
      %select_n3A = arith.select %and3A, %add3A_541, %broadcast_in_dim3A_542 : vector<16xi1>, vector<16xi32>
      tpu.vector_store_idx %arg7[%select_n3A], %broadcast_in_dim3A_2 masked %and3A {add = true} : memref<102400xf32, #tpu.memory_space<vmem>>[vector<16xi32>], vector<16xf32>, vector<16xi1>
      %scan3A_543 = arith.constant 0 : i32
      scf.yield %scan3A_543 : i32
    }
    %scan3A_415 = arith.constant 125 : i32
    %mul3A_416 = arith.constant 20000 : i32
    %mul3A_417 = arith.muli %add3A_393, %mul3A_416 : i32
    %add3A_418 = arith.constant 2000 : i32
    %add3A_419 = arith.addi %mul3A_417, %add3A_418 : i32
    "tpu.region"() ({
      %run_scoped3A = tpu.sem_alloc : memref<!tpu.dma_semaphore, #tpu.memory_space<semaphore_mem>>
      %dma_start3A = tpu.memref_slice %arg2[%add3A_419] : memref<160000xi32, #tpu.memory_space<hbm>> -> memref<2000xi32, #tpu.memory_space<hbm>>
      %dma_start3A_520 = tpu.memref_slice %arg2[%add3A_419] : memref<160000xi32, #tpu.memory_space<hbm>> -> memref<2000xi32, #tpu.memory_space<hbm>>
      tpu.enqueue_dma source(%dma_start3A_520 : memref<2000xi32, #tpu.memory_space<hbm>>) target(%arg5 : memref<2000xi32, #tpu.memory_space<vmem>>) target_semaphore(%run_scoped3A : memref<!tpu.dma_semaphore, #tpu.memory_space<semaphore_mem>>)
      %dma_wait3A = tpu.memref_slice %arg2[%add3A_419] : memref<160000xi32, #tpu.memory_space<hbm>> -> memref<2000xi32, #tpu.memory_space<hbm>>
      %dma_wait3A_521 = tpu.memref_slice %arg2[%add3A_419] : memref<160000xi32, #tpu.memory_space<hbm>> -> memref<2000xi32, #tpu.memory_space<hbm>>
      tpu.wait_dma2 semaphore(%run_scoped3A : memref<!tpu.dma_semaphore, #tpu.memory_space<semaphore_mem>>) src(%dma_wait3A_521 : memref<2000xi32, #tpu.memory_space<hbm>>) dst(%arg5 : memref<2000xi32, #tpu.memory_space<vmem>>)
      tpu.yield
    }) : () -> ()
    "tpu.region"() ({
      %run_scoped3A = tpu.sem_alloc : memref<!tpu.dma_semaphore, #tpu.memory_space<semaphore_mem>>
      %dma_start3A = tpu.memref_slice %arg3[%add3A_419] : memref<160000xi32, #tpu.memory_space<hbm>> -> memref<2000xi32, #tpu.memory_space<hbm>>
      %dma_start3A_520 = tpu.memref_slice %arg3[%add3A_419] : memref<160000xi32, #tpu.memory_space<hbm>> -> memref<2000xi32, #tpu.memory_space<hbm>>
      tpu.enqueue_dma source(%dma_start3A_520 : memref<2000xi32, #tpu.memory_space<hbm>>) target(%arg6 : memref<2000xi32, #tpu.memory_space<vmem>>) target_semaphore(%run_scoped3A : memref<!tpu.dma_semaphore, #tpu.memory_space<semaphore_mem>>)
      %dma_wait3A = tpu.memref_slice %arg3[%add3A_419] : memref<160000xi32, #tpu.memory_space<hbm>> -> memref<2000xi32, #tpu.memory_space<hbm>>
      %dma_wait3A_521 = tpu.memref_slice %arg3[%add3A_419] : memref<160000xi32, #tpu.memory_space<hbm>> -> memref<2000xi32, #tpu.memory_space<hbm>>
      tpu.wait_dma2 semaphore(%run_scoped3A : memref<!tpu.dma_semaphore, #tpu.memory_space<semaphore_mem>>) src(%dma_wait3A_521 : memref<2000xi32, #tpu.memory_space<hbm>>) dst(%arg6 : memref<2000xi32, #tpu.memory_space<vmem>>)
      tpu.yield
    }) : () -> ()
    %scan3A_420 = arith.constant 0 : i32
    %scan3A_421 = arith.constant 0 : i32
    %scan3A_422 = arith.constant 125 : i32
    %scan3A_423 = arith.addi %scan3A_421, %scan3A_422 : i32
    %scan3A_424 = arith.constant 1 : i32
    %scan3A_425 = scf.for %scan3A_520 = %scan3A_421 to %scan3A_423 step %scan3A_424 iter_args(%scan3A_521 = %scan3A_420) -> (i32)  : i32 {
      %mul3A_522 = arith.constant 16 : i32
      %mul3A_523 = arith.muli %scan3A_520, %mul3A_522 : i32
      %get3A = arith.index_cast %mul3A_523 : i32 to index
      %get3A_524 = tpu.vector_load %arg5[%get3A] {strides = array<i32>} : memref<2000xi32, #tpu.memory_space<vmem>>, vector<16xi32>,
      %sub3A = vector.broadcast %mul3A_395 : i32 to vector<16xi32>
      %sub3A_525 = arith.subi %get3A_524, %sub3A : vector<16xi32>
      %mul3A_526 = arith.constant 16 : i32
      %mul3A_527 = arith.muli %scan3A_520, %mul3A_526 : i32
      %get3A_528 = arith.index_cast %mul3A_527 : i32 to index
      %get3A_529 = tpu.vector_load %arg6[%get3A_528] {strides = array<i32>} : memref<2000xi32, #tpu.memory_space<vmem>>, vector<16xi32>,
      %sub3A_530 = vector.broadcast %mul3A_395 : i32 to vector<16xi32>
      %sub3A_531 = arith.subi %get3A_529, %sub3A_530 : vector<16xi32>
      %sub3A_532 = vector.broadcast %mul3A_397 : i32 to vector<16xi32>
      %sub3A_533 = arith.subi %sub3A_531, %sub3A_532 : vector<16xi32>
      %ge3A = arith.constant 0 : i32
      %ge3A_534 = vector.broadcast %ge3A : i32 to vector<16xi32>
      %ge3A_535 = arith.cmpi sge, %sub3A_533, %ge3A_534 : vector<16xi32>
      %lt3A = arith.constant 80 : i32
      %lt3A_536 = vector.broadcast %lt3A : i32 to vector<16xi32>
      %lt3A_537 = arith.cmpi slt, %sub3A_533, %lt3A_536 : vector<16xi32>
      %and3A = arith.andi %ge3A_535, %lt3A_537 : vector<16xi1>
      %mul3A_538 = arith.constant 1280 : i32
      %mul3A_539 = vector.broadcast %mul3A_538 : i32 to vector<16xi32>
      %mul3A_540 = arith.muli %sub3A_533, %mul3A_539 : vector<16xi32>
      %add3A_541 = arith.addi %mul3A_540, %sub3A_525 : vector<16xi32>
      %jit3A = arith.constant 0 : i32
      %broadcast_in_dim3A_542 = vector.broadcast %jit3A : i32 to vector<16xi32>
      %select_n3A = arith.select %and3A, %add3A_541, %broadcast_in_dim3A_542 : vector<16xi1>, vector<16xi32>
      tpu.vector_store_idx %arg7[%select_n3A], %broadcast_in_dim3A_2 masked %and3A {add = true} : memref<102400xf32, #tpu.memory_space<vmem>>[vector<16xi32>], vector<16xf32>, vector<16xi1>
      %scan3A_543 = arith.constant 0 : i32
      scf.yield %scan3A_543 : i32
    }
    %scan3A_426 = arith.constant 125 : i32
    %mul3A_427 = arith.constant 20000 : i32
    %mul3A_428 = arith.muli %add3A_393, %mul3A_427 : i32
    %add3A_429 = arith.constant 4000 : i32
    %add3A_430 = arith.addi %mul3A_428, %add3A_429 : i32
    "tpu.region"() ({
      %run_scoped3A = tpu.sem_alloc : memref<!tpu.dma_semaphore, #tpu.memory_space<semaphore_mem>>
      %dma_start3A = tpu.memref_slice %arg2[%add3A_430] : memref<160000xi32, #tpu.memory_space<hbm>> -> memref<2000xi32, #tpu.memory_space<hbm>>
      %dma_start3A_520 = tpu.memref_slice %arg2[%add3A_430] : memref<160000xi32, #tpu.memory_space<hbm>> -> memref<2000xi32, #tpu.memory_space<hbm>>
      tpu.enqueue_dma source(%dma_start3A_520 : memref<2000xi32, #tpu.memory_space<hbm>>) target(%arg5 : memref<2000xi32, #tpu.memory_space<vmem>>) target_semaphore(%run_scoped3A : memref<!tpu.dma_semaphore, #tpu.memory_space<semaphore_mem>>)
      %dma_wait3A = tpu.memref_slice %arg2[%add3A_430] : memref<160000xi32, #tpu.memory_space<hbm>> -> memref<2000xi32, #tpu.memory_space<hbm>>
      %dma_wait3A_521 = tpu.memref_slice %arg2[%add3A_430] : memref<160000xi32, #tpu.memory_space<hbm>> -> memref<2000xi32, #tpu.memory_space<hbm>>
      tpu.wait_dma2 semaphore(%run_scoped3A : memref<!tpu.dma_semaphore, #tpu.memory_space<semaphore_mem>>) src(%dma_wait3A_521 : memref<2000xi32, #tpu.memory_space<hbm>>) dst(%arg5 : memref<2000xi32, #tpu.memory_space<vmem>>)
      tpu.yield
    }) : () -> ()
    "tpu.region"() ({
      %run_scoped3A = tpu.sem_alloc : memref<!tpu.dma_semaphore, #tpu.memory_space<semaphore_mem>>
      %dma_start3A = tpu.memref_slice %arg3[%add3A_430] : memref<160000xi32, #tpu.memory_space<hbm>> -> memref<2000xi32, #tpu.memory_space<hbm>>
      %dma_start3A_520 = tpu.memref_slice %arg3[%add3A_430] : memref<160000xi32, #tpu.memory_space<hbm>> -> memref<2000xi32, #tpu.memory_space<hbm>>
      tpu.enqueue_dma source(%dma_start3A_520 : memref<2000xi32, #tpu.memory_space<hbm>>) target(%arg6 : memref<2000xi32, #tpu.memory_space<vmem>>) target_semaphore(%run_scoped3A : memref<!tpu.dma_semaphore, #tpu.memory_space<semaphore_mem>>)
      %dma_wait3A = tpu.memref_slice %arg3[%add3A_430] : memref<160000xi32, #tpu.memory_space<hbm>> -> memref<2000xi32, #tpu.memory_space<hbm>>
      %dma_wait3A_521 = tpu.memref_slice %arg3[%add3A_430] : memref<160000xi32, #tpu.memory_space<hbm>> -> memref<2000xi32, #tpu.memory_space<hbm>>
      tpu.wait_dma2 semaphore(%run_scoped3A : memref<!tpu.dma_semaphore, #tpu.memory_space<semaphore_mem>>) src(%dma_wait3A_521 : memref<2000xi32, #tpu.memory_space<hbm>>) dst(%arg6 : memref<2000xi32, #tpu.memory_space<vmem>>)
      tpu.yield
    }) : () -> ()
    %scan3A_431 = arith.constant 0 : i32
    %scan3A_432 = arith.constant 0 : i32
    %scan3A_433 = arith.constant 125 : i32
    %scan3A_434 = arith.addi %scan3A_432, %scan3A_433 : i32
    %scan3A_435 = arith.constant 1 : i32
    %scan3A_436 = scf.for %scan3A_520 = %scan3A_432 to %scan3A_434 step %scan3A_435 iter_args(%scan3A_521 = %scan3A_431) -> (i32)  : i32 {
      %mul3A_522 = arith.constant 16 : i32
      %mul3A_523 = arith.muli %scan3A_520, %mul3A_522 : i32
      %get3A = arith.index_cast %mul3A_523 : i32 to index
      %get3A_524 = tpu.vector_load %arg5[%get3A] {strides = array<i32>} : memref<2000xi32, #tpu.memory_space<vmem>>, vector<16xi32>,
      %sub3A = vector.broadcast %mul3A_395 : i32 to vector<16xi32>
      %sub3A_525 = arith.subi %get3A_524, %sub3A : vector<16xi32>
      %mul3A_526 = arith.constant 16 : i32
      %mul3A_527 = arith.muli %scan3A_520, %mul3A_526 : i32
      %get3A_528 = arith.index_cast %mul3A_527 : i32 to index
      %get3A_529 = tpu.vector_load %arg6[%get3A_528] {strides = array<i32>} : memref<2000xi32, #tpu.memory_space<vmem>>, vector<16xi32>,
      %sub3A_530 = vector.broadcast %mul3A_395 : i32 to vector<16xi32>
      %sub3A_531 = arith.subi %get3A_529, %sub3A_530 : vector<16xi32>
      %sub3A_532 = vector.broadcast %mul3A_397 : i32 to vector<16xi32>
      %sub3A_533 = arith.subi %sub3A_531, %sub3A_532 : vector<16xi32>
      %ge3A = arith.constant 0 : i32
      %ge3A_534 = vector.broadcast %ge3A : i32 to vector<16xi32>
      %ge3A_535 = arith.cmpi sge, %sub3A_533, %ge3A_534 : vector<16xi32>
      %lt3A = arith.constant 80 : i32
      %lt3A_536 = vector.broadcast %lt3A : i32 to vector<16xi32>
      %lt3A_537 = arith.cmpi slt, %sub3A_533, %lt3A_536 : vector<16xi32>
      %and3A = arith.andi %ge3A_535, %lt3A_537 : vector<16xi1>
      %mul3A_538 = arith.constant 1280 : i32
      %mul3A_539 = vector.broadcast %mul3A_538 : i32 to vector<16xi32>
      %mul3A_540 = arith.muli %sub3A_533, %mul3A_539 : vector<16xi32>
      %add3A_541 = arith.addi %mul3A_540, %sub3A_525 : vector<16xi32>
      %jit3A = arith.constant 0 : i32
      %broadcast_in_dim3A_542 = vector.broadcast %jit3A : i32 to vector<16xi32>
      %select_n3A = arith.select %and3A, %add3A_541, %broadcast_in_dim3A_542 : vector<16xi1>, vector<16xi32>
      tpu.vector_store_idx %arg7[%select_n3A], %broadcast_in_dim3A_2 masked %and3A {add = true} : memref<102400xf32, #tpu.memory_space<vmem>>[vector<16xi32>], vector<16xf32>, vector<16xi1>
      %scan3A_543 = arith.constant 0 : i32
      scf.yield %scan3A_543 : i32
    }
    %scan3A_437 = arith.constant 125 : i32
    %mul3A_438 = arith.constant 20000 : i32
    %mul3A_439 = arith.muli %add3A_393, %mul3A_438 : i32
    %add3A_440 = arith.constant 6000 : i32
    %add3A_441 = arith.addi %mul3A_439, %add3A_440 : i32
    "tpu.region"() ({
      %run_scoped3A = tpu.sem_alloc : memref<!tpu.dma_semaphore, #tpu.memory_space<semaphore_mem>>
      %dma_start3A = tpu.memref_slice %arg2[%add3A_441] : memref<160000xi32, #tpu.memory_space<hbm>> -> memref<2000xi32, #tpu.memory_space<hbm>>
      %dma_start3A_520 = tpu.memref_slice %arg2[%add3A_441] : memref<160000xi32, #tpu.memory_space<hbm>> -> memref<2000xi32, #tpu.memory_space<hbm>>
      tpu.enqueue_dma source(%dma_start3A_520 : memref<2000xi32, #tpu.memory_space<hbm>>) target(%arg5 : memref<2000xi32, #tpu.memory_space<vmem>>) target_semaphore(%run_scoped3A : memref<!tpu.dma_semaphore, #tpu.memory_space<semaphore_mem>>)
      %dma_wait3A = tpu.memref_slice %arg2[%add3A_441] : memref<160000xi32, #tpu.memory_space<hbm>> -> memref<2000xi32, #tpu.memory_space<hbm>>
      %dma_wait3A_521 = tpu.memref_slice %arg2[%add3A_441] : memref<160000xi32, #tpu.memory_space<hbm>> -> memref<2000xi32, #tpu.memory_space<hbm>>
      tpu.wait_dma2 semaphore(%run_scoped3A : memref<!tpu.dma_semaphore, #tpu.memory_space<semaphore_mem>>) src(%dma_wait3A_521 : memref<2000xi32, #tpu.memory_space<hbm>>) dst(%arg5 : memref<2000xi32, #tpu.memory_space<vmem>>)
      tpu.yield
    }) : () -> ()
    "tpu.region"() ({
      %run_scoped3A = tpu.sem_alloc : memref<!tpu.dma_semaphore, #tpu.memory_space<semaphore_mem>>
      %dma_start3A = tpu.memref_slice %arg3[%add3A_441] : memref<160000xi32, #tpu.memory_space<hbm>> -> memref<2000xi32, #tpu.memory_space<hbm>>
      %dma_start3A_520 = tpu.memref_slice %arg3[%add3A_441] : memref<160000xi32, #tpu.memory_space<hbm>> -> memref<2000xi32, #tpu.memory_space<hbm>>
      tpu.enqueue_dma source(%dma_start3A_520 : memref<2000xi32, #tpu.memory_space<hbm>>) target(%arg6 : memref<2000xi32, #tpu.memory_space<vmem>>) target_semaphore(%run_scoped3A : memref<!tpu.dma_semaphore, #tpu.memory_space<semaphore_mem>>)
      %dma_wait3A = tpu.memref_slice %arg3[%add3A_441] : memref<160000xi32, #tpu.memory_space<hbm>> -> memref<2000xi32, #tpu.memory_space<hbm>>
      %dma_wait3A_521 = tpu.memref_slice %arg3[%add3A_441] : memref<160000xi32, #tpu.memory_space<hbm>> -> memref<2000xi32, #tpu.memory_space<hbm>>
      tpu.wait_dma2 semaphore(%run_scoped3A : memref<!tpu.dma_semaphore, #tpu.memory_space<semaphore_mem>>) src(%dma_wait3A_521 : memref<2000xi32, #tpu.memory_space<hbm>>) dst(%arg6 : memref<2000xi32, #tpu.memory_space<vmem>>)
      tpu.yield
    }) : () -> ()
    %scan3A_442 = arith.constant 0 : i32
    %scan3A_443 = arith.constant 0 : i32
    %scan3A_444 = arith.constant 125 : i32
    %scan3A_445 = arith.addi %scan3A_443, %scan3A_444 : i32
    %scan3A_446 = arith.constant 1 : i32
    %scan3A_447 = scf.for %scan3A_520 = %scan3A_443 to %scan3A_445 step %scan3A_446 iter_args(%scan3A_521 = %scan3A_442) -> (i32)  : i32 {
      %mul3A_522 = arith.constant 16 : i32
      %mul3A_523 = arith.muli %scan3A_520, %mul3A_522 : i32
      %get3A = arith.index_cast %mul3A_523 : i32 to index
      %get3A_524 = tpu.vector_load %arg5[%get3A] {strides = array<i32>} : memref<2000xi32, #tpu.memory_space<vmem>>, vector<16xi32>,
      %sub3A = vector.broadcast %mul3A_395 : i32 to vector<16xi32>
      %sub3A_525 = arith.subi %get3A_524, %sub3A : vector<16xi32>
      %mul3A_526 = arith.constant 16 : i32
      %mul3A_527 = arith.muli %scan3A_520, %mul3A_526 : i32
      %get3A_528 = arith.index_cast %mul3A_527 : i32 to index
      %get3A_529 = tpu.vector_load %arg6[%get3A_528] {strides = array<i32>} : memref<2000xi32, #tpu.memory_space<vmem>>, vector<16xi32>,
      %sub3A_530 = vector.broadcast %mul3A_395 : i32 to vector<16xi32>
      %sub3A_531 = arith.subi %get3A_529, %sub3A_530 : vector<16xi32>
      %sub3A_532 = vector.broadcast %mul3A_397 : i32 to vector<16xi32>
      %sub3A_533 = arith.subi %sub3A_531, %sub3A_532 : vector<16xi32>
      %ge3A = arith.constant 0 : i32
      %ge3A_534 = vector.broadcast %ge3A : i32 to vector<16xi32>
      %ge3A_535 = arith.cmpi sge, %sub3A_533, %ge3A_534 : vector<16xi32>
      %lt3A = arith.constant 80 : i32
      %lt3A_536 = vector.broadcast %lt3A : i32 to vector<16xi32>
      %lt3A_537 = arith.cmpi slt, %sub3A_533, %lt3A_536 : vector<16xi32>
      %and3A = arith.andi %ge3A_535, %lt3A_537 : vector<16xi1>
      %mul3A_538 = arith.constant 1280 : i32
      %mul3A_539 = vector.broadcast %mul3A_538 : i32 to vector<16xi32>
      %mul3A_540 = arith.muli %sub3A_533, %mul3A_539 : vector<16xi32>
      %add3A_541 = arith.addi %mul3A_540, %sub3A_525 : vector<16xi32>
      %jit3A = arith.constant 0 : i32
      %broadcast_in_dim3A_542 = vector.broadcast %jit3A : i32 to vector<16xi32>
      %select_n3A = arith.select %and3A, %add3A_541, %broadcast_in_dim3A_542 : vector<16xi1>, vector<16xi32>
      tpu.vector_store_idx %arg7[%select_n3A], %broadcast_in_dim3A_2 masked %and3A {add = true} : memref<102400xf32, #tpu.memory_space<vmem>>[vector<16xi32>], vector<16xf32>, vector<16xi1>
      %scan3A_543 = arith.constant 0 : i32
      scf.yield %scan3A_543 : i32
    }
    %scan3A_448 = arith.constant 125 : i32
    %mul3A_449 = arith.constant 20000 : i32
    %mul3A_450 = arith.muli %add3A_393, %mul3A_449 : i32
    %add3A_451 = arith.constant 8000 : i32
    %add3A_452 = arith.addi %mul3A_450, %add3A_451 : i32
    "tpu.region"() ({
      %run_scoped3A = tpu.sem_alloc : memref<!tpu.dma_semaphore, #tpu.memory_space<semaphore_mem>>
      %dma_start3A = tpu.memref_slice %arg2[%add3A_452] : memref<160000xi32, #tpu.memory_space<hbm>> -> memref<2000xi32, #tpu.memory_space<hbm>>
      %dma_start3A_520 = tpu.memref_slice %arg2[%add3A_452] : memref<160000xi32, #tpu.memory_space<hbm>> -> memref<2000xi32, #tpu.memory_space<hbm>>
      tpu.enqueue_dma source(%dma_start3A_520 : memref<2000xi32, #tpu.memory_space<hbm>>) target(%arg5 : memref<2000xi32, #tpu.memory_space<vmem>>) target_semaphore(%run_scoped3A : memref<!tpu.dma_semaphore, #tpu.memory_space<semaphore_mem>>)
      %dma_wait3A = tpu.memref_slice %arg2[%add3A_452] : memref<160000xi32, #tpu.memory_space<hbm>> -> memref<2000xi32, #tpu.memory_space<hbm>>
      %dma_wait3A_521 = tpu.memref_slice %arg2[%add3A_452] : memref<160000xi32, #tpu.memory_space<hbm>> -> memref<2000xi32, #tpu.memory_space<hbm>>
      tpu.wait_dma2 semaphore(%run_scoped3A : memref<!tpu.dma_semaphore, #tpu.memory_space<semaphore_mem>>) src(%dma_wait3A_521 : memref<2000xi32, #tpu.memory_space<hbm>>) dst(%arg5 : memref<2000xi32, #tpu.memory_space<vmem>>)
      tpu.yield
    }) : () -> ()
    "tpu.region"() ({
      %run_scoped3A = tpu.sem_alloc : memref<!tpu.dma_semaphore, #tpu.memory_space<semaphore_mem>>
      %dma_start3A = tpu.memref_slice %arg3[%add3A_452] : memref<160000xi32, #tpu.memory_space<hbm>> -> memref<2000xi32, #tpu.memory_space<hbm>>
      %dma_start3A_520 = tpu.memref_slice %arg3[%add3A_452] : memref<160000xi32, #tpu.memory_space<hbm>> -> memref<2000xi32, #tpu.memory_space<hbm>>
      tpu.enqueue_dma source(%dma_start3A_520 : memref<2000xi32, #tpu.memory_space<hbm>>) target(%arg6 : memref<2000xi32, #tpu.memory_space<vmem>>) target_semaphore(%run_scoped3A : memref<!tpu.dma_semaphore, #tpu.memory_space<semaphore_mem>>)
      %dma_wait3A = tpu.memref_slice %arg3[%add3A_452] : memref<160000xi32, #tpu.memory_space<hbm>> -> memref<2000xi32, #tpu.memory_space<hbm>>
      %dma_wait3A_521 = tpu.memref_slice %arg3[%add3A_452] : memref<160000xi32, #tpu.memory_space<hbm>> -> memref<2000xi32, #tpu.memory_space<hbm>>
      tpu.wait_dma2 semaphore(%run_scoped3A : memref<!tpu.dma_semaphore, #tpu.memory_space<semaphore_mem>>) src(%dma_wait3A_521 : memref<2000xi32, #tpu.memory_space<hbm>>) dst(%arg6 : memref<2000xi32, #tpu.memory_space<vmem>>)
      tpu.yield
    }) : () -> ()
    %scan3A_453 = arith.constant 0 : i32
    %scan3A_454 = arith.constant 0 : i32
    %scan3A_455 = arith.constant 125 : i32
    %scan3A_456 = arith.addi %scan3A_454, %scan3A_455 : i32
    %scan3A_457 = arith.constant 1 : i32
    %scan3A_458 = scf.for %scan3A_520 = %scan3A_454 to %scan3A_456 step %scan3A_457 iter_args(%scan3A_521 = %scan3A_453) -> (i32)  : i32 {
      %mul3A_522 = arith.constant 16 : i32
      %mul3A_523 = arith.muli %scan3A_520, %mul3A_522 : i32
      %get3A = arith.index_cast %mul3A_523 : i32 to index
      %get3A_524 = tpu.vector_load %arg5[%get3A] {strides = array<i32>} : memref<2000xi32, #tpu.memory_space<vmem>>, vector<16xi32>,
      %sub3A = vector.broadcast %mul3A_395 : i32 to vector<16xi32>
      %sub3A_525 = arith.subi %get3A_524, %sub3A : vector<16xi32>
      %mul3A_526 = arith.constant 16 : i32
      %mul3A_527 = arith.muli %scan3A_520, %mul3A_526 : i32
      %get3A_528 = arith.index_cast %mul3A_527 : i32 to index
      %get3A_529 = tpu.vector_load %arg6[%get3A_528] {strides = array<i32>} : memref<2000xi32, #tpu.memory_space<vmem>>, vector<16xi32>,
      %sub3A_530 = vector.broadcast %mul3A_395 : i32 to vector<16xi32>
      %sub3A_531 = arith.subi %get3A_529, %sub3A_530 : vector<16xi32>
      %sub3A_532 = vector.broadcast %mul3A_397 : i32 to vector<16xi32>
      %sub3A_533 = arith.subi %sub3A_531, %sub3A_532 : vector<16xi32>
      %ge3A = arith.constant 0 : i32
      %ge3A_534 = vector.broadcast %ge3A : i32 to vector<16xi32>
      %ge3A_535 = arith.cmpi sge, %sub3A_533, %ge3A_534 : vector<16xi32>
      %lt3A = arith.constant 80 : i32
      %lt3A_536 = vector.broadcast %lt3A : i32 to vector<16xi32>
      %lt3A_537 = arith.cmpi slt, %sub3A_533, %lt3A_536 : vector<16xi32>
      %and3A = arith.andi %ge3A_535, %lt3A_537 : vector<16xi1>
      %mul3A_538 = arith.constant 1280 : i32
      %mul3A_539 = vector.broadcast %mul3A_538 : i32 to vector<16xi32>
      %mul3A_540 = arith.muli %sub3A_533, %mul3A_539 : vector<16xi32>
      %add3A_541 = arith.addi %mul3A_540, %sub3A_525 : vector<16xi32>
      %jit3A = arith.constant 0 : i32
      %broadcast_in_dim3A_542 = vector.broadcast %jit3A : i32 to vector<16xi32>
      %select_n3A = arith.select %and3A, %add3A_541, %broadcast_in_dim3A_542 : vector<16xi1>, vector<16xi32>
      tpu.vector_store_idx %arg7[%select_n3A], %broadcast_in_dim3A_2 masked %and3A {add = true} : memref<102400xf32, #tpu.memory_space<vmem>>[vector<16xi32>], vector<16xf32>, vector<16xi1>
      %scan3A_543 = arith.constant 0 : i32
      scf.yield %scan3A_543 : i32
    }
    %scan3A_459 = arith.constant 125 : i32
    %mul3A_460 = arith.constant 20000 : i32
    %mul3A_461 = arith.muli %add3A_393, %mul3A_460 : i32
    %add3A_462 = arith.constant 10000 : i32
    %add3A_463 = arith.addi %mul3A_461, %add3A_462 : i32
    "tpu.region"() ({
      %run_scoped3A = tpu.sem_alloc : memref<!tpu.dma_semaphore, #tpu.memory_space<semaphore_mem>>
      %dma_start3A = tpu.memref_slice %arg2[%add3A_463] : memref<160000xi32, #tpu.memory_space<hbm>> -> memref<2000xi32, #tpu.memory_space<hbm>>
      %dma_start3A_520 = tpu.memref_slice %arg2[%add3A_463] : memref<160000xi32, #tpu.memory_space<hbm>> -> memref<2000xi32, #tpu.memory_space<hbm>>
      tpu.enqueue_dma source(%dma_start3A_520 : memref<2000xi32, #tpu.memory_space<hbm>>) target(%arg5 : memref<2000xi32, #tpu.memory_space<vmem>>) target_semaphore(%run_scoped3A : memref<!tpu.dma_semaphore, #tpu.memory_space<semaphore_mem>>)
      %dma_wait3A = tpu.memref_slice %arg2[%add3A_463] : memref<160000xi32, #tpu.memory_space<hbm>> -> memref<2000xi32, #tpu.memory_space<hbm>>
      %dma_wait3A_521 = tpu.memref_slice %arg2[%add3A_463] : memref<160000xi32, #tpu.memory_space<hbm>> -> memref<2000xi32, #tpu.memory_space<hbm>>
      tpu.wait_dma2 semaphore(%run_scoped3A : memref<!tpu.dma_semaphore, #tpu.memory_space<semaphore_mem>>) src(%dma_wait3A_521 : memref<2000xi32, #tpu.memory_space<hbm>>) dst(%arg5 : memref<2000xi32, #tpu.memory_space<vmem>>)
      tpu.yield
    }) : () -> ()
    "tpu.region"() ({
      %run_scoped3A = tpu.sem_alloc : memref<!tpu.dma_semaphore, #tpu.memory_space<semaphore_mem>>
      %dma_start3A = tpu.memref_slice %arg3[%add3A_463] : memref<160000xi32, #tpu.memory_space<hbm>> -> memref<2000xi32, #tpu.memory_space<hbm>>
      %dma_start3A_520 = tpu.memref_slice %arg3[%add3A_463] : memref<160000xi32, #tpu.memory_space<hbm>> -> memref<2000xi32, #tpu.memory_space<hbm>>
      tpu.enqueue_dma source(%dma_start3A_520 : memref<2000xi32, #tpu.memory_space<hbm>>) target(%arg6 : memref<2000xi32, #tpu.memory_space<vmem>>) target_semaphore(%run_scoped3A : memref<!tpu.dma_semaphore, #tpu.memory_space<semaphore_mem>>)
      %dma_wait3A = tpu.memref_slice %arg3[%add3A_463] : memref<160000xi32, #tpu.memory_space<hbm>> -> memref<2000xi32, #tpu.memory_space<hbm>>
      %dma_wait3A_521 = tpu.memref_slice %arg3[%add3A_463] : memref<160000xi32, #tpu.memory_space<hbm>> -> memref<2000xi32, #tpu.memory_space<hbm>>
      tpu.wait_dma2 semaphore(%run_scoped3A : memref<!tpu.dma_semaphore, #tpu.memory_space<semaphore_mem>>) src(%dma_wait3A_521 : memref<2000xi32, #tpu.memory_space<hbm>>) dst(%arg6 : memref<2000xi32, #tpu.memory_space<vmem>>)
      tpu.yield
    }) : () -> ()
    %scan3A_464 = arith.constant 0 : i32
    %scan3A_465 = arith.constant 0 : i32
    %scan3A_466 = arith.constant 125 : i32
    %scan3A_467 = arith.addi %scan3A_465, %scan3A_466 : i32
    %scan3A_468 = arith.constant 1 : i32
    %scan3A_469 = scf.for %scan3A_520 = %scan3A_465 to %scan3A_467 step %scan3A_468 iter_args(%scan3A_521 = %scan3A_464) -> (i32)  : i32 {
      %mul3A_522 = arith.constant 16 : i32
      %mul3A_523 = arith.muli %scan3A_520, %mul3A_522 : i32
      %get3A = arith.index_cast %mul3A_523 : i32 to index
      %get3A_524 = tpu.vector_load %arg5[%get3A] {strides = array<i32>} : memref<2000xi32, #tpu.memory_space<vmem>>, vector<16xi32>,
      %sub3A = vector.broadcast %mul3A_395 : i32 to vector<16xi32>
      %sub3A_525 = arith.subi %get3A_524, %sub3A : vector<16xi32>
      %mul3A_526 = arith.constant 16 : i32
      %mul3A_527 = arith.muli %scan3A_520, %mul3A_526 : i32
      %get3A_528 = arith.index_cast %mul3A_527 : i32 to index
      %get3A_529 = tpu.vector_load %arg6[%get3A_528] {strides = array<i32>} : memref<2000xi32, #tpu.memory_space<vmem>>, vector<16xi32>,
      %sub3A_530 = vector.broadcast %mul3A_395 : i32 to vector<16xi32>
      %sub3A_531 = arith.subi %get3A_529, %sub3A_530 : vector<16xi32>
      %sub3A_532 = vector.broadcast %mul3A_397 : i32 to vector<16xi32>
      %sub3A_533 = arith.subi %sub3A_531, %sub3A_532 : vector<16xi32>
      %ge3A = arith.constant 0 : i32
      %ge3A_534 = vector.broadcast %ge3A : i32 to vector<16xi32>
      %ge3A_535 = arith.cmpi sge, %sub3A_533, %ge3A_534 : vector<16xi32>
      %lt3A = arith.constant 80 : i32
      %lt3A_536 = vector.broadcast %lt3A : i32 to vector<16xi32>
      %lt3A_537 = arith.cmpi slt, %sub3A_533, %lt3A_536 : vector<16xi32>
      %and3A = arith.andi %ge3A_535, %lt3A_537 : vector<16xi1>
      %mul3A_538 = arith.constant 1280 : i32
      %mul3A_539 = vector.broadcast %mul3A_538 : i32 to vector<16xi32>
      %mul3A_540 = arith.muli %sub3A_533, %mul3A_539 : vector<16xi32>
      %add3A_541 = arith.addi %mul3A_540, %sub3A_525 : vector<16xi32>
      %jit3A = arith.constant 0 : i32
      %broadcast_in_dim3A_542 = vector.broadcast %jit3A : i32 to vector<16xi32>
      %select_n3A = arith.select %and3A, %add3A_541, %broadcast_in_dim3A_542 : vector<16xi1>, vector<16xi32>
      tpu.vector_store_idx %arg7[%select_n3A], %broadcast_in_dim3A_2 masked %and3A {add = true} : memref<102400xf32, #tpu.memory_space<vmem>>[vector<16xi32>], vector<16xf32>, vector<16xi1>
      %scan3A_543 = arith.constant 0 : i32
      scf.yield %scan3A_543 : i32
    }
    %scan3A_470 = arith.constant 125 : i32
    %mul3A_471 = arith.constant 20000 : i32
    %mul3A_472 = arith.muli %add3A_393, %mul3A_471 : i32
    %add3A_473 = arith.constant 12000 : i32
    %add3A_474 = arith.addi %mul3A_472, %add3A_473 : i32
    "tpu.region"() ({
      %run_scoped3A = tpu.sem_alloc : memref<!tpu.dma_semaphore, #tpu.memory_space<semaphore_mem>>
      %dma_start3A = tpu.memref_slice %arg2[%add3A_474] : memref<160000xi32, #tpu.memory_space<hbm>> -> memref<2000xi32, #tpu.memory_space<hbm>>
      %dma_start3A_520 = tpu.memref_slice %arg2[%add3A_474] : memref<160000xi32, #tpu.memory_space<hbm>> -> memref<2000xi32, #tpu.memory_space<hbm>>
      tpu.enqueue_dma source(%dma_start3A_520 : memref<2000xi32, #tpu.memory_space<hbm>>) target(%arg5 : memref<2000xi32, #tpu.memory_space<vmem>>) target_semaphore(%run_scoped3A : memref<!tpu.dma_semaphore, #tpu.memory_space<semaphore_mem>>)
      %dma_wait3A = tpu.memref_slice %arg2[%add3A_474] : memref<160000xi32, #tpu.memory_space<hbm>> -> memref<2000xi32, #tpu.memory_space<hbm>>
      %dma_wait3A_521 = tpu.memref_slice %arg2[%add3A_474] : memref<160000xi32, #tpu.memory_space<hbm>> -> memref<2000xi32, #tpu.memory_space<hbm>>
      tpu.wait_dma2 semaphore(%run_scoped3A : memref<!tpu.dma_semaphore, #tpu.memory_space<semaphore_mem>>) src(%dma_wait3A_521 : memref<2000xi32, #tpu.memory_space<hbm>>) dst(%arg5 : memref<2000xi32, #tpu.memory_space<vmem>>)
      tpu.yield
    }) : () -> ()
    "tpu.region"() ({
      %run_scoped3A = tpu.sem_alloc : memref<!tpu.dma_semaphore, #tpu.memory_space<semaphore_mem>>
      %dma_start3A = tpu.memref_slice %arg3[%add3A_474] : memref<160000xi32, #tpu.memory_space<hbm>> -> memref<2000xi32, #tpu.memory_space<hbm>>
      %dma_start3A_520 = tpu.memref_slice %arg3[%add3A_474] : memref<160000xi32, #tpu.memory_space<hbm>> -> memref<2000xi32, #tpu.memory_space<hbm>>
      tpu.enqueue_dma source(%dma_start3A_520 : memref<2000xi32, #tpu.memory_space<hbm>>) target(%arg6 : memref<2000xi32, #tpu.memory_space<vmem>>) target_semaphore(%run_scoped3A : memref<!tpu.dma_semaphore, #tpu.memory_space<semaphore_mem>>)
      %dma_wait3A = tpu.memref_slice %arg3[%add3A_474] : memref<160000xi32, #tpu.memory_space<hbm>> -> memref<2000xi32, #tpu.memory_space<hbm>>
      %dma_wait3A_521 = tpu.memref_slice %arg3[%add3A_474] : memref<160000xi32, #tpu.memory_space<hbm>> -> memref<2000xi32, #tpu.memory_space<hbm>>
      tpu.wait_dma2 semaphore(%run_scoped3A : memref<!tpu.dma_semaphore, #tpu.memory_space<semaphore_mem>>) src(%dma_wait3A_521 : memref<2000xi32, #tpu.memory_space<hbm>>) dst(%arg6 : memref<2000xi32, #tpu.memory_space<vmem>>)
      tpu.yield
    }) : () -> ()
    %scan3A_475 = arith.constant 0 : i32
    %scan3A_476 = arith.constant 0 : i32
    %scan3A_477 = arith.constant 125 : i32
    %scan3A_478 = arith.addi %scan3A_476, %scan3A_477 : i32
    %scan3A_479 = arith.constant 1 : i32
    %scan3A_480 = scf.for %scan3A_520 = %scan3A_476 to %scan3A_478 step %scan3A_479 iter_args(%scan3A_521 = %scan3A_475) -> (i32)  : i32 {
      %mul3A_522 = arith.constant 16 : i32
      %mul3A_523 = arith.muli %scan3A_520, %mul3A_522 : i32
      %get3A = arith.index_cast %mul3A_523 : i32 to index
      %get3A_524 = tpu.vector_load %arg5[%get3A] {strides = array<i32>} : memref<2000xi32, #tpu.memory_space<vmem>>, vector<16xi32>,
      %sub3A = vector.broadcast %mul3A_395 : i32 to vector<16xi32>
      %sub3A_525 = arith.subi %get3A_524, %sub3A : vector<16xi32>
      %mul3A_526 = arith.constant 16 : i32
      %mul3A_527 = arith.muli %scan3A_520, %mul3A_526 : i32
      %get3A_528 = arith.index_cast %mul3A_527 : i32 to index
      %get3A_529 = tpu.vector_load %arg6[%get3A_528] {strides = array<i32>} : memref<2000xi32, #tpu.memory_space<vmem>>, vector<16xi32>,
      %sub3A_530 = vector.broadcast %mul3A_395 : i32 to vector<16xi32>
      %sub3A_531 = arith.subi %get3A_529, %sub3A_530 : vector<16xi32>
      %sub3A_532 = vector.broadcast %mul3A_397 : i32 to vector<16xi32>
      %sub3A_533 = arith.subi %sub3A_531, %sub3A_532 : vector<16xi32>
      %ge3A = arith.constant 0 : i32
      %ge3A_534 = vector.broadcast %ge3A : i32 to vector<16xi32>
      %ge3A_535 = arith.cmpi sge, %sub3A_533, %ge3A_534 : vector<16xi32>
      %lt3A = arith.constant 80 : i32
      %lt3A_536 = vector.broadcast %lt3A : i32 to vector<16xi32>
      %lt3A_537 = arith.cmpi slt, %sub3A_533, %lt3A_536 : vector<16xi32>
      %and3A = arith.andi %ge3A_535, %lt3A_537 : vector<16xi1>
      %mul3A_538 = arith.constant 1280 : i32
      %mul3A_539 = vector.broadcast %mul3A_538 : i32 to vector<16xi32>
      %mul3A_540 = arith.muli %sub3A_533, %mul3A_539 : vector<16xi32>
      %add3A_541 = arith.addi %mul3A_540, %sub3A_525 : vector<16xi32>
      %jit3A = arith.constant 0 : i32
      %broadcast_in_dim3A_542 = vector.broadcast %jit3A : i32 to vector<16xi32>
      %select_n3A = arith.select %and3A, %add3A_541, %broadcast_in_dim3A_542 : vector<16xi1>, vector<16xi32>
      tpu.vector_store_idx %arg7[%select_n3A], %broadcast_in_dim3A_2 masked %and3A {add = true} : memref<102400xf32, #tpu.memory_space<vmem>>[vector<16xi32>], vector<16xf32>, vector<16xi1>
      %scan3A_543 = arith.constant 0 : i32
      scf.yield %scan3A_543 : i32
    }
    %scan3A_481 = arith.constant 125 : i32
    %mul3A_482 = arith.constant 20000 : i32
    %mul3A_483 = arith.muli %add3A_393, %mul3A_482 : i32
    %add3A_484 = arith.constant 14000 : i32
    %add3A_485 = arith.addi %mul3A_483, %add3A_484 : i32
    "tpu.region"() ({
      %run_scoped3A = tpu.sem_alloc : memref<!tpu.dma_semaphore, #tpu.memory_space<semaphore_mem>>
      %dma_start3A = tpu.memref_slice %arg2[%add3A_485] : memref<160000xi32, #tpu.memory_space<hbm>> -> memref<2000xi32, #tpu.memory_space<hbm>>
      %dma_start3A_520 = tpu.memref_slice %arg2[%add3A_485] : memref<160000xi32, #tpu.memory_space<hbm>> -> memref<2000xi32, #tpu.memory_space<hbm>>
      tpu.enqueue_dma source(%dma_start3A_520 : memref<2000xi32, #tpu.memory_space<hbm>>) target(%arg5 : memref<2000xi32, #tpu.memory_space<vmem>>) target_semaphore(%run_scoped3A : memref<!tpu.dma_semaphore, #tpu.memory_space<semaphore_mem>>)
      %dma_wait3A = tpu.memref_slice %arg2[%add3A_485] : memref<160000xi32, #tpu.memory_space<hbm>> -> memref<2000xi32, #tpu.memory_space<hbm>>
      %dma_wait3A_521 = tpu.memref_slice %arg2[%add3A_485] : memref<160000xi32, #tpu.memory_space<hbm>> -> memref<2000xi32, #tpu.memory_space<hbm>>
      tpu.wait_dma2 semaphore(%run_scoped3A : memref<!tpu.dma_semaphore, #tpu.memory_space<semaphore_mem>>) src(%dma_wait3A_521 : memref<2000xi32, #tpu.memory_space<hbm>>) dst(%arg5 : memref<2000xi32, #tpu.memory_space<vmem>>)
      tpu.yield
    }) : () -> ()
    "tpu.region"() ({
      %run_scoped3A = tpu.sem_alloc : memref<!tpu.dma_semaphore, #tpu.memory_space<semaphore_mem>>
      %dma_start3A = tpu.memref_slice %arg3[%add3A_485] : memref<160000xi32, #tpu.memory_space<hbm>> -> memref<2000xi32, #tpu.memory_space<hbm>>
      %dma_start3A_520 = tpu.memref_slice %arg3[%add3A_485] : memref<160000xi32, #tpu.memory_space<hbm>> -> memref<2000xi32, #tpu.memory_space<hbm>>
      tpu.enqueue_dma source(%dma_start3A_520 : memref<2000xi32, #tpu.memory_space<hbm>>) target(%arg6 : memref<2000xi32, #tpu.memory_space<vmem>>) target_semaphore(%run_scoped3A : memref<!tpu.dma_semaphore, #tpu.memory_space<semaphore_mem>>)
      %dma_wait3A = tpu.memref_slice %arg3[%add3A_485] : memref<160000xi32, #tpu.memory_space<hbm>> -> memref<2000xi32, #tpu.memory_space<hbm>>
      %dma_wait3A_521 = tpu.memref_slice %arg3[%add3A_485] : memref<160000xi32, #tpu.memory_space<hbm>> -> memref<2000xi32, #tpu.memory_space<hbm>>
      tpu.wait_dma2 semaphore(%run_scoped3A : memref<!tpu.dma_semaphore, #tpu.memory_space<semaphore_mem>>) src(%dma_wait3A_521 : memref<2000xi32, #tpu.memory_space<hbm>>) dst(%arg6 : memref<2000xi32, #tpu.memory_space<vmem>>)
      tpu.yield
    }) : () -> ()
    %scan3A_486 = arith.constant 0 : i32
    %scan3A_487 = arith.constant 0 : i32
    %scan3A_488 = arith.constant 125 : i32
    %scan3A_489 = arith.addi %scan3A_487, %scan3A_488 : i32
    %scan3A_490 = arith.constant 1 : i32
    %scan3A_491 = scf.for %scan3A_520 = %scan3A_487 to %scan3A_489 step %scan3A_490 iter_args(%scan3A_521 = %scan3A_486) -> (i32)  : i32 {
      %mul3A_522 = arith.constant 16 : i32
      %mul3A_523 = arith.muli %scan3A_520, %mul3A_522 : i32
      %get3A = arith.index_cast %mul3A_523 : i32 to index
      %get3A_524 = tpu.vector_load %arg5[%get3A] {strides = array<i32>} : memref<2000xi32, #tpu.memory_space<vmem>>, vector<16xi32>,
      %sub3A = vector.broadcast %mul3A_395 : i32 to vector<16xi32>
      %sub3A_525 = arith.subi %get3A_524, %sub3A : vector<16xi32>
      %mul3A_526 = arith.constant 16 : i32
      %mul3A_527 = arith.muli %scan3A_520, %mul3A_526 : i32
      %get3A_528 = arith.index_cast %mul3A_527 : i32 to index
      %get3A_529 = tpu.vector_load %arg6[%get3A_528] {strides = array<i32>} : memref<2000xi32, #tpu.memory_space<vmem>>, vector<16xi32>,
      %sub3A_530 = vector.broadcast %mul3A_395 : i32 to vector<16xi32>
      %sub3A_531 = arith.subi %get3A_529, %sub3A_530 : vector<16xi32>
      %sub3A_532 = vector.broadcast %mul3A_397 : i32 to vector<16xi32>
      %sub3A_533 = arith.subi %sub3A_531, %sub3A_532 : vector<16xi32>
      %ge3A = arith.constant 0 : i32
      %ge3A_534 = vector.broadcast %ge3A : i32 to vector<16xi32>
      %ge3A_535 = arith.cmpi sge, %sub3A_533, %ge3A_534 : vector<16xi32>
      %lt3A = arith.constant 80 : i32
      %lt3A_536 = vector.broadcast %lt3A : i32 to vector<16xi32>
      %lt3A_537 = arith.cmpi slt, %sub3A_533, %lt3A_536 : vector<16xi32>
      %and3A = arith.andi %ge3A_535, %lt3A_537 : vector<16xi1>
      %mul3A_538 = arith.constant 1280 : i32
      %mul3A_539 = vector.broadcast %mul3A_538 : i32 to vector<16xi32>
      %mul3A_540 = arith.muli %sub3A_533, %mul3A_539 : vector<16xi32>
      %add3A_541 = arith.addi %mul3A_540, %sub3A_525 : vector<16xi32>
      %jit3A = arith.constant 0 : i32
      %broadcast_in_dim3A_542 = vector.broadcast %jit3A : i32 to vector<16xi32>
      %select_n3A = arith.select %and3A, %add3A_541, %broadcast_in_dim3A_542 : vector<16xi1>, vector<16xi32>
      tpu.vector_store_idx %arg7[%select_n3A], %broadcast_in_dim3A_2 masked %and3A {add = true} : memref<102400xf32, #tpu.memory_space<vmem>>[vector<16xi32>], vector<16xf32>, vector<16xi1>
      %scan3A_543 = arith.constant 0 : i32
      scf.yield %scan3A_543 : i32
    }
    %scan3A_492 = arith.constant 125 : i32
    %mul3A_493 = arith.constant 20000 : i32
    %mul3A_494 = arith.muli %add3A_393, %mul3A_493 : i32
    %add3A_495 = arith.constant 16000 : i32
    %add3A_496 = arith.addi %mul3A_494, %add3A_495 : i32
    "tpu.region"() ({
      %run_scoped3A = tpu.sem_alloc : memref<!tpu.dma_semaphore, #tpu.memory_space<semaphore_mem>>
      %dma_start3A = tpu.memref_slice %arg2[%add3A_496] : memref<160000xi32, #tpu.memory_space<hbm>> -> memref<2000xi32, #tpu.memory_space<hbm>>
      %dma_start3A_520 = tpu.memref_slice %arg2[%add3A_496] : memref<160000xi32, #tpu.memory_space<hbm>> -> memref<2000xi32, #tpu.memory_space<hbm>>
      tpu.enqueue_dma source(%dma_start3A_520 : memref<2000xi32, #tpu.memory_space<hbm>>) target(%arg5 : memref<2000xi32, #tpu.memory_space<vmem>>) target_semaphore(%run_scoped3A : memref<!tpu.dma_semaphore, #tpu.memory_space<semaphore_mem>>)
      %dma_wait3A = tpu.memref_slice %arg2[%add3A_496] : memref<160000xi32, #tpu.memory_space<hbm>> -> memref<2000xi32, #tpu.memory_space<hbm>>
      %dma_wait3A_521 = tpu.memref_slice %arg2[%add3A_496] : memref<160000xi32, #tpu.memory_space<hbm>> -> memref<2000xi32, #tpu.memory_space<hbm>>
      tpu.wait_dma2 semaphore(%run_scoped3A : memref<!tpu.dma_semaphore, #tpu.memory_space<semaphore_mem>>) src(%dma_wait3A_521 : memref<2000xi32, #tpu.memory_space<hbm>>) dst(%arg5 : memref<2000xi32, #tpu.memory_space<vmem>>)
      tpu.yield
    }) : () -> ()
    "tpu.region"() ({
      %run_scoped3A = tpu.sem_alloc : memref<!tpu.dma_semaphore, #tpu.memory_space<semaphore_mem>>
      %dma_start3A = tpu.memref_slice %arg3[%add3A_496] : memref<160000xi32, #tpu.memory_space<hbm>> -> memref<2000xi32, #tpu.memory_space<hbm>>
      %dma_start3A_520 = tpu.memref_slice %arg3[%add3A_496] : memref<160000xi32, #tpu.memory_space<hbm>> -> memref<2000xi32, #tpu.memory_space<hbm>>
      tpu.enqueue_dma source(%dma_start3A_520 : memref<2000xi32, #tpu.memory_space<hbm>>) target(%arg6 : memref<2000xi32, #tpu.memory_space<vmem>>) target_semaphore(%run_scoped3A : memref<!tpu.dma_semaphore, #tpu.memory_space<semaphore_mem>>)
      %dma_wait3A = tpu.memref_slice %arg3[%add3A_496] : memref<160000xi32, #tpu.memory_space<hbm>> -> memref<2000xi32, #tpu.memory_space<hbm>>
      %dma_wait3A_521 = tpu.memref_slice %arg3[%add3A_496] : memref<160000xi32, #tpu.memory_space<hbm>> -> memref<2000xi32, #tpu.memory_space<hbm>>
      tpu.wait_dma2 semaphore(%run_scoped3A : memref<!tpu.dma_semaphore, #tpu.memory_space<semaphore_mem>>) src(%dma_wait3A_521 : memref<2000xi32, #tpu.memory_space<hbm>>) dst(%arg6 : memref<2000xi32, #tpu.memory_space<vmem>>)
      tpu.yield
    }) : () -> ()
    %scan3A_497 = arith.constant 0 : i32
    %scan3A_498 = arith.constant 0 : i32
    %scan3A_499 = arith.constant 125 : i32
    %scan3A_500 = arith.addi %scan3A_498, %scan3A_499 : i32
    %scan3A_501 = arith.constant 1 : i32
    %scan3A_502 = scf.for %scan3A_520 = %scan3A_498 to %scan3A_500 step %scan3A_501 iter_args(%scan3A_521 = %scan3A_497) -> (i32)  : i32 {
      %mul3A_522 = arith.constant 16 : i32
      %mul3A_523 = arith.muli %scan3A_520, %mul3A_522 : i32
      %get3A = arith.index_cast %mul3A_523 : i32 to index
      %get3A_524 = tpu.vector_load %arg5[%get3A] {strides = array<i32>} : memref<2000xi32, #tpu.memory_space<vmem>>, vector<16xi32>,
      %sub3A = vector.broadcast %mul3A_395 : i32 to vector<16xi32>
      %sub3A_525 = arith.subi %get3A_524, %sub3A : vector<16xi32>
      %mul3A_526 = arith.constant 16 : i32
      %mul3A_527 = arith.muli %scan3A_520, %mul3A_526 : i32
      %get3A_528 = arith.index_cast %mul3A_527 : i32 to index
      %get3A_529 = tpu.vector_load %arg6[%get3A_528] {strides = array<i32>} : memref<2000xi32, #tpu.memory_space<vmem>>, vector<16xi32>,
      %sub3A_530 = vector.broadcast %mul3A_395 : i32 to vector<16xi32>
      %sub3A_531 = arith.subi %get3A_529, %sub3A_530 : vector<16xi32>
      %sub3A_532 = vector.broadcast %mul3A_397 : i32 to vector<16xi32>
      %sub3A_533 = arith.subi %sub3A_531, %sub3A_532 : vector<16xi32>
      %ge3A = arith.constant 0 : i32
      %ge3A_534 = vector.broadcast %ge3A : i32 to vector<16xi32>
      %ge3A_535 = arith.cmpi sge, %sub3A_533, %ge3A_534 : vector<16xi32>
      %lt3A = arith.constant 80 : i32
      %lt3A_536 = vector.broadcast %lt3A : i32 to vector<16xi32>
      %lt3A_537 = arith.cmpi slt, %sub3A_533, %lt3A_536 : vector<16xi32>
      %and3A = arith.andi %ge3A_535, %lt3A_537 : vector<16xi1>
      %mul3A_538 = arith.constant 1280 : i32
      %mul3A_539 = vector.broadcast %mul3A_538 : i32 to vector<16xi32>
      %mul3A_540 = arith.muli %sub3A_533, %mul3A_539 : vector<16xi32>
      %add3A_541 = arith.addi %mul3A_540, %sub3A_525 : vector<16xi32>
      %jit3A = arith.constant 0 : i32
      %broadcast_in_dim3A_542 = vector.broadcast %jit3A : i32 to vector<16xi32>
      %select_n3A = arith.select %and3A, %add3A_541, %broadcast_in_dim3A_542 : vector<16xi1>, vector<16xi32>
      tpu.vector_store_idx %arg7[%select_n3A], %broadcast_in_dim3A_2 masked %and3A {add = true} : memref<102400xf32, #tpu.memory_space<vmem>>[vector<16xi32>], vector<16xf32>, vector<16xi1>
      %scan3A_543 = arith.constant 0 : i32
      scf.yield %scan3A_543 : i32
    }
    %scan3A_503 = arith.constant 125 : i32
    %mul3A_504 = arith.constant 20000 : i32
    %mul3A_505 = arith.muli %add3A_393, %mul3A_504 : i32
    %add3A_506 = arith.constant 18000 : i32
    %add3A_507 = arith.addi %mul3A_505, %add3A_506 : i32
    "tpu.region"() ({
      %run_scoped3A = tpu.sem_alloc : memref<!tpu.dma_semaphore, #tpu.memory_space<semaphore_mem>>
      %dma_start3A = tpu.memref_slice %arg2[%add3A_507] : memref<160000xi32, #tpu.memory_space<hbm>> -> memref<2000xi32, #tpu.memory_space<hbm>>
      %dma_start3A_520 = tpu.memref_slice %arg2[%add3A_507] : memref<160000xi32, #tpu.memory_space<hbm>> -> memref<2000xi32, #tpu.memory_space<hbm>>
      tpu.enqueue_dma source(%dma_start3A_520 : memref<2000xi32, #tpu.memory_space<hbm>>) target(%arg5 : memref<2000xi32, #tpu.memory_space<vmem>>) target_semaphore(%run_scoped3A : memref<!tpu.dma_semaphore, #tpu.memory_space<semaphore_mem>>)
      %dma_wait3A = tpu.memref_slice %arg2[%add3A_507] : memref<160000xi32, #tpu.memory_space<hbm>> -> memref<2000xi32, #tpu.memory_space<hbm>>
      %dma_wait3A_521 = tpu.memref_slice %arg2[%add3A_507] : memref<160000xi32, #tpu.memory_space<hbm>> -> memref<2000xi32, #tpu.memory_space<hbm>>
      tpu.wait_dma2 semaphore(%run_scoped3A : memref<!tpu.dma_semaphore, #tpu.memory_space<semaphore_mem>>) src(%dma_wait3A_521 : memref<2000xi32, #tpu.memory_space<hbm>>) dst(%arg5 : memref<2000xi32, #tpu.memory_space<vmem>>)
      tpu.yield
    }) : () -> ()
    "tpu.region"() ({
      %run_scoped3A = tpu.sem_alloc : memref<!tpu.dma_semaphore, #tpu.memory_space<semaphore_mem>>
      %dma_start3A = tpu.memref_slice %arg3[%add3A_507] : memref<160000xi32, #tpu.memory_space<hbm>> -> memref<2000xi32, #tpu.memory_space<hbm>>
      %dma_start3A_520 = tpu.memref_slice %arg3[%add3A_507] : memref<160000xi32, #tpu.memory_space<hbm>> -> memref<2000xi32, #tpu.memory_space<hbm>>
      tpu.enqueue_dma source(%dma_start3A_520 : memref<2000xi32, #tpu.memory_space<hbm>>) target(%arg6 : memref<2000xi32, #tpu.memory_space<vmem>>) target_semaphore(%run_scoped3A : memref<!tpu.dma_semaphore, #tpu.memory_space<semaphore_mem>>)
      %dma_wait3A = tpu.memref_slice %arg3[%add3A_507] : memref<160000xi32, #tpu.memory_space<hbm>> -> memref<2000xi32, #tpu.memory_space<hbm>>
      %dma_wait3A_521 = tpu.memref_slice %arg3[%add3A_507] : memref<160000xi32, #tpu.memory_space<hbm>> -> memref<2000xi32, #tpu.memory_space<hbm>>
      tpu.wait_dma2 semaphore(%run_scoped3A : memref<!tpu.dma_semaphore, #tpu.memory_space<semaphore_mem>>) src(%dma_wait3A_521 : memref<2000xi32, #tpu.memory_space<hbm>>) dst(%arg6 : memref<2000xi32, #tpu.memory_space<vmem>>)
      tpu.yield
    }) : () -> ()
    %scan3A_508 = arith.constant 0 : i32
    %scan3A_509 = arith.constant 0 : i32
    %scan3A_510 = arith.constant 125 : i32
    %scan3A_511 = arith.addi %scan3A_509, %scan3A_510 : i32
    %scan3A_512 = arith.constant 1 : i32
    %scan3A_513 = scf.for %scan3A_520 = %scan3A_509 to %scan3A_511 step %scan3A_512 iter_args(%scan3A_521 = %scan3A_508) -> (i32)  : i32 {
      %mul3A_522 = arith.constant 16 : i32
      %mul3A_523 = arith.muli %scan3A_520, %mul3A_522 : i32
      %get3A = arith.index_cast %mul3A_523 : i32 to index
      %get3A_524 = tpu.vector_load %arg5[%get3A] {strides = array<i32>} : memref<2000xi32, #tpu.memory_space<vmem>>, vector<16xi32>,
      %sub3A = vector.broadcast %mul3A_395 : i32 to vector<16xi32>
      %sub3A_525 = arith.subi %get3A_524, %sub3A : vector<16xi32>
      %mul3A_526 = arith.constant 16 : i32
      %mul3A_527 = arith.muli %scan3A_520, %mul3A_526 : i32
      %get3A_528 = arith.index_cast %mul3A_527 : i32 to index
      %get3A_529 = tpu.vector_load %arg6[%get3A_528] {strides = array<i32>} : memref<2000xi32, #tpu.memory_space<vmem>>, vector<16xi32>,
      %sub3A_530 = vector.broadcast %mul3A_395 : i32 to vector<16xi32>
      %sub3A_531 = arith.subi %get3A_529, %sub3A_530 : vector<16xi32>
      %sub3A_532 = vector.broadcast %mul3A_397 : i32 to vector<16xi32>
      %sub3A_533 = arith.subi %sub3A_531, %sub3A_532 : vector<16xi32>
      %ge3A = arith.constant 0 : i32
      %ge3A_534 = vector.broadcast %ge3A : i32 to vector<16xi32>
      %ge3A_535 = arith.cmpi sge, %sub3A_533, %ge3A_534 : vector<16xi32>
      %lt3A = arith.constant 80 : i32
      %lt3A_536 = vector.broadcast %lt3A : i32 to vector<16xi32>
      %lt3A_537 = arith.cmpi slt, %sub3A_533, %lt3A_536 : vector<16xi32>
      %and3A = arith.andi %ge3A_535, %lt3A_537 : vector<16xi1>
      %mul3A_538 = arith.constant 1280 : i32
      %mul3A_539 = vector.broadcast %mul3A_538 : i32 to vector<16xi32>
      %mul3A_540 = arith.muli %sub3A_533, %mul3A_539 : vector<16xi32>
      %add3A_541 = arith.addi %mul3A_540, %sub3A_525 : vector<16xi32>
      %jit3A = arith.constant 0 : i32
      %broadcast_in_dim3A_542 = vector.broadcast %jit3A : i32 to vector<16xi32>
      %select_n3A = arith.select %and3A, %add3A_541, %broadcast_in_dim3A_542 : vector<16xi1>, vector<16xi32>
      tpu.vector_store_idx %arg7[%select_n3A], %broadcast_in_dim3A_2 masked %and3A {add = true} : memref<102400xf32, #tpu.memory_space<vmem>>[vector<16xi32>], vector<16xf32>, vector<16xi1>
      %scan3A_543 = arith.constant 0 : i32
      scf.yield %scan3A_543 : i32
    }
    %scan3A_514 = arith.constant 125 : i32
    %mul3A_515 = arith.constant 1638400 : i32
    %mul3A_516 = arith.muli %add3A_393, %mul3A_515 : i32
    %mul3A_517 = arith.constant 102400 : i32
    %mul3A_518 = arith.muli %arg1, %mul3A_517 : i32
    %add3A_519 = arith.addi %mul3A_516, %mul3A_518 : i32
    "tpu.region"() ({
      %run_scoped3A = tpu.sem_alloc : memref<!tpu.dma_semaphore, #tpu.memory_space<semaphore_mem>>
      %dma_start3A = tpu.memref_slice %arg4[%add3A_519] : memref<13107200xf32, #tpu.memory_space<hbm>> -> memref<102400xf32, #tpu.memory_space<hbm>>
      %dma_start3A_520 = tpu.memref_slice %arg4[%add3A_519] : memref<13107200xf32, #tpu.memory_space<hbm>> -> memref<102400xf32, #tpu.memory_space<hbm>>
      tpu.enqueue_dma source(%arg7 : memref<102400xf32, #tpu.memory_space<vmem>>) target(%dma_start3A_520 : memref<102400xf32, #tpu.memory_space<hbm>>) target_semaphore(%run_scoped3A : memref<!tpu.dma_semaphore, #tpu.memory_space<semaphore_mem>>)
      %dma_wait3A = tpu.memref_slice %arg4[%add3A_519] : memref<13107200xf32, #tpu.memory_space<hbm>> -> memref<102400xf32, #tpu.memory_space<hbm>>
      %dma_wait3A_521 = tpu.memref_slice %arg4[%add3A_519] : memref<13107200xf32, #tpu.memory_space<hbm>> -> memref<102400xf32, #tpu.memory_space<hbm>>
      tpu.wait_dma2 semaphore(%run_scoped3A : memref<!tpu.dma_semaphore, #tpu.memory_space<semaphore_mem>>) src(%arg7 : memref<102400xf32, #tpu.memory_space<vmem>>) dst(%dma_wait3A_521 : memref<102400xf32, #tpu.memory_space<hbm>>)
      tpu.yield
    }) : () -> ()
    return
  }
}

module attributes {stable_mosaic.version = 14 : i64} {
  func.func @_conv2_body(%arg0: i32, %arg1: memref<1x1280x1280xbf16, #tpu.memory_space<vmem>>, %arg2: memref<1x1280x256xf32, #tpu.memory_space<vmem>>, %arg3: memref<256x512xf32, #tpu.memory_space<vmem>>, %arg4: memref<1x512xf32, #tpu.memory_space<vmem>>, %arg5: memref<512x512xf32, #tpu.memory_space<vmem>>, %arg6: memref<1x512xf32, #tpu.memory_space<vmem>>, %arg7: memref<1x1280x512xf32, #tpu.memory_space<vmem>>) attributes {dimension_semantics = [#tpu.dimension_semantics<arbitrary>], iteration_bounds = array<i64: 8>, scalar_prefetch = 0 : i64, scratch_operands = 0 : i64, tpu.core_type = #tpu.core_type<tc>, window_params = [{transform_indices = @transform_0, window_bounds = array<i64: 1, 1280, 1280>}, {transform_indices = @transform_1, window_bounds = array<i64: 1, 1280, 256>}, {pipeline_mode = #tpu.pipeline_mode<synchronous>, transform_indices = @transform_2, window_bounds = array<i64: 256, 512>}, {pipeline_mode = #tpu.pipeline_mode<synchronous>, transform_indices = @transform_3, window_bounds = array<i64: 1, 512>}, {pipeline_mode = #tpu.pipeline_mode<synchronous>, transform_indices = @transform_4, window_bounds = array<i64: 512, 512>}, {pipeline_mode = #tpu.pipeline_mode<synchronous>, transform_indices = @transform_5, window_bounds = array<i64: 1, 512>}, {transform_indices = @transform_6, window_bounds = array<i64: 1, 1280, 512>}]} {
    %get3A = arith.constant 0 : index
    %get3A_0 = arith.constant 0 : index
    %get3A_1 = arith.constant 0 : index
    %get3A_2 = vector.load %arg1[%get3A, %get3A_0, %get3A_1] : memref<1x1280x1280xbf16, #tpu.memory_space<vmem>>, vector<1x1280x1280xbf16>
    %get3A_3 = vector.shape_cast %get3A_2 : vector<1x1280x1280xbf16> to vector<1280x1280xbf16>
    %broadcast_in_dim3A = arith.constant 1.000000e+00 : bf16
    %broadcast_in_dim3A_4 = vector.broadcast %broadcast_in_dim3A : bf16 to vector<1280x1xbf16>
    %dot_general3A = arith.constant dense<0.000000e+00> : vector<1280x1xf32>
    %dot_general3A_5 = tpu.matmul %get3A_3, %broadcast_in_dim3A_4, %dot_general3A {dimension_numbers = #tpu.dot_dimension_numbers<[1], [0], [0], [1], [0, 0, 1, 1], [], []>, transpose_lhs_hint = false} : vector<1280x1280xbf16>, vector<1280x1xbf16>, vector<1280x1xf32> -> vector<1280x1xf32>
    %dot_general3A_6 = arith.constant dense<0.000000e+00> : vector<1280x1xf32>
    %dot_general3A_7 = tpu.matmul %get3A_3, %broadcast_in_dim3A_4, %dot_general3A_6 {dimension_numbers = #tpu.dot_dimension_numbers<[0], [0], [1], [1], [0, 1, 1, 1], [], []>, transpose_lhs_hint = false} : vector<1280x1280xbf16>, vector<1280x1xbf16>, vector<1280x1xf32> -> vector<1280x1xf32>
    %max3A = arith.constant 1.000000e+00 : f32
    %max3A_8 = vector.broadcast %max3A : f32 to vector<1280x1xf32>
    %max3A_9 = arith.maximumf %dot_general3A_7, %max3A_8 : vector<1280x1xf32>
    %sqrt3A = math.sqrt %max3A_9 : vector<1280x1xf32>
    %div3A = arith.constant 1.000000e+00 : f32
    %div3A_10 = vector.broadcast %div3A : f32 to vector<1280x1xf32>
    %div3A_11 = arith.divf %div3A_10, %sqrt3A : vector<1280x1xf32>
    %max3A_12 = arith.constant 1.000000e+00 : f32
    %max3A_13 = vector.broadcast %max3A_12 : f32 to vector<1280x1xf32>
    %max3A_14 = arith.maximumf %dot_general3A_5, %max3A_13 : vector<1280x1xf32>
    %sqrt3A_15 = math.sqrt %max3A_14 : vector<1280x1xf32>
    %div3A_16 = arith.constant 1.000000e+00 : f32
    %div3A_17 = vector.broadcast %div3A_16 : f32 to vector<1280x1xf32>
    %div3A_18 = arith.divf %div3A_17, %sqrt3A_15 : vector<1280x1xf32>
    %get3A_19 = arith.constant 0 : index
    %get3A_20 = arith.constant 0 : index
    %get3A_21 = arith.constant 0 : index
    %get3A_22 = vector.load %arg2[%get3A_19, %get3A_20, %get3A_21] : memref<1x1280x256xf32, #tpu.memory_space<vmem>>, vector<1x1280x256xf32>
    %get3A_23 = vector.shape_cast %get3A_22 : vector<1x1280x256xf32> to vector<1280x256xf32>
    %get3A_24 = arith.constant 0 : index
    %get3A_25 = arith.constant 0 : index
    %get3A_26 = vector.load %arg3[%get3A_24, %get3A_25] : memref<256x512xf32, #tpu.memory_space<vmem>>, vector<256x512xf32>
    %get3A_27 = arith.constant 0 : index
    %get3A_28 = arith.constant 0 : index
    %get3A_29 = vector.load %arg4[%get3A_27, %get3A_28] : memref<1x512xf32, #tpu.memory_space<vmem>>, vector<1x512xf32>
    %mul3A = vector.broadcast %div3A_11 : vector<1280x1xf32> to vector<1280x256xf32>
    %mul3A_30 = arith.mulf %get3A_23, %mul3A : vector<1280x256xf32>
    %convert_element_type3A = arith.truncf %mul3A_30 : vector<1280x256xf32> to vector<1280x256xbf16>
    %convert_element_type3A_31 = arith.extf %convert_element_type3A : vector<1280x256xbf16> to vector<1280x256xf32>
    %sub3A = arith.subf %mul3A_30, %convert_element_type3A_31 : vector<1280x256xf32>
    %convert_element_type3A_32 = arith.truncf %sub3A : vector<1280x256xf32> to vector<1280x256xbf16>
    %convert_element_type3A_33 = arith.extf %convert_element_type3A_32 : vector<1280x256xbf16> to vector<1280x256xf32>
    %sub3A_34 = arith.subf %sub3A, %convert_element_type3A_33 : vector<1280x256xf32>
    %convert_element_type3A_35 = arith.truncf %sub3A_34 : vector<1280x256xf32> to vector<1280x256xbf16>
    %dot_general3A_36 = arith.constant dense<0.000000e+00> : vector<1280x256xf32>
    %dot_general3A_37 = tpu.matmul %get3A_3, %convert_element_type3A, %dot_general3A_36 {dimension_numbers = #tpu.dot_dimension_numbers<[1], [0], [0], [1], [0, 0, 1, 1], [], []>, transpose_lhs_hint = false} : vector<1280x1280xbf16>, vector<1280x256xbf16>, vector<1280x256xf32> -> vector<1280x256xf32>
    %dot_general3A_38 = arith.constant dense<0.000000e+00> : vector<1280x256xf32>
    %dot_general3A_39 = tpu.matmul %get3A_3, %convert_element_type3A_32, %dot_general3A_38 {dimension_numbers = #tpu.dot_dimension_numbers<[1], [0], [0], [1], [0, 0, 1, 1], [], []>, transpose_lhs_hint = false} : vector<1280x1280xbf16>, vector<1280x256xbf16>, vector<1280x256xf32> -> vector<1280x256xf32>
    %add3A = arith.addf %dot_general3A_37, %dot_general3A_39 : vector<1280x256xf32>
    %dot_general3A_40 = arith.constant dense<0.000000e+00> : vector<1280x256xf32>
    %dot_general3A_41 = tpu.matmul %get3A_3, %convert_element_type3A_35, %dot_general3A_40 {dimension_numbers = #tpu.dot_dimension_numbers<[1], [0], [0], [1], [0, 0, 1, 1], [], []>, transpose_lhs_hint = false} : vector<1280x1280xbf16>, vector<1280x256xbf16>, vector<1280x256xf32> -> vector<1280x256xf32>
    %add3A_42 = arith.addf %add3A, %dot_general3A_41 : vector<1280x256xf32>
    %mul3A_43 = vector.broadcast %div3A_18 : vector<1280x1xf32> to vector<1280x256xf32>
    %mul3A_44 = arith.mulf %add3A_42, %mul3A_43 : vector<1280x256xf32>
    %dot_general3A_45 = arith.constant dense<0.000000e+00> : vector<1280x512xf32>
    %dot_general3A_46 = tpu.matmul %mul3A_44, %get3A_26, %dot_general3A_45 {dimension_numbers = #tpu.dot_dimension_numbers<[1], [0], [0], [1], [0, 0, 1, 1], [], []>, precision = #tpu.contract_precision<fp32>, transpose_lhs_hint = false} : vector<1280x256xf32>, vector<256x512xf32>, vector<1280x512xf32> -> vector<1280x512xf32>
    %add3A_47 = vector.broadcast %get3A_29 : vector<1x512xf32> to vector<1280x512xf32>
    %add3A_48 = arith.addf %dot_general3A_46, %add3A_47 : vector<1280x512xf32>
    %max3A_49 = arith.constant 0.000000e+00 : f32
    %max3A_50 = vector.broadcast %max3A_49 : f32 to vector<1280x512xf32>
    %max3A_51 = arith.maximumf %add3A_48, %max3A_50 : vector<1280x512xf32>
    %get3A_52 = arith.constant 0 : index
    %get3A_53 = arith.constant 0 : index
    %get3A_54 = vector.load %arg5[%get3A_52, %get3A_53] : memref<512x512xf32, #tpu.memory_space<vmem>>, vector<512x512xf32>
    %get3A_55 = arith.constant 0 : index
    %get3A_56 = arith.constant 0 : index
    %get3A_57 = vector.load %arg6[%get3A_55, %get3A_56] : memref<1x512xf32, #tpu.memory_space<vmem>>, vector<1x512xf32>
    %mul3A_58 = vector.broadcast %div3A_11 : vector<1280x1xf32> to vector<1280x512xf32>
    %mul3A_59 = arith.mulf %max3A_51, %mul3A_58 : vector<1280x512xf32>
    %convert_element_type3A_60 = arith.truncf %mul3A_59 : vector<1280x512xf32> to vector<1280x512xbf16>
    %convert_element_type3A_61 = arith.extf %convert_element_type3A_60 : vector<1280x512xbf16> to vector<1280x512xf32>
    %sub3A_62 = arith.subf %mul3A_59, %convert_element_type3A_61 : vector<1280x512xf32>
    %convert_element_type3A_63 = arith.truncf %sub3A_62 : vector<1280x512xf32> to vector<1280x512xbf16>
    %convert_element_type3A_64 = arith.extf %convert_element_type3A_63 : vector<1280x512xbf16> to vector<1280x512xf32>
    %sub3A_65 = arith.subf %sub3A_62, %convert_element_type3A_64 : vector<1280x512xf32>
    %convert_element_type3A_66 = arith.truncf %sub3A_65 : vector<1280x512xf32> to vector<1280x512xbf16>
    %dot_general3A_67 = arith.constant dense<0.000000e+00> : vector<1280x512xf32>
    %dot_general3A_68 = tpu.matmul %get3A_3, %convert_element_type3A_60, %dot_general3A_67 {dimension_numbers = #tpu.dot_dimension_numbers<[1], [0], [0], [1], [0, 0, 1, 1], [], []>, transpose_lhs_hint = false} : vector<1280x1280xbf16>, vector<1280x512xbf16>, vector<1280x512xf32> -> vector<1280x512xf32>
    %dot_general3A_69 = arith.constant dense<0.000000e+00> : vector<1280x512xf32>
    %dot_general3A_70 = tpu.matmul %get3A_3, %convert_element_type3A_63, %dot_general3A_69 {dimension_numbers = #tpu.dot_dimension_numbers<[1], [0], [0], [1], [0, 0, 1, 1], [], []>, transpose_lhs_hint = false} : vector<1280x1280xbf16>, vector<1280x512xbf16>, vector<1280x512xf32> -> vector<1280x512xf32>
    %add3A_71 = arith.addf %dot_general3A_68, %dot_general3A_70 : vector<1280x512xf32>
    %dot_general3A_72 = arith.constant dense<0.000000e+00> : vector<1280x512xf32>
    %dot_general3A_73 = tpu.matmul %get3A_3, %convert_element_type3A_66, %dot_general3A_72 {dimension_numbers = #tpu.dot_dimension_numbers<[1], [0], [0], [1], [0, 0, 1, 1], [], []>, transpose_lhs_hint = false} : vector<1280x1280xbf16>, vector<1280x512xbf16>, vector<1280x512xf32> -> vector<1280x512xf32>
    %add3A_74 = arith.addf %add3A_71, %dot_general3A_73 : vector<1280x512xf32>
    %mul3A_75 = vector.broadcast %div3A_18 : vector<1280x1xf32> to vector<1280x512xf32>
    %mul3A_76 = arith.mulf %add3A_74, %mul3A_75 : vector<1280x512xf32>
    %dot_general3A_77 = arith.constant dense<0.000000e+00> : vector<1280x512xf32>
    %dot_general3A_78 = tpu.matmul %mul3A_76, %get3A_54, %dot_general3A_77 {dimension_numbers = #tpu.dot_dimension_numbers<[1], [0], [0], [1], [0, 0, 1, 1], [], []>, precision = #tpu.contract_precision<fp32>, transpose_lhs_hint = false} : vector<1280x512xf32>, vector<512x512xf32>, vector<1280x512xf32> -> vector<1280x512xf32>
    %add3A_79 = vector.broadcast %get3A_57 : vector<1x512xf32> to vector<1280x512xf32>
    %add3A_80 = arith.addf %dot_general3A_78, %add3A_79 : vector<1280x512xf32>
    %max3A_81 = arith.constant 0.000000e+00 : f32
    %max3A_82 = vector.broadcast %max3A_81 : f32 to vector<1280x512xf32>
    %max3A_83 = arith.maximumf %add3A_80, %max3A_82 : vector<1280x512xf32>
    %swap3A = arith.constant 0 : index
    %swap3A_84 = arith.constant 0 : index
    %swap3A_85 = arith.constant 0 : index
    %swap3A_86 = vector.load %arg7[%swap3A, %swap3A_84, %swap3A_85] : memref<1x1280x512xf32, #tpu.memory_space<vmem>>, vector<1x1280x512xf32>
    %swap3A_87 = vector.shape_cast %swap3A_86 : vector<1x1280x512xf32> to vector<1280x512xf32>
    %swap3A_88 = vector.shape_cast %max3A_83 : vector<1280x512xf32> to vector<1x1280x512xf32>
    tpu.vector_store %arg7[%swap3A, %swap3A_84, %swap3A_85], %swap3A_88 {strides = array<i32>} : memref<1x1280x512xf32, #tpu.memory_space<vmem>>, vector<1x1280x512xf32>,
    return
  }
  func.func @transform_0(%arg0: i32) -> (i32, i32, i32) {
    %c0_i32 = arith.constant 0 : i32
    %c0_i32_0 = arith.constant 0 : i32
    %c0_i32_1 = arith.constant 0 : i32
    return %arg0, %c0_i32, %c0_i32_0 : i32, i32, i32
  }
  func.func @transform_1(%arg0: i32) -> (i32, i32, i32) {
    %c0_i32 = arith.constant 0 : i32
    %c0_i32_0 = arith.constant 0 : i32
    %c0_i32_1 = arith.constant 0 : i32
    return %arg0, %c0_i32, %c0_i32_0 : i32, i32, i32
  }
  func.func @transform_2(%arg0: i32) -> (i32, i32) {
    %c0_i32 = arith.constant 0 : i32
    %c0_i32_0 = arith.constant 0 : i32
    %c0_i32_1 = arith.constant 0 : i32
    return %c0_i32, %c0_i32_0 : i32, i32
  }
  func.func @transform_3(%arg0: i32) -> (i32, i32) {
    %c0_i32 = arith.constant 0 : i32
    %c0_i32_0 = arith.constant 0 : i32
    %c0_i32_1 = arith.constant 0 : i32
    return %c0_i32, %c0_i32_0 : i32, i32
  }
  func.func @transform_4(%arg0: i32) -> (i32, i32) {
    %c0_i32 = arith.constant 0 : i32
    %c0_i32_0 = arith.constant 0 : i32
    %c0_i32_1 = arith.constant 0 : i32
    return %c0_i32, %c0_i32_0 : i32, i32
  }
  func.func @transform_5(%arg0: i32) -> (i32, i32) {
    %c0_i32 = arith.constant 0 : i32
    %c0_i32_0 = arith.constant 0 : i32
    %c0_i32_1 = arith.constant 0 : i32
    return %c0_i32, %c0_i32_0 : i32, i32
  }
  func.func @transform_6(%arg0: i32) -> (i32, i32, i32) {
    %c0_i32 = arith.constant 0 : i32
    %c0_i32_0 = arith.constant 0 : i32
    %c0_i32_1 = arith.constant 0 : i32
    return %arg0, %c0_i32, %c0_i32_0 : i32, i32, i32
  }
}

module attributes {stable_mosaic.version = 14 : i64} {
  func.func @_conv1_body(%arg0: i32, %arg1: memref<1x1280x1280xbf16, #tpu.memory_space<vmem>>, %arg2: memref<1x1280x512xf32, #tpu.memory_space<vmem>>, %arg3: memref<512x512xf32, #tpu.memory_space<vmem>>, %arg4: memref<1x512xf32, #tpu.memory_space<vmem>>, %arg5: memref<1x1280x512xf32, #tpu.memory_space<vmem>>) attributes {dimension_semantics = [#tpu.dimension_semantics<arbitrary>], iteration_bounds = array<i64: 8>, scalar_prefetch = 0 : i64, scratch_operands = 0 : i64, tpu.core_type = #tpu.core_type<tc>, window_params = [{transform_indices = @transform_0, window_bounds = array<i64: 1, 1280, 1280>}, {transform_indices = @transform_1, window_bounds = array<i64: 1, 1280, 512>}, {pipeline_mode = #tpu.pipeline_mode<synchronous>, transform_indices = @transform_2, window_bounds = array<i64: 512, 512>}, {pipeline_mode = #tpu.pipeline_mode<synchronous>, transform_indices = @transform_3, window_bounds = array<i64: 1, 512>}, {transform_indices = @transform_4, window_bounds = array<i64: 1, 1280, 512>}]} {
    %get3A = arith.constant 0 : index
    %get3A_0 = arith.constant 0 : index
    %get3A_1 = arith.constant 0 : index
    %get3A_2 = vector.load %arg1[%get3A, %get3A_0, %get3A_1] : memref<1x1280x1280xbf16, #tpu.memory_space<vmem>>, vector<1x1280x1280xbf16>
    %get3A_3 = vector.shape_cast %get3A_2 : vector<1x1280x1280xbf16> to vector<1280x1280xbf16>
    %broadcast_in_dim3A = arith.constant 1.000000e+00 : bf16
    %broadcast_in_dim3A_4 = vector.broadcast %broadcast_in_dim3A : bf16 to vector<1280x1xbf16>
    %dot_general3A = arith.constant dense<0.000000e+00> : vector<1280x1xf32>
    %dot_general3A_5 = tpu.matmul %get3A_3, %broadcast_in_dim3A_4, %dot_general3A {dimension_numbers = #tpu.dot_dimension_numbers<[1], [0], [0], [1], [0, 0, 1, 1], [], []>, transpose_lhs_hint = false} : vector<1280x1280xbf16>, vector<1280x1xbf16>, vector<1280x1xf32> -> vector<1280x1xf32>
    %dot_general3A_6 = arith.constant dense<0.000000e+00> : vector<1280x1xf32>
    %dot_general3A_7 = tpu.matmul %get3A_3, %broadcast_in_dim3A_4, %dot_general3A_6 {dimension_numbers = #tpu.dot_dimension_numbers<[0], [0], [1], [1], [0, 1, 1, 1], [], []>, transpose_lhs_hint = false} : vector<1280x1280xbf16>, vector<1280x1xbf16>, vector<1280x1xf32> -> vector<1280x1xf32>
    %max3A = arith.constant 1.000000e+00 : f32
    %max3A_8 = vector.broadcast %max3A : f32 to vector<1280x1xf32>
    %max3A_9 = arith.maximumf %dot_general3A_7, %max3A_8 : vector<1280x1xf32>
    %sqrt3A = math.sqrt %max3A_9 : vector<1280x1xf32>
    %div3A = arith.constant 1.000000e+00 : f32
    %div3A_10 = vector.broadcast %div3A : f32 to vector<1280x1xf32>
    %div3A_11 = arith.divf %div3A_10, %sqrt3A : vector<1280x1xf32>
    %max3A_12 = arith.constant 1.000000e+00 : f32
    %max3A_13 = vector.broadcast %max3A_12 : f32 to vector<1280x1xf32>
    %max3A_14 = arith.maximumf %dot_general3A_5, %max3A_13 : vector<1280x1xf32>
    %sqrt3A_15 = math.sqrt %max3A_14 : vector<1280x1xf32>
    %div3A_16 = arith.constant 1.000000e+00 : f32
    %div3A_17 = vector.broadcast %div3A_16 : f32 to vector<1280x1xf32>
    %div3A_18 = arith.divf %div3A_17, %sqrt3A_15 : vector<1280x1xf32>
    %get3A_19 = arith.constant 0 : index
    %get3A_20 = arith.constant 0 : index
    %get3A_21 = arith.constant 0 : index
    %get3A_22 = vector.load %arg2[%get3A_19, %get3A_20, %get3A_21] : memref<1x1280x512xf32, #tpu.memory_space<vmem>>, vector<1x1280x512xf32>
    %get3A_23 = vector.shape_cast %get3A_22 : vector<1x1280x512xf32> to vector<1280x512xf32>
    %get3A_24 = arith.constant 0 : index
    %get3A_25 = arith.constant 0 : index
    %get3A_26 = vector.load %arg3[%get3A_24, %get3A_25] : memref<512x512xf32, #tpu.memory_space<vmem>>, vector<512x512xf32>
    %get3A_27 = arith.constant 0 : index
    %get3A_28 = arith.constant 0 : index
    %get3A_29 = vector.load %arg4[%get3A_27, %get3A_28] : memref<1x512xf32, #tpu.memory_space<vmem>>, vector<1x512xf32>
    %mul3A = vector.broadcast %div3A_11 : vector<1280x1xf32> to vector<1280x512xf32>
    %mul3A_30 = arith.mulf %get3A_23, %mul3A : vector<1280x512xf32>
    %convert_element_type3A = arith.truncf %mul3A_30 : vector<1280x512xf32> to vector<1280x512xbf16>
    %convert_element_type3A_31 = arith.extf %convert_element_type3A : vector<1280x512xbf16> to vector<1280x512xf32>
    %sub3A = arith.subf %mul3A_30, %convert_element_type3A_31 : vector<1280x512xf32>
    %convert_element_type3A_32 = arith.truncf %sub3A : vector<1280x512xf32> to vector<1280x512xbf16>
    %convert_element_type3A_33 = arith.extf %convert_element_type3A_32 : vector<1280x512xbf16> to vector<1280x512xf32>
    %sub3A_34 = arith.subf %sub3A, %convert_element_type3A_33 : vector<1280x512xf32>
    %convert_element_type3A_35 = arith.truncf %sub3A_34 : vector<1280x512xf32> to vector<1280x512xbf16>
    %dot_general3A_36 = arith.constant dense<0.000000e+00> : vector<1280x512xf32>
    %dot_general3A_37 = tpu.matmul %get3A_3, %convert_element_type3A, %dot_general3A_36 {dimension_numbers = #tpu.dot_dimension_numbers<[1], [0], [0], [1], [0, 0, 1, 1], [], []>, transpose_lhs_hint = false} : vector<1280x1280xbf16>, vector<1280x512xbf16>, vector<1280x512xf32> -> vector<1280x512xf32>
    %dot_general3A_38 = arith.constant dense<0.000000e+00> : vector<1280x512xf32>
    %dot_general3A_39 = tpu.matmul %get3A_3, %convert_element_type3A_32, %dot_general3A_38 {dimension_numbers = #tpu.dot_dimension_numbers<[1], [0], [0], [1], [0, 0, 1, 1], [], []>, transpose_lhs_hint = false} : vector<1280x1280xbf16>, vector<1280x512xbf16>, vector<1280x512xf32> -> vector<1280x512xf32>
    %add3A = arith.addf %dot_general3A_37, %dot_general3A_39 : vector<1280x512xf32>
    %dot_general3A_40 = arith.constant dense<0.000000e+00> : vector<1280x512xf32>
    %dot_general3A_41 = tpu.matmul %get3A_3, %convert_element_type3A_35, %dot_general3A_40 {dimension_numbers = #tpu.dot_dimension_numbers<[1], [0], [0], [1], [0, 0, 1, 1], [], []>, transpose_lhs_hint = false} : vector<1280x1280xbf16>, vector<1280x512xbf16>, vector<1280x512xf32> -> vector<1280x512xf32>
    %add3A_42 = arith.addf %add3A, %dot_general3A_41 : vector<1280x512xf32>
    %mul3A_43 = vector.broadcast %div3A_18 : vector<1280x1xf32> to vector<1280x512xf32>
    %mul3A_44 = arith.mulf %add3A_42, %mul3A_43 : vector<1280x512xf32>
    %dot_general3A_45 = arith.constant dense<0.000000e+00> : vector<1280x512xf32>
    %dot_general3A_46 = tpu.matmul %mul3A_44, %get3A_26, %dot_general3A_45 {dimension_numbers = #tpu.dot_dimension_numbers<[1], [0], [0], [1], [0, 0, 1, 1], [], []>, precision = #tpu.contract_precision<fp32>, transpose_lhs_hint = false} : vector<1280x512xf32>, vector<512x512xf32>, vector<1280x512xf32> -> vector<1280x512xf32>
    %add3A_47 = vector.broadcast %get3A_29 : vector<1x512xf32> to vector<1280x512xf32>
    %add3A_48 = arith.addf %dot_general3A_46, %add3A_47 : vector<1280x512xf32>
    %max3A_49 = arith.constant 0.000000e+00 : f32
    %max3A_50 = vector.broadcast %max3A_49 : f32 to vector<1280x512xf32>
    %max3A_51 = arith.maximumf %add3A_48, %max3A_50 : vector<1280x512xf32>
    %swap3A = arith.constant 0 : index
    %swap3A_52 = arith.constant 0 : index
    %swap3A_53 = arith.constant 0 : index
    %swap3A_54 = vector.load %arg5[%swap3A, %swap3A_52, %swap3A_53] : memref<1x1280x512xf32, #tpu.memory_space<vmem>>, vector<1x1280x512xf32>
    %swap3A_55 = vector.shape_cast %swap3A_54 : vector<1x1280x512xf32> to vector<1280x512xf32>
    %swap3A_56 = vector.shape_cast %max3A_51 : vector<1280x512xf32> to vector<1x1280x512xf32>
    tpu.vector_store %arg5[%swap3A, %swap3A_52, %swap3A_53], %swap3A_56 {strides = array<i32>} : memref<1x1280x512xf32, #tpu.memory_space<vmem>>, vector<1x1280x512xf32>,
    return
  }
  func.func @transform_0(%arg0: i32) -> (i32, i32, i32) {
    %c0_i32 = arith.constant 0 : i32
    %c0_i32_0 = arith.constant 0 : i32
    %c0_i32_1 = arith.constant 0 : i32
    return %arg0, %c0_i32, %c0_i32_0 : i32, i32, i32
  }
  func.func @transform_1(%arg0: i32) -> (i32, i32, i32) {
    %c0_i32 = arith.constant 0 : i32
    %c0_i32_0 = arith.constant 0 : i32
    %c0_i32_1 = arith.constant 0 : i32
    return %arg0, %c0_i32, %c0_i32_0 : i32, i32, i32
  }
  func.func @transform_2(%arg0: i32) -> (i32, i32) {
    %c0_i32 = arith.constant 0 : i32
    %c0_i32_0 = arith.constant 0 : i32
    %c0_i32_1 = arith.constant 0 : i32
    return %c0_i32, %c0_i32_0 : i32, i32
  }
  func.func @transform_3(%arg0: i32) -> (i32, i32) {
    %c0_i32 = arith.constant 0 : i32
    %c0_i32_0 = arith.constant 0 : i32
    %c0_i32_1 = arith.constant 0 : i32
    return %c0_i32, %c0_i32_0 : i32, i32
  }
  func.func @transform_4(%arg0: i32) -> (i32, i32, i32) {
    %c0_i32 = arith.constant 0 : i32
    %c0_i32_0 = arith.constant 0 : i32
    %c0_i32_1 = arith.constant 0 : i32
    return %arg0, %c0_i32, %c0_i32_0 : i32, i32, i32
  }
}

module attributes {stable_mosaic.version = 14 : i64} {
  func.func @_score_body(%arg0: i32, %arg1: memref<1x1280x1280xbf16, #tpu.memory_space<vmem>>, %arg2: memref<1x1280x512xf32, #tpu.memory_space<vmem>>, %arg3: memref<512x1xf32, #tpu.memory_space<vmem>>, %arg4: memref<1x1xf32, #tpu.memory_space<vmem>>, %arg5: memref<1x1280x512xf32, #tpu.memory_space<vmem>>, %arg6: memref<1x1280x1xf32, #tpu.memory_space<vmem>>, %arg7: memref<1x1280x1xf32, #tpu.memory_space<vmem>>) attributes {dimension_semantics = [#tpu.dimension_semantics<arbitrary>], iteration_bounds = array<i64: 8>, scalar_prefetch = 0 : i64, scratch_operands = 0 : i64, tpu.core_type = #tpu.core_type<tc>, window_params = [{transform_indices = @transform_0, window_bounds = array<i64: 1, 1280, 1280>}, {transform_indices = @transform_1, window_bounds = array<i64: 1, 1280, 512>}, {pipeline_mode = #tpu.pipeline_mode<synchronous>, transform_indices = @transform_2, window_bounds = array<i64: 512, 1>}, {pipeline_mode = #tpu.pipeline_mode<synchronous>, transform_indices = @transform_3, window_bounds = array<i64: 1, 1>}, {transform_indices = @transform_4, window_bounds = array<i64: 1, 1280, 512>}, {transform_indices = @transform_5, window_bounds = array<i64: 1, 1280, 1>}, {transform_indices = @transform_6, window_bounds = array<i64: 1, 1280, 1>}]} {
    %get3A = arith.constant 0 : index
    %get3A_0 = arith.constant 0 : index
    %get3A_1 = arith.constant 0 : index
    %get3A_2 = vector.load %arg1[%get3A, %get3A_0, %get3A_1] : memref<1x1280x1280xbf16, #tpu.memory_space<vmem>>, vector<1x1280x1280xbf16>
    %get3A_3 = vector.shape_cast %get3A_2 : vector<1x1280x1280xbf16> to vector<1280x1280xbf16>
    %get3A_4 = arith.constant 0 : index
    %get3A_5 = arith.constant 0 : index
    %get3A_6 = arith.constant 0 : index
    %get3A_7 = vector.load %arg2[%get3A_4, %get3A_5, %get3A_6] : memref<1x1280x512xf32, #tpu.memory_space<vmem>>, vector<1x1280x512xf32>
    %get3A_8 = vector.shape_cast %get3A_7 : vector<1x1280x512xf32> to vector<1280x512xf32>
    %get3A_9 = arith.constant 0 : index
    %get3A_10 = arith.constant 0 : index
    %get3A_11 = vector.load %arg3[%get3A_9, %get3A_10] : memref<512x1xf32, #tpu.memory_space<vmem>>, vector<512x1xf32>
    %get3A_12 = arith.constant 0 : index
    %get3A_13 = arith.constant 0 : index
    %get3A_14 = vector.load %arg4[%get3A_12, %get3A_13] : memref<1x1xf32, #tpu.memory_space<vmem>>, vector<1x1xf32>
    %broadcast_in_dim3A = arith.constant 1.000000e+00 : bf16
    %broadcast_in_dim3A_15 = vector.broadcast %broadcast_in_dim3A : bf16 to vector<1280x1xbf16>
    %dot_general3A = arith.constant dense<0.000000e+00> : vector<1280x1xf32>
    %dot_general3A_16 = tpu.matmul %get3A_3, %broadcast_in_dim3A_15, %dot_general3A {dimension_numbers = #tpu.dot_dimension_numbers<[1], [0], [0], [1], [0, 0, 1, 1], [], []>, transpose_lhs_hint = false} : vector<1280x1280xbf16>, vector<1280x1xbf16>, vector<1280x1xf32> -> vector<1280x1xf32>
    %dot_general3A_17 = arith.constant dense<0.000000e+00> : vector<1280x1xf32>
    %dot_general3A_18 = tpu.matmul %get3A_3, %broadcast_in_dim3A_15, %dot_general3A_17 {dimension_numbers = #tpu.dot_dimension_numbers<[0], [0], [1], [1], [0, 1, 1, 1], [], []>, transpose_lhs_hint = false} : vector<1280x1280xbf16>, vector<1280x1xbf16>, vector<1280x1xf32> -> vector<1280x1xf32>
    %max3A = arith.constant 1.000000e+00 : f32
    %max3A_19 = vector.broadcast %max3A : f32 to vector<1280x1xf32>
    %max3A_20 = arith.maximumf %dot_general3A_18, %max3A_19 : vector<1280x1xf32>
    %sqrt3A = math.sqrt %max3A_20 : vector<1280x1xf32>
    %div3A = arith.constant 1.000000e+00 : f32
    %div3A_21 = vector.broadcast %div3A : f32 to vector<1280x1xf32>
    %div3A_22 = arith.divf %div3A_21, %sqrt3A : vector<1280x1xf32>
    %max3A_23 = arith.constant 1.000000e+00 : f32
    %max3A_24 = vector.broadcast %max3A_23 : f32 to vector<1280x1xf32>
    %max3A_25 = arith.maximumf %dot_general3A_16, %max3A_24 : vector<1280x1xf32>
    %sqrt3A_26 = math.sqrt %max3A_25 : vector<1280x1xf32>
    %div3A_27 = arith.constant 1.000000e+00 : f32
    %div3A_28 = vector.broadcast %div3A_27 : f32 to vector<1280x1xf32>
    %div3A_29 = arith.divf %div3A_28, %sqrt3A_26 : vector<1280x1xf32>
    %mul3A = vector.broadcast %div3A_22 : vector<1280x1xf32> to vector<1280x512xf32>
    %mul3A_30 = arith.mulf %get3A_8, %mul3A : vector<1280x512xf32>
    %dot_general3A_31 = arith.constant dense<0.000000e+00> : vector<1280x1xf32>
    %dot_general3A_32 = tpu.matmul %mul3A_30, %get3A_11, %dot_general3A_31 {dimension_numbers = #tpu.dot_dimension_numbers<[1], [0], [0], [1], [0, 0, 1, 1], [], []>, precision = #tpu.contract_precision<fp32>, transpose_lhs_hint = false} : vector<1280x512xf32>, vector<512x1xf32>, vector<1280x1xf32> -> vector<1280x1xf32>
    %convert_element_type3A = arith.truncf %dot_general3A_32 : vector<1280x1xf32> to vector<1280x1xbf16>
    %convert_element_type3A_33 = arith.extf %convert_element_type3A : vector<1280x1xbf16> to vector<1280x1xf32>
    %sub3A = arith.subf %dot_general3A_32, %convert_element_type3A_33 : vector<1280x1xf32>
    %convert_element_type3A_34 = arith.truncf %sub3A : vector<1280x1xf32> to vector<1280x1xbf16>
    %convert_element_type3A_35 = arith.extf %convert_element_type3A_34 : vector<1280x1xbf16> to vector<1280x1xf32>
    %sub3A_36 = arith.subf %sub3A, %convert_element_type3A_35 : vector<1280x1xf32>
    %convert_element_type3A_37 = arith.truncf %sub3A_36 : vector<1280x1xf32> to vector<1280x1xbf16>
    %dot_general3A_38 = arith.constant dense<0.000000e+00> : vector<1280x1xf32>
    %dot_general3A_39 = tpu.matmul %get3A_3, %convert_element_type3A, %dot_general3A_38 {dimension_numbers = #tpu.dot_dimension_numbers<[1], [0], [0], [1], [0, 0, 1, 1], [], []>, transpose_lhs_hint = false} : vector<1280x1280xbf16>, vector<1280x1xbf16>, vector<1280x1xf32> -> vector<1280x1xf32>
    %dot_general3A_40 = arith.constant dense<0.000000e+00> : vector<1280x1xf32>
    %dot_general3A_41 = tpu.matmul %get3A_3, %convert_element_type3A_34, %dot_general3A_40 {dimension_numbers = #tpu.dot_dimension_numbers<[1], [0], [0], [1], [0, 0, 1, 1], [], []>, transpose_lhs_hint = false} : vector<1280x1280xbf16>, vector<1280x1xbf16>, vector<1280x1xf32> -> vector<1280x1xf32>
    %add3A = arith.addf %dot_general3A_39, %dot_general3A_41 : vector<1280x1xf32>
    %dot_general3A_42 = arith.constant dense<0.000000e+00> : vector<1280x1xf32>
    %dot_general3A_43 = tpu.matmul %get3A_3, %convert_element_type3A_37, %dot_general3A_42 {dimension_numbers = #tpu.dot_dimension_numbers<[1], [0], [0], [1], [0, 0, 1, 1], [], []>, transpose_lhs_hint = false} : vector<1280x1280xbf16>, vector<1280x1xbf16>, vector<1280x1xf32> -> vector<1280x1xf32>
    %add3A_44 = arith.addf %add3A, %dot_general3A_43 : vector<1280x1xf32>
    %mul3A_45 = arith.mulf %add3A_44, %div3A_29 : vector<1280x1xf32>
    %add3A_46 = vector.broadcast %get3A_14 : vector<1x1xf32> to vector<1280x1xf32>
    %add3A_47 = arith.addf %mul3A_45, %add3A_46 : vector<1280x1xf32>
    %iota3A = tpu.iota {dimensions = array<i32: 0>} : vector<1280x1xi32>
    %lt3A = arith.constant 1250 : i32
    %lt3A_48 = vector.broadcast %lt3A : i32 to vector<1280x1xi32>
    %lt3A_49 = arith.cmpi slt, %iota3A, %lt3A_48 : vector<1280x1xi32>
    %jit3A = arith.constant 0xFF800000 : f32
    %broadcast_in_dim3A_50 = vector.broadcast %jit3A : f32 to vector<1280x1xf32>
    %select_n3A = arith.select %lt3A_49, %add3A_47, %broadcast_in_dim3A_50 : vector<1280x1xi1>, vector<1280x1xf32>
    %bitcast_convert_type3A = tpu.bitcast %select_n3A : vector<1280x1xf32> -> vector<1280x1xi32>
    %ge3A = arith.constant 0 : i32
    %ge3A_51 = vector.broadcast %ge3A : i32 to vector<1280x1xi32>
    %ge3A_52 = arith.cmpi sge, %bitcast_convert_type3A, %ge3A_51 : vector<1280x1xi32>
    %xor3A = arith.constant 2147483647 : i32
    %xor3A_53 = vector.broadcast %xor3A : i32 to vector<1280x1xi32>
    %xor3A_54 = arith.xori %bitcast_convert_type3A, %xor3A_53 : vector<1280x1xi32>
    %select_n3A_55 = arith.select %ge3A_52, %bitcast_convert_type3A, %xor3A_54 : vector<1280x1xi1>, vector<1280x1xi32>
    %xor3A_56 = arith.constant -2147483648 : i32
    %xor3A_57 = vector.broadcast %xor3A_56 : i32 to vector<1280x1xi32>
    %xor3A_58 = arith.xori %select_n3A_55, %xor3A_57 : vector<1280x1xi32>
    %bitcast_convert_type3A_59 = tpu.bitcast %xor3A_58 : vector<1280x1xi32> -> vector<1280x1xi32>
    %scan3A = arith.constant 0 : i32
    %scan3A_60 = arith.constant 0 : i32
    %scan3A_61 = arith.constant 32 : i32
    %scan3A_62 = arith.addi %scan3A_60, %scan3A_61 : i32
    %scan3A_63 = arith.constant 1 : i32
    %scan3A_64 = scf.for %scan3A_161 = %scan3A_60 to %scan3A_62 step %scan3A_63 iter_args(%scan3A_162 = %scan3A) -> (i32)  : i32 {
      %sub3A_163 = arith.constant 31 : i32
      %sub3A_164 = arith.subi %sub3A_163, %scan3A_161 : i32
      %shift_left3A = arith.constant 1 : i32
      %shift_left3A_165 = arith.shli %shift_left3A, %sub3A_164 : i32
      %or3A_166 = arith.ori %scan3A_162, %shift_left3A_165 : i32
      %ge3A_167 = vector.broadcast %or3A_166 : i32 to vector<1280x1xi32>
      %ge3A_168 = arith.cmpi uge, %bitcast_convert_type3A_59, %ge3A_167 : vector<1280x1xi32>
      %convert_element_type3A_169 = arith.extui %ge3A_168 : vector<1280x1xi1> to vector<1280x1xi32>
      %reduce_sum3A_170 = vector.shape_cast %convert_element_type3A_169 : vector<1280x1xi32> to vector<1x1280x1xi32>
      %reduce_sum3A_171 = arith.constant dense<0> : vector<1xi32>
      %reduce_sum3A_172 = vector.multi_reduction <add>, %reduce_sum3A_170, %reduce_sum3A_171 [1, 2] : vector<1x1280x1xi32> to vector<1xi32>
      %reduce_sum3A_173 = vector.shape_cast %reduce_sum3A_172 : vector<1xi32> to vector<1x1x1xi32>
      %reduce_sum3A_174 = vector.extract %reduce_sum3A_173[0, 0, 0] : i32 from vector<1x1x1xi32>
      %ge3A_175 = arith.constant 625 : i32
      %ge3A_176 = arith.cmpi sge, %reduce_sum3A_174, %ge3A_175 : i32
      %select_n3A_177 = arith.select %ge3A_176, %or3A_166, %scan3A_162 : i32
      scf.yield %select_n3A_177 : i32
    }
    %scan3A_65 = arith.constant 32 : i32
    %gt3A = vector.broadcast %scan3A_64 : i32 to vector<1280x1xi32>
    %gt3A_66 = arith.cmpi ugt, %bitcast_convert_type3A_59, %gt3A : vector<1280x1xi32>
    %eq3A = vector.broadcast %scan3A_64 : i32 to vector<1280x1xi32>
    %eq3A_67 = arith.cmpi eq, %bitcast_convert_type3A_59, %eq3A : vector<1280x1xi32>
    %convert_element_type3A_68 = arith.extui %gt3A_66 : vector<1280x1xi1> to vector<1280x1xi32>
    %reduce_sum3A = vector.shape_cast %convert_element_type3A_68 : vector<1280x1xi32> to vector<1x1280x1xi32>
    %reduce_sum3A_69 = arith.constant dense<0> : vector<1xi32>
    %reduce_sum3A_70 = vector.multi_reduction <add>, %reduce_sum3A, %reduce_sum3A_69 [1, 2] : vector<1x1280x1xi32> to vector<1xi32>
    %reduce_sum3A_71 = vector.shape_cast %reduce_sum3A_70 : vector<1xi32> to vector<1x1x1xi32>
    %reduce_sum3A_72 = vector.extract %reduce_sum3A_71[0, 0, 0] : i32 from vector<1x1x1xi32>
    %sub3A_73 = arith.constant 625 : i32
    %sub3A_74 = arith.subi %sub3A_73, %reduce_sum3A_72 : i32
    %convert_element_type3A_75 = arith.sitofp %sub3A_74 : i32 to f32
    %convert_element_type3A_76 = arith.extui %eq3A_67 : vector<1280x1xi1> to vector<1280x1xi32>
    %convert_element_type3A_77 = arith.sitofp %convert_element_type3A_76 : vector<1280x1xi32> to vector<1280x1xf32>
    %convert_element_type3A_78 = arith.extui %gt3A_66 : vector<1280x1xi1> to vector<1280x1xi32>
    %convert_element_type3A_79 = arith.sitofp %convert_element_type3A_78 : vector<1280x1xi32> to vector<1280x1xf32>
    %concatenate3A = tpu.concatenate %convert_element_type3A_77, %convert_element_type3A_79 in 1 : vector<1280x1xf32>, vector<1280x1xf32> -> vector<1280x2xf32>
    %broadcast_in_dim3A_80 = arith.constant 0.000000e+00 : f32
    %broadcast_in_dim3A_81 = vector.broadcast %broadcast_in_dim3A_80 : f32 to vector<1x2xf32>
    %slice3A = vector.extract_strided_slice %concatenate3A {offsets = [0, 0], sizes = [1279, 2], strides = [1, 1]} : vector<1280x2xf32> to vector<1279x2xf32>
    %concatenate3A_82 = tpu.concatenate %broadcast_in_dim3A_81, %slice3A in 0 : vector<1x2xf32>, vector<1279x2xf32> -> vector<1280x2xf32>
    %add3A_83 = arith.addf %concatenate3A, %concatenate3A_82 : vector<1280x2xf32>
    %broadcast_in_dim3A_84 = arith.constant 0.000000e+00 : f32
    %broadcast_in_dim3A_85 = vector.broadcast %broadcast_in_dim3A_84 : f32 to vector<2x2xf32>
    %slice3A_86 = vector.extract_strided_slice %add3A_83 {offsets = [0, 0], sizes = [1278, 2], strides = [1, 1]} : vector<1280x2xf32> to vector<1278x2xf32>
    %concatenate3A_87 = tpu.concatenate %broadcast_in_dim3A_85, %slice3A_86 in 0 : vector<2x2xf32>, vector<1278x2xf32> -> vector<1280x2xf32>
    %add3A_88 = arith.addf %add3A_83, %concatenate3A_87 : vector<1280x2xf32>
    %broadcast_in_dim3A_89 = arith.constant 0.000000e+00 : f32
    %broadcast_in_dim3A_90 = vector.broadcast %broadcast_in_dim3A_89 : f32 to vector<4x2xf32>
    %slice3A_91 = vector.extract_strided_slice %add3A_88 {offsets = [0, 0], sizes = [1276, 2], strides = [1, 1]} : vector<1280x2xf32> to vector<1276x2xf32>
    %concatenate3A_92 = tpu.concatenate %broadcast_in_dim3A_90, %slice3A_91 in 0 : vector<4x2xf32>, vector<1276x2xf32> -> vector<1280x2xf32>
    %add3A_93 = arith.addf %add3A_88, %concatenate3A_92 : vector<1280x2xf32>
    %broadcast_in_dim3A_94 = arith.constant 0.000000e+00 : f32
    %broadcast_in_dim3A_95 = vector.broadcast %broadcast_in_dim3A_94 : f32 to vector<8x2xf32>
    %slice3A_96 = vector.extract_strided_slice %add3A_93 {offsets = [0, 0], sizes = [1272, 2], strides = [1, 1]} : vector<1280x2xf32> to vector<1272x2xf32>
    %concatenate3A_97 = tpu.concatenate %broadcast_in_dim3A_95, %slice3A_96 in 0 : vector<8x2xf32>, vector<1272x2xf32> -> vector<1280x2xf32>
    %add3A_98 = arith.addf %add3A_93, %concatenate3A_97 : vector<1280x2xf32>
    %broadcast_in_dim3A_99 = arith.constant 0.000000e+00 : f32
    %broadcast_in_dim3A_100 = vector.broadcast %broadcast_in_dim3A_99 : f32 to vector<16x2xf32>
    %slice3A_101 = vector.extract_strided_slice %add3A_98 {offsets = [0, 0], sizes = [1264, 2], strides = [1, 1]} : vector<1280x2xf32> to vector<1264x2xf32>
    %concatenate3A_102 = tpu.concatenate %broadcast_in_dim3A_100, %slice3A_101 in 0 : vector<16x2xf32>, vector<1264x2xf32> -> vector<1280x2xf32>
    %add3A_103 = arith.addf %add3A_98, %concatenate3A_102 : vector<1280x2xf32>
    %broadcast_in_dim3A_104 = arith.constant 0.000000e+00 : f32
    %broadcast_in_dim3A_105 = vector.broadcast %broadcast_in_dim3A_104 : f32 to vector<32x2xf32>
    %slice3A_106 = vector.extract_strided_slice %add3A_103 {offsets = [0, 0], sizes = [1248, 2], strides = [1, 1]} : vector<1280x2xf32> to vector<1248x2xf32>
    %concatenate3A_107 = tpu.concatenate %broadcast_in_dim3A_105, %slice3A_106 in 0 : vector<32x2xf32>, vector<1248x2xf32> -> vector<1280x2xf32>
    %add3A_108 = arith.addf %add3A_103, %concatenate3A_107 : vector<1280x2xf32>
    %broadcast_in_dim3A_109 = arith.constant 0.000000e+00 : f32
    %broadcast_in_dim3A_110 = vector.broadcast %broadcast_in_dim3A_109 : f32 to vector<64x2xf32>
    %slice3A_111 = vector.extract_strided_slice %add3A_108 {offsets = [0, 0], sizes = [1216, 2], strides = [1, 1]} : vector<1280x2xf32> to vector<1216x2xf32>
    %concatenate3A_112 = tpu.concatenate %broadcast_in_dim3A_110, %slice3A_111 in 0 : vector<64x2xf32>, vector<1216x2xf32> -> vector<1280x2xf32>
    %add3A_113 = arith.addf %add3A_108, %concatenate3A_112 : vector<1280x2xf32>
    %broadcast_in_dim3A_114 = arith.constant 0.000000e+00 : f32
    %broadcast_in_dim3A_115 = vector.broadcast %broadcast_in_dim3A_114 : f32 to vector<128x2xf32>
    %slice3A_116 = vector.extract_strided_slice %add3A_113 {offsets = [0, 0], sizes = [1152, 2], strides = [1, 1]} : vector<1280x2xf32> to vector<1152x2xf32>
    %concatenate3A_117 = tpu.concatenate %broadcast_in_dim3A_115, %slice3A_116 in 0 : vector<128x2xf32>, vector<1152x2xf32> -> vector<1280x2xf32>
    %add3A_118 = arith.addf %add3A_113, %concatenate3A_117 : vector<1280x2xf32>
    %broadcast_in_dim3A_119 = arith.constant 0.000000e+00 : f32
    %broadcast_in_dim3A_120 = vector.broadcast %broadcast_in_dim3A_119 : f32 to vector<256x2xf32>
    %slice3A_121 = vector.extract_strided_slice %add3A_118 {offsets = [0, 0], sizes = [1024, 2], strides = [1, 1]} : vector<1280x2xf32> to vector<1024x2xf32>
    %concatenate3A_122 = tpu.concatenate %broadcast_in_dim3A_120, %slice3A_121 in 0 : vector<256x2xf32>, vector<1024x2xf32> -> vector<1280x2xf32>
    %add3A_123 = arith.addf %add3A_118, %concatenate3A_122 : vector<1280x2xf32>
    %broadcast_in_dim3A_124 = arith.constant 0.000000e+00 : f32
    %broadcast_in_dim3A_125 = vector.broadcast %broadcast_in_dim3A_124 : f32 to vector<512x2xf32>
    %slice3A_126 = vector.extract_strided_slice %add3A_123 {offsets = [0, 0], sizes = [768, 2], strides = [1, 1]} : vector<1280x2xf32> to vector<768x2xf32>
    %concatenate3A_127 = tpu.concatenate %broadcast_in_dim3A_125, %slice3A_126 in 0 : vector<512x2xf32>, vector<768x2xf32> -> vector<1280x2xf32>
    %add3A_128 = arith.addf %add3A_123, %concatenate3A_127 : vector<1280x2xf32>
    %broadcast_in_dim3A_129 = arith.constant 0.000000e+00 : f32
    %broadcast_in_dim3A_130 = vector.broadcast %broadcast_in_dim3A_129 : f32 to vector<1024x2xf32>
    %slice3A_131 = vector.extract_strided_slice %add3A_128 {offsets = [0, 0], sizes = [256, 2], strides = [1, 1]} : vector<1280x2xf32> to vector<256x2xf32>
    %concatenate3A_132 = tpu.concatenate %broadcast_in_dim3A_130, %slice3A_131 in 0 : vector<1024x2xf32>, vector<256x2xf32> -> vector<1280x2xf32>
    %add3A_133 = arith.addf %add3A_128, %concatenate3A_132 : vector<1280x2xf32>
    %slice3A_134 = vector.extract_strided_slice %add3A_133 {offsets = [0, 0], sizes = [1280, 1], strides = [1, 1]} : vector<1280x2xf32> to vector<1280x1xf32>
    %convert_element_type3A_135 = arith.extui %eq3A_67 : vector<1280x1xi1> to vector<1280x1xi32>
    %convert_element_type3A_136 = arith.sitofp %convert_element_type3A_135 : vector<1280x1xi32> to vector<1280x1xf32>
    %sub3A_137 = arith.subf %slice3A_134, %convert_element_type3A_136 : vector<1280x1xf32>
    %lt3A_138 = vector.broadcast %convert_element_type3A_75 : f32 to vector<1280x1xf32>
    %lt3A_139 = arith.cmpf olt, %sub3A_137, %lt3A_138 : vector<1280x1xf32>
    %and3A = arith.andi %eq3A_67, %lt3A_139 : vector<1280x1xi1>
    %or3A = arith.ori %gt3A_66, %and3A : vector<1280x1xi1>
    %tanh3A = math.tanh %select_n3A : vector<1280x1xf32>
    %mul3A_140 = vector.broadcast %tanh3A : vector<1280x1xf32> to vector<1280x512xf32>
    %mul3A_141 = arith.mulf %get3A_8, %mul3A_140 : vector<1280x512xf32>
    %swap3A = arith.constant 0 : index
    %swap3A_142 = arith.constant 0 : index
    %swap3A_143 = arith.constant 0 : index
    %swap3A_144 = vector.load %arg5[%swap3A, %swap3A_142, %swap3A_143] : memref<1x1280x512xf32, #tpu.memory_space<vmem>>, vector<1x1280x512xf32>
    %swap3A_145 = vector.shape_cast %swap3A_144 : vector<1x1280x512xf32> to vector<1280x512xf32>
    %swap3A_146 = vector.shape_cast %mul3A_141 : vector<1280x512xf32> to vector<1x1280x512xf32>
    tpu.vector_store %arg5[%swap3A, %swap3A_142, %swap3A_143], %swap3A_146 {strides = array<i32>} : memref<1x1280x512xf32, #tpu.memory_space<vmem>>, vector<1x1280x512xf32>,
    %swap3A_147 = arith.constant 0 : index
    %swap3A_148 = arith.constant 0 : index
    %swap3A_149 = arith.constant 0 : index
    %swap3A_150 = vector.load %arg6[%swap3A_147, %swap3A_148, %swap3A_149] : memref<1x1280x1xf32, #tpu.memory_space<vmem>>, vector<1x1280x1xf32>
    %swap3A_151 = vector.shape_cast %swap3A_150 : vector<1x1280x1xf32> to vector<1280x1xf32>
    %swap3A_152 = vector.shape_cast %select_n3A : vector<1280x1xf32> to vector<1x1280x1xf32>
    tpu.vector_store %arg6[%swap3A_147, %swap3A_148, %swap3A_149], %swap3A_152 {strides = array<i32>} : memref<1x1280x1xf32, #tpu.memory_space<vmem>>, vector<1x1280x1xf32>,
    %convert_element_type3A_153 = arith.extui %or3A : vector<1280x1xi1> to vector<1280x1xi32>
    %convert_element_type3A_154 = arith.sitofp %convert_element_type3A_153 : vector<1280x1xi32> to vector<1280x1xf32>
    %swap3A_155 = arith.constant 0 : index
    %swap3A_156 = arith.constant 0 : index
    %swap3A_157 = arith.constant 0 : index
    %swap3A_158 = vector.load %arg7[%swap3A_155, %swap3A_156, %swap3A_157] : memref<1x1280x1xf32, #tpu.memory_space<vmem>>, vector<1x1280x1xf32>
    %swap3A_159 = vector.shape_cast %swap3A_158 : vector<1x1280x1xf32> to vector<1280x1xf32>
    %swap3A_160 = vector.shape_cast %convert_element_type3A_154 : vector<1280x1xf32> to vector<1x1280x1xf32>
    tpu.vector_store %arg7[%swap3A_155, %swap3A_156, %swap3A_157], %swap3A_160 {strides = array<i32>} : memref<1x1280x1xf32, #tpu.memory_space<vmem>>, vector<1x1280x1xf32>,
    return
  }
  func.func @transform_0(%arg0: i32) -> (i32, i32, i32) {
    %c0_i32 = arith.constant 0 : i32
    %c0_i32_0 = arith.constant 0 : i32
    %c0_i32_1 = arith.constant 0 : i32
    return %arg0, %c0_i32, %c0_i32_0 : i32, i32, i32
  }
  func.func @transform_1(%arg0: i32) -> (i32, i32, i32) {
    %c0_i32 = arith.constant 0 : i32
    %c0_i32_0 = arith.constant 0 : i32
    %c0_i32_1 = arith.constant 0 : i32
    return %arg0, %c0_i32, %c0_i32_0 : i32, i32, i32
  }
  func.func @transform_2(%arg0: i32) -> (i32, i32) {
    %c0_i32 = arith.constant 0 : i32
    %c0_i32_0 = arith.constant 0 : i32
    %c0_i32_1 = arith.constant 0 : i32
    return %c0_i32, %c0_i32_0 : i32, i32
  }
  func.func @transform_3(%arg0: i32) -> (i32, i32) {
    %c0_i32 = arith.constant 0 : i32
    %c0_i32_0 = arith.constant 0 : i32
    %c0_i32_1 = arith.constant 0 : i32
    return %c0_i32, %c0_i32_0 : i32, i32
  }
  func.func @transform_4(%arg0: i32) -> (i32, i32, i32) {
    %c0_i32 = arith.constant 0 : i32
    %c0_i32_0 = arith.constant 0 : i32
    %c0_i32_1 = arith.constant 0 : i32
    return %arg0, %c0_i32, %c0_i32_0 : i32, i32, i32
  }
  func.func @transform_5(%arg0: i32) -> (i32, i32, i32) {
    %c0_i32 = arith.constant 0 : i32
    %c0_i32_0 = arith.constant 0 : i32
    %c0_i32_1 = arith.constant 0 : i32
    return %arg0, %c0_i32, %c0_i32_0 : i32, i32, i32
  }
  func.func @transform_6(%arg0: i32) -> (i32, i32, i32) {
    %c0_i32 = arith.constant 0 : i32
    %c0_i32_0 = arith.constant 0 : i32
    %c0_i32_1 = arith.constant 0 : i32
    return %arg0, %c0_i32, %c0_i32_0 : i32, i32, i32
  }
}

module attributes {stable_mosaic.version = 14 : i64} {
  func.func @_rank_body(%arg0: i32, %arg1: memref<1x1280x1xf32, #tpu.memory_space<vmem>>, %arg2: memref<1x1280x1xf32, #tpu.memory_space<vmem>>, %arg3: memref<1x1x1280xf32, #tpu.memory_space<vmem>>, %arg4: memref<1x1x1280xf32, #tpu.memory_space<vmem>>, %arg5: memref<1x1280x1xf32, #tpu.memory_space<vmem>>) attributes {dimension_semantics = [#tpu.dimension_semantics<arbitrary>], iteration_bounds = array<i64: 8>, scalar_prefetch = 0 : i64, scratch_operands = 0 : i64, tpu.core_type = #tpu.core_type<tc>, window_params = [{transform_indices = @transform_0, window_bounds = array<i64: 1, 1280, 1>}, {transform_indices = @transform_1, window_bounds = array<i64: 1, 1280, 1>}, {transform_indices = @transform_2, window_bounds = array<i64: 1, 1, 1280>}, {transform_indices = @transform_3, window_bounds = array<i64: 1, 1, 1280>}, {transform_indices = @transform_4, window_bounds = array<i64: 1, 1280, 1>}]} {
    %get3A = arith.constant 0 : index
    %get3A_0 = arith.constant 0 : index
    %get3A_1 = arith.constant 0 : index
    %get3A_2 = vector.load %arg1[%get3A, %get3A_0, %get3A_1] : memref<1x1280x1xf32, #tpu.memory_space<vmem>>, vector<1x1280x1xf32>
    %get3A_3 = vector.shape_cast %get3A_2 : vector<1x1280x1xf32> to vector<1280x1xf32>
    %get3A_4 = arith.constant 0 : index
    %get3A_5 = arith.constant 0 : index
    %get3A_6 = arith.constant 0 : index
    %get3A_7 = vector.load %arg2[%get3A_4, %get3A_5, %get3A_6] : memref<1x1280x1xf32, #tpu.memory_space<vmem>>, vector<1x1280x1xf32>
    %get3A_8 = vector.shape_cast %get3A_7 : vector<1x1280x1xf32> to vector<1280x1xf32>
    %iota3A = tpu.iota {dimensions = array<i32: 0>} : vector<1280x1xi32>
    %broadcast_in_dim3A = arith.constant 0.000000e+00 : f32
    %broadcast_in_dim3A_9 = vector.broadcast %broadcast_in_dim3A : f32 to vector<1280x1xf32>
    %get3A_10 = arith.constant 0 : index
    %get3A_11 = arith.constant 0 : index
    %get3A_12 = arith.constant 0 : index
    %get3A_13 = vector.load %arg3[%get3A_10, %get3A_11, %get3A_12] : memref<1x1x1280xf32, #tpu.memory_space<vmem>>, vector<1x1x256xf32>
    %get3A_14 = vector.shape_cast %get3A_13 : vector<1x1x256xf32> to vector<1x256xf32>
    %get3A_15 = arith.constant 0 : index
    %get3A_16 = arith.constant 0 : index
    %get3A_17 = arith.constant 0 : index
    %get3A_18 = vector.load %arg4[%get3A_15, %get3A_16, %get3A_17] : memref<1x1x1280xf32, #tpu.memory_space<vmem>>, vector<1x1x256xf32>
    %get3A_19 = vector.shape_cast %get3A_18 : vector<1x1x256xf32> to vector<1x256xf32>
    %iota3A_20 = tpu.iota {dimensions = array<i32: 1>} : vector<1x256xi32>
    %add3A = arith.constant 0 : i32
    %add3A_21 = vector.broadcast %add3A : i32 to vector<1x256xi32>
    %add3A_22 = arith.addi %iota3A_20, %add3A_21 : vector<1x256xi32>
    %gt3A = vector.broadcast %get3A_14 : vector<1x256xf32> to vector<1280x256xf32>
    %gt3A_23 = vector.broadcast %get3A_3 : vector<1280x1xf32> to vector<1280x256xf32>
    %gt3A_24 = arith.cmpf ogt, %gt3A, %gt3A_23 : vector<1280x256xf32>
    %eq3A = vector.broadcast %get3A_14 : vector<1x256xf32> to vector<1280x256xf32>
    %eq3A_25 = vector.broadcast %get3A_3 : vector<1280x1xf32> to vector<1280x256xf32>
    %eq3A_26 = arith.cmpf oeq, %eq3A, %eq3A_25 : vector<1280x256xf32>
    %lt3A = vector.broadcast %add3A_22 : vector<1x256xi32> to vector<1280x256xi32>
    %lt3A_27 = vector.broadcast %iota3A : vector<1280x1xi32> to vector<1280x256xi32>
    %lt3A_28 = arith.cmpi slt, %lt3A, %lt3A_27 : vector<1280x256xi32>
    %and3A = arith.andi %eq3A_26, %lt3A_28 : vector<1280x256xi1>
    %or3A = arith.ori %gt3A_24, %and3A : vector<1280x256xi1>
    %jit3A = arith.constant 0.000000e+00 : f32
    %broadcast_in_dim3A_29 = vector.shape_cast %get3A_19 : vector<1x256xf32> to vector<1x256xf32>
    %broadcast_in_dim3A_30 = vector.broadcast %broadcast_in_dim3A_29 : vector<1x256xf32> to vector<1280x256xf32>
    %broadcast_in_dim3A_31 = vector.broadcast %jit3A : f32 to vector<1280x256xf32>
    %select_n3A = arith.select %or3A, %broadcast_in_dim3A_30, %broadcast_in_dim3A_31 : vector<1280x256xi1>, vector<1280x256xf32>
    %reduce_sum3A = arith.constant dense<0.000000e+00> : vector<1280xf32>
    %reduce_sum3A_32 = vector.multi_reduction <add>, %select_n3A, %reduce_sum3A [1] : vector<1280x256xf32> to vector<1280xf32>
    %broadcast_in_dim3A_33 = vector.shape_cast %reduce_sum3A_32 : vector<1280xf32> to vector<1280x1xf32>
    %add3A_34 = arith.addf %broadcast_in_dim3A_9, %broadcast_in_dim3A_33 : vector<1280x1xf32>
    %get3A_35 = arith.constant 0 : index
    %get3A_36 = arith.constant 0 : index
    %get3A_37 = arith.constant 256 : index
    %get3A_38 = vector.load %arg3[%get3A_35, %get3A_36, %get3A_37] : memref<1x1x1280xf32, #tpu.memory_space<vmem>>, vector<1x1x256xf32>
    %get3A_39 = vector.shape_cast %get3A_38 : vector<1x1x256xf32> to vector<1x256xf32>
    %get3A_40 = arith.constant 0 : index
    %get3A_41 = arith.constant 0 : index
    %get3A_42 = arith.constant 256 : index
    %get3A_43 = vector.load %arg4[%get3A_40, %get3A_41, %get3A_42] : memref<1x1x1280xf32, #tpu.memory_space<vmem>>, vector<1x1x256xf32>
    %get3A_44 = vector.shape_cast %get3A_43 : vector<1x1x256xf32> to vector<1x256xf32>
    %iota3A_45 = tpu.iota {dimensions = array<i32: 1>} : vector<1x256xi32>
    %add3A_46 = arith.constant 256 : i32
    %add3A_47 = vector.broadcast %add3A_46 : i32 to vector<1x256xi32>
    %add3A_48 = arith.addi %iota3A_45, %add3A_47 : vector<1x256xi32>
    %gt3A_49 = vector.broadcast %get3A_39 : vector<1x256xf32> to vector<1280x256xf32>
    %gt3A_50 = vector.broadcast %get3A_3 : vector<1280x1xf32> to vector<1280x256xf32>
    %gt3A_51 = arith.cmpf ogt, %gt3A_49, %gt3A_50 : vector<1280x256xf32>
    %eq3A_52 = vector.broadcast %get3A_39 : vector<1x256xf32> to vector<1280x256xf32>
    %eq3A_53 = vector.broadcast %get3A_3 : vector<1280x1xf32> to vector<1280x256xf32>
    %eq3A_54 = arith.cmpf oeq, %eq3A_52, %eq3A_53 : vector<1280x256xf32>
    %lt3A_55 = vector.broadcast %add3A_48 : vector<1x256xi32> to vector<1280x256xi32>
    %lt3A_56 = vector.broadcast %iota3A : vector<1280x1xi32> to vector<1280x256xi32>
    %lt3A_57 = arith.cmpi slt, %lt3A_55, %lt3A_56 : vector<1280x256xi32>
    %and3A_58 = arith.andi %eq3A_54, %lt3A_57 : vector<1280x256xi1>
    %or3A_59 = arith.ori %gt3A_51, %and3A_58 : vector<1280x256xi1>
    %jit3A_60 = arith.constant 0.000000e+00 : f32
    %broadcast_in_dim3A_61 = vector.shape_cast %get3A_44 : vector<1x256xf32> to vector<1x256xf32>
    %broadcast_in_dim3A_62 = vector.broadcast %broadcast_in_dim3A_61 : vector<1x256xf32> to vector<1280x256xf32>
    %broadcast_in_dim3A_63 = vector.broadcast %jit3A_60 : f32 to vector<1280x256xf32>
    %select_n3A_64 = arith.select %or3A_59, %broadcast_in_dim3A_62, %broadcast_in_dim3A_63 : vector<1280x256xi1>, vector<1280x256xf32>
    %reduce_sum3A_65 = arith.constant dense<0.000000e+00> : vector<1280xf32>
    %reduce_sum3A_66 = vector.multi_reduction <add>, %select_n3A_64, %reduce_sum3A_65 [1] : vector<1280x256xf32> to vector<1280xf32>
    %broadcast_in_dim3A_67 = vector.shape_cast %reduce_sum3A_66 : vector<1280xf32> to vector<1280x1xf32>
    %add3A_68 = arith.addf %add3A_34, %broadcast_in_dim3A_67 : vector<1280x1xf32>
    %get3A_69 = arith.constant 0 : index
    %get3A_70 = arith.constant 0 : index
    %get3A_71 = arith.constant 512 : index
    %get3A_72 = vector.load %arg3[%get3A_69, %get3A_70, %get3A_71] : memref<1x1x1280xf32, #tpu.memory_space<vmem>>, vector<1x1x256xf32>
    %get3A_73 = vector.shape_cast %get3A_72 : vector<1x1x256xf32> to vector<1x256xf32>
    %get3A_74 = arith.constant 0 : index
    %get3A_75 = arith.constant 0 : index
    %get3A_76 = arith.constant 512 : index
    %get3A_77 = vector.load %arg4[%get3A_74, %get3A_75, %get3A_76] : memref<1x1x1280xf32, #tpu.memory_space<vmem>>, vector<1x1x256xf32>
    %get3A_78 = vector.shape_cast %get3A_77 : vector<1x1x256xf32> to vector<1x256xf32>
    %iota3A_79 = tpu.iota {dimensions = array<i32: 1>} : vector<1x256xi32>
    %add3A_80 = arith.constant 512 : i32
    %add3A_81 = vector.broadcast %add3A_80 : i32 to vector<1x256xi32>
    %add3A_82 = arith.addi %iota3A_79, %add3A_81 : vector<1x256xi32>
    %gt3A_83 = vector.broadcast %get3A_73 : vector<1x256xf32> to vector<1280x256xf32>
    %gt3A_84 = vector.broadcast %get3A_3 : vector<1280x1xf32> to vector<1280x256xf32>
    %gt3A_85 = arith.cmpf ogt, %gt3A_83, %gt3A_84 : vector<1280x256xf32>
    %eq3A_86 = vector.broadcast %get3A_73 : vector<1x256xf32> to vector<1280x256xf32>
    %eq3A_87 = vector.broadcast %get3A_3 : vector<1280x1xf32> to vector<1280x256xf32>
    %eq3A_88 = arith.cmpf oeq, %eq3A_86, %eq3A_87 : vector<1280x256xf32>
    %lt3A_89 = vector.broadcast %add3A_82 : vector<1x256xi32> to vector<1280x256xi32>
    %lt3A_90 = vector.broadcast %iota3A : vector<1280x1xi32> to vector<1280x256xi32>
    %lt3A_91 = arith.cmpi slt, %lt3A_89, %lt3A_90 : vector<1280x256xi32>
    %and3A_92 = arith.andi %eq3A_88, %lt3A_91 : vector<1280x256xi1>
    %or3A_93 = arith.ori %gt3A_85, %and3A_92 : vector<1280x256xi1>
    %jit3A_94 = arith.constant 0.000000e+00 : f32
    %broadcast_in_dim3A_95 = vector.shape_cast %get3A_78 : vector<1x256xf32> to vector<1x256xf32>
    %broadcast_in_dim3A_96 = vector.broadcast %broadcast_in_dim3A_95 : vector<1x256xf32> to vector<1280x256xf32>
    %broadcast_in_dim3A_97 = vector.broadcast %jit3A_94 : f32 to vector<1280x256xf32>
    %select_n3A_98 = arith.select %or3A_93, %broadcast_in_dim3A_96, %broadcast_in_dim3A_97 : vector<1280x256xi1>, vector<1280x256xf32>
    %reduce_sum3A_99 = arith.constant dense<0.000000e+00> : vector<1280xf32>
    %reduce_sum3A_100 = vector.multi_reduction <add>, %select_n3A_98, %reduce_sum3A_99 [1] : vector<1280x256xf32> to vector<1280xf32>
    %broadcast_in_dim3A_101 = vector.shape_cast %reduce_sum3A_100 : vector<1280xf32> to vector<1280x1xf32>
    %add3A_102 = arith.addf %add3A_68, %broadcast_in_dim3A_101 : vector<1280x1xf32>
    %get3A_103 = arith.constant 0 : index
    %get3A_104 = arith.constant 0 : index
    %get3A_105 = arith.constant 768 : index
    %get3A_106 = vector.load %arg3[%get3A_103, %get3A_104, %get3A_105] : memref<1x1x1280xf32, #tpu.memory_space<vmem>>, vector<1x1x256xf32>
    %get3A_107 = vector.shape_cast %get3A_106 : vector<1x1x256xf32> to vector<1x256xf32>
    %get3A_108 = arith.constant 0 : index
    %get3A_109 = arith.constant 0 : index
    %get3A_110 = arith.constant 768 : index
    %get3A_111 = vector.load %arg4[%get3A_108, %get3A_109, %get3A_110] : memref<1x1x1280xf32, #tpu.memory_space<vmem>>, vector<1x1x256xf32>
    %get3A_112 = vector.shape_cast %get3A_111 : vector<1x1x256xf32> to vector<1x256xf32>
    %iota3A_113 = tpu.iota {dimensions = array<i32: 1>} : vector<1x256xi32>
    %add3A_114 = arith.constant 768 : i32
    %add3A_115 = vector.broadcast %add3A_114 : i32 to vector<1x256xi32>
    %add3A_116 = arith.addi %iota3A_113, %add3A_115 : vector<1x256xi32>
    %gt3A_117 = vector.broadcast %get3A_107 : vector<1x256xf32> to vector<1280x256xf32>
    %gt3A_118 = vector.broadcast %get3A_3 : vector<1280x1xf32> to vector<1280x256xf32>
    %gt3A_119 = arith.cmpf ogt, %gt3A_117, %gt3A_118 : vector<1280x256xf32>
    %eq3A_120 = vector.broadcast %get3A_107 : vector<1x256xf32> to vector<1280x256xf32>
    %eq3A_121 = vector.broadcast %get3A_3 : vector<1280x1xf32> to vector<1280x256xf32>
    %eq3A_122 = arith.cmpf oeq, %eq3A_120, %eq3A_121 : vector<1280x256xf32>
    %lt3A_123 = vector.broadcast %add3A_116 : vector<1x256xi32> to vector<1280x256xi32>
    %lt3A_124 = vector.broadcast %iota3A : vector<1280x1xi32> to vector<1280x256xi32>
    %lt3A_125 = arith.cmpi slt, %lt3A_123, %lt3A_124 : vector<1280x256xi32>
    %and3A_126 = arith.andi %eq3A_122, %lt3A_125 : vector<1280x256xi1>
    %or3A_127 = arith.ori %gt3A_119, %and3A_126 : vector<1280x256xi1>
    %jit3A_128 = arith.constant 0.000000e+00 : f32
    %broadcast_in_dim3A_129 = vector.shape_cast %get3A_112 : vector<1x256xf32> to vector<1x256xf32>
    %broadcast_in_dim3A_130 = vector.broadcast %broadcast_in_dim3A_129 : vector<1x256xf32> to vector<1280x256xf32>
    %broadcast_in_dim3A_131 = vector.broadcast %jit3A_128 : f32 to vector<1280x256xf32>
    %select_n3A_132 = arith.select %or3A_127, %broadcast_in_dim3A_130, %broadcast_in_dim3A_131 : vector<1280x256xi1>, vector<1280x256xf32>
    %reduce_sum3A_133 = arith.constant dense<0.000000e+00> : vector<1280xf32>
    %reduce_sum3A_134 = vector.multi_reduction <add>, %select_n3A_132, %reduce_sum3A_133 [1] : vector<1280x256xf32> to vector<1280xf32>
    %broadcast_in_dim3A_135 = vector.shape_cast %reduce_sum3A_134 : vector<1280xf32> to vector<1280x1xf32>
    %add3A_136 = arith.addf %add3A_102, %broadcast_in_dim3A_135 : vector<1280x1xf32>
    %get3A_137 = arith.constant 0 : index
    %get3A_138 = arith.constant 0 : index
    %get3A_139 = arith.constant 1024 : index
    %get3A_140 = vector.load %arg3[%get3A_137, %get3A_138, %get3A_139] : memref<1x1x1280xf32, #tpu.memory_space<vmem>>, vector<1x1x256xf32>
    %get3A_141 = vector.shape_cast %get3A_140 : vector<1x1x256xf32> to vector<1x256xf32>
    %get3A_142 = arith.constant 0 : index
    %get3A_143 = arith.constant 0 : index
    %get3A_144 = arith.constant 1024 : index
    %get3A_145 = vector.load %arg4[%get3A_142, %get3A_143, %get3A_144] : memref<1x1x1280xf32, #tpu.memory_space<vmem>>, vector<1x1x256xf32>
    %get3A_146 = vector.shape_cast %get3A_145 : vector<1x1x256xf32> to vector<1x256xf32>
    %iota3A_147 = tpu.iota {dimensions = array<i32: 1>} : vector<1x256xi32>
    %add3A_148 = arith.constant 1024 : i32
    %add3A_149 = vector.broadcast %add3A_148 : i32 to vector<1x256xi32>
    %add3A_150 = arith.addi %iota3A_147, %add3A_149 : vector<1x256xi32>
    %gt3A_151 = vector.broadcast %get3A_141 : vector<1x256xf32> to vector<1280x256xf32>
    %gt3A_152 = vector.broadcast %get3A_3 : vector<1280x1xf32> to vector<1280x256xf32>
    %gt3A_153 = arith.cmpf ogt, %gt3A_151, %gt3A_152 : vector<1280x256xf32>
    %eq3A_154 = vector.broadcast %get3A_141 : vector<1x256xf32> to vector<1280x256xf32>
    %eq3A_155 = vector.broadcast %get3A_3 : vector<1280x1xf32> to vector<1280x256xf32>
    %eq3A_156 = arith.cmpf oeq, %eq3A_154, %eq3A_155 : vector<1280x256xf32>
    %lt3A_157 = vector.broadcast %add3A_150 : vector<1x256xi32> to vector<1280x256xi32>
    %lt3A_158 = vector.broadcast %iota3A : vector<1280x1xi32> to vector<1280x256xi32>
    %lt3A_159 = arith.cmpi slt, %lt3A_157, %lt3A_158 : vector<1280x256xi32>
    %and3A_160 = arith.andi %eq3A_156, %lt3A_159 : vector<1280x256xi1>
    %or3A_161 = arith.ori %gt3A_153, %and3A_160 : vector<1280x256xi1>
    %jit3A_162 = arith.constant 0.000000e+00 : f32
    %broadcast_in_dim3A_163 = vector.shape_cast %get3A_146 : vector<1x256xf32> to vector<1x256xf32>
    %broadcast_in_dim3A_164 = vector.broadcast %broadcast_in_dim3A_163 : vector<1x256xf32> to vector<1280x256xf32>
    %broadcast_in_dim3A_165 = vector.broadcast %jit3A_162 : f32 to vector<1280x256xf32>
    %select_n3A_166 = arith.select %or3A_161, %broadcast_in_dim3A_164, %broadcast_in_dim3A_165 : vector<1280x256xi1>, vector<1280x256xf32>
    %reduce_sum3A_167 = arith.constant dense<0.000000e+00> : vector<1280xf32>
    %reduce_sum3A_168 = vector.multi_reduction <add>, %select_n3A_166, %reduce_sum3A_167 [1] : vector<1280x256xf32> to vector<1280xf32>
    %broadcast_in_dim3A_169 = vector.shape_cast %reduce_sum3A_168 : vector<1280xf32> to vector<1280x1xf32>
    %add3A_170 = arith.addf %add3A_136, %broadcast_in_dim3A_169 : vector<1280x1xf32>
    %gt3A_171 = arith.constant 0.000000e+00 : f32
    %gt3A_172 = vector.broadcast %gt3A_171 : f32 to vector<1280x1xf32>
    %gt3A_173 = arith.cmpf ogt, %get3A_8, %gt3A_172 : vector<1280x1xf32>
    %jit3A_174 = arith.constant -1.000000e+00 : f32
    %broadcast_in_dim3A_175 = vector.broadcast %jit3A_174 : f32 to vector<1280x1xf32>
    %select_n3A_176 = arith.select %gt3A_173, %add3A_170, %broadcast_in_dim3A_175 : vector<1280x1xi1>, vector<1280x1xf32>
    %swap3A = arith.constant 0 : index
    %swap3A_177 = arith.constant 0 : index
    %swap3A_178 = arith.constant 0 : index
    %swap3A_179 = vector.load %arg5[%swap3A, %swap3A_177, %swap3A_178] : memref<1x1280x1xf32, #tpu.memory_space<vmem>>, vector<1x1280x1xf32>
    %swap3A_180 = vector.shape_cast %swap3A_179 : vector<1x1280x1xf32> to vector<1280x1xf32>
    %swap3A_181 = vector.shape_cast %select_n3A_176 : vector<1280x1xf32> to vector<1x1280x1xf32>
    tpu.vector_store %arg5[%swap3A, %swap3A_177, %swap3A_178], %swap3A_181 {strides = array<i32>} : memref<1x1280x1xf32, #tpu.memory_space<vmem>>, vector<1x1280x1xf32>,
    return
  }
  func.func @transform_0(%arg0: i32) -> (i32, i32, i32) {
    %c0_i32 = arith.constant 0 : i32
    %c0_i32_0 = arith.constant 0 : i32
    %c0_i32_1 = arith.constant 0 : i32
    return %arg0, %c0_i32, %c0_i32_0 : i32, i32, i32
  }
  func.func @transform_1(%arg0: i32) -> (i32, i32, i32) {
    %c0_i32 = arith.constant 0 : i32
    %c0_i32_0 = arith.constant 0 : i32
    %c0_i32_1 = arith.constant 0 : i32
    return %arg0, %c0_i32, %c0_i32_0 : i32, i32, i32
  }
  func.func @transform_2(%arg0: i32) -> (i32, i32, i32) {
    %c0_i32 = arith.constant 0 : i32
    %c0_i32_0 = arith.constant 0 : i32
    %c0_i32_1 = arith.constant 0 : i32
    return %arg0, %c0_i32, %c0_i32_0 : i32, i32, i32
  }
  func.func @transform_3(%arg0: i32) -> (i32, i32, i32) {
    %c0_i32 = arith.constant 0 : i32
    %c0_i32_0 = arith.constant 0 : i32
    %c0_i32_1 = arith.constant 0 : i32
    return %arg0, %c0_i32, %c0_i32_0 : i32, i32, i32
  }
  func.func @transform_4(%arg0: i32) -> (i32, i32, i32) {
    %c0_i32 = arith.constant 0 : i32
    %c0_i32_0 = arith.constant 0 : i32
    %c0_i32_1 = arith.constant 0 : i32
    return %arg0, %c0_i32, %c0_i32_0 : i32, i32, i32
  }
}

module attributes {stable_mosaic.version = 14 : i64} {
  func.func @_pool_body(%arg0: i32, %arg1: memref<1x1280x1280xbf16, #tpu.memory_space<vmem>>, %arg2: memref<1x1280x1xf32, #tpu.memory_space<vmem>>, %arg3: memref<1x1280x512xf32, #tpu.memory_space<vmem>>, %arg4: memref<1x640x512xf32, #tpu.memory_space<vmem>>, %arg5: memref<1x640x640xbf16, #tpu.memory_space<vmem>>, %arg6: memref<1x1x512xf32, #tpu.memory_space<vmem>>) attributes {dimension_semantics = [#tpu.dimension_semantics<arbitrary>], iteration_bounds = array<i64: 8>, scalar_prefetch = 0 : i64, scratch_operands = 0 : i64, tpu.core_type = #tpu.core_type<tc>, window_params = [{transform_indices = @transform_0, window_bounds = array<i64: 1, 1280, 1280>}, {transform_indices = @transform_1, window_bounds = array<i64: 1, 1280, 1>}, {transform_indices = @transform_2, window_bounds = array<i64: 1, 1280, 512>}, {transform_indices = @transform_3, window_bounds = array<i64: 1, 640, 512>}, {transform_indices = @transform_4, window_bounds = array<i64: 1, 640, 640>}, {transform_indices = @transform_5, window_bounds = array<i64: 1, 1, 512>}]} {
    %get3A = arith.constant 0 : index
    %get3A_0 = arith.constant 0 : index
    %get3A_1 = arith.constant 0 : index
    %get3A_2 = vector.load %arg1[%get3A, %get3A_0, %get3A_1] : memref<1x1280x1280xbf16, #tpu.memory_space<vmem>>, vector<1x1280x1280xbf16>
    %get3A_3 = vector.shape_cast %get3A_2 : vector<1x1280x1280xbf16> to vector<1280x1280xbf16>
    %get3A_4 = arith.constant 0 : index
    %get3A_5 = arith.constant 0 : index
    %get3A_6 = arith.constant 0 : index
    %get3A_7 = vector.load %arg2[%get3A_4, %get3A_5, %get3A_6] : memref<1x1280x1xf32, #tpu.memory_space<vmem>>, vector<1x1280x1xf32>
    %get3A_8 = vector.shape_cast %get3A_7 : vector<1x1280x1xf32> to vector<1280x1xf32>
    %get3A_9 = arith.constant 0 : index
    %get3A_10 = arith.constant 0 : index
    %get3A_11 = arith.constant 0 : index
    %get3A_12 = vector.load %arg3[%get3A_9, %get3A_10, %get3A_11] : memref<1x1280x512xf32, #tpu.memory_space<vmem>>, vector<1x1280x512xf32>
    %get3A_13 = vector.shape_cast %get3A_12 : vector<1x1280x512xf32> to vector<1280x512xf32>
    %iota3A = tpu.iota {dimensions = array<i32: 1>} : vector<1280x640xi32>
    %convert_element_type3A = arith.sitofp %iota3A : vector<1280x640xi32> to vector<1280x640xf32>
    %eq3A = vector.broadcast %get3A_8 : vector<1280x1xf32> to vector<1280x640xf32>
    %eq3A_14 = arith.cmpf oeq, %eq3A, %convert_element_type3A : vector<1280x640xf32>
    %convert_element_type3A_15 = arith.extui %eq3A_14 : vector<1280x640xi1> to vector<1280x640xi32>
    %convert_element_type3A_16 = arith.sitofp %convert_element_type3A_15 : vector<1280x640xi32> to vector<1280x640xf32>
    %convert_element_type3A_17 = arith.truncf %convert_element_type3A_16 : vector<1280x640xf32> to vector<1280x640xbf16>
    %convert_element_type3A_18 = arith.truncf %get3A_13 : vector<1280x512xf32> to vector<1280x512xbf16>
    %convert_element_type3A_19 = arith.extf %convert_element_type3A_18 : vector<1280x512xbf16> to vector<1280x512xf32>
    %sub3A = arith.subf %get3A_13, %convert_element_type3A_19 : vector<1280x512xf32>
    %convert_element_type3A_20 = arith.truncf %sub3A : vector<1280x512xf32> to vector<1280x512xbf16>
    %convert_element_type3A_21 = arith.extf %convert_element_type3A_20 : vector<1280x512xbf16> to vector<1280x512xf32>
    %sub3A_22 = arith.subf %sub3A, %convert_element_type3A_21 : vector<1280x512xf32>
    %convert_element_type3A_23 = arith.truncf %sub3A_22 : vector<1280x512xf32> to vector<1280x512xbf16>
    %dot_general3A = arith.constant dense<0.000000e+00> : vector<640x512xf32>
    %dot_general3A_24 = tpu.matmul %convert_element_type3A_17, %convert_element_type3A_18, %dot_general3A {dimension_numbers = #tpu.dot_dimension_numbers<[0], [0], [1], [1], [0, 1, 1, 1], [], []>, transpose_lhs_hint = false} : vector<1280x640xbf16>, vector<1280x512xbf16>, vector<640x512xf32> -> vector<640x512xf32>
    %dot_general3A_25 = arith.constant dense<0.000000e+00> : vector<640x512xf32>
    %dot_general3A_26 = tpu.matmul %convert_element_type3A_17, %convert_element_type3A_20, %dot_general3A_25 {dimension_numbers = #tpu.dot_dimension_numbers<[0], [0], [1], [1], [0, 1, 1, 1], [], []>, transpose_lhs_hint = false} : vector<1280x640xbf16>, vector<1280x512xbf16>, vector<640x512xf32> -> vector<640x512xf32>
    %add3A = arith.addf %dot_general3A_24, %dot_general3A_26 : vector<640x512xf32>
    %dot_general3A_27 = arith.constant dense<0.000000e+00> : vector<640x512xf32>
    %dot_general3A_28 = tpu.matmul %convert_element_type3A_17, %convert_element_type3A_23, %dot_general3A_27 {dimension_numbers = #tpu.dot_dimension_numbers<[0], [0], [1], [1], [0, 1, 1, 1], [], []>, transpose_lhs_hint = false} : vector<1280x640xbf16>, vector<1280x512xbf16>, vector<640x512xf32> -> vector<640x512xf32>
    %add3A_29 = arith.addf %add3A, %dot_general3A_28 : vector<640x512xf32>
    %swap3A = arith.constant 0 : index
    %swap3A_30 = arith.constant 0 : index
    %swap3A_31 = arith.constant 0 : index
    %swap3A_32 = vector.load %arg4[%swap3A, %swap3A_30, %swap3A_31] : memref<1x640x512xf32, #tpu.memory_space<vmem>>, vector<1x640x512xf32>
    %swap3A_33 = vector.shape_cast %swap3A_32 : vector<1x640x512xf32> to vector<640x512xf32>
    %swap3A_34 = vector.shape_cast %add3A_29 : vector<640x512xf32> to vector<1x640x512xf32>
    tpu.vector_store %arg4[%swap3A, %swap3A_30, %swap3A_31], %swap3A_34 {strides = array<i32>} : memref<1x640x512xf32, #tpu.memory_space<vmem>>, vector<1x640x512xf32>,
    %dot_general3A_35 = arith.constant dense<0.000000e+00> : vector<640x1280xf32>
    %dot_general3A_36 = tpu.matmul %convert_element_type3A_17, %get3A_3, %dot_general3A_35 {dimension_numbers = #tpu.dot_dimension_numbers<[0], [0], [1], [1], [0, 1, 1, 1], [], []>, transpose_lhs_hint = false} : vector<1280x640xbf16>, vector<1280x1280xbf16>, vector<640x1280xf32> -> vector<640x1280xf32>
    %convert_element_type3A_37 = arith.truncf %dot_general3A_36 : vector<640x1280xf32> to vector<640x1280xbf16>
    %dot_general3A_38 = arith.constant dense<0.000000e+00> : vector<640x640xf32>
    %dot_general3A_39 = tpu.matmul %convert_element_type3A_37, %convert_element_type3A_17, %dot_general3A_38 {dimension_numbers = #tpu.dot_dimension_numbers<[1], [0], [0], [1], [0, 0, 1, 1], [], []>, transpose_lhs_hint = false} : vector<640x1280xbf16>, vector<1280x640xbf16>, vector<640x640xf32> -> vector<640x640xf32>
    %convert_element_type3A_40 = arith.truncf %dot_general3A_39 : vector<640x640xf32> to vector<640x640xbf16>
    %swap3A_41 = arith.constant 0 : index
    %swap3A_42 = arith.constant 0 : index
    %swap3A_43 = arith.constant 0 : index
    %swap3A_44 = vector.load %arg5[%swap3A_41, %swap3A_42, %swap3A_43] : memref<1x640x640xbf16, #tpu.memory_space<vmem>>, vector<1x640x640xbf16>
    %swap3A_45 = vector.shape_cast %swap3A_44 : vector<1x640x640xbf16> to vector<640x640xbf16>
    %swap3A_46 = vector.shape_cast %convert_element_type3A_40 : vector<640x640xbf16> to vector<1x640x640xbf16>
    tpu.vector_store %arg5[%swap3A_41, %swap3A_42, %swap3A_43], %swap3A_46 {strides = array<i32>} : memref<1x640x640xbf16, #tpu.memory_space<vmem>>, vector<1x640x640xbf16>,
    %ge3A = arith.constant 0.000000e+00 : f32
    %ge3A_47 = vector.broadcast %ge3A : f32 to vector<1280x1xf32>
    %ge3A_48 = arith.cmpf oge, %get3A_8, %ge3A_47 : vector<1280x1xf32>
    %jit3A = arith.constant 0xFF800000 : f32
    %broadcast_in_dim3A = vector.shape_cast %ge3A_48 : vector<1280x1xi1> to vector<1280x1xi1>
    %broadcast_in_dim3A_49 = vector.broadcast %broadcast_in_dim3A : vector<1280x1xi1> to vector<1280x512xi1>
    %broadcast_in_dim3A_50 = vector.broadcast %jit3A : f32 to vector<1280x512xf32>
    %select_n3A = arith.select %broadcast_in_dim3A_49, %get3A_13, %broadcast_in_dim3A_50 : vector<1280x512xi1>, vector<1280x512xf32>
    %reduce_max3A = arith.constant dense<0xFF800000> : vector<512xf32>
    %reduce_max3A_51 = vector.multi_reduction <maximumf>, %select_n3A, %reduce_max3A [0] : vector<1280x512xf32> to vector<512xf32>
    %broadcast_in_dim3A_52 = vector.shape_cast %reduce_max3A_51 : vector<512xf32> to vector<1x512xf32>
    %swap3A_53 = arith.constant 0 : index
    %swap3A_54 = arith.constant 0 : index
    %swap3A_55 = arith.constant 0 : index
    %swap3A_56 = vector.load %arg6[%swap3A_53, %swap3A_54, %swap3A_55] : memref<1x1x512xf32, #tpu.memory_space<vmem>>, vector<1x1x512xf32>
    %swap3A_57 = vector.shape_cast %swap3A_56 : vector<1x1x512xf32> to vector<1x512xf32>
    %swap3A_58 = vector.shape_cast %broadcast_in_dim3A_52 : vector<1x512xf32> to vector<1x1x512xf32>
    tpu.vector_store %arg6[%swap3A_53, %swap3A_54, %swap3A_55], %swap3A_58 {strides = array<i32>} : memref<1x1x512xf32, #tpu.memory_space<vmem>>, vector<1x1x512xf32>,
    return
  }
  func.func @transform_0(%arg0: i32) -> (i32, i32, i32) {
    %c0_i32 = arith.constant 0 : i32
    %c0_i32_0 = arith.constant 0 : i32
    %c0_i32_1 = arith.constant 0 : i32
    return %arg0, %c0_i32, %c0_i32_0 : i32, i32, i32
  }
  func.func @transform_1(%arg0: i32) -> (i32, i32, i32) {
    %c0_i32 = arith.constant 0 : i32
    %c0_i32_0 = arith.constant 0 : i32
    %c0_i32_1 = arith.constant 0 : i32
    return %arg0, %c0_i32, %c0_i32_0 : i32, i32, i32
  }
  func.func @transform_2(%arg0: i32) -> (i32, i32, i32) {
    %c0_i32 = arith.constant 0 : i32
    %c0_i32_0 = arith.constant 0 : i32
    %c0_i32_1 = arith.constant 0 : i32
    return %arg0, %c0_i32, %c0_i32_0 : i32, i32, i32
  }
  func.func @transform_3(%arg0: i32) -> (i32, i32, i32) {
    %c0_i32 = arith.constant 0 : i32
    %c0_i32_0 = arith.constant 0 : i32
    %c0_i32_1 = arith.constant 0 : i32
    return %arg0, %c0_i32, %c0_i32_0 : i32, i32, i32
  }
  func.func @transform_4(%arg0: i32) -> (i32, i32, i32) {
    %c0_i32 = arith.constant 0 : i32
    %c0_i32_0 = arith.constant 0 : i32
    %c0_i32_1 = arith.constant 0 : i32
    return %arg0, %c0_i32, %c0_i32_0 : i32, i32, i32
  }
  func.func @transform_5(%arg0: i32) -> (i32, i32, i32) {
    %c0_i32 = arith.constant 0 : i32
    %c0_i32_0 = arith.constant 0 : i32
    %c0_i32_1 = arith.constant 0 : i32
    return %arg0, %c0_i32, %c0_i32_0 : i32, i32, i32
  }
}

module attributes {stable_mosaic.version = 14 : i64} {
  func.func @_conv2_body(%arg0: i32, %arg1: memref<1x640x640xbf16, #tpu.memory_space<vmem>>, %arg2: memref<1x640x512xf32, #tpu.memory_space<vmem>>, %arg3: memref<512x512xf32, #tpu.memory_space<vmem>>, %arg4: memref<1x512xf32, #tpu.memory_space<vmem>>, %arg5: memref<512x512xf32, #tpu.memory_space<vmem>>, %arg6: memref<1x512xf32, #tpu.memory_space<vmem>>, %arg7: memref<1x640x512xf32, #tpu.memory_space<vmem>>) attributes {dimension_semantics = [#tpu.dimension_semantics<arbitrary>], iteration_bounds = array<i64: 8>, scalar_prefetch = 0 : i64, scratch_operands = 0 : i64, tpu.core_type = #tpu.core_type<tc>, window_params = [{transform_indices = @transform_0, window_bounds = array<i64: 1, 640, 640>}, {transform_indices = @transform_1, window_bounds = array<i64: 1, 640, 512>}, {pipeline_mode = #tpu.pipeline_mode<synchronous>, transform_indices = @transform_2, window_bounds = array<i64: 512, 512>}, {pipeline_mode = #tpu.pipeline_mode<synchronous>, transform_indices = @transform_3, window_bounds = array<i64: 1, 512>}, {pipeline_mode = #tpu.pipeline_mode<synchronous>, transform_indices = @transform_4, window_bounds = array<i64: 512, 512>}, {pipeline_mode = #tpu.pipeline_mode<synchronous>, transform_indices = @transform_5, window_bounds = array<i64: 1, 512>}, {transform_indices = @transform_6, window_bounds = array<i64: 1, 640, 512>}]} {
    %get3A = arith.constant 0 : index
    %get3A_0 = arith.constant 0 : index
    %get3A_1 = arith.constant 0 : index
    %get3A_2 = vector.load %arg1[%get3A, %get3A_0, %get3A_1] : memref<1x640x640xbf16, #tpu.memory_space<vmem>>, vector<1x640x640xbf16>
    %get3A_3 = vector.shape_cast %get3A_2 : vector<1x640x640xbf16> to vector<640x640xbf16>
    %broadcast_in_dim3A = arith.constant 1.000000e+00 : bf16
    %broadcast_in_dim3A_4 = vector.broadcast %broadcast_in_dim3A : bf16 to vector<640x1xbf16>
    %dot_general3A = arith.constant dense<0.000000e+00> : vector<640x1xf32>
    %dot_general3A_5 = tpu.matmul %get3A_3, %broadcast_in_dim3A_4, %dot_general3A {dimension_numbers = #tpu.dot_dimension_numbers<[1], [0], [0], [1], [0, 0, 1, 1], [], []>, transpose_lhs_hint = false} : vector<640x640xbf16>, vector<640x1xbf16>, vector<640x1xf32> -> vector<640x1xf32>
    %dot_general3A_6 = arith.constant dense<0.000000e+00> : vector<640x1xf32>
    %dot_general3A_7 = tpu.matmul %get3A_3, %broadcast_in_dim3A_4, %dot_general3A_6 {dimension_numbers = #tpu.dot_dimension_numbers<[0], [0], [1], [1], [0, 1, 1, 1], [], []>, transpose_lhs_hint = false} : vector<640x640xbf16>, vector<640x1xbf16>, vector<640x1xf32> -> vector<640x1xf32>
    %max3A = arith.constant 1.000000e+00 : f32
    %max3A_8 = vector.broadcast %max3A : f32 to vector<640x1xf32>
    %max3A_9 = arith.maximumf %dot_general3A_7, %max3A_8 : vector<640x1xf32>
    %sqrt3A = math.sqrt %max3A_9 : vector<640x1xf32>
    %div3A = arith.constant 1.000000e+00 : f32
    %div3A_10 = vector.broadcast %div3A : f32 to vector<640x1xf32>
    %div3A_11 = arith.divf %div3A_10, %sqrt3A : vector<640x1xf32>
    %max3A_12 = arith.constant 1.000000e+00 : f32
    %max3A_13 = vector.broadcast %max3A_12 : f32 to vector<640x1xf32>
    %max3A_14 = arith.maximumf %dot_general3A_5, %max3A_13 : vector<640x1xf32>
    %sqrt3A_15 = math.sqrt %max3A_14 : vector<640x1xf32>
    %div3A_16 = arith.constant 1.000000e+00 : f32
    %div3A_17 = vector.broadcast %div3A_16 : f32 to vector<640x1xf32>
    %div3A_18 = arith.divf %div3A_17, %sqrt3A_15 : vector<640x1xf32>
    %get3A_19 = arith.constant 0 : index
    %get3A_20 = arith.constant 0 : index
    %get3A_21 = arith.constant 0 : index
    %get3A_22 = vector.load %arg2[%get3A_19, %get3A_20, %get3A_21] : memref<1x640x512xf32, #tpu.memory_space<vmem>>, vector<1x640x512xf32>
    %get3A_23 = vector.shape_cast %get3A_22 : vector<1x640x512xf32> to vector<640x512xf32>
    %get3A_24 = arith.constant 0 : index
    %get3A_25 = arith.constant 0 : index
    %get3A_26 = vector.load %arg3[%get3A_24, %get3A_25] : memref<512x512xf32, #tpu.memory_space<vmem>>, vector<512x512xf32>
    %get3A_27 = arith.constant 0 : index
    %get3A_28 = arith.constant 0 : index
    %get3A_29 = vector.load %arg4[%get3A_27, %get3A_28] : memref<1x512xf32, #tpu.memory_space<vmem>>, vector<1x512xf32>
    %mul3A = vector.broadcast %div3A_11 : vector<640x1xf32> to vector<640x512xf32>
    %mul3A_30 = arith.mulf %get3A_23, %mul3A : vector<640x512xf32>
    %convert_element_type3A = arith.truncf %mul3A_30 : vector<640x512xf32> to vector<640x512xbf16>
    %convert_element_type3A_31 = arith.extf %convert_element_type3A : vector<640x512xbf16> to vector<640x512xf32>
    %sub3A = arith.subf %mul3A_30, %convert_element_type3A_31 : vector<640x512xf32>
    %convert_element_type3A_32 = arith.truncf %sub3A : vector<640x512xf32> to vector<640x512xbf16>
    %convert_element_type3A_33 = arith.extf %convert_element_type3A_32 : vector<640x512xbf16> to vector<640x512xf32>
    %sub3A_34 = arith.subf %sub3A, %convert_element_type3A_33 : vector<640x512xf32>
    %convert_element_type3A_35 = arith.truncf %sub3A_34 : vector<640x512xf32> to vector<640x512xbf16>
    %dot_general3A_36 = arith.constant dense<0.000000e+00> : vector<640x512xf32>
    %dot_general3A_37 = tpu.matmul %get3A_3, %convert_element_type3A, %dot_general3A_36 {dimension_numbers = #tpu.dot_dimension_numbers<[1], [0], [0], [1], [0, 0, 1, 1], [], []>, transpose_lhs_hint = false} : vector<640x640xbf16>, vector<640x512xbf16>, vector<640x512xf32> -> vector<640x512xf32>
    %dot_general3A_38 = arith.constant dense<0.000000e+00> : vector<640x512xf32>
    %dot_general3A_39 = tpu.matmul %get3A_3, %convert_element_type3A_32, %dot_general3A_38 {dimension_numbers = #tpu.dot_dimension_numbers<[1], [0], [0], [1], [0, 0, 1, 1], [], []>, transpose_lhs_hint = false} : vector<640x640xbf16>, vector<640x512xbf16>, vector<640x512xf32> -> vector<640x512xf32>
    %add3A = arith.addf %dot_general3A_37, %dot_general3A_39 : vector<640x512xf32>
    %dot_general3A_40 = arith.constant dense<0.000000e+00> : vector<640x512xf32>
    %dot_general3A_41 = tpu.matmul %get3A_3, %convert_element_type3A_35, %dot_general3A_40 {dimension_numbers = #tpu.dot_dimension_numbers<[1], [0], [0], [1], [0, 0, 1, 1], [], []>, transpose_lhs_hint = false} : vector<640x640xbf16>, vector<640x512xbf16>, vector<640x512xf32> -> vector<640x512xf32>
    %add3A_42 = arith.addf %add3A, %dot_general3A_41 : vector<640x512xf32>
    %mul3A_43 = vector.broadcast %div3A_18 : vector<640x1xf32> to vector<640x512xf32>
    %mul3A_44 = arith.mulf %add3A_42, %mul3A_43 : vector<640x512xf32>
    %dot_general3A_45 = arith.constant dense<0.000000e+00> : vector<640x512xf32>
    %dot_general3A_46 = tpu.matmul %mul3A_44, %get3A_26, %dot_general3A_45 {dimension_numbers = #tpu.dot_dimension_numbers<[1], [0], [0], [1], [0, 0, 1, 1], [], []>, precision = #tpu.contract_precision<fp32>, transpose_lhs_hint = false} : vector<640x512xf32>, vector<512x512xf32>, vector<640x512xf32> -> vector<640x512xf32>
    %add3A_47 = vector.broadcast %get3A_29 : vector<1x512xf32> to vector<640x512xf32>
    %add3A_48 = arith.addf %dot_general3A_46, %add3A_47 : vector<640x512xf32>
    %max3A_49 = arith.constant 0.000000e+00 : f32
    %max3A_50 = vector.broadcast %max3A_49 : f32 to vector<640x512xf32>
    %max3A_51 = arith.maximumf %add3A_48, %max3A_50 : vector<640x512xf32>
    %get3A_52 = arith.constant 0 : index
    %get3A_53 = arith.constant 0 : index
    %get3A_54 = vector.load %arg5[%get3A_52, %get3A_53] : memref<512x512xf32, #tpu.memory_space<vmem>>, vector<512x512xf32>
    %get3A_55 = arith.constant 0 : index
    %get3A_56 = arith.constant 0 : index
    %get3A_57 = vector.load %arg6[%get3A_55, %get3A_56] : memref<1x512xf32, #tpu.memory_space<vmem>>, vector<1x512xf32>
    %mul3A_58 = vector.broadcast %div3A_11 : vector<640x1xf32> to vector<640x512xf32>
    %mul3A_59 = arith.mulf %max3A_51, %mul3A_58 : vector<640x512xf32>
    %convert_element_type3A_60 = arith.truncf %mul3A_59 : vector<640x512xf32> to vector<640x512xbf16>
    %convert_element_type3A_61 = arith.extf %convert_element_type3A_60 : vector<640x512xbf16> to vector<640x512xf32>
    %sub3A_62 = arith.subf %mul3A_59, %convert_element_type3A_61 : vector<640x512xf32>
    %convert_element_type3A_63 = arith.truncf %sub3A_62 : vector<640x512xf32> to vector<640x512xbf16>
    %convert_element_type3A_64 = arith.extf %convert_element_type3A_63 : vector<640x512xbf16> to vector<640x512xf32>
    %sub3A_65 = arith.subf %sub3A_62, %convert_element_type3A_64 : vector<640x512xf32>
    %convert_element_type3A_66 = arith.truncf %sub3A_65 : vector<640x512xf32> to vector<640x512xbf16>
    %dot_general3A_67 = arith.constant dense<0.000000e+00> : vector<640x512xf32>
    %dot_general3A_68 = tpu.matmul %get3A_3, %convert_element_type3A_60, %dot_general3A_67 {dimension_numbers = #tpu.dot_dimension_numbers<[1], [0], [0], [1], [0, 0, 1, 1], [], []>, transpose_lhs_hint = false} : vector<640x640xbf16>, vector<640x512xbf16>, vector<640x512xf32> -> vector<640x512xf32>
    %dot_general3A_69 = arith.constant dense<0.000000e+00> : vector<640x512xf32>
    %dot_general3A_70 = tpu.matmul %get3A_3, %convert_element_type3A_63, %dot_general3A_69 {dimension_numbers = #tpu.dot_dimension_numbers<[1], [0], [0], [1], [0, 0, 1, 1], [], []>, transpose_lhs_hint = false} : vector<640x640xbf16>, vector<640x512xbf16>, vector<640x512xf32> -> vector<640x512xf32>
    %add3A_71 = arith.addf %dot_general3A_68, %dot_general3A_70 : vector<640x512xf32>
    %dot_general3A_72 = arith.constant dense<0.000000e+00> : vector<640x512xf32>
    %dot_general3A_73 = tpu.matmul %get3A_3, %convert_element_type3A_66, %dot_general3A_72 {dimension_numbers = #tpu.dot_dimension_numbers<[1], [0], [0], [1], [0, 0, 1, 1], [], []>, transpose_lhs_hint = false} : vector<640x640xbf16>, vector<640x512xbf16>, vector<640x512xf32> -> vector<640x512xf32>
    %add3A_74 = arith.addf %add3A_71, %dot_general3A_73 : vector<640x512xf32>
    %mul3A_75 = vector.broadcast %div3A_18 : vector<640x1xf32> to vector<640x512xf32>
    %mul3A_76 = arith.mulf %add3A_74, %mul3A_75 : vector<640x512xf32>
    %dot_general3A_77 = arith.constant dense<0.000000e+00> : vector<640x512xf32>
    %dot_general3A_78 = tpu.matmul %mul3A_76, %get3A_54, %dot_general3A_77 {dimension_numbers = #tpu.dot_dimension_numbers<[1], [0], [0], [1], [0, 0, 1, 1], [], []>, precision = #tpu.contract_precision<fp32>, transpose_lhs_hint = false} : vector<640x512xf32>, vector<512x512xf32>, vector<640x512xf32> -> vector<640x512xf32>
    %add3A_79 = vector.broadcast %get3A_57 : vector<1x512xf32> to vector<640x512xf32>
    %add3A_80 = arith.addf %dot_general3A_78, %add3A_79 : vector<640x512xf32>
    %max3A_81 = arith.constant 0.000000e+00 : f32
    %max3A_82 = vector.broadcast %max3A_81 : f32 to vector<640x512xf32>
    %max3A_83 = arith.maximumf %add3A_80, %max3A_82 : vector<640x512xf32>
    %swap3A = arith.constant 0 : index
    %swap3A_84 = arith.constant 0 : index
    %swap3A_85 = arith.constant 0 : index
    %swap3A_86 = vector.load %arg7[%swap3A, %swap3A_84, %swap3A_85] : memref<1x640x512xf32, #tpu.memory_space<vmem>>, vector<1x640x512xf32>
    %swap3A_87 = vector.shape_cast %swap3A_86 : vector<1x640x512xf32> to vector<640x512xf32>
    %swap3A_88 = vector.shape_cast %max3A_83 : vector<640x512xf32> to vector<1x640x512xf32>
    tpu.vector_store %arg7[%swap3A, %swap3A_84, %swap3A_85], %swap3A_88 {strides = array<i32>} : memref<1x640x512xf32, #tpu.memory_space<vmem>>, vector<1x640x512xf32>,
    return
  }
  func.func @transform_0(%arg0: i32) -> (i32, i32, i32) {
    %c0_i32 = arith.constant 0 : i32
    %c0_i32_0 = arith.constant 0 : i32
    %c0_i32_1 = arith.constant 0 : i32
    return %arg0, %c0_i32, %c0_i32_0 : i32, i32, i32
  }
  func.func @transform_1(%arg0: i32) -> (i32, i32, i32) {
    %c0_i32 = arith.constant 0 : i32
    %c0_i32_0 = arith.constant 0 : i32
    %c0_i32_1 = arith.constant 0 : i32
    return %arg0, %c0_i32, %c0_i32_0 : i32, i32, i32
  }
  func.func @transform_2(%arg0: i32) -> (i32, i32) {
    %c0_i32 = arith.constant 0 : i32
    %c0_i32_0 = arith.constant 0 : i32
    %c0_i32_1 = arith.constant 0 : i32
    return %c0_i32, %c0_i32_0 : i32, i32
  }
  func.func @transform_3(%arg0: i32) -> (i32, i32) {
    %c0_i32 = arith.constant 0 : i32
    %c0_i32_0 = arith.constant 0 : i32
    %c0_i32_1 = arith.constant 0 : i32
    return %c0_i32, %c0_i32_0 : i32, i32
  }
  func.func @transform_4(%arg0: i32) -> (i32, i32) {
    %c0_i32 = arith.constant 0 : i32
    %c0_i32_0 = arith.constant 0 : i32
    %c0_i32_1 = arith.constant 0 : i32
    return %c0_i32, %c0_i32_0 : i32, i32
  }
  func.func @transform_5(%arg0: i32) -> (i32, i32) {
    %c0_i32 = arith.constant 0 : i32
    %c0_i32_0 = arith.constant 0 : i32
    %c0_i32_1 = arith.constant 0 : i32
    return %c0_i32, %c0_i32_0 : i32, i32
  }
  func.func @transform_6(%arg0: i32) -> (i32, i32, i32) {
    %c0_i32 = arith.constant 0 : i32
    %c0_i32_0 = arith.constant 0 : i32
    %c0_i32_1 = arith.constant 0 : i32
    return %arg0, %c0_i32, %c0_i32_0 : i32, i32, i32
  }
}

module attributes {stable_mosaic.version = 14 : i64} {
  func.func @_conv1_body(%arg0: i32, %arg1: memref<1x640x640xbf16, #tpu.memory_space<vmem>>, %arg2: memref<1x640x512xf32, #tpu.memory_space<vmem>>, %arg3: memref<512x512xf32, #tpu.memory_space<vmem>>, %arg4: memref<1x512xf32, #tpu.memory_space<vmem>>, %arg5: memref<1x640x512xf32, #tpu.memory_space<vmem>>) attributes {dimension_semantics = [#tpu.dimension_semantics<arbitrary>], iteration_bounds = array<i64: 8>, scalar_prefetch = 0 : i64, scratch_operands = 0 : i64, tpu.core_type = #tpu.core_type<tc>, window_params = [{transform_indices = @transform_0, window_bounds = array<i64: 1, 640, 640>}, {transform_indices = @transform_1, window_bounds = array<i64: 1, 640, 512>}, {pipeline_mode = #tpu.pipeline_mode<synchronous>, transform_indices = @transform_2, window_bounds = array<i64: 512, 512>}, {pipeline_mode = #tpu.pipeline_mode<synchronous>, transform_indices = @transform_3, window_bounds = array<i64: 1, 512>}, {transform_indices = @transform_4, window_bounds = array<i64: 1, 640, 512>}]} {
    %get3A = arith.constant 0 : index
    %get3A_0 = arith.constant 0 : index
    %get3A_1 = arith.constant 0 : index
    %get3A_2 = vector.load %arg1[%get3A, %get3A_0, %get3A_1] : memref<1x640x640xbf16, #tpu.memory_space<vmem>>, vector<1x640x640xbf16>
    %get3A_3 = vector.shape_cast %get3A_2 : vector<1x640x640xbf16> to vector<640x640xbf16>
    %broadcast_in_dim3A = arith.constant 1.000000e+00 : bf16
    %broadcast_in_dim3A_4 = vector.broadcast %broadcast_in_dim3A : bf16 to vector<640x1xbf16>
    %dot_general3A = arith.constant dense<0.000000e+00> : vector<640x1xf32>
    %dot_general3A_5 = tpu.matmul %get3A_3, %broadcast_in_dim3A_4, %dot_general3A {dimension_numbers = #tpu.dot_dimension_numbers<[1], [0], [0], [1], [0, 0, 1, 1], [], []>, transpose_lhs_hint = false} : vector<640x640xbf16>, vector<640x1xbf16>, vector<640x1xf32> -> vector<640x1xf32>
    %dot_general3A_6 = arith.constant dense<0.000000e+00> : vector<640x1xf32>
    %dot_general3A_7 = tpu.matmul %get3A_3, %broadcast_in_dim3A_4, %dot_general3A_6 {dimension_numbers = #tpu.dot_dimension_numbers<[0], [0], [1], [1], [0, 1, 1, 1], [], []>, transpose_lhs_hint = false} : vector<640x640xbf16>, vector<640x1xbf16>, vector<640x1xf32> -> vector<640x1xf32>
    %max3A = arith.constant 1.000000e+00 : f32
    %max3A_8 = vector.broadcast %max3A : f32 to vector<640x1xf32>
    %max3A_9 = arith.maximumf %dot_general3A_7, %max3A_8 : vector<640x1xf32>
    %sqrt3A = math.sqrt %max3A_9 : vector<640x1xf32>
    %div3A = arith.constant 1.000000e+00 : f32
    %div3A_10 = vector.broadcast %div3A : f32 to vector<640x1xf32>
    %div3A_11 = arith.divf %div3A_10, %sqrt3A : vector<640x1xf32>
    %max3A_12 = arith.constant 1.000000e+00 : f32
    %max3A_13 = vector.broadcast %max3A_12 : f32 to vector<640x1xf32>
    %max3A_14 = arith.maximumf %dot_general3A_5, %max3A_13 : vector<640x1xf32>
    %sqrt3A_15 = math.sqrt %max3A_14 : vector<640x1xf32>
    %div3A_16 = arith.constant 1.000000e+00 : f32
    %div3A_17 = vector.broadcast %div3A_16 : f32 to vector<640x1xf32>
    %div3A_18 = arith.divf %div3A_17, %sqrt3A_15 : vector<640x1xf32>
    %get3A_19 = arith.constant 0 : index
    %get3A_20 = arith.constant 0 : index
    %get3A_21 = arith.constant 0 : index
    %get3A_22 = vector.load %arg2[%get3A_19, %get3A_20, %get3A_21] : memref<1x640x512xf32, #tpu.memory_space<vmem>>, vector<1x640x512xf32>
    %get3A_23 = vector.shape_cast %get3A_22 : vector<1x640x512xf32> to vector<640x512xf32>
    %get3A_24 = arith.constant 0 : index
    %get3A_25 = arith.constant 0 : index
    %get3A_26 = vector.load %arg3[%get3A_24, %get3A_25] : memref<512x512xf32, #tpu.memory_space<vmem>>, vector<512x512xf32>
    %get3A_27 = arith.constant 0 : index
    %get3A_28 = arith.constant 0 : index
    %get3A_29 = vector.load %arg4[%get3A_27, %get3A_28] : memref<1x512xf32, #tpu.memory_space<vmem>>, vector<1x512xf32>
    %mul3A = vector.broadcast %div3A_11 : vector<640x1xf32> to vector<640x512xf32>
    %mul3A_30 = arith.mulf %get3A_23, %mul3A : vector<640x512xf32>
    %convert_element_type3A = arith.truncf %mul3A_30 : vector<640x512xf32> to vector<640x512xbf16>
    %convert_element_type3A_31 = arith.extf %convert_element_type3A : vector<640x512xbf16> to vector<640x512xf32>
    %sub3A = arith.subf %mul3A_30, %convert_element_type3A_31 : vector<640x512xf32>
    %convert_element_type3A_32 = arith.truncf %sub3A : vector<640x512xf32> to vector<640x512xbf16>
    %convert_element_type3A_33 = arith.extf %convert_element_type3A_32 : vector<640x512xbf16> to vector<640x512xf32>
    %sub3A_34 = arith.subf %sub3A, %convert_element_type3A_33 : vector<640x512xf32>
    %convert_element_type3A_35 = arith.truncf %sub3A_34 : vector<640x512xf32> to vector<640x512xbf16>
    %dot_general3A_36 = arith.constant dense<0.000000e+00> : vector<640x512xf32>
    %dot_general3A_37 = tpu.matmul %get3A_3, %convert_element_type3A, %dot_general3A_36 {dimension_numbers = #tpu.dot_dimension_numbers<[1], [0], [0], [1], [0, 0, 1, 1], [], []>, transpose_lhs_hint = false} : vector<640x640xbf16>, vector<640x512xbf16>, vector<640x512xf32> -> vector<640x512xf32>
    %dot_general3A_38 = arith.constant dense<0.000000e+00> : vector<640x512xf32>
    %dot_general3A_39 = tpu.matmul %get3A_3, %convert_element_type3A_32, %dot_general3A_38 {dimension_numbers = #tpu.dot_dimension_numbers<[1], [0], [0], [1], [0, 0, 1, 1], [], []>, transpose_lhs_hint = false} : vector<640x640xbf16>, vector<640x512xbf16>, vector<640x512xf32> -> vector<640x512xf32>
    %add3A = arith.addf %dot_general3A_37, %dot_general3A_39 : vector<640x512xf32>
    %dot_general3A_40 = arith.constant dense<0.000000e+00> : vector<640x512xf32>
    %dot_general3A_41 = tpu.matmul %get3A_3, %convert_element_type3A_35, %dot_general3A_40 {dimension_numbers = #tpu.dot_dimension_numbers<[1], [0], [0], [1], [0, 0, 1, 1], [], []>, transpose_lhs_hint = false} : vector<640x640xbf16>, vector<640x512xbf16>, vector<640x512xf32> -> vector<640x512xf32>
    %add3A_42 = arith.addf %add3A, %dot_general3A_41 : vector<640x512xf32>
    %mul3A_43 = vector.broadcast %div3A_18 : vector<640x1xf32> to vector<640x512xf32>
    %mul3A_44 = arith.mulf %add3A_42, %mul3A_43 : vector<640x512xf32>
    %dot_general3A_45 = arith.constant dense<0.000000e+00> : vector<640x512xf32>
    %dot_general3A_46 = tpu.matmul %mul3A_44, %get3A_26, %dot_general3A_45 {dimension_numbers = #tpu.dot_dimension_numbers<[1], [0], [0], [1], [0, 0, 1, 1], [], []>, precision = #tpu.contract_precision<fp32>, transpose_lhs_hint = false} : vector<640x512xf32>, vector<512x512xf32>, vector<640x512xf32> -> vector<640x512xf32>
    %add3A_47 = vector.broadcast %get3A_29 : vector<1x512xf32> to vector<640x512xf32>
    %add3A_48 = arith.addf %dot_general3A_46, %add3A_47 : vector<640x512xf32>
    %max3A_49 = arith.constant 0.000000e+00 : f32
    %max3A_50 = vector.broadcast %max3A_49 : f32 to vector<640x512xf32>
    %max3A_51 = arith.maximumf %add3A_48, %max3A_50 : vector<640x512xf32>
    %swap3A = arith.constant 0 : index
    %swap3A_52 = arith.constant 0 : index
    %swap3A_53 = arith.constant 0 : index
    %swap3A_54 = vector.load %arg5[%swap3A, %swap3A_52, %swap3A_53] : memref<1x640x512xf32, #tpu.memory_space<vmem>>, vector<1x640x512xf32>
    %swap3A_55 = vector.shape_cast %swap3A_54 : vector<1x640x512xf32> to vector<640x512xf32>
    %swap3A_56 = vector.shape_cast %max3A_51 : vector<640x512xf32> to vector<1x640x512xf32>
    tpu.vector_store %arg5[%swap3A, %swap3A_52, %swap3A_53], %swap3A_56 {strides = array<i32>} : memref<1x640x512xf32, #tpu.memory_space<vmem>>, vector<1x640x512xf32>,
    return
  }
  func.func @transform_0(%arg0: i32) -> (i32, i32, i32) {
    %c0_i32 = arith.constant 0 : i32
    %c0_i32_0 = arith.constant 0 : i32
    %c0_i32_1 = arith.constant 0 : i32
    return %arg0, %c0_i32, %c0_i32_0 : i32, i32, i32
  }
  func.func @transform_1(%arg0: i32) -> (i32, i32, i32) {
    %c0_i32 = arith.constant 0 : i32
    %c0_i32_0 = arith.constant 0 : i32
    %c0_i32_1 = arith.constant 0 : i32
    return %arg0, %c0_i32, %c0_i32_0 : i32, i32, i32
  }
  func.func @transform_2(%arg0: i32) -> (i32, i32) {
    %c0_i32 = arith.constant 0 : i32
    %c0_i32_0 = arith.constant 0 : i32
    %c0_i32_1 = arith.constant 0 : i32
    return %c0_i32, %c0_i32_0 : i32, i32
  }
  func.func @transform_3(%arg0: i32) -> (i32, i32) {
    %c0_i32 = arith.constant 0 : i32
    %c0_i32_0 = arith.constant 0 : i32
    %c0_i32_1 = arith.constant 0 : i32
    return %c0_i32, %c0_i32_0 : i32, i32
  }
  func.func @transform_4(%arg0: i32) -> (i32, i32, i32) {
    %c0_i32 = arith.constant 0 : i32
    %c0_i32_0 = arith.constant 0 : i32
    %c0_i32_1 = arith.constant 0 : i32
    return %arg0, %c0_i32, %c0_i32_0 : i32, i32, i32
  }
}

module attributes {stable_mosaic.version = 14 : i64} {
  func.func @_score_body(%arg0: i32, %arg1: memref<1x640x640xbf16, #tpu.memory_space<vmem>>, %arg2: memref<1x640x512xf32, #tpu.memory_space<vmem>>, %arg3: memref<512x1xf32, #tpu.memory_space<vmem>>, %arg4: memref<1x1xf32, #tpu.memory_space<vmem>>, %arg5: memref<1x640x512xf32, #tpu.memory_space<vmem>>, %arg6: memref<1x640x1xf32, #tpu.memory_space<vmem>>, %arg7: memref<1x640x1xf32, #tpu.memory_space<vmem>>) attributes {dimension_semantics = [#tpu.dimension_semantics<arbitrary>], iteration_bounds = array<i64: 8>, scalar_prefetch = 0 : i64, scratch_operands = 0 : i64, tpu.core_type = #tpu.core_type<tc>, window_params = [{transform_indices = @transform_0, window_bounds = array<i64: 1, 640, 640>}, {transform_indices = @transform_1, window_bounds = array<i64: 1, 640, 512>}, {pipeline_mode = #tpu.pipeline_mode<synchronous>, transform_indices = @transform_2, window_bounds = array<i64: 512, 1>}, {pipeline_mode = #tpu.pipeline_mode<synchronous>, transform_indices = @transform_3, window_bounds = array<i64: 1, 1>}, {transform_indices = @transform_4, window_bounds = array<i64: 1, 640, 512>}, {transform_indices = @transform_5, window_bounds = array<i64: 1, 640, 1>}, {transform_indices = @transform_6, window_bounds = array<i64: 1, 640, 1>}]} {
    %get3A = arith.constant 0 : index
    %get3A_0 = arith.constant 0 : index
    %get3A_1 = arith.constant 0 : index
    %get3A_2 = vector.load %arg1[%get3A, %get3A_0, %get3A_1] : memref<1x640x640xbf16, #tpu.memory_space<vmem>>, vector<1x640x640xbf16>
    %get3A_3 = vector.shape_cast %get3A_2 : vector<1x640x640xbf16> to vector<640x640xbf16>
    %get3A_4 = arith.constant 0 : index
    %get3A_5 = arith.constant 0 : index
    %get3A_6 = arith.constant 0 : index
    %get3A_7 = vector.load %arg2[%get3A_4, %get3A_5, %get3A_6] : memref<1x640x512xf32, #tpu.memory_space<vmem>>, vector<1x640x512xf32>
    %get3A_8 = vector.shape_cast %get3A_7 : vector<1x640x512xf32> to vector<640x512xf32>
    %get3A_9 = arith.constant 0 : index
    %get3A_10 = arith.constant 0 : index
    %get3A_11 = vector.load %arg3[%get3A_9, %get3A_10] : memref<512x1xf32, #tpu.memory_space<vmem>>, vector<512x1xf32>
    %get3A_12 = arith.constant 0 : index
    %get3A_13 = arith.constant 0 : index
    %get3A_14 = vector.load %arg4[%get3A_12, %get3A_13] : memref<1x1xf32, #tpu.memory_space<vmem>>, vector<1x1xf32>
    %broadcast_in_dim3A = arith.constant 1.000000e+00 : bf16
    %broadcast_in_dim3A_15 = vector.broadcast %broadcast_in_dim3A : bf16 to vector<640x1xbf16>
    %dot_general3A = arith.constant dense<0.000000e+00> : vector<640x1xf32>
    %dot_general3A_16 = tpu.matmul %get3A_3, %broadcast_in_dim3A_15, %dot_general3A {dimension_numbers = #tpu.dot_dimension_numbers<[1], [0], [0], [1], [0, 0, 1, 1], [], []>, transpose_lhs_hint = false} : vector<640x640xbf16>, vector<640x1xbf16>, vector<640x1xf32> -> vector<640x1xf32>
    %dot_general3A_17 = arith.constant dense<0.000000e+00> : vector<640x1xf32>
    %dot_general3A_18 = tpu.matmul %get3A_3, %broadcast_in_dim3A_15, %dot_general3A_17 {dimension_numbers = #tpu.dot_dimension_numbers<[0], [0], [1], [1], [0, 1, 1, 1], [], []>, transpose_lhs_hint = false} : vector<640x640xbf16>, vector<640x1xbf16>, vector<640x1xf32> -> vector<640x1xf32>
    %max3A = arith.constant 1.000000e+00 : f32
    %max3A_19 = vector.broadcast %max3A : f32 to vector<640x1xf32>
    %max3A_20 = arith.maximumf %dot_general3A_18, %max3A_19 : vector<640x1xf32>
    %sqrt3A = math.sqrt %max3A_20 : vector<640x1xf32>
    %div3A = arith.constant 1.000000e+00 : f32
    %div3A_21 = vector.broadcast %div3A : f32 to vector<640x1xf32>
    %div3A_22 = arith.divf %div3A_21, %sqrt3A : vector<640x1xf32>
    %max3A_23 = arith.constant 1.000000e+00 : f32
    %max3A_24 = vector.broadcast %max3A_23 : f32 to vector<640x1xf32>
    %max3A_25 = arith.maximumf %dot_general3A_16, %max3A_24 : vector<640x1xf32>
    %sqrt3A_26 = math.sqrt %max3A_25 : vector<640x1xf32>
    %div3A_27 = arith.constant 1.000000e+00 : f32
    %div3A_28 = vector.broadcast %div3A_27 : f32 to vector<640x1xf32>
    %div3A_29 = arith.divf %div3A_28, %sqrt3A_26 : vector<640x1xf32>
    %mul3A = vector.broadcast %div3A_22 : vector<640x1xf32> to vector<640x512xf32>
    %mul3A_30 = arith.mulf %get3A_8, %mul3A : vector<640x512xf32>
    %dot_general3A_31 = arith.constant dense<0.000000e+00> : vector<640x1xf32>
    %dot_general3A_32 = tpu.matmul %mul3A_30, %get3A_11, %dot_general3A_31 {dimension_numbers = #tpu.dot_dimension_numbers<[1], [0], [0], [1], [0, 0, 1, 1], [], []>, precision = #tpu.contract_precision<fp32>, transpose_lhs_hint = false} : vector<640x512xf32>, vector<512x1xf32>, vector<640x1xf32> -> vector<640x1xf32>
    %convert_element_type3A = arith.truncf %dot_general3A_32 : vector<640x1xf32> to vector<640x1xbf16>
    %convert_element_type3A_33 = arith.extf %convert_element_type3A : vector<640x1xbf16> to vector<640x1xf32>
    %sub3A = arith.subf %dot_general3A_32, %convert_element_type3A_33 : vector<640x1xf32>
    %convert_element_type3A_34 = arith.truncf %sub3A : vector<640x1xf32> to vector<640x1xbf16>
    %convert_element_type3A_35 = arith.extf %convert_element_type3A_34 : vector<640x1xbf16> to vector<640x1xf32>
    %sub3A_36 = arith.subf %sub3A, %convert_element_type3A_35 : vector<640x1xf32>
    %convert_element_type3A_37 = arith.truncf %sub3A_36 : vector<640x1xf32> to vector<640x1xbf16>
    %dot_general3A_38 = arith.constant dense<0.000000e+00> : vector<640x1xf32>
    %dot_general3A_39 = tpu.matmul %get3A_3, %convert_element_type3A, %dot_general3A_38 {dimension_numbers = #tpu.dot_dimension_numbers<[1], [0], [0], [1], [0, 0, 1, 1], [], []>, transpose_lhs_hint = false} : vector<640x640xbf16>, vector<640x1xbf16>, vector<640x1xf32> -> vector<640x1xf32>
    %dot_general3A_40 = arith.constant dense<0.000000e+00> : vector<640x1xf32>
    %dot_general3A_41 = tpu.matmul %get3A_3, %convert_element_type3A_34, %dot_general3A_40 {dimension_numbers = #tpu.dot_dimension_numbers<[1], [0], [0], [1], [0, 0, 1, 1], [], []>, transpose_lhs_hint = false} : vector<640x640xbf16>, vector<640x1xbf16>, vector<640x1xf32> -> vector<640x1xf32>
    %add3A = arith.addf %dot_general3A_39, %dot_general3A_41 : vector<640x1xf32>
    %dot_general3A_42 = arith.constant dense<0.000000e+00> : vector<640x1xf32>
    %dot_general3A_43 = tpu.matmul %get3A_3, %convert_element_type3A_37, %dot_general3A_42 {dimension_numbers = #tpu.dot_dimension_numbers<[1], [0], [0], [1], [0, 0, 1, 1], [], []>, transpose_lhs_hint = false} : vector<640x640xbf16>, vector<640x1xbf16>, vector<640x1xf32> -> vector<640x1xf32>
    %add3A_44 = arith.addf %add3A, %dot_general3A_43 : vector<640x1xf32>
    %mul3A_45 = arith.mulf %add3A_44, %div3A_29 : vector<640x1xf32>
    %add3A_46 = vector.broadcast %get3A_14 : vector<1x1xf32> to vector<640x1xf32>
    %add3A_47 = arith.addf %mul3A_45, %add3A_46 : vector<640x1xf32>
    %iota3A = tpu.iota {dimensions = array<i32: 0>} : vector<640x1xi32>
    %lt3A = arith.constant 625 : i32
    %lt3A_48 = vector.broadcast %lt3A : i32 to vector<640x1xi32>
    %lt3A_49 = arith.cmpi slt, %iota3A, %lt3A_48 : vector<640x1xi32>
    %jit3A = arith.constant 0xFF800000 : f32
    %broadcast_in_dim3A_50 = vector.broadcast %jit3A : f32 to vector<640x1xf32>
    %select_n3A = arith.select %lt3A_49, %add3A_47, %broadcast_in_dim3A_50 : vector<640x1xi1>, vector<640x1xf32>
    %bitcast_convert_type3A = tpu.bitcast %select_n3A : vector<640x1xf32> -> vector<640x1xi32>
    %ge3A = arith.constant 0 : i32
    %ge3A_51 = vector.broadcast %ge3A : i32 to vector<640x1xi32>
    %ge3A_52 = arith.cmpi sge, %bitcast_convert_type3A, %ge3A_51 : vector<640x1xi32>
    %xor3A = arith.constant 2147483647 : i32
    %xor3A_53 = vector.broadcast %xor3A : i32 to vector<640x1xi32>
    %xor3A_54 = arith.xori %bitcast_convert_type3A, %xor3A_53 : vector<640x1xi32>
    %select_n3A_55 = arith.select %ge3A_52, %bitcast_convert_type3A, %xor3A_54 : vector<640x1xi1>, vector<640x1xi32>
    %xor3A_56 = arith.constant -2147483648 : i32
    %xor3A_57 = vector.broadcast %xor3A_56 : i32 to vector<640x1xi32>
    %xor3A_58 = arith.xori %select_n3A_55, %xor3A_57 : vector<640x1xi32>
    %bitcast_convert_type3A_59 = tpu.bitcast %xor3A_58 : vector<640x1xi32> -> vector<640x1xi32>
    %scan3A = arith.constant 0 : i32
    %scan3A_60 = arith.constant 0 : i32
    %scan3A_61 = arith.constant 32 : i32
    %scan3A_62 = arith.addi %scan3A_60, %scan3A_61 : i32
    %scan3A_63 = arith.constant 1 : i32
    %scan3A_64 = scf.for %scan3A_156 = %scan3A_60 to %scan3A_62 step %scan3A_63 iter_args(%scan3A_157 = %scan3A) -> (i32)  : i32 {
      %sub3A_158 = arith.constant 31 : i32
      %sub3A_159 = arith.subi %sub3A_158, %scan3A_156 : i32
      %shift_left3A = arith.constant 1 : i32
      %shift_left3A_160 = arith.shli %shift_left3A, %sub3A_159 : i32
      %or3A_161 = arith.ori %scan3A_157, %shift_left3A_160 : i32
      %ge3A_162 = vector.broadcast %or3A_161 : i32 to vector<640x1xi32>
      %ge3A_163 = arith.cmpi uge, %bitcast_convert_type3A_59, %ge3A_162 : vector<640x1xi32>
      %convert_element_type3A_164 = arith.extui %ge3A_163 : vector<640x1xi1> to vector<640x1xi32>
      %reduce_sum3A_165 = vector.shape_cast %convert_element_type3A_164 : vector<640x1xi32> to vector<1x640x1xi32>
      %reduce_sum3A_166 = arith.constant dense<0> : vector<1xi32>
      %reduce_sum3A_167 = vector.multi_reduction <add>, %reduce_sum3A_165, %reduce_sum3A_166 [1, 2] : vector<1x640x1xi32> to vector<1xi32>
      %reduce_sum3A_168 = vector.shape_cast %reduce_sum3A_167 : vector<1xi32> to vector<1x1x1xi32>
      %reduce_sum3A_169 = vector.extract %reduce_sum3A_168[0, 0, 0] : i32 from vector<1x1x1xi32>
      %ge3A_170 = arith.constant 313 : i32
      %ge3A_171 = arith.cmpi sge, %reduce_sum3A_169, %ge3A_170 : i32
      %select_n3A_172 = arith.select %ge3A_171, %or3A_161, %scan3A_157 : i32
      scf.yield %select_n3A_172 : i32
    }
    %scan3A_65 = arith.constant 32 : i32
    %gt3A = vector.broadcast %scan3A_64 : i32 to vector<640x1xi32>
    %gt3A_66 = arith.cmpi ugt, %bitcast_convert_type3A_59, %gt3A : vector<640x1xi32>
    %eq3A = vector.broadcast %scan3A_64 : i32 to vector<640x1xi32>
    %eq3A_67 = arith.cmpi eq, %bitcast_convert_type3A_59, %eq3A : vector<640x1xi32>
    %convert_element_type3A_68 = arith.extui %gt3A_66 : vector<640x1xi1> to vector<640x1xi32>
    %reduce_sum3A = vector.shape_cast %convert_element_type3A_68 : vector<640x1xi32> to vector<1x640x1xi32>
    %reduce_sum3A_69 = arith.constant dense<0> : vector<1xi32>
    %reduce_sum3A_70 = vector.multi_reduction <add>, %reduce_sum3A, %reduce_sum3A_69 [1, 2] : vector<1x640x1xi32> to vector<1xi32>
    %reduce_sum3A_71 = vector.shape_cast %reduce_sum3A_70 : vector<1xi32> to vector<1x1x1xi32>
    %reduce_sum3A_72 = vector.extract %reduce_sum3A_71[0, 0, 0] : i32 from vector<1x1x1xi32>
    %sub3A_73 = arith.constant 313 : i32
    %sub3A_74 = arith.subi %sub3A_73, %reduce_sum3A_72 : i32
    %convert_element_type3A_75 = arith.sitofp %sub3A_74 : i32 to f32
    %convert_element_type3A_76 = arith.extui %eq3A_67 : vector<640x1xi1> to vector<640x1xi32>
    %convert_element_type3A_77 = arith.sitofp %convert_element_type3A_76 : vector<640x1xi32> to vector<640x1xf32>
    %convert_element_type3A_78 = arith.extui %gt3A_66 : vector<640x1xi1> to vector<640x1xi32>
    %convert_element_type3A_79 = arith.sitofp %convert_element_type3A_78 : vector<640x1xi32> to vector<640x1xf32>
    %concatenate3A = tpu.concatenate %convert_element_type3A_77, %convert_element_type3A_79 in 1 : vector<640x1xf32>, vector<640x1xf32> -> vector<640x2xf32>
    %broadcast_in_dim3A_80 = arith.constant 0.000000e+00 : f32
    %broadcast_in_dim3A_81 = vector.broadcast %broadcast_in_dim3A_80 : f32 to vector<1x2xf32>
    %slice3A = vector.extract_strided_slice %concatenate3A {offsets = [0, 0], sizes = [639, 2], strides = [1, 1]} : vector<640x2xf32> to vector<639x2xf32>
    %concatenate3A_82 = tpu.concatenate %broadcast_in_dim3A_81, %slice3A in 0 : vector<1x2xf32>, vector<639x2xf32> -> vector<640x2xf32>
    %add3A_83 = arith.addf %concatenate3A, %concatenate3A_82 : vector<640x2xf32>
    %broadcast_in_dim3A_84 = arith.constant 0.000000e+00 : f32
    %broadcast_in_dim3A_85 = vector.broadcast %broadcast_in_dim3A_84 : f32 to vector<2x2xf32>
    %slice3A_86 = vector.extract_strided_slice %add3A_83 {offsets = [0, 0], sizes = [638, 2], strides = [1, 1]} : vector<640x2xf32> to vector<638x2xf32>
    %concatenate3A_87 = tpu.concatenate %broadcast_in_dim3A_85, %slice3A_86 in 0 : vector<2x2xf32>, vector<638x2xf32> -> vector<640x2xf32>
    %add3A_88 = arith.addf %add3A_83, %concatenate3A_87 : vector<640x2xf32>
    %broadcast_in_dim3A_89 = arith.constant 0.000000e+00 : f32
    %broadcast_in_dim3A_90 = vector.broadcast %broadcast_in_dim3A_89 : f32 to vector<4x2xf32>
    %slice3A_91 = vector.extract_strided_slice %add3A_88 {offsets = [0, 0], sizes = [636, 2], strides = [1, 1]} : vector<640x2xf32> to vector<636x2xf32>
    %concatenate3A_92 = tpu.concatenate %broadcast_in_dim3A_90, %slice3A_91 in 0 : vector<4x2xf32>, vector<636x2xf32> -> vector<640x2xf32>
    %add3A_93 = arith.addf %add3A_88, %concatenate3A_92 : vector<640x2xf32>
    %broadcast_in_dim3A_94 = arith.constant 0.000000e+00 : f32
    %broadcast_in_dim3A_95 = vector.broadcast %broadcast_in_dim3A_94 : f32 to vector<8x2xf32>
    %slice3A_96 = vector.extract_strided_slice %add3A_93 {offsets = [0, 0], sizes = [632, 2], strides = [1, 1]} : vector<640x2xf32> to vector<632x2xf32>
    %concatenate3A_97 = tpu.concatenate %broadcast_in_dim3A_95, %slice3A_96 in 0 : vector<8x2xf32>, vector<632x2xf32> -> vector<640x2xf32>
    %add3A_98 = arith.addf %add3A_93, %concatenate3A_97 : vector<640x2xf32>
    %broadcast_in_dim3A_99 = arith.constant 0.000000e+00 : f32
    %broadcast_in_dim3A_100 = vector.broadcast %broadcast_in_dim3A_99 : f32 to vector<16x2xf32>
    %slice3A_101 = vector.extract_strided_slice %add3A_98 {offsets = [0, 0], sizes = [624, 2], strides = [1, 1]} : vector<640x2xf32> to vector<624x2xf32>
    %concatenate3A_102 = tpu.concatenate %broadcast_in_dim3A_100, %slice3A_101 in 0 : vector<16x2xf32>, vector<624x2xf32> -> vector<640x2xf32>
    %add3A_103 = arith.addf %add3A_98, %concatenate3A_102 : vector<640x2xf32>
    %broadcast_in_dim3A_104 = arith.constant 0.000000e+00 : f32
    %broadcast_in_dim3A_105 = vector.broadcast %broadcast_in_dim3A_104 : f32 to vector<32x2xf32>
    %slice3A_106 = vector.extract_strided_slice %add3A_103 {offsets = [0, 0], sizes = [608, 2], strides = [1, 1]} : vector<640x2xf32> to vector<608x2xf32>
    %concatenate3A_107 = tpu.concatenate %broadcast_in_dim3A_105, %slice3A_106 in 0 : vector<32x2xf32>, vector<608x2xf32> -> vector<640x2xf32>
    %add3A_108 = arith.addf %add3A_103, %concatenate3A_107 : vector<640x2xf32>
    %broadcast_in_dim3A_109 = arith.constant 0.000000e+00 : f32
    %broadcast_in_dim3A_110 = vector.broadcast %broadcast_in_dim3A_109 : f32 to vector<64x2xf32>
    %slice3A_111 = vector.extract_strided_slice %add3A_108 {offsets = [0, 0], sizes = [576, 2], strides = [1, 1]} : vector<640x2xf32> to vector<576x2xf32>
    %concatenate3A_112 = tpu.concatenate %broadcast_in_dim3A_110, %slice3A_111 in 0 : vector<64x2xf32>, vector<576x2xf32> -> vector<640x2xf32>
    %add3A_113 = arith.addf %add3A_108, %concatenate3A_112 : vector<640x2xf32>
    %broadcast_in_dim3A_114 = arith.constant 0.000000e+00 : f32
    %broadcast_in_dim3A_115 = vector.broadcast %broadcast_in_dim3A_114 : f32 to vector<128x2xf32>
    %slice3A_116 = vector.extract_strided_slice %add3A_113 {offsets = [0, 0], sizes = [512, 2], strides = [1, 1]} : vector<640x2xf32> to vector<512x2xf32>
    %concatenate3A_117 = tpu.concatenate %broadcast_in_dim3A_115, %slice3A_116 in 0 : vector<128x2xf32>, vector<512x2xf32> -> vector<640x2xf32>
    %add3A_118 = arith.addf %add3A_113, %concatenate3A_117 : vector<640x2xf32>
    %broadcast_in_dim3A_119 = arith.constant 0.000000e+00 : f32
    %broadcast_in_dim3A_120 = vector.broadcast %broadcast_in_dim3A_119 : f32 to vector<256x2xf32>
    %slice3A_121 = vector.extract_strided_slice %add3A_118 {offsets = [0, 0], sizes = [384, 2], strides = [1, 1]} : vector<640x2xf32> to vector<384x2xf32>
    %concatenate3A_122 = tpu.concatenate %broadcast_in_dim3A_120, %slice3A_121 in 0 : vector<256x2xf32>, vector<384x2xf32> -> vector<640x2xf32>
    %add3A_123 = arith.addf %add3A_118, %concatenate3A_122 : vector<640x2xf32>
    %broadcast_in_dim3A_124 = arith.constant 0.000000e+00 : f32
    %broadcast_in_dim3A_125 = vector.broadcast %broadcast_in_dim3A_124 : f32 to vector<512x2xf32>
    %slice3A_126 = vector.extract_strided_slice %add3A_123 {offsets = [0, 0], sizes = [128, 2], strides = [1, 1]} : vector<640x2xf32> to vector<128x2xf32>
    %concatenate3A_127 = tpu.concatenate %broadcast_in_dim3A_125, %slice3A_126 in 0 : vector<512x2xf32>, vector<128x2xf32> -> vector<640x2xf32>
    %add3A_128 = arith.addf %add3A_123, %concatenate3A_127 : vector<640x2xf32>
    %slice3A_129 = vector.extract_strided_slice %add3A_128 {offsets = [0, 0], sizes = [640, 1], strides = [1, 1]} : vector<640x2xf32> to vector<640x1xf32>
    %convert_element_type3A_130 = arith.extui %eq3A_67 : vector<640x1xi1> to vector<640x1xi32>
    %convert_element_type3A_131 = arith.sitofp %convert_element_type3A_130 : vector<640x1xi32> to vector<640x1xf32>
    %sub3A_132 = arith.subf %slice3A_129, %convert_element_type3A_131 : vector<640x1xf32>
    %lt3A_133 = vector.broadcast %convert_element_type3A_75 : f32 to vector<640x1xf32>
    %lt3A_134 = arith.cmpf olt, %sub3A_132, %lt3A_133 : vector<640x1xf32>
    %and3A = arith.andi %eq3A_67, %lt3A_134 : vector<640x1xi1>
    %or3A = arith.ori %gt3A_66, %and3A : vector<640x1xi1>
    %tanh3A = math.tanh %select_n3A : vector<640x1xf32>
    %mul3A_135 = vector.broadcast %tanh3A : vector<640x1xf32> to vector<640x512xf32>
    %mul3A_136 = arith.mulf %get3A_8, %mul3A_135 : vector<640x512xf32>
    %swap3A = arith.constant 0 : index
    %swap3A_137 = arith.constant 0 : index
    %swap3A_138 = arith.constant 0 : index
    %swap3A_139 = vector.load %arg5[%swap3A, %swap3A_137, %swap3A_138] : memref<1x640x512xf32, #tpu.memory_space<vmem>>, vector<1x640x512xf32>
    %swap3A_140 = vector.shape_cast %swap3A_139 : vector<1x640x512xf32> to vector<640x512xf32>
    %swap3A_141 = vector.shape_cast %mul3A_136 : vector<640x512xf32> to vector<1x640x512xf32>
    tpu.vector_store %arg5[%swap3A, %swap3A_137, %swap3A_138], %swap3A_141 {strides = array<i32>} : memref<1x640x512xf32, #tpu.memory_space<vmem>>, vector<1x640x512xf32>,
    %swap3A_142 = arith.constant 0 : index
    %swap3A_143 = arith.constant 0 : index
    %swap3A_144 = arith.constant 0 : index
    %swap3A_145 = vector.load %arg6[%swap3A_142, %swap3A_143, %swap3A_144] : memref<1x640x1xf32, #tpu.memory_space<vmem>>, vector<1x640x1xf32>
    %swap3A_146 = vector.shape_cast %swap3A_145 : vector<1x640x1xf32> to vector<640x1xf32>
    %swap3A_147 = vector.shape_cast %select_n3A : vector<640x1xf32> to vector<1x640x1xf32>
    tpu.vector_store %arg6[%swap3A_142, %swap3A_143, %swap3A_144], %swap3A_147 {strides = array<i32>} : memref<1x640x1xf32, #tpu.memory_space<vmem>>, vector<1x640x1xf32>,
    %convert_element_type3A_148 = arith.extui %or3A : vector<640x1xi1> to vector<640x1xi32>
    %convert_element_type3A_149 = arith.sitofp %convert_element_type3A_148 : vector<640x1xi32> to vector<640x1xf32>
    %swap3A_150 = arith.constant 0 : index
    %swap3A_151 = arith.constant 0 : index
    %swap3A_152 = arith.constant 0 : index
    %swap3A_153 = vector.load %arg7[%swap3A_150, %swap3A_151, %swap3A_152] : memref<1x640x1xf32, #tpu.memory_space<vmem>>, vector<1x640x1xf32>
    %swap3A_154 = vector.shape_cast %swap3A_153 : vector<1x640x1xf32> to vector<640x1xf32>
    %swap3A_155 = vector.shape_cast %convert_element_type3A_149 : vector<640x1xf32> to vector<1x640x1xf32>
    tpu.vector_store %arg7[%swap3A_150, %swap3A_151, %swap3A_152], %swap3A_155 {strides = array<i32>} : memref<1x640x1xf32, #tpu.memory_space<vmem>>, vector<1x640x1xf32>,
    return
  }
  func.func @transform_0(%arg0: i32) -> (i32, i32, i32) {
    %c0_i32 = arith.constant 0 : i32
    %c0_i32_0 = arith.constant 0 : i32
    %c0_i32_1 = arith.constant 0 : i32
    return %arg0, %c0_i32, %c0_i32_0 : i32, i32, i32
  }
  func.func @transform_1(%arg0: i32) -> (i32, i32, i32) {
    %c0_i32 = arith.constant 0 : i32
    %c0_i32_0 = arith.constant 0 : i32
    %c0_i32_1 = arith.constant 0 : i32
    return %arg0, %c0_i32, %c0_i32_0 : i32, i32, i32
  }
  func.func @transform_2(%arg0: i32) -> (i32, i32) {
    %c0_i32 = arith.constant 0 : i32
    %c0_i32_0 = arith.constant 0 : i32
    %c0_i32_1 = arith.constant 0 : i32
    return %c0_i32, %c0_i32_0 : i32, i32
  }
  func.func @transform_3(%arg0: i32) -> (i32, i32) {
    %c0_i32 = arith.constant 0 : i32
    %c0_i32_0 = arith.constant 0 : i32
    %c0_i32_1 = arith.constant 0 : i32
    return %c0_i32, %c0_i32_0 : i32, i32
  }
  func.func @transform_4(%arg0: i32) -> (i32, i32, i32) {
    %c0_i32 = arith.constant 0 : i32
    %c0_i32_0 = arith.constant 0 : i32
    %c0_i32_1 = arith.constant 0 : i32
    return %arg0, %c0_i32, %c0_i32_0 : i32, i32, i32
  }
  func.func @transform_5(%arg0: i32) -> (i32, i32, i32) {
    %c0_i32 = arith.constant 0 : i32
    %c0_i32_0 = arith.constant 0 : i32
    %c0_i32_1 = arith.constant 0 : i32
    return %arg0, %c0_i32, %c0_i32_0 : i32, i32, i32
  }
  func.func @transform_6(%arg0: i32) -> (i32, i32, i32) {
    %c0_i32 = arith.constant 0 : i32
    %c0_i32_0 = arith.constant 0 : i32
    %c0_i32_1 = arith.constant 0 : i32
    return %arg0, %c0_i32, %c0_i32_0 : i32, i32, i32
  }
}

module attributes {stable_mosaic.version = 14 : i64} {
  func.func @_rank_body(%arg0: i32, %arg1: memref<1x640x1xf32, #tpu.memory_space<vmem>>, %arg2: memref<1x640x1xf32, #tpu.memory_space<vmem>>, %arg3: memref<1x1x640xf32, #tpu.memory_space<vmem>>, %arg4: memref<1x1x640xf32, #tpu.memory_space<vmem>>, %arg5: memref<1x640x1xf32, #tpu.memory_space<vmem>>) attributes {dimension_semantics = [#tpu.dimension_semantics<arbitrary>], iteration_bounds = array<i64: 8>, scalar_prefetch = 0 : i64, scratch_operands = 0 : i64, tpu.core_type = #tpu.core_type<tc>, window_params = [{transform_indices = @transform_0, window_bounds = array<i64: 1, 640, 1>}, {transform_indices = @transform_1, window_bounds = array<i64: 1, 640, 1>}, {transform_indices = @transform_2, window_bounds = array<i64: 1, 1, 640>}, {transform_indices = @transform_3, window_bounds = array<i64: 1, 1, 640>}, {transform_indices = @transform_4, window_bounds = array<i64: 1, 640, 1>}]} {
    %get3A = arith.constant 0 : index
    %get3A_0 = arith.constant 0 : index
    %get3A_1 = arith.constant 0 : index
    %get3A_2 = vector.load %arg1[%get3A, %get3A_0, %get3A_1] : memref<1x640x1xf32, #tpu.memory_space<vmem>>, vector<1x640x1xf32>
    %get3A_3 = vector.shape_cast %get3A_2 : vector<1x640x1xf32> to vector<640x1xf32>
    %get3A_4 = arith.constant 0 : index
    %get3A_5 = arith.constant 0 : index
    %get3A_6 = arith.constant 0 : index
    %get3A_7 = vector.load %arg2[%get3A_4, %get3A_5, %get3A_6] : memref<1x640x1xf32, #tpu.memory_space<vmem>>, vector<1x640x1xf32>
    %get3A_8 = vector.shape_cast %get3A_7 : vector<1x640x1xf32> to vector<640x1xf32>
    %iota3A = tpu.iota {dimensions = array<i32: 0>} : vector<640x1xi32>
    %broadcast_in_dim3A = arith.constant 0.000000e+00 : f32
    %broadcast_in_dim3A_9 = vector.broadcast %broadcast_in_dim3A : f32 to vector<640x1xf32>
    %get3A_10 = arith.constant 0 : index
    %get3A_11 = arith.constant 0 : index
    %get3A_12 = arith.constant 0 : index
    %get3A_13 = vector.load %arg3[%get3A_10, %get3A_11, %get3A_12] : memref<1x1x640xf32, #tpu.memory_space<vmem>>, vector<1x1x256xf32>
    %get3A_14 = vector.shape_cast %get3A_13 : vector<1x1x256xf32> to vector<1x256xf32>
    %get3A_15 = arith.constant 0 : index
    %get3A_16 = arith.constant 0 : index
    %get3A_17 = arith.constant 0 : index
    %get3A_18 = vector.load %arg4[%get3A_15, %get3A_16, %get3A_17] : memref<1x1x640xf32, #tpu.memory_space<vmem>>, vector<1x1x256xf32>
    %get3A_19 = vector.shape_cast %get3A_18 : vector<1x1x256xf32> to vector<1x256xf32>
    %iota3A_20 = tpu.iota {dimensions = array<i32: 1>} : vector<1x256xi32>
    %add3A = arith.constant 0 : i32
    %add3A_21 = vector.broadcast %add3A : i32 to vector<1x256xi32>
    %add3A_22 = arith.addi %iota3A_20, %add3A_21 : vector<1x256xi32>
    %gt3A = vector.broadcast %get3A_14 : vector<1x256xf32> to vector<640x256xf32>
    %gt3A_23 = vector.broadcast %get3A_3 : vector<640x1xf32> to vector<640x256xf32>
    %gt3A_24 = arith.cmpf ogt, %gt3A, %gt3A_23 : vector<640x256xf32>
    %eq3A = vector.broadcast %get3A_14 : vector<1x256xf32> to vector<640x256xf32>
    %eq3A_25 = vector.broadcast %get3A_3 : vector<640x1xf32> to vector<640x256xf32>
    %eq3A_26 = arith.cmpf oeq, %eq3A, %eq3A_25 : vector<640x256xf32>
    %lt3A = vector.broadcast %add3A_22 : vector<1x256xi32> to vector<640x256xi32>
    %lt3A_27 = vector.broadcast %iota3A : vector<640x1xi32> to vector<640x256xi32>
    %lt3A_28 = arith.cmpi slt, %lt3A, %lt3A_27 : vector<640x256xi32>
    %and3A = arith.andi %eq3A_26, %lt3A_28 : vector<640x256xi1>
    %or3A = arith.ori %gt3A_24, %and3A : vector<640x256xi1>
    %jit3A = arith.constant 0.000000e+00 : f32
    %broadcast_in_dim3A_29 = vector.shape_cast %get3A_19 : vector<1x256xf32> to vector<1x256xf32>
    %broadcast_in_dim3A_30 = vector.broadcast %broadcast_in_dim3A_29 : vector<1x256xf32> to vector<640x256xf32>
    %broadcast_in_dim3A_31 = vector.broadcast %jit3A : f32 to vector<640x256xf32>
    %select_n3A = arith.select %or3A, %broadcast_in_dim3A_30, %broadcast_in_dim3A_31 : vector<640x256xi1>, vector<640x256xf32>
    %reduce_sum3A = arith.constant dense<0.000000e+00> : vector<640xf32>
    %reduce_sum3A_32 = vector.multi_reduction <add>, %select_n3A, %reduce_sum3A [1] : vector<640x256xf32> to vector<640xf32>
    %broadcast_in_dim3A_33 = vector.shape_cast %reduce_sum3A_32 : vector<640xf32> to vector<640x1xf32>
    %add3A_34 = arith.addf %broadcast_in_dim3A_9, %broadcast_in_dim3A_33 : vector<640x1xf32>
    %get3A_35 = arith.constant 0 : index
    %get3A_36 = arith.constant 0 : index
    %get3A_37 = arith.constant 256 : index
    %get3A_38 = vector.load %arg3[%get3A_35, %get3A_36, %get3A_37] : memref<1x1x640xf32, #tpu.memory_space<vmem>>, vector<1x1x256xf32>
    %get3A_39 = vector.shape_cast %get3A_38 : vector<1x1x256xf32> to vector<1x256xf32>
    %get3A_40 = arith.constant 0 : index
    %get3A_41 = arith.constant 0 : index
    %get3A_42 = arith.constant 256 : index
    %get3A_43 = vector.load %arg4[%get3A_40, %get3A_41, %get3A_42] : memref<1x1x640xf32, #tpu.memory_space<vmem>>, vector<1x1x256xf32>
    %get3A_44 = vector.shape_cast %get3A_43 : vector<1x1x256xf32> to vector<1x256xf32>
    %iota3A_45 = tpu.iota {dimensions = array<i32: 1>} : vector<1x256xi32>
    %add3A_46 = arith.constant 256 : i32
    %add3A_47 = vector.broadcast %add3A_46 : i32 to vector<1x256xi32>
    %add3A_48 = arith.addi %iota3A_45, %add3A_47 : vector<1x256xi32>
    %gt3A_49 = vector.broadcast %get3A_39 : vector<1x256xf32> to vector<640x256xf32>
    %gt3A_50 = vector.broadcast %get3A_3 : vector<640x1xf32> to vector<640x256xf32>
    %gt3A_51 = arith.cmpf ogt, %gt3A_49, %gt3A_50 : vector<640x256xf32>
    %eq3A_52 = vector.broadcast %get3A_39 : vector<1x256xf32> to vector<640x256xf32>
    %eq3A_53 = vector.broadcast %get3A_3 : vector<640x1xf32> to vector<640x256xf32>
    %eq3A_54 = arith.cmpf oeq, %eq3A_52, %eq3A_53 : vector<640x256xf32>
    %lt3A_55 = vector.broadcast %add3A_48 : vector<1x256xi32> to vector<640x256xi32>
    %lt3A_56 = vector.broadcast %iota3A : vector<640x1xi32> to vector<640x256xi32>
    %lt3A_57 = arith.cmpi slt, %lt3A_55, %lt3A_56 : vector<640x256xi32>
    %and3A_58 = arith.andi %eq3A_54, %lt3A_57 : vector<640x256xi1>
    %or3A_59 = arith.ori %gt3A_51, %and3A_58 : vector<640x256xi1>
    %jit3A_60 = arith.constant 0.000000e+00 : f32
    %broadcast_in_dim3A_61 = vector.shape_cast %get3A_44 : vector<1x256xf32> to vector<1x256xf32>
    %broadcast_in_dim3A_62 = vector.broadcast %broadcast_in_dim3A_61 : vector<1x256xf32> to vector<640x256xf32>
    %broadcast_in_dim3A_63 = vector.broadcast %jit3A_60 : f32 to vector<640x256xf32>
    %select_n3A_64 = arith.select %or3A_59, %broadcast_in_dim3A_62, %broadcast_in_dim3A_63 : vector<640x256xi1>, vector<640x256xf32>
    %reduce_sum3A_65 = arith.constant dense<0.000000e+00> : vector<640xf32>
    %reduce_sum3A_66 = vector.multi_reduction <add>, %select_n3A_64, %reduce_sum3A_65 [1] : vector<640x256xf32> to vector<640xf32>
    %broadcast_in_dim3A_67 = vector.shape_cast %reduce_sum3A_66 : vector<640xf32> to vector<640x1xf32>
    %add3A_68 = arith.addf %add3A_34, %broadcast_in_dim3A_67 : vector<640x1xf32>
    %get3A_69 = arith.constant 0 : index
    %get3A_70 = arith.constant 0 : index
    %get3A_71 = arith.constant 512 : index
    %get3A_72 = vector.load %arg3[%get3A_69, %get3A_70, %get3A_71] : memref<1x1x640xf32, #tpu.memory_space<vmem>>, vector<1x1x128xf32>
    %get3A_73 = vector.shape_cast %get3A_72 : vector<1x1x128xf32> to vector<1x128xf32>
    %get3A_74 = arith.constant 0 : index
    %get3A_75 = arith.constant 0 : index
    %get3A_76 = arith.constant 512 : index
    %get3A_77 = vector.load %arg4[%get3A_74, %get3A_75, %get3A_76] : memref<1x1x640xf32, #tpu.memory_space<vmem>>, vector<1x1x128xf32>
    %get3A_78 = vector.shape_cast %get3A_77 : vector<1x1x128xf32> to vector<1x128xf32>
    %iota3A_79 = tpu.iota {dimensions = array<i32: 1>} : vector<1x128xi32>
    %add3A_80 = arith.constant 512 : i32
    %add3A_81 = vector.broadcast %add3A_80 : i32 to vector<1x128xi32>
    %add3A_82 = arith.addi %iota3A_79, %add3A_81 : vector<1x128xi32>
    %gt3A_83 = vector.broadcast %get3A_73 : vector<1x128xf32> to vector<640x128xf32>
    %gt3A_84 = vector.broadcast %get3A_3 : vector<640x1xf32> to vector<640x128xf32>
    %gt3A_85 = arith.cmpf ogt, %gt3A_83, %gt3A_84 : vector<640x128xf32>
    %eq3A_86 = vector.broadcast %get3A_73 : vector<1x128xf32> to vector<640x128xf32>
    %eq3A_87 = vector.broadcast %get3A_3 : vector<640x1xf32> to vector<640x128xf32>
    %eq3A_88 = arith.cmpf oeq, %eq3A_86, %eq3A_87 : vector<640x128xf32>
    %lt3A_89 = vector.broadcast %add3A_82 : vector<1x128xi32> to vector<640x128xi32>
    %lt3A_90 = vector.broadcast %iota3A : vector<640x1xi32> to vector<640x128xi32>
    %lt3A_91 = arith.cmpi slt, %lt3A_89, %lt3A_90 : vector<640x128xi32>
    %and3A_92 = arith.andi %eq3A_88, %lt3A_91 : vector<640x128xi1>
    %or3A_93 = arith.ori %gt3A_85, %and3A_92 : vector<640x128xi1>
    %jit3A_94 = arith.constant 0.000000e+00 : f32
    %broadcast_in_dim3A_95 = vector.shape_cast %get3A_78 : vector<1x128xf32> to vector<1x128xf32>
    %broadcast_in_dim3A_96 = vector.broadcast %broadcast_in_dim3A_95 : vector<1x128xf32> to vector<640x128xf32>
    %broadcast_in_dim3A_97 = vector.broadcast %jit3A_94 : f32 to vector<640x128xf32>
    %select_n3A_98 = arith.select %or3A_93, %broadcast_in_dim3A_96, %broadcast_in_dim3A_97 : vector<640x128xi1>, vector<640x128xf32>
    %reduce_sum3A_99 = arith.constant dense<0.000000e+00> : vector<640xf32>
    %reduce_sum3A_100 = vector.multi_reduction <add>, %select_n3A_98, %reduce_sum3A_99 [1] : vector<640x128xf32> to vector<640xf32>
    %broadcast_in_dim3A_101 = vector.shape_cast %reduce_sum3A_100 : vector<640xf32> to vector<640x1xf32>
    %add3A_102 = arith.addf %add3A_68, %broadcast_in_dim3A_101 : vector<640x1xf32>
    %gt3A_103 = arith.constant 0.000000e+00 : f32
    %gt3A_104 = vector.broadcast %gt3A_103 : f32 to vector<640x1xf32>
    %gt3A_105 = arith.cmpf ogt, %get3A_8, %gt3A_104 : vector<640x1xf32>
    %jit3A_106 = arith.constant -1.000000e+00 : f32
    %broadcast_in_dim3A_107 = vector.broadcast %jit3A_106 : f32 to vector<640x1xf32>
    %select_n3A_108 = arith.select %gt3A_105, %add3A_102, %broadcast_in_dim3A_107 : vector<640x1xi1>, vector<640x1xf32>
    %swap3A = arith.constant 0 : index
    %swap3A_109 = arith.constant 0 : index
    %swap3A_110 = arith.constant 0 : index
    %swap3A_111 = vector.load %arg5[%swap3A, %swap3A_109, %swap3A_110] : memref<1x640x1xf32, #tpu.memory_space<vmem>>, vector<1x640x1xf32>
    %swap3A_112 = vector.shape_cast %swap3A_111 : vector<1x640x1xf32> to vector<640x1xf32>
    %swap3A_113 = vector.shape_cast %select_n3A_108 : vector<640x1xf32> to vector<1x640x1xf32>
    tpu.vector_store %arg5[%swap3A, %swap3A_109, %swap3A_110], %swap3A_113 {strides = array<i32>} : memref<1x640x1xf32, #tpu.memory_space<vmem>>, vector<1x640x1xf32>,
    return
  }
  func.func @transform_0(%arg0: i32) -> (i32, i32, i32) {
    %c0_i32 = arith.constant 0 : i32
    %c0_i32_0 = arith.constant 0 : i32
    %c0_i32_1 = arith.constant 0 : i32
    return %arg0, %c0_i32, %c0_i32_0 : i32, i32, i32
  }
  func.func @transform_1(%arg0: i32) -> (i32, i32, i32) {
    %c0_i32 = arith.constant 0 : i32
    %c0_i32_0 = arith.constant 0 : i32
    %c0_i32_1 = arith.constant 0 : i32
    return %arg0, %c0_i32, %c0_i32_0 : i32, i32, i32
  }
  func.func @transform_2(%arg0: i32) -> (i32, i32, i32) {
    %c0_i32 = arith.constant 0 : i32
    %c0_i32_0 = arith.constant 0 : i32
    %c0_i32_1 = arith.constant 0 : i32
    return %arg0, %c0_i32, %c0_i32_0 : i32, i32, i32
  }
  func.func @transform_3(%arg0: i32) -> (i32, i32, i32) {
    %c0_i32 = arith.constant 0 : i32
    %c0_i32_0 = arith.constant 0 : i32
    %c0_i32_1 = arith.constant 0 : i32
    return %arg0, %c0_i32, %c0_i32_0 : i32, i32, i32
  }
  func.func @transform_4(%arg0: i32) -> (i32, i32, i32) {
    %c0_i32 = arith.constant 0 : i32
    %c0_i32_0 = arith.constant 0 : i32
    %c0_i32_1 = arith.constant 0 : i32
    return %arg0, %c0_i32, %c0_i32_0 : i32, i32, i32
  }
}

module attributes {stable_mosaic.version = 14 : i64} {
  func.func @_pool_body(%arg0: i32, %arg1: memref<1x640x640xbf16, #tpu.memory_space<vmem>>, %arg2: memref<1x640x1xf32, #tpu.memory_space<vmem>>, %arg3: memref<1x640x512xf32, #tpu.memory_space<vmem>>, %arg4: memref<1x320x512xf32, #tpu.memory_space<vmem>>, %arg5: memref<1x320x320xbf16, #tpu.memory_space<vmem>>, %arg6: memref<1x1x512xf32, #tpu.memory_space<vmem>>) attributes {dimension_semantics = [#tpu.dimension_semantics<arbitrary>], iteration_bounds = array<i64: 8>, scalar_prefetch = 0 : i64, scratch_operands = 0 : i64, tpu.core_type = #tpu.core_type<tc>, window_params = [{transform_indices = @transform_0, window_bounds = array<i64: 1, 640, 640>}, {transform_indices = @transform_1, window_bounds = array<i64: 1, 640, 1>}, {transform_indices = @transform_2, window_bounds = array<i64: 1, 640, 512>}, {transform_indices = @transform_3, window_bounds = array<i64: 1, 320, 512>}, {transform_indices = @transform_4, window_bounds = array<i64: 1, 320, 320>}, {transform_indices = @transform_5, window_bounds = array<i64: 1, 1, 512>}]} {
    %get3A = arith.constant 0 : index
    %get3A_0 = arith.constant 0 : index
    %get3A_1 = arith.constant 0 : index
    %get3A_2 = vector.load %arg1[%get3A, %get3A_0, %get3A_1] : memref<1x640x640xbf16, #tpu.memory_space<vmem>>, vector<1x640x640xbf16>
    %get3A_3 = vector.shape_cast %get3A_2 : vector<1x640x640xbf16> to vector<640x640xbf16>
    %get3A_4 = arith.constant 0 : index
    %get3A_5 = arith.constant 0 : index
    %get3A_6 = arith.constant 0 : index
    %get3A_7 = vector.load %arg2[%get3A_4, %get3A_5, %get3A_6] : memref<1x640x1xf32, #tpu.memory_space<vmem>>, vector<1x640x1xf32>
    %get3A_8 = vector.shape_cast %get3A_7 : vector<1x640x1xf32> to vector<640x1xf32>
    %get3A_9 = arith.constant 0 : index
    %get3A_10 = arith.constant 0 : index
    %get3A_11 = arith.constant 0 : index
    %get3A_12 = vector.load %arg3[%get3A_9, %get3A_10, %get3A_11] : memref<1x640x512xf32, #tpu.memory_space<vmem>>, vector<1x640x512xf32>
    %get3A_13 = vector.shape_cast %get3A_12 : vector<1x640x512xf32> to vector<640x512xf32>
    %iota3A = tpu.iota {dimensions = array<i32: 1>} : vector<640x320xi32>
    %convert_element_type3A = arith.sitofp %iota3A : vector<640x320xi32> to vector<640x320xf32>
    %eq3A = vector.broadcast %get3A_8 : vector<640x1xf32> to vector<640x320xf32>
    %eq3A_14 = arith.cmpf oeq, %eq3A, %convert_element_type3A : vector<640x320xf32>
    %convert_element_type3A_15 = arith.extui %eq3A_14 : vector<640x320xi1> to vector<640x320xi32>
    %convert_element_type3A_16 = arith.sitofp %convert_element_type3A_15 : vector<640x320xi32> to vector<640x320xf32>
    %convert_element_type3A_17 = arith.truncf %convert_element_type3A_16 : vector<640x320xf32> to vector<640x320xbf16>
    %convert_element_type3A_18 = arith.truncf %get3A_13 : vector<640x512xf32> to vector<640x512xbf16>
    %convert_element_type3A_19 = arith.extf %convert_element_type3A_18 : vector<640x512xbf16> to vector<640x512xf32>
    %sub3A = arith.subf %get3A_13, %convert_element_type3A_19 : vector<640x512xf32>
    %convert_element_type3A_20 = arith.truncf %sub3A : vector<640x512xf32> to vector<640x512xbf16>
    %convert_element_type3A_21 = arith.extf %convert_element_type3A_20 : vector<640x512xbf16> to vector<640x512xf32>
    %sub3A_22 = arith.subf %sub3A, %convert_element_type3A_21 : vector<640x512xf32>
    %convert_element_type3A_23 = arith.truncf %sub3A_22 : vector<640x512xf32> to vector<640x512xbf16>
    %dot_general3A = arith.constant dense<0.000000e+00> : vector<320x512xf32>
    %dot_general3A_24 = tpu.matmul %convert_element_type3A_17, %convert_element_type3A_18, %dot_general3A {dimension_numbers = #tpu.dot_dimension_numbers<[0], [0], [1], [1], [0, 1, 1, 1], [], []>, transpose_lhs_hint = false} : vector<640x320xbf16>, vector<640x512xbf16>, vector<320x512xf32> -> vector<320x512xf32>
    %dot_general3A_25 = arith.constant dense<0.000000e+00> : vector<320x512xf32>
    %dot_general3A_26 = tpu.matmul %convert_element_type3A_17, %convert_element_type3A_20, %dot_general3A_25 {dimension_numbers = #tpu.dot_dimension_numbers<[0], [0], [1], [1], [0, 1, 1, 1], [], []>, transpose_lhs_hint = false} : vector<640x320xbf16>, vector<640x512xbf16>, vector<320x512xf32> -> vector<320x512xf32>
    %add3A = arith.addf %dot_general3A_24, %dot_general3A_26 : vector<320x512xf32>
    %dot_general3A_27 = arith.constant dense<0.000000e+00> : vector<320x512xf32>
    %dot_general3A_28 = tpu.matmul %convert_element_type3A_17, %convert_element_type3A_23, %dot_general3A_27 {dimension_numbers = #tpu.dot_dimension_numbers<[0], [0], [1], [1], [0, 1, 1, 1], [], []>, transpose_lhs_hint = false} : vector<640x320xbf16>, vector<640x512xbf16>, vector<320x512xf32> -> vector<320x512xf32>
    %add3A_29 = arith.addf %add3A, %dot_general3A_28 : vector<320x512xf32>
    %swap3A = arith.constant 0 : index
    %swap3A_30 = arith.constant 0 : index
    %swap3A_31 = arith.constant 0 : index
    %swap3A_32 = vector.load %arg4[%swap3A, %swap3A_30, %swap3A_31] : memref<1x320x512xf32, #tpu.memory_space<vmem>>, vector<1x320x512xf32>
    %swap3A_33 = vector.shape_cast %swap3A_32 : vector<1x320x512xf32> to vector<320x512xf32>
    %swap3A_34 = vector.shape_cast %add3A_29 : vector<320x512xf32> to vector<1x320x512xf32>
    tpu.vector_store %arg4[%swap3A, %swap3A_30, %swap3A_31], %swap3A_34 {strides = array<i32>} : memref<1x320x512xf32, #tpu.memory_space<vmem>>, vector<1x320x512xf32>,
    %dot_general3A_35 = arith.constant dense<0.000000e+00> : vector<320x640xf32>
    %dot_general3A_36 = tpu.matmul %convert_element_type3A_17, %get3A_3, %dot_general3A_35 {dimension_numbers = #tpu.dot_dimension_numbers<[0], [0], [1], [1], [0, 1, 1, 1], [], []>, transpose_lhs_hint = false} : vector<640x320xbf16>, vector<640x640xbf16>, vector<320x640xf32> -> vector<320x640xf32>
    %convert_element_type3A_37 = arith.truncf %dot_general3A_36 : vector<320x640xf32> to vector<320x640xbf16>
    %dot_general3A_38 = arith.constant dense<0.000000e+00> : vector<320x320xf32>
    %dot_general3A_39 = tpu.matmul %convert_element_type3A_37, %convert_element_type3A_17, %dot_general3A_38 {dimension_numbers = #tpu.dot_dimension_numbers<[1], [0], [0], [1], [0, 0, 1, 1], [], []>, transpose_lhs_hint = false} : vector<320x640xbf16>, vector<640x320xbf16>, vector<320x320xf32> -> vector<320x320xf32>
    %convert_element_type3A_40 = arith.truncf %dot_general3A_39 : vector<320x320xf32> to vector<320x320xbf16>
    %swap3A_41 = arith.constant 0 : index
    %swap3A_42 = arith.constant 0 : index
    %swap3A_43 = arith.constant 0 : index
    %swap3A_44 = vector.load %arg5[%swap3A_41, %swap3A_42, %swap3A_43] : memref<1x320x320xbf16, #tpu.memory_space<vmem>>, vector<1x320x320xbf16>
    %swap3A_45 = vector.shape_cast %swap3A_44 : vector<1x320x320xbf16> to vector<320x320xbf16>
    %swap3A_46 = vector.shape_cast %convert_element_type3A_40 : vector<320x320xbf16> to vector<1x320x320xbf16>
    tpu.vector_store %arg5[%swap3A_41, %swap3A_42, %swap3A_43], %swap3A_46 {strides = array<i32>} : memref<1x320x320xbf16, #tpu.memory_space<vmem>>, vector<1x320x320xbf16>,
    %ge3A = arith.constant 0.000000e+00 : f32
    %ge3A_47 = vector.broadcast %ge3A : f32 to vector<640x1xf32>
    %ge3A_48 = arith.cmpf oge, %get3A_8, %ge3A_47 : vector<640x1xf32>
    %jit3A = arith.constant 0xFF800000 : f32
    %broadcast_in_dim3A = vector.shape_cast %ge3A_48 : vector<640x1xi1> to vector<640x1xi1>
    %broadcast_in_dim3A_49 = vector.broadcast %broadcast_in_dim3A : vector<640x1xi1> to vector<640x512xi1>
    %broadcast_in_dim3A_50 = vector.broadcast %jit3A : f32 to vector<640x512xf32>
    %select_n3A = arith.select %broadcast_in_dim3A_49, %get3A_13, %broadcast_in_dim3A_50 : vector<640x512xi1>, vector<640x512xf32>
    %reduce_max3A = arith.constant dense<0xFF800000> : vector<512xf32>
    %reduce_max3A_51 = vector.multi_reduction <maximumf>, %select_n3A, %reduce_max3A [0] : vector<640x512xf32> to vector<512xf32>
    %broadcast_in_dim3A_52 = vector.shape_cast %reduce_max3A_51 : vector<512xf32> to vector<1x512xf32>
    %swap3A_53 = arith.constant 0 : index
    %swap3A_54 = arith.constant 0 : index
    %swap3A_55 = arith.constant 0 : index
    %swap3A_56 = vector.load %arg6[%swap3A_53, %swap3A_54, %swap3A_55] : memref<1x1x512xf32, #tpu.memory_space<vmem>>, vector<1x1x512xf32>
    %swap3A_57 = vector.shape_cast %swap3A_56 : vector<1x1x512xf32> to vector<1x512xf32>
    %swap3A_58 = vector.shape_cast %broadcast_in_dim3A_52 : vector<1x512xf32> to vector<1x1x512xf32>
    tpu.vector_store %arg6[%swap3A_53, %swap3A_54, %swap3A_55], %swap3A_58 {strides = array<i32>} : memref<1x1x512xf32, #tpu.memory_space<vmem>>, vector<1x1x512xf32>,
    return
  }
  func.func @transform_0(%arg0: i32) -> (i32, i32, i32) {
    %c0_i32 = arith.constant 0 : i32
    %c0_i32_0 = arith.constant 0 : i32
    %c0_i32_1 = arith.constant 0 : i32
    return %arg0, %c0_i32, %c0_i32_0 : i32, i32, i32
  }
  func.func @transform_1(%arg0: i32) -> (i32, i32, i32) {
    %c0_i32 = arith.constant 0 : i32
    %c0_i32_0 = arith.constant 0 : i32
    %c0_i32_1 = arith.constant 0 : i32
    return %arg0, %c0_i32, %c0_i32_0 : i32, i32, i32
  }
  func.func @transform_2(%arg0: i32) -> (i32, i32, i32) {
    %c0_i32 = arith.constant 0 : i32
    %c0_i32_0 = arith.constant 0 : i32
    %c0_i32_1 = arith.constant 0 : i32
    return %arg0, %c0_i32, %c0_i32_0 : i32, i32, i32
  }
  func.func @transform_3(%arg0: i32) -> (i32, i32, i32) {
    %c0_i32 = arith.constant 0 : i32
    %c0_i32_0 = arith.constant 0 : i32
    %c0_i32_1 = arith.constant 0 : i32
    return %arg0, %c0_i32, %c0_i32_0 : i32, i32, i32
  }
  func.func @transform_4(%arg0: i32) -> (i32, i32, i32) {
    %c0_i32 = arith.constant 0 : i32
    %c0_i32_0 = arith.constant 0 : i32
    %c0_i32_1 = arith.constant 0 : i32
    return %arg0, %c0_i32, %c0_i32_0 : i32, i32, i32
  }
  func.func @transform_5(%arg0: i32) -> (i32, i32, i32) {
    %c0_i32 = arith.constant 0 : i32
    %c0_i32_0 = arith.constant 0 : i32
    %c0_i32_1 = arith.constant 0 : i32
    return %arg0, %c0_i32, %c0_i32_0 : i32, i32, i32
  }
}

module attributes {stable_mosaic.version = 14 : i64} {
  func.func @_final_body(%arg0: i32, %arg1: memref<1x320x320xbf16, #tpu.memory_space<vmem>>, %arg2: memref<1x320x512xf32, #tpu.memory_space<vmem>>, %arg3: memref<512x512xf32, #tpu.memory_space<vmem>>, %arg4: memref<1x512xf32, #tpu.memory_space<vmem>>, %arg5: memref<512x512xf32, #tpu.memory_space<vmem>>, %arg6: memref<1x512xf32, #tpu.memory_space<vmem>>, %arg7: memref<512x1xf32, #tpu.memory_space<vmem>>, %arg8: memref<1x1xf32, #tpu.memory_space<vmem>>, %arg9: memref<1x1x512xf32, #tpu.memory_space<vmem>>, %arg10: memref<1x1x512xf32, #tpu.memory_space<vmem>>, %arg11: memref<1024x512xf32, #tpu.memory_space<vmem>>, %arg12: memref<1x512xf32, #tpu.memory_space<vmem>>, %arg13: memref<512x512xf32, #tpu.memory_space<vmem>>, %arg14: memref<1x512xf32, #tpu.memory_space<vmem>>, %arg15: memref<512x40xf32, #tpu.memory_space<vmem>>, %arg16: memref<1x40xf32, #tpu.memory_space<vmem>>, %arg17: memref<1x1x40xf32, #tpu.memory_space<vmem>>) attributes {dimension_semantics = [#tpu.dimension_semantics<arbitrary>], iteration_bounds = array<i64: 8>, scalar_prefetch = 0 : i64, scratch_operands = 0 : i64, tpu.core_type = #tpu.core_type<tc>, window_params = [{transform_indices = @transform_0, window_bounds = array<i64: 1, 320, 320>}, {transform_indices = @transform_1, window_bounds = array<i64: 1, 320, 512>}, {pipeline_mode = #tpu.pipeline_mode<synchronous>, transform_indices = @transform_2, window_bounds = array<i64: 512, 512>}, {pipeline_mode = #tpu.pipeline_mode<synchronous>, transform_indices = @transform_3, window_bounds = array<i64: 1, 512>}, {pipeline_mode = #tpu.pipeline_mode<synchronous>, transform_indices = @transform_4, window_bounds = array<i64: 512, 512>}, {pipeline_mode = #tpu.pipeline_mode<synchronous>, transform_indices = @transform_5, window_bounds = array<i64: 1, 512>}, {pipeline_mode = #tpu.pipeline_mode<synchronous>, transform_indices = @transform_6, window_bounds = array<i64: 512, 1>}, {pipeline_mode = #tpu.pipeline_mode<synchronous>, transform_indices = @transform_7, window_bounds = array<i64: 1, 1>}, {transform_indices = @transform_8, window_bounds = array<i64: 1, 1, 512>}, {transform_indices = @transform_9, window_bounds = array<i64: 1, 1, 512>}, {pipeline_mode = #tpu.pipeline_mode<synchronous>, transform_indices = @transform_10, window_bounds = array<i64: 1024, 512>}, {pipeline_mode = #tpu.pipeline_mode<synchronous>, transform_indices = @transform_11, window_bounds = array<i64: 1, 512>}, {pipeline_mode = #tpu.pipeline_mode<synchronous>, transform_indices = @transform_12, window_bounds = array<i64: 512, 512>}, {pipeline_mode = #tpu.pipeline_mode<synchronous>, transform_indices = @transform_13, window_bounds = array<i64: 1, 512>}, {pipeline_mode = #tpu.pipeline_mode<synchronous>, transform_indices = @transform_14, window_bounds = array<i64: 512, 40>}, {pipeline_mode = #tpu.pipeline_mode<synchronous>, transform_indices = @transform_15, window_bounds = array<i64: 1, 40>}, {transform_indices = @transform_16, window_bounds = array<i64: 1, 1, 40>}]} {
    %get3A = arith.constant 0 : index
    %get3A_0 = arith.constant 0 : index
    %get3A_1 = arith.constant 0 : index
    %get3A_2 = vector.load %arg1[%get3A, %get3A_0, %get3A_1] : memref<1x320x320xbf16, #tpu.memory_space<vmem>>, vector<1x320x320xbf16>
    %get3A_3 = vector.shape_cast %get3A_2 : vector<1x320x320xbf16> to vector<320x320xbf16>
    %get3A_4 = arith.constant 0 : index
    %get3A_5 = arith.constant 0 : index
    %get3A_6 = arith.constant 0 : index
    %get3A_7 = vector.load %arg2[%get3A_4, %get3A_5, %get3A_6] : memref<1x320x512xf32, #tpu.memory_space<vmem>>, vector<1x320x512xf32>
    %get3A_8 = vector.shape_cast %get3A_7 : vector<1x320x512xf32> to vector<320x512xf32>
    %get3A_9 = arith.constant 0 : index
    %get3A_10 = arith.constant 0 : index
    %get3A_11 = vector.load %arg3[%get3A_9, %get3A_10] : memref<512x512xf32, #tpu.memory_space<vmem>>, vector<512x512xf32>
    %get3A_12 = arith.constant 0 : index
    %get3A_13 = arith.constant 0 : index
    %get3A_14 = vector.load %arg4[%get3A_12, %get3A_13] : memref<1x512xf32, #tpu.memory_space<vmem>>, vector<1x512xf32>
    %get3A_15 = arith.constant 0 : index
    %get3A_16 = arith.constant 0 : index
    %get3A_17 = vector.load %arg5[%get3A_15, %get3A_16] : memref<512x512xf32, #tpu.memory_space<vmem>>, vector<512x512xf32>
    %get3A_18 = arith.constant 0 : index
    %get3A_19 = arith.constant 0 : index
    %get3A_20 = vector.load %arg6[%get3A_18, %get3A_19] : memref<1x512xf32, #tpu.memory_space<vmem>>, vector<1x512xf32>
    %get3A_21 = arith.constant 0 : index
    %get3A_22 = arith.constant 0 : index
    %get3A_23 = vector.load %arg7[%get3A_21, %get3A_22] : memref<512x1xf32, #tpu.memory_space<vmem>>, vector<512x1xf32>
    %get3A_24 = arith.constant 0 : index
    %get3A_25 = arith.constant 0 : index
    %get3A_26 = vector.load %arg8[%get3A_24, %get3A_25] : memref<1x1xf32, #tpu.memory_space<vmem>>, vector<1x1xf32>
    %broadcast_in_dim3A = arith.constant 1.000000e+00 : bf16
    %broadcast_in_dim3A_27 = vector.broadcast %broadcast_in_dim3A : bf16 to vector<320x1xbf16>
    %dot_general3A = arith.constant dense<0.000000e+00> : vector<320x1xf32>
    %dot_general3A_28 = tpu.matmul %get3A_3, %broadcast_in_dim3A_27, %dot_general3A {dimension_numbers = #tpu.dot_dimension_numbers<[1], [0], [0], [1], [0, 0, 1, 1], [], []>, transpose_lhs_hint = false} : vector<320x320xbf16>, vector<320x1xbf16>, vector<320x1xf32> -> vector<320x1xf32>
    %dot_general3A_29 = arith.constant dense<0.000000e+00> : vector<320x1xf32>
    %dot_general3A_30 = tpu.matmul %get3A_3, %broadcast_in_dim3A_27, %dot_general3A_29 {dimension_numbers = #tpu.dot_dimension_numbers<[0], [0], [1], [1], [0, 1, 1, 1], [], []>, transpose_lhs_hint = false} : vector<320x320xbf16>, vector<320x1xbf16>, vector<320x1xf32> -> vector<320x1xf32>
    %max3A = arith.constant 1.000000e+00 : f32
    %max3A_31 = vector.broadcast %max3A : f32 to vector<320x1xf32>
    %max3A_32 = arith.maximumf %dot_general3A_30, %max3A_31 : vector<320x1xf32>
    %sqrt3A = math.sqrt %max3A_32 : vector<320x1xf32>
    %div3A = arith.constant 1.000000e+00 : f32
    %div3A_33 = vector.broadcast %div3A : f32 to vector<320x1xf32>
    %div3A_34 = arith.divf %div3A_33, %sqrt3A : vector<320x1xf32>
    %max3A_35 = arith.constant 1.000000e+00 : f32
    %max3A_36 = vector.broadcast %max3A_35 : f32 to vector<320x1xf32>
    %max3A_37 = arith.maximumf %dot_general3A_28, %max3A_36 : vector<320x1xf32>
    %sqrt3A_38 = math.sqrt %max3A_37 : vector<320x1xf32>
    %div3A_39 = arith.constant 1.000000e+00 : f32
    %div3A_40 = vector.broadcast %div3A_39 : f32 to vector<320x1xf32>
    %div3A_41 = arith.divf %div3A_40, %sqrt3A_38 : vector<320x1xf32>
    %mul3A = vector.broadcast %div3A_34 : vector<320x1xf32> to vector<320x512xf32>
    %mul3A_42 = arith.mulf %get3A_8, %mul3A : vector<320x512xf32>
    %convert_element_type3A = arith.truncf %mul3A_42 : vector<320x512xf32> to vector<320x512xbf16>
    %convert_element_type3A_43 = arith.extf %convert_element_type3A : vector<320x512xbf16> to vector<320x512xf32>
    %sub3A = arith.subf %mul3A_42, %convert_element_type3A_43 : vector<320x512xf32>
    %convert_element_type3A_44 = arith.truncf %sub3A : vector<320x512xf32> to vector<320x512xbf16>
    %convert_element_type3A_45 = arith.extf %convert_element_type3A_44 : vector<320x512xbf16> to vector<320x512xf32>
    %sub3A_46 = arith.subf %sub3A, %convert_element_type3A_45 : vector<320x512xf32>
    %convert_element_type3A_47 = arith.truncf %sub3A_46 : vector<320x512xf32> to vector<320x512xbf16>
    %dot_general3A_48 = arith.constant dense<0.000000e+00> : vector<320x512xf32>
    %dot_general3A_49 = tpu.matmul %get3A_3, %convert_element_type3A, %dot_general3A_48 {dimension_numbers = #tpu.dot_dimension_numbers<[1], [0], [0], [1], [0, 0, 1, 1], [], []>, transpose_lhs_hint = false} : vector<320x320xbf16>, vector<320x512xbf16>, vector<320x512xf32> -> vector<320x512xf32>
    %dot_general3A_50 = arith.constant dense<0.000000e+00> : vector<320x512xf32>
    %dot_general3A_51 = tpu.matmul %get3A_3, %convert_element_type3A_44, %dot_general3A_50 {dimension_numbers = #tpu.dot_dimension_numbers<[1], [0], [0], [1], [0, 0, 1, 1], [], []>, transpose_lhs_hint = false} : vector<320x320xbf16>, vector<320x512xbf16>, vector<320x512xf32> -> vector<320x512xf32>
    %add3A = arith.addf %dot_general3A_49, %dot_general3A_51 : vector<320x512xf32>
    %dot_general3A_52 = arith.constant dense<0.000000e+00> : vector<320x512xf32>
    %dot_general3A_53 = tpu.matmul %get3A_3, %convert_element_type3A_47, %dot_general3A_52 {dimension_numbers = #tpu.dot_dimension_numbers<[1], [0], [0], [1], [0, 0, 1, 1], [], []>, transpose_lhs_hint = false} : vector<320x320xbf16>, vector<320x512xbf16>, vector<320x512xf32> -> vector<320x512xf32>
    %add3A_54 = arith.addf %add3A, %dot_general3A_53 : vector<320x512xf32>
    %mul3A_55 = vector.broadcast %div3A_41 : vector<320x1xf32> to vector<320x512xf32>
    %mul3A_56 = arith.mulf %add3A_54, %mul3A_55 : vector<320x512xf32>
    %dot_general3A_57 = arith.constant dense<0.000000e+00> : vector<320x512xf32>
    %dot_general3A_58 = tpu.matmul %mul3A_56, %get3A_11, %dot_general3A_57 {dimension_numbers = #tpu.dot_dimension_numbers<[1], [0], [0], [1], [0, 0, 1, 1], [], []>, precision = #tpu.contract_precision<fp32>, transpose_lhs_hint = false} : vector<320x512xf32>, vector<512x512xf32>, vector<320x512xf32> -> vector<320x512xf32>
    %add3A_59 = vector.broadcast %get3A_14 : vector<1x512xf32> to vector<320x512xf32>
    %add3A_60 = arith.addf %dot_general3A_58, %add3A_59 : vector<320x512xf32>
    %max3A_61 = arith.constant 0.000000e+00 : f32
    %max3A_62 = vector.broadcast %max3A_61 : f32 to vector<320x512xf32>
    %max3A_63 = arith.maximumf %add3A_60, %max3A_62 : vector<320x512xf32>
    %mul3A_64 = vector.broadcast %div3A_34 : vector<320x1xf32> to vector<320x512xf32>
    %mul3A_65 = arith.mulf %max3A_63, %mul3A_64 : vector<320x512xf32>
    %convert_element_type3A_66 = arith.truncf %mul3A_65 : vector<320x512xf32> to vector<320x512xbf16>
    %convert_element_type3A_67 = arith.extf %convert_element_type3A_66 : vector<320x512xbf16> to vector<320x512xf32>
    %sub3A_68 = arith.subf %mul3A_65, %convert_element_type3A_67 : vector<320x512xf32>
    %convert_element_type3A_69 = arith.truncf %sub3A_68 : vector<320x512xf32> to vector<320x512xbf16>
    %convert_element_type3A_70 = arith.extf %convert_element_type3A_69 : vector<320x512xbf16> to vector<320x512xf32>
    %sub3A_71 = arith.subf %sub3A_68, %convert_element_type3A_70 : vector<320x512xf32>
    %convert_element_type3A_72 = arith.truncf %sub3A_71 : vector<320x512xf32> to vector<320x512xbf16>
    %dot_general3A_73 = arith.constant dense<0.000000e+00> : vector<320x512xf32>
    %dot_general3A_74 = tpu.matmul %get3A_3, %convert_element_type3A_66, %dot_general3A_73 {dimension_numbers = #tpu.dot_dimension_numbers<[1], [0], [0], [1], [0, 0, 1, 1], [], []>, transpose_lhs_hint = false} : vector<320x320xbf16>, vector<320x512xbf16>, vector<320x512xf32> -> vector<320x512xf32>
    %dot_general3A_75 = arith.constant dense<0.000000e+00> : vector<320x512xf32>
    %dot_general3A_76 = tpu.matmul %get3A_3, %convert_element_type3A_69, %dot_general3A_75 {dimension_numbers = #tpu.dot_dimension_numbers<[1], [0], [0], [1], [0, 0, 1, 1], [], []>, transpose_lhs_hint = false} : vector<320x320xbf16>, vector<320x512xbf16>, vector<320x512xf32> -> vector<320x512xf32>
    %add3A_77 = arith.addf %dot_general3A_74, %dot_general3A_76 : vector<320x512xf32>
    %dot_general3A_78 = arith.constant dense<0.000000e+00> : vector<320x512xf32>
    %dot_general3A_79 = tpu.matmul %get3A_3, %convert_element_type3A_72, %dot_general3A_78 {dimension_numbers = #tpu.dot_dimension_numbers<[1], [0], [0], [1], [0, 0, 1, 1], [], []>, transpose_lhs_hint = false} : vector<320x320xbf16>, vector<320x512xbf16>, vector<320x512xf32> -> vector<320x512xf32>
    %add3A_80 = arith.addf %add3A_77, %dot_general3A_79 : vector<320x512xf32>
    %mul3A_81 = vector.broadcast %div3A_41 : vector<320x1xf32> to vector<320x512xf32>
    %mul3A_82 = arith.mulf %add3A_80, %mul3A_81 : vector<320x512xf32>
    %dot_general3A_83 = arith.constant dense<0.000000e+00> : vector<320x512xf32>
    %dot_general3A_84 = tpu.matmul %mul3A_82, %get3A_17, %dot_general3A_83 {dimension_numbers = #tpu.dot_dimension_numbers<[1], [0], [0], [1], [0, 0, 1, 1], [], []>, precision = #tpu.contract_precision<fp32>, transpose_lhs_hint = false} : vector<320x512xf32>, vector<512x512xf32>, vector<320x512xf32> -> vector<320x512xf32>
    %add3A_85 = vector.broadcast %get3A_20 : vector<1x512xf32> to vector<320x512xf32>
    %add3A_86 = arith.addf %dot_general3A_84, %add3A_85 : vector<320x512xf32>
    %max3A_87 = arith.constant 0.000000e+00 : f32
    %max3A_88 = vector.broadcast %max3A_87 : f32 to vector<320x512xf32>
    %max3A_89 = arith.maximumf %add3A_86, %max3A_88 : vector<320x512xf32>
    %mul3A_90 = vector.broadcast %div3A_34 : vector<320x1xf32> to vector<320x512xf32>
    %mul3A_91 = arith.mulf %max3A_89, %mul3A_90 : vector<320x512xf32>
    %convert_element_type3A_92 = arith.truncf %mul3A_91 : vector<320x512xf32> to vector<320x512xbf16>
    %convert_element_type3A_93 = arith.extf %convert_element_type3A_92 : vector<320x512xbf16> to vector<320x512xf32>
    %sub3A_94 = arith.subf %mul3A_91, %convert_element_type3A_93 : vector<320x512xf32>
    %convert_element_type3A_95 = arith.truncf %sub3A_94 : vector<320x512xf32> to vector<320x512xbf16>
    %convert_element_type3A_96 = arith.extf %convert_element_type3A_95 : vector<320x512xbf16> to vector<320x512xf32>
    %sub3A_97 = arith.subf %sub3A_94, %convert_element_type3A_96 : vector<320x512xf32>
    %convert_element_type3A_98 = arith.truncf %sub3A_97 : vector<320x512xf32> to vector<320x512xbf16>
    %dot_general3A_99 = arith.constant dense<0.000000e+00> : vector<320x512xf32>
    %dot_general3A_100 = tpu.matmul %get3A_3, %convert_element_type3A_92, %dot_general3A_99 {dimension_numbers = #tpu.dot_dimension_numbers<[1], [0], [0], [1], [0, 0, 1, 1], [], []>, transpose_lhs_hint = false} : vector<320x320xbf16>, vector<320x512xbf16>, vector<320x512xf32> -> vector<320x512xf32>
    %dot_general3A_101 = arith.constant dense<0.000000e+00> : vector<320x512xf32>
    %dot_general3A_102 = tpu.matmul %get3A_3, %convert_element_type3A_95, %dot_general3A_101 {dimension_numbers = #tpu.dot_dimension_numbers<[1], [0], [0], [1], [0, 0, 1, 1], [], []>, transpose_lhs_hint = false} : vector<320x320xbf16>, vector<320x512xbf16>, vector<320x512xf32> -> vector<320x512xf32>
    %add3A_103 = arith.addf %dot_general3A_100, %dot_general3A_102 : vector<320x512xf32>
    %dot_general3A_104 = arith.constant dense<0.000000e+00> : vector<320x512xf32>
    %dot_general3A_105 = tpu.matmul %get3A_3, %convert_element_type3A_98, %dot_general3A_104 {dimension_numbers = #tpu.dot_dimension_numbers<[1], [0], [0], [1], [0, 0, 1, 1], [], []>, transpose_lhs_hint = false} : vector<320x320xbf16>, vector<320x512xbf16>, vector<320x512xf32> -> vector<320x512xf32>
    %add3A_106 = arith.addf %add3A_103, %dot_general3A_105 : vector<320x512xf32>
    %mul3A_107 = vector.broadcast %div3A_41 : vector<320x1xf32> to vector<320x512xf32>
    %mul3A_108 = arith.mulf %add3A_106, %mul3A_107 : vector<320x512xf32>
    %dot_general3A_109 = arith.constant dense<0.000000e+00> : vector<320x512xf32>
    %dot_general3A_110 = tpu.matmul %mul3A_108, %get3A_17, %dot_general3A_109 {dimension_numbers = #tpu.dot_dimension_numbers<[1], [0], [0], [1], [0, 0, 1, 1], [], []>, precision = #tpu.contract_precision<fp32>, transpose_lhs_hint = false} : vector<320x512xf32>, vector<512x512xf32>, vector<320x512xf32> -> vector<320x512xf32>
    %add3A_111 = vector.broadcast %get3A_20 : vector<1x512xf32> to vector<320x512xf32>
    %add3A_112 = arith.addf %dot_general3A_110, %add3A_111 : vector<320x512xf32>
    %max3A_113 = arith.constant 0.000000e+00 : f32
    %max3A_114 = vector.broadcast %max3A_113 : f32 to vector<320x512xf32>
    %max3A_115 = arith.maximumf %add3A_112, %max3A_114 : vector<320x512xf32>
    %broadcast_in_dim3A_116 = arith.constant 1.000000e+00 : bf16
    %broadcast_in_dim3A_117 = vector.broadcast %broadcast_in_dim3A_116 : bf16 to vector<320x1xbf16>
    %dot_general3A_118 = arith.constant dense<0.000000e+00> : vector<320x1xf32>
    %dot_general3A_119 = tpu.matmul %get3A_3, %broadcast_in_dim3A_117, %dot_general3A_118 {dimension_numbers = #tpu.dot_dimension_numbers<[1], [0], [0], [1], [0, 0, 1, 1], [], []>, transpose_lhs_hint = false} : vector<320x320xbf16>, vector<320x1xbf16>, vector<320x1xf32> -> vector<320x1xf32>
    %dot_general3A_120 = arith.constant dense<0.000000e+00> : vector<320x1xf32>
    %dot_general3A_121 = tpu.matmul %get3A_3, %broadcast_in_dim3A_117, %dot_general3A_120 {dimension_numbers = #tpu.dot_dimension_numbers<[0], [0], [1], [1], [0, 1, 1, 1], [], []>, transpose_lhs_hint = false} : vector<320x320xbf16>, vector<320x1xbf16>, vector<320x1xf32> -> vector<320x1xf32>
    %max3A_122 = arith.constant 1.000000e+00 : f32
    %max3A_123 = vector.broadcast %max3A_122 : f32 to vector<320x1xf32>
    %max3A_124 = arith.maximumf %dot_general3A_121, %max3A_123 : vector<320x1xf32>
    %sqrt3A_125 = math.sqrt %max3A_124 : vector<320x1xf32>
    %div3A_126 = arith.constant 1.000000e+00 : f32
    %div3A_127 = vector.broadcast %div3A_126 : f32 to vector<320x1xf32>
    %div3A_128 = arith.divf %div3A_127, %sqrt3A_125 : vector<320x1xf32>
    %max3A_129 = arith.constant 1.000000e+00 : f32
    %max3A_130 = vector.broadcast %max3A_129 : f32 to vector<320x1xf32>
    %max3A_131 = arith.maximumf %dot_general3A_119, %max3A_130 : vector<320x1xf32>
    %sqrt3A_132 = math.sqrt %max3A_131 : vector<320x1xf32>
    %div3A_133 = arith.constant 1.000000e+00 : f32
    %div3A_134 = vector.broadcast %div3A_133 : f32 to vector<320x1xf32>
    %div3A_135 = arith.divf %div3A_134, %sqrt3A_132 : vector<320x1xf32>
    %mul3A_136 = vector.broadcast %div3A_128 : vector<320x1xf32> to vector<320x512xf32>
    %mul3A_137 = arith.mulf %max3A_115, %mul3A_136 : vector<320x512xf32>
    %dot_general3A_138 = arith.constant dense<0.000000e+00> : vector<320x1xf32>
    %dot_general3A_139 = tpu.matmul %mul3A_137, %get3A_23, %dot_general3A_138 {dimension_numbers = #tpu.dot_dimension_numbers<[1], [0], [0], [1], [0, 0, 1, 1], [], []>, precision = #tpu.contract_precision<fp32>, transpose_lhs_hint = false} : vector<320x512xf32>, vector<512x1xf32>, vector<320x1xf32> -> vector<320x1xf32>
    %convert_element_type3A_140 = arith.truncf %dot_general3A_139 : vector<320x1xf32> to vector<320x1xbf16>
    %convert_element_type3A_141 = arith.extf %convert_element_type3A_140 : vector<320x1xbf16> to vector<320x1xf32>
    %sub3A_142 = arith.subf %dot_general3A_139, %convert_element_type3A_141 : vector<320x1xf32>
    %convert_element_type3A_143 = arith.truncf %sub3A_142 : vector<320x1xf32> to vector<320x1xbf16>
    %convert_element_type3A_144 = arith.extf %convert_element_type3A_143 : vector<320x1xbf16> to vector<320x1xf32>
    %sub3A_145 = arith.subf %sub3A_142, %convert_element_type3A_144 : vector<320x1xf32>
    %convert_element_type3A_146 = arith.truncf %sub3A_145 : vector<320x1xf32> to vector<320x1xbf16>
    %dot_general3A_147 = arith.constant dense<0.000000e+00> : vector<320x1xf32>
    %dot_general3A_148 = tpu.matmul %get3A_3, %convert_element_type3A_140, %dot_general3A_147 {dimension_numbers = #tpu.dot_dimension_numbers<[1], [0], [0], [1], [0, 0, 1, 1], [], []>, transpose_lhs_hint = false} : vector<320x320xbf16>, vector<320x1xbf16>, vector<320x1xf32> -> vector<320x1xf32>
    %dot_general3A_149 = arith.constant dense<0.000000e+00> : vector<320x1xf32>
    %dot_general3A_150 = tpu.matmul %get3A_3, %convert_element_type3A_143, %dot_general3A_149 {dimension_numbers = #tpu.dot_dimension_numbers<[1], [0], [0], [1], [0, 0, 1, 1], [], []>, transpose_lhs_hint = false} : vector<320x320xbf16>, vector<320x1xbf16>, vector<320x1xf32> -> vector<320x1xf32>
    %add3A_151 = arith.addf %dot_general3A_148, %dot_general3A_150 : vector<320x1xf32>
    %dot_general3A_152 = arith.constant dense<0.000000e+00> : vector<320x1xf32>
    %dot_general3A_153 = tpu.matmul %get3A_3, %convert_element_type3A_146, %dot_general3A_152 {dimension_numbers = #tpu.dot_dimension_numbers<[1], [0], [0], [1], [0, 0, 1, 1], [], []>, transpose_lhs_hint = false} : vector<320x320xbf16>, vector<320x1xbf16>, vector<320x1xf32> -> vector<320x1xf32>
    %add3A_154 = arith.addf %add3A_151, %dot_general3A_153 : vector<320x1xf32>
    %mul3A_155 = arith.mulf %add3A_154, %div3A_135 : vector<320x1xf32>
    %add3A_156 = vector.broadcast %get3A_26 : vector<1x1xf32> to vector<320x1xf32>
    %add3A_157 = arith.addf %mul3A_155, %add3A_156 : vector<320x1xf32>
    %iota3A = tpu.iota {dimensions = array<i32: 0>} : vector<320x1xi32>
    %lt3A = arith.constant 313 : i32
    %lt3A_158 = vector.broadcast %lt3A : i32 to vector<320x1xi32>
    %lt3A_159 = arith.cmpi slt, %iota3A, %lt3A_158 : vector<320x1xi32>
    %jit3A = arith.constant 0xFF800000 : f32
    %broadcast_in_dim3A_160 = vector.broadcast %jit3A : f32 to vector<320x1xf32>
    %select_n3A = arith.select %lt3A_159, %add3A_157, %broadcast_in_dim3A_160 : vector<320x1xi1>, vector<320x1xf32>
    %bitcast_convert_type3A = tpu.bitcast %select_n3A : vector<320x1xf32> -> vector<320x1xi32>
    %ge3A = arith.constant 0 : i32
    %ge3A_161 = vector.broadcast %ge3A : i32 to vector<320x1xi32>
    %ge3A_162 = arith.cmpi sge, %bitcast_convert_type3A, %ge3A_161 : vector<320x1xi32>
    %xor3A = arith.constant 2147483647 : i32
    %xor3A_163 = vector.broadcast %xor3A : i32 to vector<320x1xi32>
    %xor3A_164 = arith.xori %bitcast_convert_type3A, %xor3A_163 : vector<320x1xi32>
    %select_n3A_165 = arith.select %ge3A_162, %bitcast_convert_type3A, %xor3A_164 : vector<320x1xi1>, vector<320x1xi32>
    %xor3A_166 = arith.constant -2147483648 : i32
    %xor3A_167 = vector.broadcast %xor3A_166 : i32 to vector<320x1xi32>
    %xor3A_168 = arith.xori %select_n3A_165, %xor3A_167 : vector<320x1xi32>
    %bitcast_convert_type3A_169 = tpu.bitcast %xor3A_168 : vector<320x1xi32> -> vector<320x1xi32>
    %scan3A = arith.constant 0 : i32
    %scan3A_170 = arith.constant 0 : i32
    %scan3A_171 = arith.constant 32 : i32
    %scan3A_172 = arith.addi %scan3A_170, %scan3A_171 : i32
    %scan3A_173 = arith.constant 1 : i32
    %scan3A_174 = scf.for %scan3A_300 = %scan3A_170 to %scan3A_172 step %scan3A_173 iter_args(%scan3A_301 = %scan3A) -> (i32)  : i32 {
      %sub3A_302 = arith.constant 31 : i32
      %sub3A_303 = arith.subi %sub3A_302, %scan3A_300 : i32
      %shift_left3A = arith.constant 1 : i32
      %shift_left3A_304 = arith.shli %shift_left3A, %sub3A_303 : i32
      %or3A_305 = arith.ori %scan3A_301, %shift_left3A_304 : i32
      %ge3A_306 = vector.broadcast %or3A_305 : i32 to vector<320x1xi32>
      %ge3A_307 = arith.cmpi uge, %bitcast_convert_type3A_169, %ge3A_306 : vector<320x1xi32>
      %convert_element_type3A_308 = arith.extui %ge3A_307 : vector<320x1xi1> to vector<320x1xi32>
      %reduce_sum3A_309 = vector.shape_cast %convert_element_type3A_308 : vector<320x1xi32> to vector<1x320x1xi32>
      %reduce_sum3A_310 = arith.constant dense<0> : vector<1xi32>
      %reduce_sum3A_311 = vector.multi_reduction <add>, %reduce_sum3A_309, %reduce_sum3A_310 [1, 2] : vector<1x320x1xi32> to vector<1xi32>
      %reduce_sum3A_312 = vector.shape_cast %reduce_sum3A_311 : vector<1xi32> to vector<1x1x1xi32>
      %reduce_sum3A_313 = vector.extract %reduce_sum3A_312[0, 0, 0] : i32 from vector<1x1x1xi32>
      %ge3A_314 = arith.constant 157 : i32
      %ge3A_315 = arith.cmpi sge, %reduce_sum3A_313, %ge3A_314 : i32
      %select_n3A_316 = arith.select %ge3A_315, %or3A_305, %scan3A_301 : i32
      scf.yield %select_n3A_316 : i32
    }
    %scan3A_175 = arith.constant 32 : i32
    %gt3A = vector.broadcast %scan3A_174 : i32 to vector<320x1xi32>
    %gt3A_176 = arith.cmpi ugt, %bitcast_convert_type3A_169, %gt3A : vector<320x1xi32>
    %eq3A = vector.broadcast %scan3A_174 : i32 to vector<320x1xi32>
    %eq3A_177 = arith.cmpi eq, %bitcast_convert_type3A_169, %eq3A : vector<320x1xi32>
    %convert_element_type3A_178 = arith.extui %gt3A_176 : vector<320x1xi1> to vector<320x1xi32>
    %reduce_sum3A = vector.shape_cast %convert_element_type3A_178 : vector<320x1xi32> to vector<1x320x1xi32>
    %reduce_sum3A_179 = arith.constant dense<0> : vector<1xi32>
    %reduce_sum3A_180 = vector.multi_reduction <add>, %reduce_sum3A, %reduce_sum3A_179 [1, 2] : vector<1x320x1xi32> to vector<1xi32>
    %reduce_sum3A_181 = vector.shape_cast %reduce_sum3A_180 : vector<1xi32> to vector<1x1x1xi32>
    %reduce_sum3A_182 = vector.extract %reduce_sum3A_181[0, 0, 0] : i32 from vector<1x1x1xi32>
    %sub3A_183 = arith.constant 157 : i32
    %sub3A_184 = arith.subi %sub3A_183, %reduce_sum3A_182 : i32
    %convert_element_type3A_185 = arith.sitofp %sub3A_184 : i32 to f32
    %convert_element_type3A_186 = arith.extui %eq3A_177 : vector<320x1xi1> to vector<320x1xi32>
    %convert_element_type3A_187 = arith.sitofp %convert_element_type3A_186 : vector<320x1xi32> to vector<320x1xf32>
    %convert_element_type3A_188 = arith.extui %gt3A_176 : vector<320x1xi1> to vector<320x1xi32>
    %convert_element_type3A_189 = arith.sitofp %convert_element_type3A_188 : vector<320x1xi32> to vector<320x1xf32>
    %concatenate3A = tpu.concatenate %convert_element_type3A_187, %convert_element_type3A_189 in 1 : vector<320x1xf32>, vector<320x1xf32> -> vector<320x2xf32>
    %broadcast_in_dim3A_190 = arith.constant 0.000000e+00 : f32
    %broadcast_in_dim3A_191 = vector.broadcast %broadcast_in_dim3A_190 : f32 to vector<1x2xf32>
    %slice3A = vector.extract_strided_slice %concatenate3A {offsets = [0, 0], sizes = [319, 2], strides = [1, 1]} : vector<320x2xf32> to vector<319x2xf32>
    %concatenate3A_192 = tpu.concatenate %broadcast_in_dim3A_191, %slice3A in 0 : vector<1x2xf32>, vector<319x2xf32> -> vector<320x2xf32>
    %add3A_193 = arith.addf %concatenate3A, %concatenate3A_192 : vector<320x2xf32>
    %broadcast_in_dim3A_194 = arith.constant 0.000000e+00 : f32
    %broadcast_in_dim3A_195 = vector.broadcast %broadcast_in_dim3A_194 : f32 to vector<2x2xf32>
    %slice3A_196 = vector.extract_strided_slice %add3A_193 {offsets = [0, 0], sizes = [318, 2], strides = [1, 1]} : vector<320x2xf32> to vector<318x2xf32>
    %concatenate3A_197 = tpu.concatenate %broadcast_in_dim3A_195, %slice3A_196 in 0 : vector<2x2xf32>, vector<318x2xf32> -> vector<320x2xf32>
    %add3A_198 = arith.addf %add3A_193, %concatenate3A_197 : vector<320x2xf32>
    %broadcast_in_dim3A_199 = arith.constant 0.000000e+00 : f32
    %broadcast_in_dim3A_200 = vector.broadcast %broadcast_in_dim3A_199 : f32 to vector<4x2xf32>
    %slice3A_201 = vector.extract_strided_slice %add3A_198 {offsets = [0, 0], sizes = [316, 2], strides = [1, 1]} : vector<320x2xf32> to vector<316x2xf32>
    %concatenate3A_202 = tpu.concatenate %broadcast_in_dim3A_200, %slice3A_201 in 0 : vector<4x2xf32>, vector<316x2xf32> -> vector<320x2xf32>
    %add3A_203 = arith.addf %add3A_198, %concatenate3A_202 : vector<320x2xf32>
    %broadcast_in_dim3A_204 = arith.constant 0.000000e+00 : f32
    %broadcast_in_dim3A_205 = vector.broadcast %broadcast_in_dim3A_204 : f32 to vector<8x2xf32>
    %slice3A_206 = vector.extract_strided_slice %add3A_203 {offsets = [0, 0], sizes = [312, 2], strides = [1, 1]} : vector<320x2xf32> to vector<312x2xf32>
    %concatenate3A_207 = tpu.concatenate %broadcast_in_dim3A_205, %slice3A_206 in 0 : vector<8x2xf32>, vector<312x2xf32> -> vector<320x2xf32>
    %add3A_208 = arith.addf %add3A_203, %concatenate3A_207 : vector<320x2xf32>
    %broadcast_in_dim3A_209 = arith.constant 0.000000e+00 : f32
    %broadcast_in_dim3A_210 = vector.broadcast %broadcast_in_dim3A_209 : f32 to vector<16x2xf32>
    %slice3A_211 = vector.extract_strided_slice %add3A_208 {offsets = [0, 0], sizes = [304, 2], strides = [1, 1]} : vector<320x2xf32> to vector<304x2xf32>
    %concatenate3A_212 = tpu.concatenate %broadcast_in_dim3A_210, %slice3A_211 in 0 : vector<16x2xf32>, vector<304x2xf32> -> vector<320x2xf32>
    %add3A_213 = arith.addf %add3A_208, %concatenate3A_212 : vector<320x2xf32>
    %broadcast_in_dim3A_214 = arith.constant 0.000000e+00 : f32
    %broadcast_in_dim3A_215 = vector.broadcast %broadcast_in_dim3A_214 : f32 to vector<32x2xf32>
    %slice3A_216 = vector.extract_strided_slice %add3A_213 {offsets = [0, 0], sizes = [288, 2], strides = [1, 1]} : vector<320x2xf32> to vector<288x2xf32>
    %concatenate3A_217 = tpu.concatenate %broadcast_in_dim3A_215, %slice3A_216 in 0 : vector<32x2xf32>, vector<288x2xf32> -> vector<320x2xf32>
    %add3A_218 = arith.addf %add3A_213, %concatenate3A_217 : vector<320x2xf32>
    %broadcast_in_dim3A_219 = arith.constant 0.000000e+00 : f32
    %broadcast_in_dim3A_220 = vector.broadcast %broadcast_in_dim3A_219 : f32 to vector<64x2xf32>
    %slice3A_221 = vector.extract_strided_slice %add3A_218 {offsets = [0, 0], sizes = [256, 2], strides = [1, 1]} : vector<320x2xf32> to vector<256x2xf32>
    %concatenate3A_222 = tpu.concatenate %broadcast_in_dim3A_220, %slice3A_221 in 0 : vector<64x2xf32>, vector<256x2xf32> -> vector<320x2xf32>
    %add3A_223 = arith.addf %add3A_218, %concatenate3A_222 : vector<320x2xf32>
    %broadcast_in_dim3A_224 = arith.constant 0.000000e+00 : f32
    %broadcast_in_dim3A_225 = vector.broadcast %broadcast_in_dim3A_224 : f32 to vector<128x2xf32>
    %slice3A_226 = vector.extract_strided_slice %add3A_223 {offsets = [0, 0], sizes = [192, 2], strides = [1, 1]} : vector<320x2xf32> to vector<192x2xf32>
    %concatenate3A_227 = tpu.concatenate %broadcast_in_dim3A_225, %slice3A_226 in 0 : vector<128x2xf32>, vector<192x2xf32> -> vector<320x2xf32>
    %add3A_228 = arith.addf %add3A_223, %concatenate3A_227 : vector<320x2xf32>
    %broadcast_in_dim3A_229 = arith.constant 0.000000e+00 : f32
    %broadcast_in_dim3A_230 = vector.broadcast %broadcast_in_dim3A_229 : f32 to vector<256x2xf32>
    %slice3A_231 = vector.extract_strided_slice %add3A_228 {offsets = [0, 0], sizes = [64, 2], strides = [1, 1]} : vector<320x2xf32> to vector<64x2xf32>
    %concatenate3A_232 = tpu.concatenate %broadcast_in_dim3A_230, %slice3A_231 in 0 : vector<256x2xf32>, vector<64x2xf32> -> vector<320x2xf32>
    %add3A_233 = arith.addf %add3A_228, %concatenate3A_232 : vector<320x2xf32>
    %slice3A_234 = vector.extract_strided_slice %add3A_233 {offsets = [0, 0], sizes = [320, 1], strides = [1, 1]} : vector<320x2xf32> to vector<320x1xf32>
    %convert_element_type3A_235 = arith.extui %eq3A_177 : vector<320x1xi1> to vector<320x1xi32>
    %convert_element_type3A_236 = arith.sitofp %convert_element_type3A_235 : vector<320x1xi32> to vector<320x1xf32>
    %sub3A_237 = arith.subf %slice3A_234, %convert_element_type3A_236 : vector<320x1xf32>
    %lt3A_238 = vector.broadcast %convert_element_type3A_185 : f32 to vector<320x1xf32>
    %lt3A_239 = arith.cmpf olt, %sub3A_237, %lt3A_238 : vector<320x1xf32>
    %and3A = arith.andi %eq3A_177, %lt3A_239 : vector<320x1xi1>
    %or3A = arith.ori %gt3A_176, %and3A : vector<320x1xi1>
    %tanh3A = math.tanh %select_n3A : vector<320x1xf32>
    %mul3A_240 = vector.broadcast %tanh3A : vector<320x1xf32> to vector<320x512xf32>
    %mul3A_241 = arith.mulf %max3A_115, %mul3A_240 : vector<320x512xf32>
    %jit3A_242 = arith.constant 0xFF800000 : f32
    %broadcast_in_dim3A_243 = vector.shape_cast %or3A : vector<320x1xi1> to vector<320x1xi1>
    %broadcast_in_dim3A_244 = vector.broadcast %broadcast_in_dim3A_243 : vector<320x1xi1> to vector<320x512xi1>
    %broadcast_in_dim3A_245 = vector.broadcast %jit3A_242 : f32 to vector<320x512xf32>
    %select_n3A_246 = arith.select %broadcast_in_dim3A_244, %mul3A_241, %broadcast_in_dim3A_245 : vector<320x512xi1>, vector<320x512xf32>
    %reduce_max3A = arith.constant dense<0xFF800000> : vector<512xf32>
    %reduce_max3A_247 = vector.multi_reduction <maximumf>, %select_n3A_246, %reduce_max3A [0] : vector<320x512xf32> to vector<512xf32>
    %broadcast_in_dim3A_248 = vector.shape_cast %reduce_max3A_247 : vector<512xf32> to vector<1x512xf32>
    %get3A_249 = arith.constant 0 : index
    %get3A_250 = arith.constant 0 : index
    %get3A_251 = arith.constant 0 : index
    %get3A_252 = vector.load %arg9[%get3A_249, %get3A_250, %get3A_251] : memref<1x1x512xf32, #tpu.memory_space<vmem>>, vector<1x1x512xf32>
    %get3A_253 = vector.shape_cast %get3A_252 : vector<1x1x512xf32> to vector<1x512xf32>
    %get3A_254 = arith.constant 0 : index
    %get3A_255 = arith.constant 0 : index
    %get3A_256 = arith.constant 0 : index
    %get3A_257 = vector.load %arg10[%get3A_254, %get3A_255, %get3A_256] : memref<1x1x512xf32, #tpu.memory_space<vmem>>, vector<1x1x512xf32>
    %get3A_258 = vector.shape_cast %get3A_257 : vector<1x1x512xf32> to vector<1x512xf32>
    %add3A_259 = arith.addf %get3A_253, %get3A_258 : vector<1x512xf32>
    %add3A_260 = arith.addf %add3A_259, %broadcast_in_dim3A_248 : vector<1x512xf32>
    %concatenate3A_261 = tpu.concatenate %add3A_260, %add3A_260 in 1 : vector<1x512xf32>, vector<1x512xf32> -> vector<1x1024xf32>
    %get3A_262 = arith.constant 0 : index
    %get3A_263 = arith.constant 0 : index
    %get3A_264 = vector.load %arg11[%get3A_262, %get3A_263] : memref<1024x512xf32, #tpu.memory_space<vmem>>, vector<1024x512xf32>
    %dot_general3A_265 = arith.constant dense<0.000000e+00> : vector<1x512xf32>
    %dot_general3A_266 = tpu.matmul %concatenate3A_261, %get3A_264, %dot_general3A_265 {dimension_numbers = #tpu.dot_dimension_numbers<[1], [0], [0], [1], [0, 0, 1, 1], [], []>, precision = #tpu.contract_precision<fp32>, transpose_lhs_hint = false} : vector<1x1024xf32>, vector<1024x512xf32>, vector<1x512xf32> -> vector<1x512xf32>
    %get3A_267 = arith.constant 0 : index
    %get3A_268 = arith.constant 0 : index
    %get3A_269 = vector.load %arg12[%get3A_267, %get3A_268] : memref<1x512xf32, #tpu.memory_space<vmem>>, vector<1x512xf32>
    %add3A_270 = arith.addf %dot_general3A_266, %get3A_269 : vector<1x512xf32>
    %max3A_271 = arith.constant 0.000000e+00 : f32
    %max3A_272 = vector.broadcast %max3A_271 : f32 to vector<1x512xf32>
    %max3A_273 = arith.maximumf %add3A_270, %max3A_272 : vector<1x512xf32>
    %get3A_274 = arith.constant 0 : index
    %get3A_275 = arith.constant 0 : index
    %get3A_276 = vector.load %arg13[%get3A_274, %get3A_275] : memref<512x512xf32, #tpu.memory_space<vmem>>, vector<512x512xf32>
    %dot_general3A_277 = arith.constant dense<0.000000e+00> : vector<1x512xf32>
    %dot_general3A_278 = tpu.matmul %max3A_273, %get3A_276, %dot_general3A_277 {dimension_numbers = #tpu.dot_dimension_numbers<[1], [0], [0], [1], [0, 0, 1, 1], [], []>, precision = #tpu.contract_precision<fp32>, transpose_lhs_hint = false} : vector<1x512xf32>, vector<512x512xf32>, vector<1x512xf32> -> vector<1x512xf32>
    %get3A_279 = arith.constant 0 : index
    %get3A_280 = arith.constant 0 : index
    %get3A_281 = vector.load %arg14[%get3A_279, %get3A_280] : memref<1x512xf32, #tpu.memory_space<vmem>>, vector<1x512xf32>
    %add3A_282 = arith.addf %dot_general3A_278, %get3A_281 : vector<1x512xf32>
    %max3A_283 = arith.constant 0.000000e+00 : f32
    %max3A_284 = vector.broadcast %max3A_283 : f32 to vector<1x512xf32>
    %max3A_285 = arith.maximumf %add3A_282, %max3A_284 : vector<1x512xf32>
    %get3A_286 = arith.constant 0 : index
    %get3A_287 = arith.constant 0 : index
    %get3A_288 = vector.load %arg15[%get3A_286, %get3A_287] : memref<512x40xf32, #tpu.memory_space<vmem>>, vector<512x40xf32>
    %dot_general3A_289 = arith.constant dense<0.000000e+00> : vector<1x40xf32>
    %dot_general3A_290 = tpu.matmul %max3A_285, %get3A_288, %dot_general3A_289 {dimension_numbers = #tpu.dot_dimension_numbers<[1], [0], [0], [1], [0, 0, 1, 1], [], []>, precision = #tpu.contract_precision<fp32>, transpose_lhs_hint = false} : vector<1x512xf32>, vector<512x40xf32>, vector<1x40xf32> -> vector<1x40xf32>
    %get3A_291 = arith.constant 0 : index
    %get3A_292 = arith.constant 0 : index
    %get3A_293 = vector.load %arg16[%get3A_291, %get3A_292] : memref<1x40xf32, #tpu.memory_space<vmem>>, vector<1x40xf32>
    %add3A_294 = arith.addf %dot_general3A_290, %get3A_293 : vector<1x40xf32>
    %swap3A = arith.constant 0 : index
    %swap3A_295 = arith.constant 0 : index
    %swap3A_296 = arith.constant 0 : index
    %swap3A_297 = vector.load %arg17[%swap3A, %swap3A_295, %swap3A_296] : memref<1x1x40xf32, #tpu.memory_space<vmem>>, vector<1x1x40xf32>
    %swap3A_298 = vector.shape_cast %swap3A_297 : vector<1x1x40xf32> to vector<1x40xf32>
    %swap3A_299 = vector.shape_cast %add3A_294 : vector<1x40xf32> to vector<1x1x40xf32>
    tpu.vector_store %arg17[%swap3A, %swap3A_295, %swap3A_296], %swap3A_299 {strides = array<i32>} : memref<1x1x40xf32, #tpu.memory_space<vmem>>, vector<1x1x40xf32>,
    return
  }
  func.func @transform_0(%arg0: i32) -> (i32, i32, i32) {
    %c0_i32 = arith.constant 0 : i32
    %c0_i32_0 = arith.constant 0 : i32
    %c0_i32_1 = arith.constant 0 : i32
    return %arg0, %c0_i32, %c0_i32_0 : i32, i32, i32
  }
  func.func @transform_1(%arg0: i32) -> (i32, i32, i32) {
    %c0_i32 = arith.constant 0 : i32
    %c0_i32_0 = arith.constant 0 : i32
    %c0_i32_1 = arith.constant 0 : i32
    return %arg0, %c0_i32, %c0_i32_0 : i32, i32, i32
  }
  func.func @transform_2(%arg0: i32) -> (i32, i32) {
    %c0_i32 = arith.constant 0 : i32
    %c0_i32_0 = arith.constant 0 : i32
    %c0_i32_1 = arith.constant 0 : i32
    return %c0_i32, %c0_i32_0 : i32, i32
  }
  func.func @transform_3(%arg0: i32) -> (i32, i32) {
    %c0_i32 = arith.constant 0 : i32
    %c0_i32_0 = arith.constant 0 : i32
    %c0_i32_1 = arith.constant 0 : i32
    return %c0_i32, %c0_i32_0 : i32, i32
  }
  func.func @transform_4(%arg0: i32) -> (i32, i32) {
    %c0_i32 = arith.constant 0 : i32
    %c0_i32_0 = arith.constant 0 : i32
    %c0_i32_1 = arith.constant 0 : i32
    return %c0_i32, %c0_i32_0 : i32, i32
  }
  func.func @transform_5(%arg0: i32) -> (i32, i32) {
    %c0_i32 = arith.constant 0 : i32
    %c0_i32_0 = arith.constant 0 : i32
    %c0_i32_1 = arith.constant 0 : i32
    return %c0_i32, %c0_i32_0 : i32, i32
  }
  func.func @transform_6(%arg0: i32) -> (i32, i32) {
    %c0_i32 = arith.constant 0 : i32
    %c0_i32_0 = arith.constant 0 : i32
    %c0_i32_1 = arith.constant 0 : i32
    return %c0_i32, %c0_i32_0 : i32, i32
  }
  func.func @transform_7(%arg0: i32) -> (i32, i32) {
    %c0_i32 = arith.constant 0 : i32
    %c0_i32_0 = arith.constant 0 : i32
    %c0_i32_1 = arith.constant 0 : i32
    return %c0_i32, %c0_i32_0 : i32, i32
  }
  func.func @transform_8(%arg0: i32) -> (i32, i32, i32) {
    %c0_i32 = arith.constant 0 : i32
    %c0_i32_0 = arith.constant 0 : i32
    %c0_i32_1 = arith.constant 0 : i32
    return %arg0, %c0_i32, %c0_i32_0 : i32, i32, i32
  }
  func.func @transform_9(%arg0: i32) -> (i32, i32, i32) {
    %c0_i32 = arith.constant 0 : i32
    %c0_i32_0 = arith.constant 0 : i32
    %c0_i32_1 = arith.constant 0 : i32
    return %arg0, %c0_i32, %c0_i32_0 : i32, i32, i32
  }
  func.func @transform_10(%arg0: i32) -> (i32, i32) {
    %c0_i32 = arith.constant 0 : i32
    %c0_i32_0 = arith.constant 0 : i32
    %c0_i32_1 = arith.constant 0 : i32
    return %c0_i32, %c0_i32_0 : i32, i32
  }
  func.func @transform_11(%arg0: i32) -> (i32, i32) {
    %c0_i32 = arith.constant 0 : i32
    %c0_i32_0 = arith.constant 0 : i32
    %c0_i32_1 = arith.constant 0 : i32
    return %c0_i32, %c0_i32_0 : i32, i32
  }
  func.func @transform_12(%arg0: i32) -> (i32, i32) {
    %c0_i32 = arith.constant 0 : i32
    %c0_i32_0 = arith.constant 0 : i32
    %c0_i32_1 = arith.constant 0 : i32
    return %c0_i32, %c0_i32_0 : i32, i32
  }
  func.func @transform_13(%arg0: i32) -> (i32, i32) {
    %c0_i32 = arith.constant 0 : i32
    %c0_i32_0 = arith.constant 0 : i32
    %c0_i32_1 = arith.constant 0 : i32
    return %c0_i32, %c0_i32_0 : i32, i32
  }
  func.func @transform_14(%arg0: i32) -> (i32, i32) {
    %c0_i32 = arith.constant 0 : i32
    %c0_i32_0 = arith.constant 0 : i32
    %c0_i32_1 = arith.constant 0 : i32
    return %c0_i32, %c0_i32_0 : i32, i32
  }
  func.func @transform_15(%arg0: i32) -> (i32, i32) {
    %c0_i32 = arith.constant 0 : i32
    %c0_i32_0 = arith.constant 0 : i32
    %c0_i32_1 = arith.constant 0 : i32
    return %c0_i32, %c0_i32_0 : i32, i32
  }
  func.func @transform_16(%arg0: i32) -> (i32, i32, i32) {
    %c0_i32 = arith.constant 0 : i32
    %c0_i32_0 = arith.constant 0 : i32
    %c0_i32_1 = arith.constant 0 : i32
    return %arg0, %c0_i32, %c0_i32_0 : i32, i32, i32
  }
}

</mosaic_0001>

<sc_bundles>
// kernel: kernel.14.cloned.1.call-start
scs
__scs_entry_jumppad:
0x0: {  	(pc) =	sbr.rel $0x88, $3  }
0x1: {  	(tag) =	ssettag $0x0;
	lr =	simm.s32 $0x1  }
0x2: {  	[smem:$0x3F81] =	sst lr;
	_ =	strace $0xD0000000  }
0x3: {  	_ = 	snop  }
0x4: {  	_ = 	snop  }
0x5: {  	_ = 	snop  }
0x6: {  	_ = 	snop  }
0x7: {  	_ = 	snop  }
__scs_overlays_trampoline_lowered:
0x8: {  	[smem:$0x3F90] =	sst s0  }
0x9: {  	[smem:$0x3F91] =	sst s1  }
0xa: {  	[smem:$0x3F92] =	sst s2  }
0xb: {  	[smem:$0x3F93] =	sst s3  }
0xc: {  	[smem:$0x3F94] =	sst s4  }
0xd: {  	[smem:$0x3F95] =	sst s5  }
0xe: {  	[smem:$0x3F96] =	sst s6  }
0xf: {  	[smem:$0x3F97] =	sst s7  }
0x10: {  	[smem:$0x3F98] =	sst s8  }
0x11: {  	[smem:$0x3F99] =	sst s9;
	s0 =	simm.s32 @!p0 $0x0  }
0x12: {  	s1 =	sld [smem:$0x3F7F];
	s0 =	simm.s32 @p0 $0x1  }
0x13: {  	[smem:$0x3F9A] =	sst s0;
	s0 =	simm.s32 @!p1 $0x0  }
0x14: {  	s2 =	sld [smem:$0x3F7E];
	s0 =	simm.s32 @p1 $0x1  }
0x15: {  	[smem:$0x3F9B] =	sst s0;
	s0 =	simm.s32 @!p2 $0x0  }
0x16: {  	s3 =	sld [smem:$0x3FDB];
	s0 =	simm.s32 @p2 $0x1  }
0x17: {  	s4 =	simm.s32 $0x1BF5;
	[smem:$0x3F9D] =	sst s0  }
0x18: {  	s0 =	sld [smem:$0x3F80];
	_ =	swait.ge [sflag:s4], $0x0  }
0x19: {  	s7 =	sld [smem:$0x3F81]  }
0x1a: {  	s8 =	sadd.s32 $0xFFFFE003, lr  }
0x1b: {  	s9 =	sadd.s32 $0xFFFFFEF7, lr;
	s5 =	simm.s32 $0xFFFFFFFF;
	p2 =	slt.u32 s8, $0xFFFFF086  }
0x1c: {  	p1 =	slt.u32 s9, $0xF7A;
	s5 =	simm.s32 @!p2 $0x0  }
0x1d: {  	s5 =	simm.s32 @p1 $0x1;
	p0 =	seq.s32 s7, s2  }
0x1e: {  	s7 =	smul.u32 @!p0 $0xF7A, s2;
	p2 =	seq.s32 @!p0 s5, $0x0  }
0x1f: {  	s9 =	smul.u32 $0xF7A, s1;
	s8 =	simm.s32 @!p0 $0x1BF5;
	p2 =	por !p2, p0  }
0x20: {  	[sflag:s8] =	ssyncset.s32 @!p0 $0xFFFFF086;
	s6 =	sadd.s32 @!p0 s3, s7;
	s7 =	simm.s32 @!p0 $0x108  }
0x21: {  	s3 =	sadd.s32 s3, s9;
	s6 =	sadd.s32 @!p0 $0x88, s6;
	s7 =	simm.s32 @p2 $0x1082  }
0x22: {  	[simem:s7], [sflag:s8] =	dma.local @!p0 [hbm:s6], $0xF7A  }
0x23: {  	s9 =	sor.u32 $0xD0000000, s2;
	s6 =	simm.s32 $0x108;
	_ =	swait.ge @!p0 [sflag:s8], $0x0  }
0x24: {  	s3 =	sadd.s32 $0x88, s3;
	s6 =	simm.s32 @!p1 $0x1082;
	[sflag:s4] =	ssyncset.s32 $0xFFFFF086  }
0x25: {  	[simem:s6], [sflag:s4] =	dma.local [hbm:s3], $0xF7A  }
0x26: {  	[smem:$0x3F81] =	sst s1;
	(tag) =	ssettag s2;
	_ =	strace s9  }
0x27: {  	s1 =	sld [smem:$0x3F91]  }
0x28: {  	s2 =	sld [smem:$0x3F92]  }
0x29: {  	s4 =	sld [smem:$0x3F94]  }
0x2a: {  	p0 =	seq.s32 s5, $0x0;
	s5 =	sld [smem:$0x3F95]  }
0x2b: {  	s6 =	sld [smem:$0x3F96]  }
0x2c: {  	s7 =	sld [smem:$0x3F97]  }
0x2d: {  	s3 =	simm.s32 $0x108;
	s8 =	sld [smem:$0x3F98]  }
0x2e: {  	s3 =	simm.s32 @!p0 $0x1082;
	s9 =	sld [smem:$0x3F99]  }
0x2f: {  	lr =	sadd.s32 s0, s3;
	s0 =	sld [smem:$0x3F90]  }
0x30: {  	s3 =	sld [smem:$0x3F93]  }
0x31: {  	[smem:$0x3F9C] =	sst s10  }
0x32: {  	s10 =	sld [smem:$0x3F9A];
	_ =	sdelay $0x3  }
0x33: {  	p0 =	seq.s32 s10, $0x1;
	s10 =	sld [smem:$0x3F9C];
	_ =	sdelay $0x3  }
0x34: {  	[smem:$0x3F9C] =	sst s10  }
0x35: {  	s10 =	sld [smem:$0x3F9B];
	_ =	sdelay $0x3  }
0x36: {  	p1 =	seq.s32 s10, $0x1;
	s10 =	sld [smem:$0x3F9C];
	_ =	sdelay $0x3  }
0x37: {  	[smem:$0x3F9C] =	sst s10  }
0x38: {  	s10 =	sld [smem:$0x3F9D]  }
0x39: {  	_ = 	snop;
	(pc) =	sbr.ind lr, $3  }
0x3a: {  	_ = 	snop  }
0x3b: {  	_ = 	snop  }
0x3c: {  	p2 =	seq.s32 s10, $0x1;
	s10 =	sld [smem:$0x3F9C]  }
0x3d: {  	_ =	shalt  }
0x3e: {  	_ =	shalt  }
0x3f: {  	_ =	shalt  }
0x40: {  	_ =	shalt  }
0x41: {  	_ =	shalt  }
0x42: {  	_ =	shalt  }
0x43: {  	_ =	shalt  }
0x44: {  	_ =	shalt  }
0x45: {  	_ =	shalt  }
0x46: {  	_ =	shalt  }
0x47: {  	_ =	shalt  }
0x48: {  	_ =	shalt  }
0x49: {  	_ =	shalt  }
0x4a: {  	_ =	shalt  }
0x4b: {  	_ =	shalt  }
0x4c: {  	_ =	shalt  }
0x4d: {  	_ =	shalt  }
0x4e: {  	_ =	shalt  }
0x4f: {  	_ =	shalt  }
0x50: {  	_ =	shalt  }
0x51: {  	_ =	shalt  }
0x52: {  	_ =	shalt  }
0x53: {  	_ =	shalt  }
0x54: {  	_ =	shalt  }
0x55: {  	_ =	shalt  }
0x56: {  	_ =	shalt  }
0x57: {  	_ =	shalt  }
0x58: {  	_ =	shalt  }
0x59: {  	_ =	shalt  }
0x5a: {  	_ =	shalt  }
0x5b: {  	_ =	shalt  }
0x5c: {  	_ =	shalt  }
0x5d: {  	_ =	shalt  }
0x5e: {  	_ =	shalt  }
0x5f: {  	_ =	shalt  }
0x60: {  	_ =	shalt  }
0x61: {  	_ =	shalt  }
0x62: {  	_ =	shalt  }
0x63: {  	_ =	shalt  }
0x64: {  	_ =	shalt  }
0x65: {  	_ =	shalt  }
0x66: {  	_ =	shalt  }
0x67: {  	_ =	shalt  }
0x68: {  	_ =	shalt  }
0x69: {  	_ =	shalt  }
0x6a: {  	_ =	shalt  }
0x6b: {  	_ =	shalt  }
0x6c: {  	_ =	shalt  }
0x6d: {  	_ =	shalt  }
0x6e: {  	_ =	shalt  }
0x6f: {  	_ =	shalt  }
0x70: {  	_ =	shalt  }
0x71: {  	_ =	shalt  }
0x72: {  	_ =	shalt  }
0x73: {  	_ =	shalt  }
0x74: {  	_ =	shalt  }
0x75: {  	_ =	shalt  }
0x76: {  	_ =	shalt  }
0x77: {  	_ =	shalt  }
0x78: {  	_ =	shalt  }
0x79: {  	_ =	shalt  }
0x7a: {  	_ =	shalt  }
0x7b: {  	_ =	shalt  }
0x7c: {  	_ =	shalt  }
0x7d: {  	_ =	shalt  }
0x7e: {  	_ =	shalt  }
0x7f: {  	_ =	shalt  }
0x80: {  	_ =	shalt  }
0x81: {  	_ =	shalt  }
0x82: {  	_ =	shalt  }
0x83: {  	_ =	shalt  }
0x84: {  	_ =	shalt  }
0x85: {  	_ =	shalt  }
0x86: {  	_ =	shalt  }
0x87: {  	_ =	shalt  }
.Lfunc_end0:
.L_simem_size_0:
called_computation_lowered:
.L_overlay_start_0:
0x88: {  	s2 =	sld [smem:$0x3FD9]  }
0x89: {  	s3 =	sld [smem:$0x3FFE];
	_ =	sdelay $0x1  }
0x8a: {  	s1 =	srdreg.scid  }
0x8b: {  	s0 =	sand.u32 $0x1, s1  }
0x8c: {  	s16 =	sshll.u32 s0, $0xA;
	s2 =	sadd.s32 s3, s2  }
0x8d: {  	s2 =	sadd.s32 s2, s16  }
0x8e: {  	[smem:$0x3FA8] =	sst s2  }
0x8f: {  	_ = 	snop  }
0x90: {  	(tm) =	ssettm $0x1  }
0x91: {  	s17 =	sld [smem:$0x3FFB];
	_ =	sdelay $0x3  }
0x92: {  	_ =	strace s17  }
0x93: {  	s2 =	sld [smem:$0x3FFC];
	_ =	sdelay $0x3  }
0x94: {  	_ =	strace s2  }
0x95: {  	s2 =	sld [smem:$0x3FFD];
	_ =	sdelay $0x3  }
0x96: {  	_ =	strace s2  }
0x97: {  	_ =	strace $0x8FFFFFFF  }
0x98: {  	s18 =	sld [smem:$0x3FDB];
	_ =	sdelay $0x1  }
0x99: {  	s19 =	simm.s32 $_scs_section_size  }
0x9a: {  	s4 =	simm.s32 $_size__tile_overlayer_lowered;
	s5 =	simm.s32 $_tile_overlayer_lowered  }
0x9b: {  	s22 =	simm.s32 $0x1BFF;
	s21 =	sshll.u32 s5, $0x1;
	s2 =	sadd.s32 s19, s18  }
0x9c: {  	s6 =	simm.s32 $0x0;
	s20 =	sshll.u32 s4, $0x1;
	s4 =	sadd.s32 s21, s2  }
0x9d: {  	[timem:s6], [sflag:s22] =	dma.local [hbm:s4], s20  }
0x9e: {  	_ =	swait.ge [sflag:s22], s20  }
0x9f: {  	s3 =	ssub.s32 $0x0, s20;
	[sflag:s22] =	ssyncset.done $0x0  }
0xa0: {  	[sflag:s22] =	ssyncadd.s32 s3;
	_ =	sdelay $0x1  }
0xa1: {  	s23 =	simm.s32 $0x1B8B  }
0xa2: {  	_ =	swait.ge [sflag:s23], $0x1  }
0xa3: {  	[sflag:s23] =	ssyncset.done $0x0  }
0xa4: {  	s25 =	simm.s32 $0x1B8E;
	s24 =	sld [smem:$0x3FFE];
	[sflag:s23] =	ssyncadd.s32 $0xFFFFFFFF  }
0xa5: {  	s26 =	simm.s32 $execute0_lowered;
	[smem:$0x3FD2] =	sst s25  }
0xa6: {  	s4 =	sshll.u32 s26, $0x1;
	_ =	strace $0x80000046;
	[dreg:$0x1] =	wrdreg $0xFFFFFFFF  }
0xa7: {  	s28 =	simm.s32 $_size_execute0_lowered;
	s2 =	sadd.s32 s2, s4;
	[dreg:$0x0] =	wrdreg $0x0  }
0xa8: {  	s4 =	sshll.u32 s28, $0x1;
	[dreg:$0x2] =	wrdreg s2  }
0xa9: {  	[dreg:$0x3] =	wrdreg s4  }
0xaa: {  	[dreg:$0x4] =	wrdreg $0xC0  }
0xab: {  	_ =	task [dreg:s6], $0x5FFFF  }
0xac: {  	[dreg:$0x1] =	wrdreg $0xFFFFFFFF  }
0xad: {  	[dreg:$0x0] =	wrdreg $0x60  }
0xae: {  	[dreg:$0x2] =	wrdreg s24  }
0xaf: {  	[dreg:$0x3] =	wrdreg $0x9  }
0xb0: {  	_ =	task.clear_ibuf [dreg:s6], $0x4FFFF;
	_ =	strace $0x90000046  }
0xb1: {  	s29 =	simm.s32 $0x9;
	_ =	strace $0x80000048  }
0xb2: {  	_ =	swait.ge [sflag:s29], $0x1  }
0xb3: {  	[sflag:s29] =	ssyncadd.s32 $0xFFFFFFFF  }
0xb4: {  	_ =	strace $0x90000048  }
0xb5: {  	_ =	sfence  }
0xb6: {  	s30 =	sld [smem:$0x0];
	_ =	sdelay $0x2  }
0xb7: {  	s31 =	sshll.u32 s1, $0xD;
	s1 =	sshrl.u32 s1, $0x2  }
0xb8: {  	s3 =	sand.u32 $0x4000, s31;
	s1 =	sadd.s32 s1, s30  }
0xb9: {  	s0 =	sor.u32 s3, s0;
	s1 =	sshll.u32 s1, $0x11  }
0xba: {  	s0 =	sor.u32 s1, s0  }
0xbb: {  	s0 =	sadd.s32 $0x8F2B, s0  }
0xbc: {  	[sflag:s0] =	ssyncadd.remote.s32 $0x1  }
0xbd: {  	_ =	sfence.sel $0xFFFF  }
0xbe: {  	[dreg:$0x0] =	wrdreg $0xFFFFFFFF;
	(pc) =	sbr.abs _section_cstart, $3  }
0xbf: {  	[dreg:$0x1] =	wrdreg $0xFFFFFFFF  }
0xc0: {  	_ =	task.clear_ibuf [dreg:s6], $0x2FFFF;
	_ =	strace $0x9FFFFFFF  }
0xc1: {  	(tm) =	ssettm $0x7FFFFFFF  }
tec
execute0_lowered:
.L_overlay_start_1:
0x0: {  	(tag) =	ssettag $0x1  }
0x1: {  	s0 =	srdreg.scid  }
0x2: {  	s0 =	sand.u32 $0x1, s0  }
0x3: {  	s22 =	rddreg [dreg:$0x0];
	s1 =	smul.u32 $0x13880, s0;
	s2 =	ssub.s32 $0x2, s0  }
0x4: {  	s31 =	simm.s32 $0x0;
	s16 =	sadd.s32 $0x8200, s22;
	s3 =	sshrl.u32 s2, $0x1  }
0x5: {  	[smem:$0x7FF] =	sst s31;
	s1 =	sshrl.u32 s1, $0x3;
	s2 =	ssub.s32 s2, s3  }
0x6: {  	[smem:$0x7FD] =	sst s2;
	s9 =	sadd.s32 $0xFA, s1;
	s10 =	sadd.s32 s16, s1  }
0x7: {  	s17 =	sadd.s32 $0x3200, s22;
	[smem:$0x7FC] =	sst s10;
	s11 =	sadd.s32 s16, s9  }
0x8: {  	s12 =	sadd.s32 $0x1F4, s1;
	s2 =	sadd.s32 s17, s9;
	[dreg:$0x2] =	wrdreg s11  }
0x9: {  	s13 =	sadd.s32 s16, s12;
	[dreg:$0x3] =	wrdreg s2  }
0xa: {  	s14 =	sadd.s32 $0x2EE, s1;
	s3 =	sadd.s32 s17, s12;
	[dreg:$0x4] =	wrdreg s13  }
0xb: {  	s18 =	sadd.s32 $0x3E8, s1;
	s15 =	sadd.s32 s16, s14;
	[dreg:$0x5] =	wrdreg s3  }
0xc: {  	s20 =	sadd.s32 $0x4E2, s1;
	s19 =	sadd.s32 s16, s18;
	[dreg:$0x6] =	wrdreg s15  }
0xd: {  	s23 =	sadd.s32 $0x5DC, s1;
	s21 =	sadd.s32 s16, s20;
	[dreg:$0x8] =	wrdreg s19  }
0xe: {  	s25 =	sadd.s32 $0x6D6, s1;
	s24 =	sadd.s32 s16, s23;
	[dreg:$0xa] =	wrdreg s21  }
0xf: {  	s26 =	sadd.s32 $0x7D0, s1;
	s5 =	sadd.s32 s16, s25;
	[dreg:$0xc] =	wrdreg s24  }
0x10: {  	s28 =	sadd.s32 s16, s26;
	[dreg:$0xe] =	wrdreg s5  }
0x11: {  	s29 =	sadd.s32 s17, s26;
	[dreg:$0x10] =	wrdreg s28  }
0x12: {  	s2 =	sadd.s32 s17, s14;
	[dreg:$0x11] =	wrdreg s29  }
0x13: {  	s3 =	sadd.s32 s17, s18;
	[dreg:$0x7] =	wrdreg s2  }
0x14: {  	s5 =	sadd.s32 s17, s1;
	[dreg:$0x9] =	wrdreg s3;
	s2 =	sadd.s32 s17, s20  }
0x15: {  	s1 =	sadd.s32 $0x8CA, s1;
	[dreg:$0xb] =	wrdreg s2;
	s2 =	sshll.u32 s0, $0x2  }
0x16: {  	s3 =	sadd.s32 s17, s23;
	[dreg:$0x12] =	wrdreg s5;
	s4 =	sor.u32 $0x1, s2  }
0x17: {  	s8 =	sadd.s32 s16, s1;
	[dreg:$0xd] =	wrdreg s3;
	s6 =	smul.u32 $0x4E20, s4  }
0x18: {  	s1 =	sadd.s32 s17, s1;
	[dreg:$0x13] =	wrdreg s8  }
0x19: {  	s3 =	sadd.s32 s17, s25;
	[dreg:$0x14] =	wrdreg s1;
	s7 =	sshrl.u32 s6, $0x3  }
0x1a: {  	[dreg:$0xf] =	wrdreg s3;
	s26 =	sadd.s32 s16, s7  }
0x1b: {  	s9 =	sadd.s32 $0xFA, s7;
	s29 =	sadd.s32 s17, s7;
	[smem:$0x7E1] =	sst s26  }
0x1c: {  	s10 =	sadd.s32 s16, s9;
	[smem:$0x7E2] =	sst s29  }
0x1d: {  	s11 =	sadd.s32 $0x1F4, s7;
	s1 =	sadd.s32 s17, s9;
	[dreg:$0x15] =	wrdreg s10  }
0x1e: {  	s13 =	sadd.s32 $0x2EE, s7;
	s12 =	sadd.s32 s16, s11;
	[dreg:$0x16] =	wrdreg s1  }
0x1f: {  	s15 =	sadd.s32 $0x3E8, s7;
	s14 =	sadd.s32 s16, s13;
	[dreg:$0x17] =	wrdreg s12  }
0x20: {  	s19 =	sadd.s32 $0x4E2, s7;
	s18 =	sadd.s32 s16, s15;
	[dreg:$0x19] =	wrdreg s14  }
0x21: {  	s21 =	sadd.s32 $0x5DC, s7;
	s20 =	sadd.s32 s16, s19;
	[dreg:$0x1b] =	wrdreg s18  }
0x22: {  	s24 =	sadd.s32 $0x6D6, s7;
	s23 =	sadd.s32 s16, s21;
	[dreg:$0x1d] =	wrdreg s20  }
0x23: {  	s28 =	sadd.s32 $0x7D0, s7;
	s25 =	sadd.s32 s16, s24;
	[dreg:$0x1f] =	wrdreg s23  }
0x24: {  	s3 =	sadd.s32 $0x8CA, s7;
	s6 =	sadd.s32 s16, s28;
	[smem:$0x7DF] =	sst s25  }
0x25: {  	s7 =	sadd.s32 s16, s3;
	[smem:$0x7E3] =	sst s6  }
0x26: {  	s1 =	sadd.s32 s17, s11;
	[smem:$0x7E5] =	sst s7  }
0x27: {  	[dreg:$0x18] =	wrdreg s1;
	s1 =	sadd.s32 s17, s13  }
0x28: {  	[dreg:$0x1a] =	wrdreg s1;
	s1 =	sadd.s32 s17, s15  }
0x29: {  	[dreg:$0x1c] =	wrdreg s1;
	s1 =	sadd.s32 s17, s19  }
0x2a: {  	s19 =	sor.u32 $0x2, s2;
	[dreg:$0x1e] =	wrdreg s1;
	s1 =	sadd.s32 s17, s21  }
0x2b: {  	s2 =	smul.u32 $0x4E20, s19;
	[smem:$0x7DE] =	sst s1;
	s1 =	sadd.s32 s17, s24  }
0x2c: {  	s8 =	sadd.s32 s17, s3;
	[smem:$0x7E0] =	sst s1;
	s1 =	sadd.s32 s17, s28  }
0x2d: {  	s20 =	smul.u32 $0x4E2, s4;
	[smem:$0x7E4] =	sst s1;
	s1 =	sshrl.u32 s2, $0x3  }
0x2e: {  	[smem:$0x7E6] =	sst s8;
	s21 =	smul.u32 $0x190000, s4;
	s4 =	sadd.s32 s16, s1  }
0x2f: {  	s9 =	sadd.s32 $0xFA, s1;
	s7 =	sadd.s32 s17, s1;
	[smem:$0x7F5] =	sst s4  }
0x30: {  	s10 =	sadd.s32 s16, s9;
	[smem:$0x7F6] =	sst s7  }
0x31: {  	s11 =	sadd.s32 $0x1F4, s1;
	s2 =	sadd.s32 s17, s9;
	[smem:$0x7E7] =	sst s10  }
0x32: {  	s12 =	sadd.s32 s16, s11;
	[smem:$0x7E8] =	sst s2  }
0x33: {  	s13 =	sadd.s32 $0x2EE, s1;
	s3 =	sadd.s32 s17, s11;
	[smem:$0x7E9] =	sst s12  }
0x34: {  	s15 =	sadd.s32 $0x3E8, s1;
	s14 =	sadd.s32 s16, s13;
	[smem:$0x7EA] =	sst s3  }
0x35: {  	s23 =	sadd.s32 $0x4E2, s1;
	s18 =	sadd.s32 s16, s15;
	[smem:$0x7EB] =	sst s14  }
0x36: {  	s25 =	sadd.s32 $0x5DC, s1;
	s24 =	sadd.s32 s16, s23;
	[smem:$0x7ED] =	sst s18  }
0x37: {  	s28 =	sadd.s32 $0x6D6, s1;
	s26 =	sadd.s32 s16, s25;
	[smem:$0x7EF] =	sst s24  }
0x38: {  	s5 =	sadd.s32 $0x7D0, s1;
	s29 =	sadd.s32 s16, s28;
	[smem:$0x7F1] =	sst s26  }
0x39: {  	s30 =	stileid.u32;
	s8 =	sadd.s32 s16, s5;
	[smem:$0x7F3] =	sst s29  }
0x3a: {  	s1 =	sadd.s32 $0x8CA, s1;
	s2 =	sadd.s32 s17, s13;
	[smem:$0x7F7] =	sst s8  }
0x3b: {  	s9 =	sadd.s32 s16, s1;
	s3 =	sadd.s32 s17, s15;
	[smem:$0x7EC] =	sst s2  }
0x3c: {  	s24 =	smul.u32 $0x640000, s0;
	[smem:$0x7EE] =	sst s3;
	s2 =	sadd.s32 s17, s23  }
0x3d: {  	s3 =	sadd.s32 s17, s25;
	s23 =	smul.u32 $0x1388, s0;
	s25 =	sshllo.u32 s0, $0x2  }
0x3e: {  	[smem:$0x7F9] =	sst s9;
	s10 =	sadd.s32 s17, s1;
	s6 =	smul.u32 $0x4E20, s25  }
0x3f: {  	[smem:$0x7F0] =	sst s2;
	s2 =	sadd.s32 s17, s28;
	s28 =	smul.u32 $0x19000, s30  }
0x40: {  	[smem:$0x7FA] =	sst s10;
	s29 =	smul.u32 $0x190000, s25  }
0x41: {  	s0 =	sadd.s32 s17, s5;
	[smem:$0x7F2] =	sst s3;
	s30 =	smul.u32 $0x50, s30  }
0x42: {  	[smem:$0x7F8] =	sst s0;
	s25 =	smul.u32 $0x4E2, s25;
	s26 =	sshrl.u32 s6, $0x3  }
0x43: {  	[smem:$0x7F4] =	sst s2;
	s24 =	sadd.s32 s28, s24;
	s11 =	sadd.s32 $0xFA, s26  }
0x44: {  	s12 =	sadd.s32 $0x1F4, s26;
	s14 =	sadd.s32 $0x2EE, s26;
	s15 =	sadd.s32 $0x3E8, s26  }
0x45: {  	s7 =	sadd.s32 $0x4E2, s26;
	s9 =	sadd.s32 $0x5DC, s26;
	s1 =	sadd.s32 s17, s26  }
0x46: {  	s13 =	sadd.s32 s16, s11;
	s18 =	sadd.s32 s17, s11;
	s0 =	sadd.s32 s16, s12  }
0x47: {  	s2 =	sadd.s32 s17, s12;
	s4 =	sadd.s32 s16, s14;
	s6 =	sadd.s32 s17, s14  }
0x48: {  	s8 =	sadd.s32 s16, s15;
	s10 =	sadd.s32 s17, s15;
	s12 =	sadd.s32 s16, s7  }
0x49: {  	s14 =	sadd.s32 s17, s7;
	s15 =	sadd.s32 s16, s9;
	s9 =	sadd.s32 s17, s9  }
0x4a: {  	s11 =	sadd.s32 $0x6D6, s26;
	s7 =	sadd.s32 s16, s26;
	[smem:$0x7FB] =	sst s13  }
0x4b: {  	s13 =	sadd.s32 $0x7D0, s26;
	s5 =	sadd.s32 s16, s11;
	s11 =	sadd.s32 s17, s11  }
0x4c: {  	s26 =	sadd.s32 $0x8CA, s26;
	s3 =	sadd.s32 s16, s13;
	s13 =	sadd.s32 s17, s13  }
0x4d: {  	s16 =	sadd.s32 s16, s26;
	s17 =	sadd.s32 s17, s26;
	s26 =	smul.u32 $0x190000, s19  }
0x4e: {  	v5 =	vmov s20;
	s21 =	sadd.s32 s28, s21;
	s20 =	sadd.s32 s30, s20;
	s24 =	sshrl.u32 s24, $0x3  }
0x4f: {  	s31 =	smov.u32 s18;
	s19 =	smul.u32 $0x4E2, s19;
	s26 =	sadd.s32 s28, s26  }
0x50: {  	s28 =	sadd.s32 s28, s29;
	s29 =	sadd.s32 $0xD200, s22;
	s22 =	sadd.s32 s30, s23  }
0x51: {  	v4 =	vmov s23;
	s23 =	sshrl.u32 s21, $0x3;
	v0 =	vmov s22;
	s22 =	sadd.s32 s30, s19;
	s18 =	sadd.s32 s29, s24  }
0x52: {  	v6 =	vmov s19;
	s24 =	sadd.s32 s30, s25;
	s30 =	sld [smem:$0x7FC];
	s19 =	sadd.s32 s29, s23  }
0x53: {  	v8 =	vimm.f32 $0.0e+00;
	v9 =	vimm.f32 $1.000000000e+00;
	s26 =	sshrl.u32 s26, $0x3;
	s28 =	sshrl.u32 s28, $0x3;
	_ =	strace $0x80000047  }
0x54: {  	v5 =	vsub.s32 $0x0, v5;
	v7 =	vmov s25;
	v1 =	vmov s20;
	s20 =	sadd.s32 s29, s26;
	s21 =	sadd.s32 s29, s28;
	s29 =	sld [smem:$0x7FD]  }
0x55: {  	v5 =	vbroadcast v5, $0x0;
	v4 =	vsub.s32 $0x0, v4;
	v7 =	vsub.s32 $0x0, v7  }
0x56: {  	v4 =	vbroadcast v4, $0x0;
	v7 =	vbroadcast v7, $0x0;
	v6 =	vsub.s32 $0x0, v6;
	s23 =	simm.s32 $0x1;
	s25 =	simm.s32 $0x1000  }
0x57: {  	v2 =	vmov s22;
	v3 =	vmov s24;
	v6 =	vbroadcast v6, $0x0;
	s24 =	simm.s32 $0x800;
	s26 =	simm.s32 $0x0;
	s22 =	smax.u32 s29, $0x1  }
.LBB2_1:
0x58: {  	s28 =	simm.s32 $0x0;
	s29 =	simm.s32 $0x200  }
.LBB2_2:
0x59: {  	p0 =	sne.s32 s29, $0x63E00;
	[tilespmem:s28+$0x1070] =	vst v8  }
0x5a: {  	[tilespmem:s28+$0x1000] =	vst v8  }
0x5b: {  	[tilespmem:s28+$0x1010] =	vst v8  }
.Ltmp0:
0x5c: {  	[tilespmem:s28+$0x1020] =	vst v8;
	(pc) =	sbr.rel @p0 .LBB2_2-.Ltmp0, $4  }
0x5d: {  	[tilespmem:s28+$0x1030] =	vst v8  }
0x5e: {  	[tilespmem:s28+$0x1040] =	vst v8  }
0x5f: {  	[tilespmem:s28+$0x1050] =	vst v8  }
0x60: {  	[tilespmem:s28+$0x1060] =	vst v8;
	s28 =	sshra.s32 s29, $0x2;
	s29 =	sadd.s32 $0x200, s29  }
0x61: {  	[tilespmem:s28+$0x1070] =	vst v8  }
0x62: {  	[tilespmem:s28+$0x1000] =	vst v8  }
0x63: {  	[tilespmem:s28+$0x1010] =	vst v8  }
0x64: {  	[tilespmem:s28+$0x1020] =	vst v8  }
0x65: {  	[tilespmem:s28+$0x1030] =	vst v8  }
0x66: {  	[tilespmem:s28+$0x1040] =	vst v8  }
0x67: {  	[tilespmem:s28+$0x1050] =	vst v8  }
0x68: {  	[tilespmem:s28+$0x1060] =	vst v8;
	s28 =	simm.s32 $0x0  }
0x69: {  	[tilespmem:s28], [sflag:$0x1] =	stream.linear.gather [hbm4b:s30+s28], $0x7D0, $0x38;
	[tilespmem:$0x1A000] =	vst v63  }
0x6a: {  	_ =	swait.ge [sflag:s23], $0x7D0  }
0x6b: {  	[sflag:s23] =	ssyncset.done $0x0  }
0x6c: {  	s29 =	rddreg [dreg:$0x12];
	[sflag:s23] =	ssyncadd.s32 $0xFFFFF830  }
0x6d: {  	[tilespmem:s24], [sflag:$0x1] =	stream.linear.gather [hbm4b:s29+s28], $0x7D0, $0x38;
	[tilespmem:$0x1A000] =	vst v63  }
0x6e: {  	_ =	swait.ge [sflag:s23], $0x7D0  }
0x6f: {  	[sflag:s23] =	ssyncset.done $0x0  }
0x70: {  	s29 =	simm.s32 $0x0;
	s28 =	simm.s32 $0x40;
	[sflag:s23] =	ssyncadd.s32 $0xFFFFF830  }
.LBB2_4:
0x71: {  	p0 =	sne.s32 s28, $0x1F00;
	v10 =	vld [tilespmem:s29+$0x800];
	_ =	sdelay $0x1  }
0x72: {  	v11 =	vld [tilespmem:s29+$0x0];
	_ =	sdelay $0x2  }
0x73: {  	v10 =	vsub.s32 v10, v0  }
0x74: {  	v12 =	vmul.u32 $0x500, v10  }
0x75: {  	v11 =	vadd.s32 v4, v11  }
0x76: {  	vm0 =	vlt.u32 v10, $0x50;
	v10 =	vadd.s32 v12, v11  }
0x77: {  	v10 =	vnsel vm0, $0x0, v10  }
.Ltmp1:
0x78: {  	(pc) =	sbr.rel @p0 .LBB2_4-.Ltmp1, $2  }
0x79: {  	_ =	sdelay $0x2  }
0x7a: {  	s29 =	sshra.s32 s28, $0x2;
	s28 =	sadd.s32 $0x40, s28;
	[tilespmem:v10+s25+$0x0] =	vst.idx.add.f32.msk vm0, v9  }
0x7b: {  	v10 =	vld [tilespmem:s29+$0x800];
	_ =	sdelay $0x1  }
0x7c: {  	v11 =	vld [tilespmem:s29+$0x0];
	_ =	sdelay $0x2  }
0x7d: {  	v10 =	vsub.s32 v10, v0  }
0x7e: {  	v12 =	vmul.u32 $0x500, v10  }
0x7f: {  	v11 =	vadd.s32 v4, v11  }
0x80: {  	vm0 =	vlt.u32 v10, $0x50;
	v10 =	vadd.s32 v12, v11  }
0x81: {  	v10 =	vnsel vm0, $0x0, v10;
	_ =	sdelay $0x4  }
0x82: {  	s28 =	simm.s32 $0x0;
	s29 =	rddreg [dreg:$0x2];
	[tilespmem:v10+s25+$0x0] =	vst.idx.add.f32.msk vm0, v9  }
0x83: {  	[tilespmem:s28], [sflag:$0x1] =	stream.linear.gather [hbm4b:s29+s28], $0x7D0, $0x38;
	[tilespmem:$0x1A000] =	vst v63  }
0x84: {  	_ =	swait.ge [sflag:s23], $0x7D0  }
0x85: {  	[sflag:s23] =	ssyncset.done $0x0  }
0x86: {  	s29 =	rddreg [dreg:$0x3];
	[sflag:s23] =	ssyncadd.s32 $0xFFFFF830  }
0x87: {  	[tilespmem:s24], [sflag:$0x1] =	stream.linear.gather [hbm4b:s29+s28], $0x7D0, $0x38;
	[tilespmem:$0x1A000] =	vst v63  }
0x88: {  	_ =	swait.ge [sflag:s23], $0x7D0  }
0x89: {  	[sflag:s23] =	ssyncset.done $0x0  }
0x8a: {  	s29 =	simm.s32 $0x0;
	s28 =	simm.s32 $0x40;
	[sflag:s23] =	ssyncadd.s32 $0xFFFFF830  }
.LBB2_6:
0x8b: {  	p0 =	sne.s32 s28, $0x1F00;
	v10 =	vld [tilespmem:s29+$0x800];
	_ =	sdelay $0x1  }
0x8c: {  	v11 =	vld [tilespmem:s29+$0x0];
	_ =	sdelay $0x2  }
0x8d: {  	v10 =	vsub.s32 v10, v0  }
0x8e: {  	v12 =	vmul.u32 $0x500, v10  }
0x8f: {  	v11 =	vadd.s32 v4, v11  }
0x90: {  	vm0 =	vlt.u32 v10, $0x50;
	v10 =	vadd.s32 v12, v11  }
0x91: {  	v10 =	vnsel vm0, $0x0, v10  }
.Ltmp2:
0x92: {  	(pc) =	sbr.rel @p0 .LBB2_6-.Ltmp2, $2  }
0x93: {  	_ =	sdelay $0x2  }
0x94: {  	s29 =	sshra.s32 s28, $0x2;
	s28 =	sadd.s32 $0x40, s28;
	[tilespmem:v10+s25+$0x0] =	vst.idx.add.f32.msk vm0, v9  }
0x95: {  	v10 =	vld [tilespmem:s29+$0x800];
	_ =	sdelay $0x1  }
0x96: {  	v11 =	vld [tilespmem:s29+$0x0];
	_ =	sdelay $0x2  }
0x97: {  	v10 =	vsub.s32 v10, v0  }
0x98: {  	v12 =	vmul.u32 $0x500, v10  }
0x99: {  	v11 =	vadd.s32 v4, v11  }
0x9a: {  	vm0 =	vlt.u32 v10, $0x50;
	v10 =	vadd.s32 v12, v11  }
0x9b: {  	v10 =	vnsel vm0, $0x0, v10;
	_ =	sdelay $0x4  }
0x9c: {  	s28 =	simm.s32 $0x0;
	s29 =	rddreg [dreg:$0x4];
	[tilespmem:v10+s25+$0x0] =	vst.idx.add.f32.msk vm0, v9  }
0x9d: {  	[tilespmem:s28], [sflag:$0x1] =	stream.linear.gather [hbm4b:s29+s28], $0x7D0, $0x38;
	[tilespmem:$0x1A000] =	vst v63  }
0x9e: {  	_ =	swait.ge [sflag:s23], $0x7D0  }
0x9f: {  	[sflag:s23] =	ssyncset.done $0x0  }
0xa0: {  	s29 =	rddreg [dreg:$0x5];
	[sflag:s23] =	ssyncadd.s32 $0xFFFFF830  }
0xa1: {  	[tilespmem:s24], [sflag:$0x1] =	stream.linear.gather [hbm4b:s29+s28], $0x7D0, $0x38;
	[tilespmem:$0x1A000] =	vst v63  }
0xa2: {  	_ =	swait.ge [sflag:s23], $0x7D0  }
0xa3: {  	[sflag:s23] =	ssyncset.done $0x0  }
0xa4: {  	s29 =	simm.s32 $0x0;
	s28 =	simm.s32 $0x40;
	[sflag:s23] =	ssyncadd.s32 $0xFFFFF830  }
.LBB2_8:
0xa5: {  	p0 =	sne.s32 s28, $0x1F00;
	v10 =	vld [tilespmem:s29+$0x800];
	_ =	sdelay $0x1  }
0xa6: {  	v11 =	vld [tilespmem:s29+$0x0];
	_ =	sdelay $0x2  }
0xa7: {  	v10 =	vsub.s32 v10, v0  }
0xa8: {  	v12 =	vmul.u32 $0x500, v10  }
0xa9: {  	v11 =	vadd.s32 v4, v11  }
0xaa: {  	vm0 =	vlt.u32 v10, $0x50;
	v10 =	vadd.s32 v12, v11  }
0xab: {  	v10 =	vnsel vm0, $0x0, v10  }
.Ltmp3:
0xac: {  	(pc) =	sbr.rel @p0 .LBB2_8-.Ltmp3, $2  }
0xad: {  	_ =	sdelay $0x2  }
0xae: {  	s29 =	sshra.s32 s28, $0x2;
	s28 =	sadd.s32 $0x40, s28;
	[tilespmem:v10+s25+$0x0] =	vst.idx.add.f32.msk vm0, v9  }
0xaf: {  	v10 =	vld [tilespmem:s29+$0x800];
	_ =	sdelay $0x1  }
0xb0: {  	v11 =	vld [tilespmem:s29+$0x0];
	_ =	sdelay $0x2  }
0xb1: {  	v10 =	vsub.s32 v10, v0  }
0xb2: {  	v12 =	vmul.u32 $0x500, v10  }
0xb3: {  	v11 =	vadd.s32 v4, v11  }
0xb4: {  	vm0 =	vlt.u32 v10, $0x50;
	v10 =	vadd.s32 v12, v11  }
0xb5: {  	v10 =	vnsel vm0, $0x0, v10;
	_ =	sdelay $0x4  }
0xb6: {  	s28 =	simm.s32 $0x0;
	s29 =	rddreg [dreg:$0x6];
	[tilespmem:v10+s25+$0x0] =	vst.idx.add.f32.msk vm0, v9  }
0xb7: {  	[tilespmem:s28], [sflag:$0x1] =	stream.linear.gather [hbm4b:s29+s28], $0x7D0, $0x38;
	[tilespmem:$0x1A000] =	vst v63  }
0xb8: {  	_ =	swait.ge [sflag:s23], $0x7D0  }
0xb9: {  	[sflag:s23] =	ssyncset.done $0x0  }
0xba: {  	s29 =	rddreg [dreg:$0x7];
	[sflag:s23] =	ssyncadd.s32 $0xFFFFF830  }
0xbb: {  	[tilespmem:s24], [sflag:$0x1] =	stream.linear.gather [hbm4b:s29+s28], $0x7D0, $0x38;
	[tilespmem:$0x1A000] =	vst v63  }
0xbc: {  	_ =	swait.ge [sflag:s23], $0x7D0  }
0xbd: {  	[sflag:s23] =	ssyncset.done $0x0  }
0xbe: {  	s29 =	simm.s32 $0x0;
	s28 =	simm.s32 $0x40;
	[sflag:s23] =	ssyncadd.s32 $0xFFFFF830  }
.LBB2_10:
0xbf: {  	p0 =	sne.s32 s28, $0x1F00;
	v10 =	vld [tilespmem:s29+$0x800];
	_ =	sdelay $0x1  }
0xc0: {  	v11 =	vld [tilespmem:s29+$0x0];
	_ =	sdelay $0x2  }
0xc1: {  	v10 =	vsub.s32 v10, v0  }
0xc2: {  	v12 =	vmul.u32 $0x500, v10  }
0xc3: {  	v11 =	vadd.s32 v4, v11  }
0xc4: {  	vm0 =	vlt.u32 v10, $0x50;
	v10 =	vadd.s32 v12, v11  }
0xc5: {  	v10 =	vnsel vm0, $0x0, v10  }
.Ltmp4:
0xc6: {  	(pc) =	sbr.rel @p0 .LBB2_10-.Ltmp4, $2  }
0xc7: {  	_ =	sdelay $0x2  }
0xc8: {  	s29 =	sshra.s32 s28, $0x2;
	s28 =	sadd.s32 $0x40, s28;
	[tilespmem:v10+s25+$0x0] =	vst.idx.add.f32.msk vm0, v9  }
0xc9: {  	v10 =	vld [tilespmem:s29+$0x800];
	_ =	sdelay $0x1  }
0xca: {  	v11 =	vld [tilespmem:s29+$0x0];
	_ =	sdelay $0x2  }
0xcb: {  	v10 =	vsub.s32 v10, v0  }
0xcc: {  	v12 =	vmul.u32 $0x500, v10  }
0xcd: {  	v11 =	vadd.s32 v4, v11  }
0xce: {  	vm0 =	vlt.u32 v10, $0x50;
	v10 =	vadd.s32 v12, v11  }
0xcf: {  	v10 =	vnsel vm0, $0x0, v10;
	_ =	sdelay $0x4  }
0xd0: {  	s28 =	simm.s32 $0x0;
	s29 =	rddreg [dreg:$0x8];
	[tilespmem:v10+s25+$0x0] =	vst.idx.add.f32.msk vm0, v9  }
0xd1: {  	[tilespmem:s28], [sflag:$0x1] =	stream.linear.gather [hbm4b:s29+s28], $0x7D0, $0x38;
	[tilespmem:$0x1A000] =	vst v63  }
0xd2: {  	_ =	swait.ge [sflag:s23], $0x7D0  }
0xd3: {  	[sflag:s23] =	ssyncset.done $0x0  }
0xd4: {  	s29 =	rddreg [dreg:$0x9];
	[sflag:s23] =	ssyncadd.s32 $0xFFFFF830  }
0xd5: {  	[tilespmem:s24], [sflag:$0x1] =	stream.linear.gather [hbm4b:s29+s28], $0x7D0, $0x38;
	[tilespmem:$0x1A000] =	vst v63  }
0xd6: {  	_ =	swait.ge [sflag:s23], $0x7D0  }
0xd7: {  	[sflag:s23] =	ssyncset.done $0x0  }
0xd8: {  	s29 =	simm.s32 $0x0;
	s28 =	simm.s32 $0x40;
	[sflag:s23] =	ssyncadd.s32 $0xFFFFF830  }
.LBB2_12:
0xd9: {  	p0 =	sne.s32 s28, $0x1F00;
	v10 =	vld [tilespmem:s29+$0x800];
	_ =	sdelay $0x1  }
0xda: {  	v11 =	vld [tilespmem:s29+$0x0];
	_ =	sdelay $0x2  }
0xdb: {  	v10 =	vsub.s32 v10, v0  }
0xdc: {  	v12 =	vmul.u32 $0x500, v10  }
0xdd: {  	v11 =	vadd.s32 v4, v11  }
0xde: {  	vm0 =	vlt.u32 v10, $0x50;
	v10 =	vadd.s32 v12, v11  }
0xdf: {  	v10 =	vnsel vm0, $0x0, v10  }
.Ltmp5:
0xe0: {  	(pc) =	sbr.rel @p0 .LBB2_12-.Ltmp5, $2  }
0xe1: {  	_ =	sdelay $0x2  }
0xe2: {  	s29 =	sshra.s32 s28, $0x2;
	s28 =	sadd.s32 $0x40, s28;
	[tilespmem:v10+s25+$0x0] =	vst.idx.add.f32.msk vm0, v9  }
0xe3: {  	v10 =	vld [tilespmem:s29+$0x800];
	_ =	sdelay $0x1  }
0xe4: {  	v11 =	vld [tilespmem:s29+$0x0];
	_ =	sdelay $0x2  }
0xe5: {  	v10 =	vsub.s32 v10, v0  }
0xe6: {  	v12 =	vmul.u32 $0x500, v10  }
0xe7: {  	v11 =	vadd.s32 v4, v11  }
0xe8: {  	vm0 =	vlt.u32 v10, $0x50;
	v10 =	vadd.s32 v12, v11  }
0xe9: {  	v10 =	vnsel vm0, $0x0, v10;
	_ =	sdelay $0x4  }
0xea: {  	s28 =	simm.s32 $0x0;
	s29 =	rddreg [dreg:$0xa];
	[tilespmem:v10+s25+$0x0] =	vst.idx.add.f32.msk vm0, v9  }
0xeb: {  	[tilespmem:s28], [sflag:$0x1] =	stream.linear.gather [hbm4b:s29+s28], $0x7D0, $0x38;
	[tilespmem:$0x1A000] =	vst v63  }
0xec: {  	_ =	swait.ge [sflag:s23], $0x7D0  }
0xed: {  	[sflag:s23] =	ssyncset.done $0x0  }
0xee: {  	s29 =	rddreg [dreg:$0xb];
	[sflag:s23] =	ssyncadd.s32 $0xFFFFF830  }
0xef: {  	[tilespmem:s24], [sflag:$0x1] =	stream.linear.gather [hbm4b:s29+s28], $0x7D0, $0x38;
	[tilespmem:$0x1A000] =	vst v63  }
0xf0: {  	_ =	swait.ge [sflag:s23], $0x7D0  }
0xf1: {  	[sflag:s23] =	ssyncset.done $0x0  }
0xf2: {  	s29 =	simm.s32 $0x0;
	s28 =	simm.s32 $0x40;
	[sflag:s23] =	ssyncadd.s32 $0xFFFFF830  }
.LBB2_14:
0xf3: {  	p0 =	sne.s32 s28, $0x1F00;
	v10 =	vld [tilespmem:s29+$0x800];
	_ =	sdelay $0x1  }
0xf4: {  	v11 =	vld [tilespmem:s29+$0x0];
	_ =	sdelay $0x2  }
0xf5: {  	v10 =	vsub.s32 v10, v0  }
0xf6: {  	v12 =	vmul.u32 $0x500, v10  }
0xf7: {  	v11 =	vadd.s32 v4, v11  }
0xf8: {  	vm0 =	vlt.u32 v10, $0x50;
	v10 =	vadd.s32 v12, v11  }
0xf9: {  	v10 =	vnsel vm0, $0x0, v10  }
.Ltmp6:
0xfa: {  	(pc) =	sbr.rel @p0 .LBB2_14-.Ltmp6, $2  }
0xfb: {  	_ =	sdelay $0x2  }
0xfc: {  	s29 =	sshra.s32 s28, $0x2;
	s28 =	sadd.s32 $0x40, s28;
	[tilespmem:v10+s25+$0x0] =	vst.idx.add.f32.msk vm0, v9  }
0xfd: {  	v10 =	vld [tilespmem:s29+$0x800];
	_ =	sdelay $0x1  }
0xfe: {  	v11 =	vld [tilespmem:s29+$0x0];
	_ =	sdelay $0x2  }
0xff: {  	v10 =	vsub.s32 v10, v0  }
0x100: {  	v12 =	vmul.u32 $0x500, v10  }
0x101: {  	v11 =	vadd.s32 v4, v11  }
0x102: {  	vm0 =	vlt.u32 v10, $0x50;
	v10 =	vadd.s32 v12, v11  }
0x103: {  	v10 =	vnsel vm0, $0x0, v10;
	_ =	sdelay $0x4  }
0x104: {  	s28 =	simm.s32 $0x0;
	s29 =	rddreg [dreg:$0xc];
	[tilespmem:v10+s25+$0x0] =	vst.idx.add.f32.msk vm0, v9  }
0x105: {  	[tilespmem:s28], [sflag:$0x1] =	stream.linear.gather [hbm4b:s29+s28], $0x7D0, $0x38;
	[tilespmem:$0x1A000] =	vst v63  }
0x106: {  	_ =	swait.ge [sflag:s23], $0x7D0  }
0x107: {  	[sflag:s23] =	ssyncset.done $0x0  }
0x108: {  	s29 =	rddreg [dreg:$0xd];
	[sflag:s23] =	ssyncadd.s32 $0xFFFFF830  }
0x109: {  	[tilespmem:s24], [sflag:$0x1] =	stream.linear.gather [hbm4b:s29+s28], $0x7D0, $0x38;
	[tilespmem:$0x1A000] =	vst v63  }
0x10a: {  	_ =	swait.ge [sflag:s23], $0x7D0  }
0x10b: {  	[sflag:s23] =	ssyncset.done $0x0  }
0x10c: {  	s29 =	simm.s32 $0x0;
	s28 =	simm.s32 $0x40;
	[sflag:s23] =	ssyncadd.s32 $0xFFFFF830  }
.LBB2_16:
0x10d: {  	p0 =	sne.s32 s28, $0x1F00;
	v10 =	vld [tilespmem:s29+$0x800];
	_ =	sdelay $0x1  }
0x10e: {  	v11 =	vld [tilespmem:s29+$0x0];
	_ =	sdelay $0x2  }
0x10f: {  	v10 =	vsub.s32 v10, v0  }
0x110: {  	v12 =	vmul.u32 $0x500, v10  }
0x111: {  	v11 =	vadd.s32 v4, v11  }
0x112: {  	vm0 =	vlt.u32 v10, $0x50;
	v10 =	vadd.s32 v12, v11  }
0x113: {  	v10 =	vnsel vm0, $0x0, v10  }
.Ltmp7:
0x114: {  	(pc) =	sbr.rel @p0 .LBB2_16-.Ltmp7, $2  }
0x115: {  	_ =	sdelay $0x2  }
0x116: {  	s29 =	sshra.s32 s28, $0x2;
	s28 =	sadd.s32 $0x40, s28;
	[tilespmem:v10+s25+$0x0] =	vst.idx.add.f32.msk vm0, v9  }
0x117: {  	v10 =	vld [tilespmem:s29+$0x800];
	_ =	sdelay $0x1  }
0x118: {  	v11 =	vld [tilespmem:s29+$0x0];
	_ =	sdelay $0x2  }
0x119: {  	v10 =	vsub.s32 v10, v0  }
0x11a: {  	v12 =	vmul.u32 $0x500, v10  }
0x11b: {  	v11 =	vadd.s32 v4, v11  }
0x11c: {  	vm0 =	vlt.u32 v10, $0x50;
	v10 =	vadd.s32 v12, v11  }
0x11d: {  	v10 =	vnsel vm0, $0x0, v10;
	_ =	sdelay $0x4  }
0x11e: {  	s28 =	simm.s32 $0x0;
	s29 =	rddreg [dreg:$0xe];
	[tilespmem:v10+s25+$0x0] =	vst.idx.add.f32.msk vm0, v9  }
0x11f: {  	[tilespmem:s28], [sflag:$0x1] =	stream.linear.gather [hbm4b:s29+s28], $0x7D0, $0x38;
	[tilespmem:$0x1A000] =	vst v63  }
0x120: {  	_ =	swait.ge [sflag:s23], $0x7D0  }
0x121: {  	[sflag:s23] =	ssyncset.done $0x0  }
0x122: {  	s29 =	rddreg [dreg:$0xf];
	[sflag:s23] =	ssyncadd.s32 $0xFFFFF830  }
0x123: {  	[tilespmem:s24], [sflag:$0x1] =	stream.linear.gather [hbm4b:s29+s28], $0x7D0, $0x38;
	[tilespmem:$0x1A000] =	vst v63  }
0x124: {  	_ =	swait.ge [sflag:s23], $0x7D0  }
0x125: {  	[sflag:s23] =	ssyncset.done $0x0  }
0x126: {  	s29 =	simm.s32 $0x0;
	s28 =	simm.s32 $0x40;
	[sflag:s23] =	ssyncadd.s32 $0xFFFFF830  }
.LBB2_18:
0x127: {  	p0 =	sne.s32 s28, $0x1F00;
	v10 =	vld [tilespmem:s29+$0x800];
	_ =	sdelay $0x1  }
0x128: {  	v11 =	vld [tilespmem:s29+$0x0];
	_ =	sdelay $0x2  }
0x129: {  	v10 =	vsub.s32 v10, v0  }
0x12a: {  	v12 =	vmul.u32 $0x500, v10  }
0x12b: {  	v11 =	vadd.s32 v4, v11  }
0x12c: {  	vm0 =	vlt.u32 v10, $0x50;
	v10 =	vadd.s32 v12, v11  }
0x12d: {  	v10 =	vnsel vm0, $0x0, v10  }
.Ltmp8:
0x12e: {  	(pc) =	sbr.rel @p0 .LBB2_18-.Ltmp8, $2  }
0x12f: {  	_ =	sdelay $0x2  }
0x130: {  	s29 =	sshra.s32 s28, $0x2;
	s28 =	sadd.s32 $0x40, s28;
	[tilespmem:v10+s25+$0x0] =	vst.idx.add.f32.msk vm0, v9  }
0x131: {  	v10 =	vld [tilespmem:s29+$0x800];
	_ =	sdelay $0x1  }
0x132: {  	v11 =	vld [tilespmem:s29+$0x0];
	_ =	sdelay $0x2  }
0x133: {  	v10 =	vsub.s32 v10, v0  }
0x134: {  	v12 =	vmul.u32 $0x500, v10  }
0x135: {  	v11 =	vadd.s32 v4, v11  }
0x136: {  	vm0 =	vlt.u32 v10, $0x50;
	v10 =	vadd.s32 v12, v11  }
0x137: {  	v10 =	vnsel vm0, $0x0, v10;
	_ =	sdelay $0x4  }
0x138: {  	s28 =	simm.s32 $0x0;
	s29 =	rddreg [dreg:$0x10];
	[tilespmem:v10+s25+$0x0] =	vst.idx.add.f32.msk vm0, v9  }
0x139: {  	[tilespmem:s28], [sflag:$0x1] =	stream.linear.gather [hbm4b:s29+s28], $0x7D0, $0x38;
	[tilespmem:$0x1A000] =	vst v63  }
0x13a: {  	_ =	swait.ge [sflag:s23], $0x7D0  }
0x13b: {  	[sflag:s23] =	ssyncset.done $0x0  }
0x13c: {  	s29 =	rddreg [dreg:$0x11];
	[sflag:s23] =	ssyncadd.s32 $0xFFFFF830  }
0x13d: {  	[tilespmem:s24], [sflag:$0x1] =	stream.linear.gather [hbm4b:s29+s28], $0x7D0, $0x38;
	[tilespmem:$0x1A000] =	vst v63  }
0x13e: {  	_ =	swait.ge [sflag:s23], $0x7D0  }
0x13f: {  	[sflag:s23] =	ssyncset.done $0x0  }
0x140: {  	s29 =	simm.s32 $0x0;
	s28 =	simm.s32 $0x40;
	[sflag:s23] =	ssyncadd.s32 $0xFFFFF830  }
.LBB2_20:
0x141: {  	p0 =	sne.s32 s28, $0x1F00;
	v10 =	vld [tilespmem:s29+$0x800];
	_ =	sdelay $0x1  }
0x142: {  	v11 =	vld [tilespmem:s29+$0x0];
	_ =	sdelay $0x2  }
0x143: {  	v10 =	vsub.s32 v10, v0  }
0x144: {  	v12 =	vmul.u32 $0x500, v10  }
0x145: {  	v11 =	vadd.s32 v4, v11  }
0x146: {  	vm0 =	vlt.u32 v10, $0x50;
	v10 =	vadd.s32 v12, v11  }
0x147: {  	v10 =	vnsel vm0, $0x0, v10  }
.Ltmp9:
0x148: {  	(pc) =	sbr.rel @p0 .LBB2_20-.Ltmp9, $2  }
0x149: {  	_ =	sdelay $0x2  }
0x14a: {  	s29 =	sshra.s32 s28, $0x2;
	s28 =	sadd.s32 $0x40, s28;
	[tilespmem:v10+s25+$0x0] =	vst.idx.add.f32.msk vm0, v9  }
0x14b: {  	v10 =	vld [tilespmem:s29+$0x800];
	_ =	sdelay $0x1  }
0x14c: {  	v11 =	vld [tilespmem:s29+$0x0];
	_ =	sdelay $0x2  }
0x14d: {  	v10 =	vsub.s32 v10, v0  }
0x14e: {  	v12 =	vmul.u32 $0x500, v10  }
0x14f: {  	v11 =	vadd.s32 v4, v11  }
0x150: {  	vm0 =	vlt.u32 v10, $0x50;
	v10 =	vadd.s32 v12, v11  }
0x151: {  	v10 =	vnsel vm0, $0x0, v10;
	_ =	sdelay $0x4  }
0x152: {  	s28 =	simm.s32 $0x0;
	s29 =	rddreg [dreg:$0x13];
	[tilespmem:v10+s25+$0x0] =	vst.idx.add.f32.msk vm0, v9  }
0x153: {  	[tilespmem:s28], [sflag:$0x1] =	stream.linear.gather [hbm4b:s29+s28], $0x7D0, $0x38;
	[tilespmem:$0x1A000] =	vst v63  }
0x154: {  	_ =	swait.ge [sflag:s23], $0x7D0  }
0x155: {  	[sflag:s23] =	ssyncset.done $0x0  }
0x156: {  	s29 =	rddreg [dreg:$0x14];
	[sflag:s23] =	ssyncadd.s32 $0xFFFFF830  }
0x157: {  	[tilespmem:s24], [sflag:$0x1] =	stream.linear.gather [hbm4b:s29+s28], $0x7D0, $0x38;
	[tilespmem:$0x1A000] =	vst v63  }
0x158: {  	_ =	swait.ge [sflag:s23], $0x7D0  }
0x159: {  	[sflag:s23] =	ssyncset.done $0x0  }
0x15a: {  	s29 =	simm.s32 $0x0;
	s28 =	simm.s32 $0x40;
	[sflag:s23] =	ssyncadd.s32 $0xFFFFF830  }
.LBB2_22:
0x15b: {  	p0 =	sne.s32 s28, $0x1F00;
	v10 =	vld [tilespmem:s29+$0x800];
	_ =	sdelay $0x1  }
0x15c: {  	v11 =	vld [tilespmem:s29+$0x0];
	_ =	sdelay $0x2  }
0x15d: {  	v10 =	vsub.s32 v10, v0  }
0x15e: {  	v12 =	vmul.u32 $0x500, v10  }
0x15f: {  	v11 =	vadd.s32 v4, v11  }
0x160: {  	vm0 =	vlt.u32 v10, $0x50;
	v10 =	vadd.s32 v12, v11  }
0x161: {  	v10 =	vnsel vm0, $0x0, v10  }
.Ltmp10:
0x162: {  	(pc) =	sbr.rel @p0 .LBB2_22-.Ltmp10, $2  }
0x163: {  	_ =	sdelay $0x2  }
0x164: {  	s29 =	sshra.s32 s28, $0x2;
	s28 =	sadd.s32 $0x40, s28;
	[tilespmem:v10+s25+$0x0] =	vst.idx.add.f32.msk vm0, v9  }
0x165: {  	v10 =	vld [tilespmem:s29+$0x800];
	_ =	sdelay $0x1  }
0x166: {  	v11 =	vld [tilespmem:s29+$0x0];
	_ =	sdelay $0x2  }
0x167: {  	v10 =	vsub.s32 v10, v0  }
0x168: {  	v12 =	vmul.u32 $0x500, v10  }
0x169: {  	v11 =	vadd.s32 v4, v11  }
0x16a: {  	vm0 =	vlt.u32 v10, $0x50;
	v10 =	vadd.s32 v12, v11  }
0x16b: {  	v10 =	vnsel vm0, $0x0, v10;
	_ =	sdelay $0x4  }
0x16c: {  	s28 =	simm.s32 $0x0;
	[tilespmem:v10+s25+$0x0] =	vst.idx.add.f32.msk vm0, v9  }
0x16d: {  	[hbm4b:s18+s28] =	stream.linear.scatter [tilespmem:s25], [sflag:$0x1], $0x19000, $0x38;
	[tilespmem:$0x1A000] =	vst v63  }
0x16e: {  	_ =	swait.ge [sflag:s23], $0x19000  }
0x16f: {  	[sflag:s23] =	ssyncset.done $0x0  }
0x170: {  	s29 =	simm.s32 $0x200;
	s28 =	simm.s32 $0x0;
	[sflag:s23] =	ssyncadd.s32 $0xFFFE7000  }
.LBB2_24:
0x171: {  	p0 =	sne.s32 s29, $0x63E00;
	[tilespmem:s28+$0x1070] =	vst v8  }
0x172: {  	[tilespmem:s28+$0x1000] =	vst v8  }
0x173: {  	[tilespmem:s28+$0x1010] =	vst v8  }
.Ltmp11:
0x174: {  	[tilespmem:s28+$0x1020] =	vst v8;
	(pc) =	sbr.rel @p0 .LBB2_24-.Ltmp11, $4  }
0x175: {  	[tilespmem:s28+$0x1030] =	vst v8  }
0x176: {  	[tilespmem:s28+$0x1040] =	vst v8  }
0x177: {  	[tilespmem:s28+$0x1050] =	vst v8  }
0x178: {  	[tilespmem:s28+$0x1060] =	vst v8;
	s28 =	sshra.s32 s29, $0x2;
	s29 =	sadd.s32 $0x200, s29  }
0x179: {  	[tilespmem:s28+$0x1070] =	vst v8  }
0x17a: {  	[tilespmem:s28+$0x1000] =	vst v8  }
0x17b: {  	[tilespmem:s28+$0x1010] =	vst v8  }
0x17c: {  	[tilespmem:s28+$0x1020] =	vst v8  }
0x17d: {  	[tilespmem:s28+$0x1030] =	vst v8  }
0x17e: {  	[tilespmem:s28+$0x1040] =	vst v8;
	s29 =	sld [smem:$0x7E1]  }
0x17f: {  	[tilespmem:s28+$0x1050] =	vst v8  }
0x180: {  	[tilespmem:s28+$0x1060] =	vst v8;
	s28 =	simm.s32 $0x0  }
0x181: {  	[tilespmem:s28], [sflag:$0x1] =	stream.linear.gather [hbm4b:s29+s28], $0x7D0, $0x38;
	[tilespmem:$0x1A000] =	vst v63  }
0x182: {  	_ =	swait.ge [sflag:s23], $0x7D0  }
0x183: {  	s29 =	sld [smem:$0x7E2]  }
0x184: {  	[sflag:s23] =	ssyncset.done $0x0  }
0x185: {  	[sflag:s23] =	ssyncadd.s32 $0xFFFFF830  }
0x186: {  	[tilespmem:s24], [sflag:$0x1] =	stream.linear.gather [hbm4b:s29+s28], $0x7D0, $0x38;
	[tilespmem:$0x1A000] =	vst v63  }
0x187: {  	_ =	swait.ge [sflag:s23], $0x7D0  }
0x188: {  	[sflag:s23] =	ssyncset.done $0x0  }
0x189: {  	s29 =	simm.s32 $0x0;
	s28 =	simm.s32 $0x40;
	[sflag:s23] =	ssyncadd.s32 $0xFFFFF830  }
.LBB2_26:
0x18a: {  	p0 =	sne.s32 s28, $0x1F00;
	v10 =	vld [tilespmem:s29+$0x800];
	_ =	sdelay $0x1  }
0x18b: {  	v11 =	vld [tilespmem:s29+$0x0];
	_ =	sdelay $0x2  }
0x18c: {  	v10 =	vsub.s32 v10, v1  }
0x18d: {  	v12 =	vmul.u32 $0x500, v10  }
0x18e: {  	v11 =	vadd.s32 v5, v11  }
0x18f: {  	vm0 =	vlt.u32 v10, $0x50;
	v10 =	vadd.s32 v12, v11  }
0x190: {  	v10 =	vnsel vm0, $0x0, v10  }
.Ltmp12:
0x191: {  	(pc) =	sbr.rel @p0 .LBB2_26-.Ltmp12, $2  }
0x192: {  	_ =	sdelay $0x2  }
0x193: {  	s29 =	sshra.s32 s28, $0x2;
	s28 =	sadd.s32 $0x40, s28;
	[tilespmem:v10+s25+$0x0] =	vst.idx.add.f32.msk vm0, v9  }
0x194: {  	v10 =	vld [tilespmem:s29+$0x800];
	_ =	sdelay $0x1  }
0x195: {  	v11 =	vld [tilespmem:s29+$0x0];
	_ =	sdelay $0x2  }
0x196: {  	v10 =	vsub.s32 v10, v1  }
0x197: {  	v12 =	vmul.u32 $0x500, v10  }
0x198: {  	v11 =	vadd.s32 v5, v11  }
0x199: {  	vm0 =	vlt.u32 v10, $0x50;
	v10 =	vadd.s32 v12, v11  }
0x19a: {  	v10 =	vnsel vm0, $0x0, v10;
	_ =	sdelay $0x4  }
0x19b: {  	s28 =	simm.s32 $0x0;
	s29 =	rddreg [dreg:$0x15];
	[tilespmem:v10+s25+$0x0] =	vst.idx.add.f32.msk vm0, v9  }
0x19c: {  	[tilespmem:s28], [sflag:$0x1] =	stream.linear.gather [hbm4b:s29+s28], $0x7D0, $0x38;
	[tilespmem:$0x1A000] =	vst v63  }
0x19d: {  	_ =	swait.ge [sflag:s23], $0x7D0  }
0x19e: {  	[sflag:s23] =	ssyncset.done $0x0  }
0x19f: {  	s29 =	rddreg [dreg:$0x16];
	[sflag:s23] =	ssyncadd.s32 $0xFFFFF830  }
0x1a0: {  	[tilespmem:s24], [sflag:$0x1] =	stream.linear.gather [hbm4b:s29+s28], $0x7D0, $0x38;
	[tilespmem:$0x1A000] =	vst v63  }
0x1a1: {  	_ =	swait.ge [sflag:s23], $0x7D0  }
0x1a2: {  	[sflag:s23] =	ssyncset.done $0x0  }
0x1a3: {  	s29 =	simm.s32 $0x0;
	s28 =	simm.s32 $0x40;
	[sflag:s23] =	ssyncadd.s32 $0xFFFFF830  }
.LBB2_28:
0x1a4: {  	p0 =	sne.s32 s28, $0x1F00;
	v10 =	vld [tilespmem:s29+$0x800];
	_ =	sdelay $0x1  }
0x1a5: {  	v11 =	vld [tilespmem:s29+$0x0];
	_ =	sdelay $0x2  }
0x1a6: {  	v10 =	vsub.s32 v10, v1  }
0x1a7: {  	v12 =	vmul.u32 $0x500, v10  }
0x1a8: {  	v11 =	vadd.s32 v5, v11  }
0x1a9: {  	vm0 =	vlt.u32 v10, $0x50;
	v10 =	vadd.s32 v12, v11  }
0x1aa: {  	v10 =	vnsel vm0, $0x0, v10  }
.Ltmp13:
0x1ab: {  	(pc) =	sbr.rel @p0 .LBB2_28-.Ltmp13, $2  }
0x1ac: {  	_ =	sdelay $0x2  }
0x1ad: {  	s29 =	sshra.s32 s28, $0x2;
	s28 =	sadd.s32 $0x40, s28;
	[tilespmem:v10+s25+$0x0] =	vst.idx.add.f32.msk vm0, v9  }
0x1ae: {  	v10 =	vld [tilespmem:s29+$0x800];
	_ =	sdelay $0x1  }
0x1af: {  	v11 =	vld [tilespmem:s29+$0x0];
	_ =	sdelay $0x2  }
0x1b0: {  	v10 =	vsub.s32 v10, v1  }
0x1b1: {  	v12 =	vmul.u32 $0x500, v10  }
0x1b2: {  	v11 =	vadd.s32 v5, v11  }
0x1b3: {  	vm0 =	vlt.u32 v10, $0x50;
	v10 =	vadd.s32 v12, v11  }
0x1b4: {  	v10 =	vnsel vm0, $0x0, v10;
	_ =	sdelay $0x4  }
0x1b5: {  	s28 =	simm.s32 $0x0;
	s29 =	rddreg [dreg:$0x17];
	[tilespmem:v10+s25+$0x0] =	vst.idx.add.f32.msk vm0, v9  }
0x1b6: {  	[tilespmem:s28], [sflag:$0x1] =	stream.linear.gather [hbm4b:s29+s28], $0x7D0, $0x38;
	[tilespmem:$0x1A000] =	vst v63  }
0x1b7: {  	_ =	swait.ge [sflag:s23], $0x7D0  }
0x1b8: {  	[sflag:s23] =	ssyncset.done $0x0  }
0x1b9: {  	s29 =	rddreg [dreg:$0x18];
	[sflag:s23] =	ssyncadd.s32 $0xFFFFF830  }
0x1ba: {  	[tilespmem:s24], [sflag:$0x1] =	stream.linear.gather [hbm4b:s29+s28], $0x7D0, $0x38;
	[tilespmem:$0x1A000] =	vst v63  }
0x1bb: {  	_ =	swait.ge [sflag:s23], $0x7D0  }
0x1bc: {  	[sflag:s23] =	ssyncset.done $0x0  }
0x1bd: {  	s29 =	simm.s32 $0x0;
	s28 =	simm.s32 $0x40;
	[sflag:s23] =	ssyncadd.s32 $0xFFFFF830  }
.LBB2_30:
0x1be: {  	p0 =	sne.s32 s28, $0x1F00;
	v10 =	vld [tilespmem:s29+$0x800];
	_ =	sdelay $0x1  }
0x1bf: {  	v11 =	vld [tilespmem:s29+$0x0];
	_ =	sdelay $0x2  }
0x1c0: {  	v10 =	vsub.s32 v10, v1  }
0x1c1: {  	v12 =	vmul.u32 $0x500, v10  }
0x1c2: {  	v11 =	vadd.s32 v5, v11  }
0x1c3: {  	vm0 =	vlt.u32 v10, $0x50;
	v10 =	vadd.s32 v12, v11  }
0x1c4: {  	v10 =	vnsel vm0, $0x0, v10  }
.Ltmp14:
0x1c5: {  	(pc) =	sbr.rel @p0 .LBB2_30-.Ltmp14, $2  }
0x1c6: {  	_ =	sdelay $0x2  }
0x1c7: {  	s29 =	sshra.s32 s28, $0x2;
	s28 =	sadd.s32 $0x40, s28;
	[tilespmem:v10+s25+$0x0] =	vst.idx.add.f32.msk vm0, v9  }
0x1c8: {  	v10 =	vld [tilespmem:s29+$0x800];
	_ =	sdelay $0x1  }
0x1c9: {  	v11 =	vld [tilespmem:s29+$0x0];
	_ =	sdelay $0x2  }
0x1ca: {  	v10 =	vsub.s32 v10, v1  }
0x1cb: {  	v12 =	vmul.u32 $0x500, v10  }
0x1cc: {  	v11 =	vadd.s32 v5, v11  }
0x1cd: {  	vm0 =	vlt.u32 v10, $0x50;
	v10 =	vadd.s32 v12, v11  }
0x1ce: {  	v10 =	vnsel vm0, $0x0, v10;
	_ =	sdelay $0x4  }
0x1cf: {  	s28 =	simm.s32 $0x0;
	s29 =	rddreg [dreg:$0x19];
	[tilespmem:v10+s25+$0x0] =	vst.idx.add.f32.msk vm0, v9  }
0x1d0: {  	[tilespmem:s28], [sflag:$0x1] =	stream.linear.gather [hbm4b:s29+s28], $0x7D0, $0x38;
	[tilespmem:$0x1A000] =	vst v63  }
0x1d1: {  	_ =	swait.ge [sflag:s23], $0x7D0  }
0x1d2: {  	[sflag:s23] =	ssyncset.done $0x0  }
0x1d3: {  	s29 =	rddreg [dreg:$0x1a];
	[sflag:s23] =	ssyncadd.s32 $0xFFFFF830  }
0x1d4: {  	[tilespmem:s24], [sflag:$0x1] =	stream.linear.gather [hbm4b:s29+s28], $0x7D0, $0x38;
	[tilespmem:$0x1A000] =	vst v63  }
0x1d5: {  	_ =	swait.ge [sflag:s23], $0x7D0  }
0x1d6: {  	[sflag:s23] =	ssyncset.done $0x0  }
0x1d7: {  	s29 =	simm.s32 $0x0;
	s28 =	simm.s32 $0x40;
	[sflag:s23] =	ssyncadd.s32 $0xFFFFF830  }
.LBB2_32:
0x1d8: {  	p0 =	sne.s32 s28, $0x1F00;
	v10 =	vld [tilespmem:s29+$0x800];
	_ =	sdelay $0x1  }
0x1d9: {  	v11 =	vld [tilespmem:s29+$0x0];
	_ =	sdelay $0x2  }
0x1da: {  	v10 =	vsub.s32 v10, v1  }
0x1db: {  	v12 =	vmul.u32 $0x500, v10  }
0x1dc: {  	v11 =	vadd.s32 v5, v11  }
0x1dd: {  	vm0 =	vlt.u32 v10, $0x50;
	v10 =	vadd.s32 v12, v11  }
0x1de: {  	v10 =	vnsel vm0, $0x0, v10  }
.Ltmp15:
0x1df: {  	(pc) =	sbr.rel @p0 .LBB2_32-.Ltmp15, $2  }
0x1e0: {  	_ =	sdelay $0x2  }
0x1e1: {  	s29 =	sshra.s32 s28, $0x2;
	s28 =	sadd.s32 $0x40, s28;
	[tilespmem:v10+s25+$0x0] =	vst.idx.add.f32.msk vm0, v9  }
0x1e2: {  	v10 =	vld [tilespmem:s29+$0x800];
	_ =	sdelay $0x1  }
0x1e3: {  	v11 =	vld [tilespmem:s29+$0x0];
	_ =	sdelay $0x2  }
0x1e4: {  	v10 =	vsub.s32 v10, v1  }
0x1e5: {  	v12 =	vmul.u32 $0x500, v10  }
0x1e6: {  	v11 =	vadd.s32 v5, v11  }
0x1e7: {  	vm0 =	vlt.u32 v10, $0x50;
	v10 =	vadd.s32 v12, v11  }
0x1e8: {  	v10 =	vnsel vm0, $0x0, v10;
	_ =	sdelay $0x4  }
0x1e9: {  	s28 =	simm.s32 $0x0;
	s29 =	rddreg [dreg:$0x1b];
	[tilespmem:v10+s25+$0x0] =	vst.idx.add.f32.msk vm0, v9  }
0x1ea: {  	[tilespmem:s28], [sflag:$0x1] =	stream.linear.gather [hbm4b:s29+s28], $0x7D0, $0x38;
	[tilespmem:$0x1A000] =	vst v63  }
0x1eb: {  	_ =	swait.ge [sflag:s23], $0x7D0  }
0x1ec: {  	[sflag:s23] =	ssyncset.done $0x0  }
0x1ed: {  	s29 =	rddreg [dreg:$0x1c];
	[sflag:s23] =	ssyncadd.s32 $0xFFFFF830  }
0x1ee: {  	[tilespmem:s24], [sflag:$0x1] =	stream.linear.gather [hbm4b:s29+s28], $0x7D0, $0x38;
	[tilespmem:$0x1A000] =	vst v63  }
0x1ef: {  	_ =	swait.ge [sflag:s23], $0x7D0  }
0x1f0: {  	[sflag:s23] =	ssyncset.done $0x0  }
0x1f1: {  	s29 =	simm.s32 $0x0;
	s28 =	simm.s32 $0x40;
	[sflag:s23] =	ssyncadd.s32 $0xFFFFF830  }
.LBB2_34:
0x1f2: {  	p0 =	sne.s32 s28, $0x1F00;
	v10 =	vld [tilespmem:s29+$0x800];
	_ =	sdelay $0x1  }
0x1f3: {  	v11 =	vld [tilespmem:s29+$0x0];
	_ =	sdelay $0x2  }
0x1f4: {  	v10 =	vsub.s32 v10, v1  }
0x1f5: {  	v12 =	vmul.u32 $0x500, v10  }
0x1f6: {  	v11 =	vadd.s32 v5, v11  }
0x1f7: {  	vm0 =	vlt.u32 v10, $0x50;
	v10 =	vadd.s32 v12, v11  }
0x1f8: {  	v10 =	vnsel vm0, $0x0, v10  }
.Ltmp16:
0x1f9: {  	(pc) =	sbr.rel @p0 .LBB2_34-.Ltmp16, $2  }
0x1fa: {  	_ =	sdelay $0x2  }
0x1fb: {  	s29 =	sshra.s32 s28, $0x2;
	s28 =	sadd.s32 $0x40, s28;
	[tilespmem:v10+s25+$0x0] =	vst.idx.add.f32.msk vm0, v9  }
0x1fc: {  	v10 =	vld [tilespmem:s29+$0x800];
	_ =	sdelay $0x1  }
0x1fd: {  	v11 =	vld [tilespmem:s29+$0x0];
	_ =	sdelay $0x2  }
0x1fe: {  	v10 =	vsub.s32 v10, v1  }
0x1ff: {  	v12 =	vmul.u32 $0x500, v10  }
0x200: {  	v11 =	vadd.s32 v5, v11  }
0x201: {  	vm0 =	vlt.u32 v10, $0x50;
	v10 =	vadd.s32 v12, v11  }
0x202: {  	v10 =	vnsel vm0, $0x0, v10;
	_ =	sdelay $0x4  }
0x203: {  	s28 =	simm.s32 $0x0;
	s29 =	rddreg [dreg:$0x1d];
	[tilespmem:v10+s25+$0x0] =	vst.idx.add.f32.msk vm0, v9  }
0x204: {  	[tilespmem:s28], [sflag:$0x1] =	stream.linear.gather [hbm4b:s29+s28], $0x7D0, $0x38;
	[tilespmem:$0x1A000] =	vst v63  }
0x205: {  	_ =	swait.ge [sflag:s23], $0x7D0  }
0x206: {  	[sflag:s23] =	ssyncset.done $0x0  }
0x207: {  	s29 =	rddreg [dreg:$0x1e];
	[sflag:s23] =	ssyncadd.s32 $0xFFFFF830  }
0x208: {  	[tilespmem:s24], [sflag:$0x1] =	stream.linear.gather [hbm4b:s29+s28], $0x7D0, $0x38;
	[tilespmem:$0x1A000] =	vst v63  }
0x209: {  	_ =	swait.ge [sflag:s23], $0x7D0  }
0x20a: {  	[sflag:s23] =	ssyncset.done $0x0  }
0x20b: {  	s29 =	simm.s32 $0x0;
	s28 =	simm.s32 $0x40;
	[sflag:s23] =	ssyncadd.s32 $0xFFFFF830  }
.LBB2_36:
0x20c: {  	p0 =	sne.s32 s28, $0x1F00;
	v10 =	vld [tilespmem:s29+$0x800];
	_ =	sdelay $0x1  }
0x20d: {  	v11 =	vld [tilespmem:s29+$0x0];
	_ =	sdelay $0x2  }
0x20e: {  	v10 =	vsub.s32 v10, v1  }
0x20f: {  	v12 =	vmul.u32 $0x500, v10  }
0x210: {  	v11 =	vadd.s32 v5, v11  }
0x211: {  	vm0 =	vlt.u32 v10, $0x50;
	v10 =	vadd.s32 v12, v11  }
0x212: {  	v10 =	vnsel vm0, $0x0, v10  }
.Ltmp17:
0x213: {  	(pc) =	sbr.rel @p0 .LBB2_36-.Ltmp17, $2  }
0x214: {  	_ =	sdelay $0x2  }
0x215: {  	s29 =	sshra.s32 s28, $0x2;
	s28 =	sadd.s32 $0x40, s28;
	[tilespmem:v10+s25+$0x0] =	vst.idx.add.f32.msk vm0, v9  }
0x216: {  	v10 =	vld [tilespmem:s29+$0x800];
	_ =	sdelay $0x1  }
0x217: {  	v11 =	vld [tilespmem:s29+$0x0];
	_ =	sdelay $0x2  }
0x218: {  	v10 =	vsub.s32 v10, v1  }
0x219: {  	v12 =	vmul.u32 $0x500, v10  }
0x21a: {  	v11 =	vadd.s32 v5, v11  }
0x21b: {  	vm0 =	vlt.u32 v10, $0x50;
	v10 =	vadd.s32 v12, v11  }
0x21c: {  	v10 =	vnsel vm0, $0x0, v10;
	_ =	sdelay $0x4  }
0x21d: {  	s28 =	simm.s32 $0x0;
	s29 =	rddreg [dreg:$0x1f];
	[tilespmem:v10+s25+$0x0] =	vst.idx.add.f32.msk vm0, v9  }
0x21e: {  	[tilespmem:s28], [sflag:$0x1] =	stream.linear.gather [hbm4b:s29+s28], $0x7D0, $0x38;
	[tilespmem:$0x1A000] =	vst v63  }
0x21f: {  	_ =	swait.ge [sflag:s23], $0x7D0  }
0x220: {  	s29 =	sld [smem:$0x7DE]  }
0x221: {  	[sflag:s23] =	ssyncset.done $0x0  }
0x222: {  	[sflag:s23] =	ssyncadd.s32 $0xFFFFF830  }
0x223: {  	[tilespmem:s24], [sflag:$0x1] =	stream.linear.gather [hbm4b:s29+s28], $0x7D0, $0x38;
	[tilespmem:$0x1A000] =	vst v63  }
0x224: {  	_ =	swait.ge [sflag:s23], $0x7D0  }
0x225: {  	[sflag:s23] =	ssyncset.done $0x0  }
0x226: {  	s29 =	simm.s32 $0x0;
	s28 =	simm.s32 $0x40;
	[sflag:s23] =	ssyncadd.s32 $0xFFFFF830  }
.LBB2_38:
0x227: {  	p0 =	sne.s32 s28, $0x1F00;
	v10 =	vld [tilespmem:s29+$0x800];
	_ =	sdelay $0x1  }
0x228: {  	v11 =	vld [tilespmem:s29+$0x0];
	_ =	sdelay $0x2  }
0x229: {  	v10 =	vsub.s32 v10, v1  }
0x22a: {  	v12 =	vmul.u32 $0x500, v10  }
0x22b: {  	v11 =	vadd.s32 v5, v11  }
0x22c: {  	vm0 =	vlt.u32 v10, $0x50;
	v10 =	vadd.s32 v12, v11  }
0x22d: {  	v10 =	vnsel vm0, $0x0, v10  }
.Ltmp18:
0x22e: {  	(pc) =	sbr.rel @p0 .LBB2_38-.Ltmp18, $2  }
0x22f: {  	_ =	sdelay $0x2  }
0x230: {  	s29 =	sshra.s32 s28, $0x2;
	s28 =	sadd.s32 $0x40, s28;
	[tilespmem:v10+s25+$0x0] =	vst.idx.add.f32.msk vm0, v9  }
0x231: {  	v10 =	vld [tilespmem:s29+$0x800];
	_ =	sdelay $0x1  }
0x232: {  	v11 =	vld [tilespmem:s29+$0x0];
	_ =	sdelay $0x2  }
0x233: {  	v10 =	vsub.s32 v10, v1  }
0x234: {  	v12 =	vmul.u32 $0x500, v10  }
0x235: {  	v11 =	vadd.s32 v5, v11  }
0x236: {  	vm0 =	vlt.u32 v10, $0x50;
	v10 =	vadd.s32 v12, v11  }
0x237: {  	v10 =	vnsel vm0, $0x0, v10;
	_ =	sdelay $0x2  }
0x238: {  	s29 =	sld [smem:$0x7DF];
	_ =	sdelay $0x1  }
0x239: {  	s28 =	simm.s32 $0x0;
	[tilespmem:v10+s25+$0x0] =	vst.idx.add.f32.msk vm0, v9  }
0x23a: {  	[tilespmem:s28], [sflag:$0x1] =	stream.linear.gather [hbm4b:s29+s28], $0x7D0, $0x38;
	[tilespmem:$0x1A000] =	vst v63  }
0x23b: {  	_ =	swait.ge [sflag:s23], $0x7D0  }
0x23c: {  	s29 =	sld [smem:$0x7E0]  }
0x23d: {  	[sflag:s23] =	ssyncset.done $0x0  }
0x23e: {  	[sflag:s23] =	ssyncadd.s32 $0xFFFFF830  }
0x23f: {  	[tilespmem:s24], [sflag:$0x1] =	stream.linear.gather [hbm4b:s29+s28], $0x7D0, $0x38;
	[tilespmem:$0x1A000] =	vst v63  }
0x240: {  	_ =	swait.ge [sflag:s23], $0x7D0  }
0x241: {  	[sflag:s23] =	ssyncset.done $0x0  }
0x242: {  	s29 =	simm.s32 $0x0;
	s28 =	simm.s32 $0x40;
	[sflag:s23] =	ssyncadd.s32 $0xFFFFF830  }
.LBB2_40:
0x243: {  	p0 =	sne.s32 s28, $0x1F00;
	v10 =	vld [tilespmem:s29+$0x800];
	_ =	sdelay $0x1  }
0x244: {  	v11 =	vld [tilespmem:s29+$0x0];
	_ =	sdelay $0x2  }
0x245: {  	v10 =	vsub.s32 v10, v1  }
0x246: {  	v12 =	vmul.u32 $0x500, v10  }
0x247: {  	v11 =	vadd.s32 v5, v11  }
0x248: {  	vm0 =	vlt.u32 v10, $0x50;
	v10 =	vadd.s32 v12, v11  }
0x249: {  	v10 =	vnsel vm0, $0x0, v10  }
.Ltmp19:
0x24a: {  	(pc) =	sbr.rel @p0 .LBB2_40-.Ltmp19, $2  }
0x24b: {  	_ =	sdelay $0x2  }
0x24c: {  	s29 =	sshra.s32 s28, $0x2;
	s28 =	sadd.s32 $0x40, s28;
	[tilespmem:v10+s25+$0x0] =	vst.idx.add.f32.msk vm0, v9  }
0x24d: {  	v10 =	vld [tilespmem:s29+$0x800];
	_ =	sdelay $0x1  }
0x24e: {  	v11 =	vld [tilespmem:s29+$0x0];
	_ =	sdelay $0x2  }
0x24f: {  	v10 =	vsub.s32 v10, v1  }
0x250: {  	v12 =	vmul.u32 $0x500, v10  }
0x251: {  	v11 =	vadd.s32 v5, v11  }
0x252: {  	vm0 =	vlt.u32 v10, $0x50;
	v10 =	vadd.s32 v12, v11  }
0x253: {  	v10 =	vnsel vm0, $0x0, v10;
	_ =	sdelay $0x2  }
0x254: {  	s29 =	sld [smem:$0x7E3];
	_ =	sdelay $0x1  }
0x255: {  	s28 =	simm.s32 $0x0;
	[tilespmem:v10+s25+$0x0] =	vst.idx.add.f32.msk vm0, v9  }
0x256: {  	[tilespmem:s28], [sflag:$0x1] =	stream.linear.gather [hbm4b:s29+s28], $0x7D0, $0x38;
	[tilespmem:$0x1A000] =	vst v63  }
0x257: {  	_ =	swait.ge [sflag:s23], $0x7D0  }
0x258: {  	s29 =	sld [smem:$0x7E4]  }
0x259: {  	[sflag:s23] =	ssyncset.done $0x0  }
0x25a: {  	[sflag:s23] =	ssyncadd.s32 $0xFFFFF830  }
0x25b: {  	[tilespmem:s24], [sflag:$0x1] =	stream.linear.gather [hbm4b:s29+s28], $0x7D0, $0x38;
	[tilespmem:$0x1A000] =	vst v63  }
0x25c: {  	_ =	swait.ge [sflag:s23], $0x7D0  }
0x25d: {  	[sflag:s23] =	ssyncset.done $0x0  }
0x25e: {  	s29 =	simm.s32 $0x0;
	s28 =	simm.s32 $0x40;
	[sflag:s23] =	ssyncadd.s32 $0xFFFFF830  }
.LBB2_42:
0x25f: {  	p0 =	sne.s32 s28, $0x1F00;
	v10 =	vld [tilespmem:s29+$0x800];
	_ =	sdelay $0x1  }
0x260: {  	v11 =	vld [tilespmem:s29+$0x0];
	_ =	sdelay $0x2  }
0x261: {  	v10 =	vsub.s32 v10, v1  }
0x262: {  	v12 =	vmul.u32 $0x500, v10  }
0x263: {  	v11 =	vadd.s32 v5, v11  }
0x264: {  	vm0 =	vlt.u32 v10, $0x50;
	v10 =	vadd.s32 v12, v11  }
0x265: {  	v10 =	vnsel vm0, $0x0, v10  }
.Ltmp20:
0x266: {  	(pc) =	sbr.rel @p0 .LBB2_42-.Ltmp20, $2  }
0x267: {  	_ =	sdelay $0x2  }
0x268: {  	s29 =	sshra.s32 s28, $0x2;
	s28 =	sadd.s32 $0x40, s28;
	[tilespmem:v10+s25+$0x0] =	vst.idx.add.f32.msk vm0, v9  }
0x269: {  	v10 =	vld [tilespmem:s29+$0x800];
	_ =	sdelay $0x1  }
0x26a: {  	v11 =	vld [tilespmem:s29+$0x0];
	_ =	sdelay $0x2  }
0x26b: {  	v10 =	vsub.s32 v10, v1  }
0x26c: {  	v12 =	vmul.u32 $0x500, v10  }
0x26d: {  	v11 =	vadd.s32 v5, v11  }
0x26e: {  	vm0 =	vlt.u32 v10, $0x50;
	v10 =	vadd.s32 v12, v11  }
0x26f: {  	v10 =	vnsel vm0, $0x0, v10;
	_ =	sdelay $0x2  }
0x270: {  	s29 =	sld [smem:$0x7E5];
	_ =	sdelay $0x1  }
0x271: {  	s28 =	simm.s32 $0x0;
	[tilespmem:v10+s25+$0x0] =	vst.idx.add.f32.msk vm0, v9  }
0x272: {  	[tilespmem:s28], [sflag:$0x1] =	stream.linear.gather [hbm4b:s29+s28], $0x7D0, $0x38;
	[tilespmem:$0x1A000] =	vst v63  }
0x273: {  	_ =	swait.ge [sflag:s23], $0x7D0  }
0x274: {  	s29 =	sld [smem:$0x7E6]  }
0x275: {  	[sflag:s23] =	ssyncset.done $0x0  }
0x276: {  	[sflag:s23] =	ssyncadd.s32 $0xFFFFF830  }
0x277: {  	[tilespmem:s24], [sflag:$0x1] =	stream.linear.gather [hbm4b:s29+s28], $0x7D0, $0x38;
	[tilespmem:$0x1A000] =	vst v63  }
0x278: {  	_ =	swait.ge [sflag:s23], $0x7D0  }
0x279: {  	[sflag:s23] =	ssyncset.done $0x0  }
0x27a: {  	s29 =	simm.s32 $0x0;
	s28 =	simm.s32 $0x40;
	[sflag:s23] =	ssyncadd.s32 $0xFFFFF830  }
.LBB2_44:
0x27b: {  	p0 =	sne.s32 s28, $0x1F00;
	v10 =	vld [tilespmem:s29+$0x800];
	_ =	sdelay $0x1  }
0x27c: {  	v11 =	vld [tilespmem:s29+$0x0];
	_ =	sdelay $0x2  }
0x27d: {  	v10 =	vsub.s32 v10, v1  }
0x27e: {  	v12 =	vmul.u32 $0x500, v10  }
0x27f: {  	v11 =	vadd.s32 v5, v11  }
0x280: {  	vm0 =	vlt.u32 v10, $0x50;
	v10 =	vadd.s32 v12, v11  }
0x281: {  	v10 =	vnsel vm0, $0x0, v10  }
.Ltmp21:
0x282: {  	(pc) =	sbr.rel @p0 .LBB2_44-.Ltmp21, $2  }
0x283: {  	_ =	sdelay $0x2  }
0x284: {  	s29 =	sshra.s32 s28, $0x2;
	s28 =	sadd.s32 $0x40, s28;
	[tilespmem:v10+s25+$0x0] =	vst.idx.add.f32.msk vm0, v9  }
0x285: {  	v10 =	vld [tilespmem:s29+$0x800];
	_ =	sdelay $0x1  }
0x286: {  	v11 =	vld [tilespmem:s29+$0x0];
	_ =	sdelay $0x2  }
0x287: {  	v10 =	vsub.s32 v10, v1  }
0x288: {  	v12 =	vmul.u32 $0x500, v10  }
0x289: {  	v11 =	vadd.s32 v5, v11  }
0x28a: {  	vm0 =	vlt.u32 v10, $0x50;
	v10 =	vadd.s32 v12, v11  }
0x28b: {  	v10 =	vnsel vm0, $0x0, v10;
	_ =	sdelay $0x4  }
0x28c: {  	s28 =	simm.s32 $0x0;
	[tilespmem:v10+s25+$0x0] =	vst.idx.add.f32.msk vm0, v9  }
0x28d: {  	[hbm4b:s19+s28] =	stream.linear.scatter [tilespmem:s25], [sflag:$0x1], $0x19000, $0x38;
	[tilespmem:$0x1A000] =	vst v63  }
0x28e: {  	_ =	swait.ge [sflag:s23], $0x19000  }
0x28f: {  	[sflag:s23] =	ssyncset.done $0x0  }
0x290: {  	s29 =	simm.s32 $0x200;
	s28 =	simm.s32 $0x0;
	[sflag:s23] =	ssyncadd.s32 $0xFFFE7000  }
.LBB2_46:
0x291: {  	p0 =	sne.s32 s29, $0x63E00;
	[tilespmem:s28+$0x1070] =	vst v8  }
0x292: {  	[tilespmem:s28+$0x1000] =	vst v8  }
0x293: {  	[tilespmem:s28+$0x1010] =	vst v8  }
.Ltmp22:
0x294: {  	[tilespmem:s28+$0x1020] =	vst v8;
	(pc) =	sbr.rel @p0 .LBB2_46-.Ltmp22, $4  }
0x295: {  	[tilespmem:s28+$0x1030] =	vst v8  }
0x296: {  	[tilespmem:s28+$0x1040] =	vst v8  }
0x297: {  	[tilespmem:s28+$0x1050] =	vst v8  }
0x298: {  	[tilespmem:s28+$0x1060] =	vst v8;
	s28 =	sshra.s32 s29, $0x2;
	s29 =	sadd.s32 $0x200, s29  }
0x299: {  	[tilespmem:s28+$0x1070] =	vst v8  }
0x29a: {  	[tilespmem:s28+$0x1000] =	vst v8  }
0x29b: {  	[tilespmem:s28+$0x1010] =	vst v8  }
0x29c: {  	[tilespmem:s28+$0x1020] =	vst v8  }
0x29d: {  	[tilespmem:s28+$0x1030] =	vst v8  }
0x29e: {  	[tilespmem:s28+$0x1040] =	vst v8;
	s29 =	sld [smem:$0x7F5]  }
0x29f: {  	[tilespmem:s28+$0x1050] =	vst v8  }
0x2a0: {  	[tilespmem:s28+$0x1060] =	vst v8;
	s28 =	simm.s32 $0x0  }
0x2a1: {  	[tilespmem:s28], [sflag:$0x1] =	stream.linear.gather [hbm4b:s29+s28], $0x7D0, $0x38;
	[tilespmem:$0x1A000] =	vst v63  }
0x2a2: {  	_ =	swait.ge [sflag:s23], $0x7D0  }
0x2a3: {  	s29 =	sld [smem:$0x7F6]  }
0x2a4: {  	[sflag:s23] =	ssyncset.done $0x0  }
0x2a5: {  	[sflag:s23] =	ssyncadd.s32 $0xFFFFF830  }
0x2a6: {  	[tilespmem:s24], [sflag:$0x1] =	stream.linear.gather [hbm4b:s29+s28], $0x7D0, $0x38;
	[tilespmem:$0x1A000] =	vst v63  }
0x2a7: {  	_ =	swait.ge [sflag:s23], $0x7D0  }
0x2a8: {  	[sflag:s23] =	ssyncset.done $0x0  }
0x2a9: {  	s29 =	simm.s32 $0x0;
	s28 =	simm.s32 $0x40;
	[sflag:s23] =	ssyncadd.s32 $0xFFFFF830  }
.LBB2_48:
0x2aa: {  	p0 =	sne.s32 s28, $0x1F00;
	v10 =	vld [tilespmem:s29+$0x800];
	_ =	sdelay $0x1  }
0x2ab: {  	v11 =	vld [tilespmem:s29+$0x0];
	_ =	sdelay $0x2  }
0x2ac: {  	v10 =	vsub.s32 v10, v2  }
0x2ad: {  	v12 =	vmul.u32 $0x500, v10  }
0x2ae: {  	v11 =	vadd.s32 v6, v11  }
0x2af: {  	vm0 =	vlt.u32 v10, $0x50;
	v10 =	vadd.s32 v12, v11  }
0x2b0: {  	v10 =	vnsel vm0, $0x0, v10  }
.Ltmp23:
0x2b1: {  	(pc) =	sbr.rel @p0 .LBB2_48-.Ltmp23, $2  }
0x2b2: {  	_ =	sdelay $0x2  }
0x2b3: {  	s29 =	sshra.s32 s28, $0x2;
	s28 =	sadd.s32 $0x40, s28;
	[tilespmem:v10+s25+$0x0] =	vst.idx.add.f32.msk vm0, v9  }
0x2b4: {  	v10 =	vld [tilespmem:s29+$0x800];
	_ =	sdelay $0x1  }
0x2b5: {  	v11 =	vld [tilespmem:s29+$0x0];
	_ =	sdelay $0x2  }
0x2b6: {  	v10 =	vsub.s32 v10, v2  }
0x2b7: {  	v12 =	vmul.u32 $0x500, v10  }
0x2b8: {  	v11 =	vadd.s32 v6, v11  }
0x2b9: {  	vm0 =	vlt.u32 v10, $0x50;
	v10 =	vadd.s32 v12, v11  }
0x2ba: {  	v10 =	vnsel vm0, $0x0, v10;
	_ =	sdelay $0x2  }
0x2bb: {  	s29 =	sld [smem:$0x7E7];
	_ =	sdelay $0x1  }
0x2bc: {  	s28 =	simm.s32 $0x0;
	[tilespmem:v10+s25+$0x0] =	vst.idx.add.f32.msk vm0, v9  }
0x2bd: {  	[tilespmem:s28], [sflag:$0x1] =	stream.linear.gather [hbm4b:s29+s28], $0x7D0, $0x38;
	[tilespmem:$0x1A000] =	vst v63  }
0x2be: {  	_ =	swait.ge [sflag:s23], $0x7D0  }
0x2bf: {  	s29 =	sld [smem:$0x7E8]  }
0x2c0: {  	[sflag:s23] =	ssyncset.done $0x0  }
0x2c1: {  	[sflag:s23] =	ssyncadd.s32 $0xFFFFF830  }
0x2c2: {  	[tilespmem:s24], [sflag:$0x1] =	stream.linear.gather [hbm4b:s29+s28], $0x7D0, $0x38;
	[tilespmem:$0x1A000] =	vst v63  }
0x2c3: {  	_ =	swait.ge [sflag:s23], $0x7D0  }
0x2c4: {  	[sflag:s23] =	ssyncset.done $0x0  }
0x2c5: {  	s29 =	simm.s32 $0x0;
	s28 =	simm.s32 $0x40;
	[sflag:s23] =	ssyncadd.s32 $0xFFFFF830  }
.LBB2_50:
0x2c6: {  	p0 =	sne.s32 s28, $0x1F00;
	v10 =	vld [tilespmem:s29+$0x800];
	_ =	sdelay $0x1  }
0x2c7: {  	v11 =	vld [tilespmem:s29+$0x0];
	_ =	sdelay $0x2  }
0x2c8: {  	v10 =	vsub.s32 v10, v2  }
0x2c9: {  	v12 =	vmul.u32 $0x500, v10  }
0x2ca: {  	v11 =	vadd.s32 v6, v11  }
0x2cb: {  	vm0 =	vlt.u32 v10, $0x50;
	v10 =	vadd.s32 v12, v11  }
0x2cc: {  	v10 =	vnsel vm0, $0x0, v10  }
.Ltmp24:
0x2cd: {  	(pc) =	sbr.rel @p0 .LBB2_50-.Ltmp24, $2  }
0x2ce: {  	_ =	sdelay $0x2  }
0x2cf: {  	s29 =	sshra.s32 s28, $0x2;
	s28 =	sadd.s32 $0x40, s28;
	[tilespmem:v10+s25+$0x0] =	vst.idx.add.f32.msk vm0, v9  }
0x2d0: {  	v10 =	vld [tilespmem:s29+$0x800];
	_ =	sdelay $0x1  }
0x2d1: {  	v11 =	vld [tilespmem:s29+$0x0];
	_ =	sdelay $0x2  }
0x2d2: {  	v10 =	vsub.s32 v10, v2  }
0x2d3: {  	v12 =	vmul.u32 $0x500, v10  }
0x2d4: {  	v11 =	vadd.s32 v6, v11  }
0x2d5: {  	vm0 =	vlt.u32 v10, $0x50;
	v10 =	vadd.s32 v12, v11  }
0x2d6: {  	v10 =	vnsel vm0, $0x0, v10;
	_ =	sdelay $0x2  }
0x2d7: {  	s29 =	sld [smem:$0x7E9];
	_ =	sdelay $0x1  }
0x2d8: {  	s28 =	simm.s32 $0x0;
	[tilespmem:v10+s25+$0x0] =	vst.idx.add.f32.msk vm0, v9  }
0x2d9: {  	[tilespmem:s28], [sflag:$0x1] =	stream.linear.gather [hbm4b:s29+s28], $0x7D0, $0x38;
	[tilespmem:$0x1A000] =	vst v63  }
0x2da: {  	_ =	swait.ge [sflag:s23], $0x7D0  }
0x2db: {  	s29 =	sld [smem:$0x7EA]  }
0x2dc: {  	[sflag:s23] =	ssyncset.done $0x0  }
0x2dd: {  	[sflag:s23] =	ssyncadd.s32 $0xFFFFF830  }
0x2de: {  	[tilespmem:s24], [sflag:$0x1] =	stream.linear.gather [hbm4b:s29+s28], $0x7D0, $0x38;
	[tilespmem:$0x1A000] =	vst v63  }
0x2df: {  	_ =	swait.ge [sflag:s23], $0x7D0  }
0x2e0: {  	[sflag:s23] =	ssyncset.done $0x0  }
0x2e1: {  	s29 =	simm.s32 $0x0;
	s28 =	simm.s32 $0x40;
	[sflag:s23] =	ssyncadd.s32 $0xFFFFF830  }
.LBB2_52:
0x2e2: {  	p0 =	sne.s32 s28, $0x1F00;
	v10 =	vld [tilespmem:s29+$0x800];
	_ =	sdelay $0x1  }
0x2e3: {  	v11 =	vld [tilespmem:s29+$0x0];
	_ =	sdelay $0x2  }
0x2e4: {  	v10 =	vsub.s32 v10, v2  }
0x2e5: {  	v12 =	vmul.u32 $0x500, v10  }
0x2e6: {  	v11 =	vadd.s32 v6, v11  }
0x2e7: {  	vm0 =	vlt.u32 v10, $0x50;
	v10 =	vadd.s32 v12, v11  }
0x2e8: {  	v10 =	vnsel vm0, $0x0, v10  }
.Ltmp25:
0x2e9: {  	(pc) =	sbr.rel @p0 .LBB2_52-.Ltmp25, $2  }
0x2ea: {  	_ =	sdelay $0x2  }
0x2eb: {  	s29 =	sshra.s32 s28, $0x2;
	s28 =	sadd.s32 $0x40, s28;
	[tilespmem:v10+s25+$0x0] =	vst.idx.add.f32.msk vm0, v9  }
0x2ec: {  	v10 =	vld [tilespmem:s29+$0x800];
	_ =	sdelay $0x1  }
0x2ed: {  	v11 =	vld [tilespmem:s29+$0x0];
	_ =	sdelay $0x2  }
0x2ee: {  	v10 =	vsub.s32 v10, v2  }
0x2ef: {  	v12 =	vmul.u32 $0x500, v10  }
0x2f0: {  	v11 =	vadd.s32 v6, v11  }
0x2f1: {  	vm0 =	vlt.u32 v10, $0x50;
	v10 =	vadd.s32 v12, v11  }
0x2f2: {  	v10 =	vnsel vm0, $0x0, v10;
	_ =	sdelay $0x2  }
0x2f3: {  	s29 =	sld [smem:$0x7EB];
	_ =	sdelay $0x1  }
0x2f4: {  	s28 =	simm.s32 $0x0;
	[tilespmem:v10+s25+$0x0] =	vst.idx.add.f32.msk vm0, v9  }
0x2f5: {  	[tilespmem:s28], [sflag:$0x1] =	stream.linear.gather [hbm4b:s29+s28], $0x7D0, $0x38;
	[tilespmem:$0x1A000] =	vst v63  }
0x2f6: {  	_ =	swait.ge [sflag:s23], $0x7D0  }
0x2f7: {  	s29 =	sld [smem:$0x7EC]  }
0x2f8: {  	[sflag:s23] =	ssyncset.done $0x0  }
0x2f9: {  	[sflag:s23] =	ssyncadd.s32 $0xFFFFF830  }
0x2fa: {  	[tilespmem:s24], [sflag:$0x1] =	stream.linear.gather [hbm4b:s29+s28], $0x7D0, $0x38;
	[tilespmem:$0x1A000] =	vst v63  }
0x2fb: {  	_ =	swait.ge [sflag:s23], $0x7D0  }
0x2fc: {  	[sflag:s23] =	ssyncset.done $0x0  }
0x2fd: {  	s29 =	simm.s32 $0x0;
	s28 =	simm.s32 $0x40;
	[sflag:s23] =	ssyncadd.s32 $0xFFFFF830  }
.LBB2_54:
0x2fe: {  	p0 =	sne.s32 s28, $0x1F00;
	v10 =	vld [tilespmem:s29+$0x800];
	_ =	sdelay $0x1  }
0x2ff: {  	v11 =	vld [tilespmem:s29+$0x0];
	_ =	sdelay $0x2  }
0x300: {  	v10 =	vsub.s32 v10, v2  }
0x301: {  	v12 =	vmul.u32 $0x500, v10  }
0x302: {  	v11 =	vadd.s32 v6, v11  }
0x303: {  	vm0 =	vlt.u32 v10, $0x50;
	v10 =	vadd.s32 v12, v11  }
0x304: {  	v10 =	vnsel vm0, $0x0, v10  }
.Ltmp26:
0x305: {  	(pc) =	sbr.rel @p0 .LBB2_54-.Ltmp26, $2  }
0x306: {  	_ =	sdelay $0x2  }
0x307: {  	s29 =	sshra.s32 s28, $0x2;
	s28 =	sadd.s32 $0x40, s28;
	[tilespmem:v10+s25+$0x0] =	vst.idx.add.f32.msk vm0, v9  }
0x308: {  	v10 =	vld [tilespmem:s29+$0x800];
	_ =	sdelay $0x1  }
0x309: {  	v11 =	vld [tilespmem:s29+$0x0];
	_ =	sdelay $0x2  }
0x30a: {  	v10 =	vsub.s32 v10, v2  }
0x30b: {  	v12 =	vmul.u32 $0x500, v10  }
0x30c: {  	v11 =	vadd.s32 v6, v11  }
0x30d: {  	vm0 =	vlt.u32 v10, $0x50;
	v10 =	vadd.s32 v12, v11  }
0x30e: {  	v10 =	vnsel vm0, $0x0, v10;
	_ =	sdelay $0x2  }
0x30f: {  	s29 =	sld [smem:$0x7ED];
	_ =	sdelay $0x1  }
0x310: {  	s28 =	simm.s32 $0x0;
	[tilespmem:v10+s25+$0x0] =	vst.idx.add.f32.msk vm0, v9  }
0x311: {  	[tilespmem:s28], [sflag:$0x1] =	stream.linear.gather [hbm4b:s29+s28], $0x7D0, $0x38;
	[tilespmem:$0x1A000] =	vst v63  }
0x312: {  	_ =	swait.ge [sflag:s23], $0x7D0  }
0x313: {  	s29 =	sld [smem:$0x7EE]  }
0x314: {  	[sflag:s23] =	ssyncset.done $0x0  }
0x315: {  	[sflag:s23] =	ssyncadd.s32 $0xFFFFF830  }
0x316: {  	[tilespmem:s24], [sflag:$0x1] =	stream.linear.gather [hbm4b:s29+s28], $0x7D0, $0x38;
	[tilespmem:$0x1A000] =	vst v63  }
0x317: {  	_ =	swait.ge [sflag:s23], $0x7D0  }
0x318: {  	[sflag:s23] =	ssyncset.done $0x0  }
0x319: {  	s29 =	simm.s32 $0x0;
	s28 =	simm.s32 $0x40;
	[sflag:s23] =	ssyncadd.s32 $0xFFFFF830  }
.LBB2_56:
0x31a: {  	p0 =	sne.s32 s28, $0x1F00;
	v10 =	vld [tilespmem:s29+$0x800];
	_ =	sdelay $0x1  }
0x31b: {  	v11 =	vld [tilespmem:s29+$0x0];
	_ =	sdelay $0x2  }
0x31c: {  	v10 =	vsub.s32 v10, v2  }
0x31d: {  	v12 =	vmul.u32 $0x500, v10  }
0x31e: {  	v11 =	vadd.s32 v6, v11  }
0x31f: {  	vm0 =	vlt.u32 v10, $0x50;
	v10 =	vadd.s32 v12, v11  }
0x320: {  	v10 =	vnsel vm0, $0x0, v10  }
.Ltmp27:
0x321: {  	(pc) =	sbr.rel @p0 .LBB2_56-.Ltmp27, $2  }
0x322: {  	_ =	sdelay $0x2  }
0x323: {  	s29 =	sshra.s32 s28, $0x2;
	s28 =	sadd.s32 $0x40, s28;
	[tilespmem:v10+s25+$0x0] =	vst.idx.add.f32.msk vm0, v9  }
0x324: {  	v10 =	vld [tilespmem:s29+$0x800];
	_ =	sdelay $0x1  }
0x325: {  	v11 =	vld [tilespmem:s29+$0x0];
	_ =	sdelay $0x2  }
0x326: {  	v10 =	vsub.s32 v10, v2  }
0x327: {  	v12 =	vmul.u32 $0x500, v10  }
0x328: {  	v11 =	vadd.s32 v6, v11  }
0x329: {  	vm0 =	vlt.u32 v10, $0x50;
	v10 =	vadd.s32 v12, v11  }
0x32a: {  	v10 =	vnsel vm0, $0x0, v10;
	_ =	sdelay $0x2  }
0x32b: {  	s29 =	sld [smem:$0x7EF];
	_ =	sdelay $0x1  }
0x32c: {  	s28 =	simm.s32 $0x0;
	[tilespmem:v10+s25+$0x0] =	vst.idx.add.f32.msk vm0, v9  }
0x32d: {  	[tilespmem:s28], [sflag:$0x1] =	stream.linear.gather [hbm4b:s29+s28], $0x7D0, $0x38;
	[tilespmem:$0x1A000] =	vst v63  }
0x32e: {  	_ =	swait.ge [sflag:s23], $0x7D0  }
0x32f: {  	s29 =	sld [smem:$0x7F0]  }
0x330: {  	[sflag:s23] =	ssyncset.done $0x0  }
0x331: {  	[sflag:s23] =	ssyncadd.s32 $0xFFFFF830  }
0x332: {  	[tilespmem:s24], [sflag:$0x1] =	stream.linear.gather [hbm4b:s29+s28], $0x7D0, $0x38;
	[tilespmem:$0x1A000] =	vst v63  }
0x333: {  	_ =	swait.ge [sflag:s23], $0x7D0  }
0x334: {  	[sflag:s23] =	ssyncset.done $0x0  }
0x335: {  	s29 =	simm.s32 $0x0;
	s28 =	simm.s32 $0x40;
	[sflag:s23] =	ssyncadd.s32 $0xFFFFF830  }
.LBB2_58:
0x336: {  	p0 =	sne.s32 s28, $0x1F00;
	v10 =	vld [tilespmem:s29+$0x800];
	_ =	sdelay $0x1  }
0x337: {  	v11 =	vld [tilespmem:s29+$0x0];
	_ =	sdelay $0x2  }
0x338: {  	v10 =	vsub.s32 v10, v2  }
0x339: {  	v12 =	vmul.u32 $0x500, v10  }
0x33a: {  	v11 =	vadd.s32 v6, v11  }
0x33b: {  	vm0 =	vlt.u32 v10, $0x50;
	v10 =	vadd.s32 v12, v11  }
0x33c: {  	v10 =	vnsel vm0, $0x0, v10  }
.Ltmp28:
0x33d: {  	(pc) =	sbr.rel @p0 .LBB2_58-.Ltmp28, $2  }
0x33e: {  	_ =	sdelay $0x2  }
0x33f: {  	s29 =	sshra.s32 s28, $0x2;
	s28 =	sadd.s32 $0x40, s28;
	[tilespmem:v10+s25+$0x0] =	vst.idx.add.f32.msk vm0, v9  }
0x340: {  	v10 =	vld [tilespmem:s29+$0x800];
	_ =	sdelay $0x1  }
0x341: {  	v11 =	vld [tilespmem:s29+$0x0];
	_ =	sdelay $0x2  }
0x342: {  	v10 =	vsub.s32 v10, v2  }
0x343: {  	v12 =	vmul.u32 $0x500, v10  }
0x344: {  	v11 =	vadd.s32 v6, v11  }
0x345: {  	vm0 =	vlt.u32 v10, $0x50;
	v10 =	vadd.s32 v12, v11  }
0x346: {  	v10 =	vnsel vm0, $0x0, v10;
	_ =	sdelay $0x2  }
0x347: {  	s29 =	sld [smem:$0x7F1];
	_ =	sdelay $0x1  }
0x348: {  	s28 =	simm.s32 $0x0;
	[tilespmem:v10+s25+$0x0] =	vst.idx.add.f32.msk vm0, v9  }
0x349: {  	[tilespmem:s28], [sflag:$0x1] =	stream.linear.gather [hbm4b:s29+s28], $0x7D0, $0x38;
	[tilespmem:$0x1A000] =	vst v63  }
0x34a: {  	_ =	swait.ge [sflag:s23], $0x7D0  }
0x34b: {  	s29 =	sld [smem:$0x7F2]  }
0x34c: {  	[sflag:s23] =	ssyncset.done $0x0  }
0x34d: {  	[sflag:s23] =	ssyncadd.s32 $0xFFFFF830  }
0x34e: {  	[tilespmem:s24], [sflag:$0x1] =	stream.linear.gather [hbm4b:s29+s28], $0x7D0, $0x38;
	[tilespmem:$0x1A000] =	vst v63  }
0x34f: {  	_ =	swait.ge [sflag:s23], $0x7D0  }
0x350: {  	[sflag:s23] =	ssyncset.done $0x0  }
0x351: {  	s29 =	simm.s32 $0x0;
	s28 =	simm.s32 $0x40;
	[sflag:s23] =	ssyncadd.s32 $0xFFFFF830  }
.LBB2_60:
0x352: {  	p0 =	sne.s32 s28, $0x1F00;
	v10 =	vld [tilespmem:s29+$0x800];
	_ =	sdelay $0x1  }
0x353: {  	v11 =	vld [tilespmem:s29+$0x0];
	_ =	sdelay $0x2  }
0x354: {  	v10 =	vsub.s32 v10, v2  }
0x355: {  	v12 =	vmul.u32 $0x500, v10  }
0x356: {  	v11 =	vadd.s32 v6, v11  }
0x357: {  	vm0 =	vlt.u32 v10, $0x50;
	v10 =	vadd.s32 v12, v11  }
0x358: {  	v10 =	vnsel vm0, $0x0, v10  }
.Ltmp29:
0x359: {  	(pc) =	sbr.rel @p0 .LBB2_60-.Ltmp29, $2  }
0x35a: {  	_ =	sdelay $0x2  }
0x35b: {  	s29 =	sshra.s32 s28, $0x2;
	s28 =	sadd.s32 $0x40, s28;
	[tilespmem:v10+s25+$0x0] =	vst.idx.add.f32.msk vm0, v9  }
0x35c: {  	v10 =	vld [tilespmem:s29+$0x800];
	_ =	sdelay $0x1  }
0x35d: {  	v11 =	vld [tilespmem:s29+$0x0];
	_ =	sdelay $0x2  }
0x35e: {  	v10 =	vsub.s32 v10, v2  }
0x35f: {  	v12 =	vmul.u32 $0x500, v10  }
0x360: {  	v11 =	vadd.s32 v6, v11  }
0x361: {  	vm0 =	vlt.u32 v10, $0x50;
	v10 =	vadd.s32 v12, v11  }
0x362: {  	v10 =	vnsel vm0, $0x0, v10;
	_ =	sdelay $0x2  }
0x363: {  	s29 =	sld [smem:$0x7F3];
	_ =	sdelay $0x1  }
0x364: {  	s28 =	simm.s32 $0x0;
	[tilespmem:v10+s25+$0x0] =	vst.idx.add.f32.msk vm0, v9  }
0x365: {  	[tilespmem:s28], [sflag:$0x1] =	stream.linear.gather [hbm4b:s29+s28], $0x7D0, $0x38;
	[tilespmem:$0x1A000] =	vst v63  }
0x366: {  	_ =	swait.ge [sflag:s23], $0x7D0  }
0x367: {  	s29 =	sld [smem:$0x7F4]  }
0x368: {  	[sflag:s23] =	ssyncset.done $0x0  }
0x369: {  	[sflag:s23] =	ssyncadd.s32 $0xFFFFF830  }
0x36a: {  	[tilespmem:s24], [sflag:$0x1] =	stream.linear.gather [hbm4b:s29+s28], $0x7D0, $0x38;
	[tilespmem:$0x1A000] =	vst v63  }
0x36b: {  	_ =	swait.ge [sflag:s23], $0x7D0  }
0x36c: {  	[sflag:s23] =	ssyncset.done $0x0  }
0x36d: {  	s29 =	simm.s32 $0x0;
	s28 =	simm.s32 $0x40;
	[sflag:s23] =	ssyncadd.s32 $0xFFFFF830  }
.LBB2_62:
0x36e: {  	p0 =	sne.s32 s28, $0x1F00;
	v10 =	vld [tilespmem:s29+$0x800];
	_ =	sdelay $0x1  }
0x36f: {  	v11 =	vld [tilespmem:s29+$0x0];
	_ =	sdelay $0x2  }
0x370: {  	v10 =	vsub.s32 v10, v2  }
0x371: {  	v12 =	vmul.u32 $0x500, v10  }
0x372: {  	v11 =	vadd.s32 v6, v11  }
0x373: {  	vm0 =	vlt.u32 v10, $0x50;
	v10 =	vadd.s32 v12, v11  }
0x374: {  	v10 =	vnsel vm0, $0x0, v10  }
.Ltmp30:
0x375: {  	(pc) =	sbr.rel @p0 .LBB2_62-.Ltmp30, $2  }
0x376: {  	_ =	sdelay $0x2  }
0x377: {  	s29 =	sshra.s32 s28, $0x2;
	s28 =	sadd.s32 $0x40, s28;
	[tilespmem:v10+s25+$0x0] =	vst.idx.add.f32.msk vm0, v9  }
0x378: {  	v10 =	vld [tilespmem:s29+$0x800];
	_ =	sdelay $0x1  }
0x379: {  	v11 =	vld [tilespmem:s29+$0x0];
	_ =	sdelay $0x2  }
0x37a: {  	v10 =	vsub.s32 v10, v2  }
0x37b: {  	v12 =	vmul.u32 $0x500, v10  }
0x37c: {  	v11 =	vadd.s32 v6, v11  }
0x37d: {  	vm0 =	vlt.u32 v10, $0x50;
	v10 =	vadd.s32 v12, v11  }
0x37e: {  	v10 =	vnsel vm0, $0x0, v10;
	_ =	sdelay $0x2  }
0x37f: {  	s29 =	sld [smem:$0x7F7];
	_ =	sdelay $0x1  }
0x380: {  	s28 =	simm.s32 $0x0;
	[tilespmem:v10+s25+$0x0] =	vst.idx.add.f32.msk vm0, v9  }
0x381: {  	[tilespmem:s28], [sflag:$0x1] =	stream.linear.gather [hbm4b:s29+s28], $0x7D0, $0x38;
	[tilespmem:$0x1A000] =	vst v63  }
0x382: {  	_ =	swait.ge [sflag:s23], $0x7D0  }
0x383: {  	s29 =	sld [smem:$0x7F8]  }
0x384: {  	[sflag:s23] =	ssyncset.done $0x0  }
0x385: {  	[sflag:s23] =	ssyncadd.s32 $0xFFFFF830  }
0x386: {  	[tilespmem:s24], [sflag:$0x1] =	stream.linear.gather [hbm4b:s29+s28], $0x7D0, $0x38;
	[tilespmem:$0x1A000] =	vst v63  }
0x387: {  	_ =	swait.ge [sflag:s23], $0x7D0  }
0x388: {  	[sflag:s23] =	ssyncset.done $0x0  }
0x389: {  	s29 =	simm.s32 $0x0;
	s28 =	simm.s32 $0x40;
	[sflag:s23] =	ssyncadd.s32 $0xFFFFF830  }
.LBB2_64:
0x38a: {  	p0 =	sne.s32 s28, $0x1F00;
	v10 =	vld [tilespmem:s29+$0x800];
	_ =	sdelay $0x1  }
0x38b: {  	v11 =	vld [tilespmem:s29+$0x0];
	_ =	sdelay $0x2  }
0x38c: {  	v10 =	vsub.s32 v10, v2  }
0x38d: {  	v12 =	vmul.u32 $0x500, v10  }
0x38e: {  	v11 =	vadd.s32 v6, v11  }
0x38f: {  	vm0 =	vlt.u32 v10, $0x50;
	v10 =	vadd.s32 v12, v11  }
0x390: {  	v10 =	vnsel vm0, $0x0, v10  }
.Ltmp31:
0x391: {  	(pc) =	sbr.rel @p0 .LBB2_64-.Ltmp31, $2  }
0x392: {  	_ =	sdelay $0x2  }
0x393: {  	s29 =	sshra.s32 s28, $0x2;
	s28 =	sadd.s32 $0x40, s28;
	[tilespmem:v10+s25+$0x0] =	vst.idx.add.f32.msk vm0, v9  }
0x394: {  	v10 =	vld [tilespmem:s29+$0x800];
	_ =	sdelay $0x1  }
0x395: {  	v11 =	vld [tilespmem:s29+$0x0];
	_ =	sdelay $0x2  }
0x396: {  	v10 =	vsub.s32 v10, v2  }
0x397: {  	v12 =	vmul.u32 $0x500, v10  }
0x398: {  	v11 =	vadd.s32 v6, v11  }
0x399: {  	vm0 =	vlt.u32 v10, $0x50;
	v10 =	vadd.s32 v12, v11  }
0x39a: {  	v10 =	vnsel vm0, $0x0, v10;
	_ =	sdelay $0x2  }
0x39b: {  	s29 =	sld [smem:$0x7F9];
	_ =	sdelay $0x1  }
0x39c: {  	s28 =	simm.s32 $0x0;
	[tilespmem:v10+s25+$0x0] =	vst.idx.add.f32.msk vm0, v9  }
0x39d: {  	[tilespmem:s28], [sflag:$0x1] =	stream.linear.gather [hbm4b:s29+s28], $0x7D0, $0x38;
	[tilespmem:$0x1A000] =	vst v63  }
0x39e: {  	_ =	swait.ge [sflag:s23], $0x7D0  }
0x39f: {  	s29 =	sld [smem:$0x7FA]  }
0x3a0: {  	[sflag:s23] =	ssyncset.done $0x0  }
0x3a1: {  	[sflag:s23] =	ssyncadd.s32 $0xFFFFF830  }
0x3a2: {  	[tilespmem:s24], [sflag:$0x1] =	stream.linear.gather [hbm4b:s29+s28], $0x7D0, $0x38;
	[tilespmem:$0x1A000] =	vst v63  }
0x3a3: {  	_ =	swait.ge [sflag:s23], $0x7D0  }
0x3a4: {  	[sflag:s23] =	ssyncset.done $0x0  }
0x3a5: {  	s29 =	simm.s32 $0x0;
	s28 =	simm.s32 $0x40;
	[sflag:s23] =	ssyncadd.s32 $0xFFFFF830  }
.LBB2_66:
0x3a6: {  	p0 =	sne.s32 s28, $0x1F00;
	v10 =	vld [tilespmem:s29+$0x800];
	_ =	sdelay $0x1  }
0x3a7: {  	v11 =	vld [tilespmem:s29+$0x0];
	_ =	sdelay $0x2  }
0x3a8: {  	v10 =	vsub.s32 v10, v2  }
0x3a9: {  	v12 =	vmul.u32 $0x500, v10  }
0x3aa: {  	v11 =	vadd.s32 v6, v11  }
0x3ab: {  	vm0 =	vlt.u32 v10, $0x50;
	v10 =	vadd.s32 v12, v11  }
0x3ac: {  	v10 =	vnsel vm0, $0x0, v10  }
.Ltmp32:
0x3ad: {  	(pc) =	sbr.rel @p0 .LBB2_66-.Ltmp32, $2  }
0x3ae: {  	_ =	sdelay $0x2  }
0x3af: {  	s29 =	sshra.s32 s28, $0x2;
	s28 =	sadd.s32 $0x40, s28;
	[tilespmem:v10+s25+$0x0] =	vst.idx.add.f32.msk vm0, v9  }
0x3b0: {  	v10 =	vld [tilespmem:s29+$0x800];
	_ =	sdelay $0x1  }
0x3b1: {  	v11 =	vld [tilespmem:s29+$0x0];
	_ =	sdelay $0x2  }
0x3b2: {  	v10 =	vsub.s32 v10, v2  }
0x3b3: {  	v12 =	vmul.u32 $0x500, v10  }
0x3b4: {  	v11 =	vadd.s32 v6, v11  }
0x3b5: {  	vm0 =	vlt.u32 v10, $0x50;
	v10 =	vadd.s32 v12, v11  }
0x3b6: {  	v10 =	vnsel vm0, $0x0, v10;
	_ =	sdelay $0x4  }
0x3b7: {  	s28 =	simm.s32 $0x0;
	[tilespmem:v10+s25+$0x0] =	vst.idx.add.f32.msk vm0, v9  }
0x3b8: {  	[hbm4b:s20+s28] =	stream.linear.scatter [tilespmem:s25], [sflag:$0x1], $0x19000, $0x38;
	[tilespmem:$0x1A000] =	vst v63  }
0x3b9: {  	_ =	swait.ge [sflag:s23], $0x19000  }
0x3ba: {  	[sflag:s23] =	ssyncset.done $0x0  }
0x3bb: {  	s29 =	simm.s32 $0x200;
	s28 =	simm.s32 $0x0;
	[sflag:s23] =	ssyncadd.s32 $0xFFFE7000  }
.LBB2_68:
0x3bc: {  	p0 =	sne.s32 s29, $0x63E00;
	[tilespmem:s28+$0x1070] =	vst v8  }
0x3bd: {  	[tilespmem:s28+$0x1000] =	vst v8  }
0x3be: {  	[tilespmem:s28+$0x1010] =	vst v8  }
.Ltmp33:
0x3bf: {  	[tilespmem:s28+$0x1020] =	vst v8;
	(pc) =	sbr.rel @p0 .LBB2_68-.Ltmp33, $4  }
0x3c0: {  	[tilespmem:s28+$0x1030] =	vst v8  }
0x3c1: {  	[tilespmem:s28+$0x1040] =	vst v8  }
0x3c2: {  	[tilespmem:s28+$0x1050] =	vst v8  }
0x3c3: {  	[tilespmem:s28+$0x1060] =	vst v8;
	s28 =	sshra.s32 s29, $0x2;
	s29 =	sadd.s32 $0x200, s29  }
0x3c4: {  	[tilespmem:s28+$0x1070] =	vst v8  }
0x3c5: {  	[tilespmem:s28+$0x1000] =	vst v8  }
0x3c6: {  	[tilespmem:s28+$0x1010] =	vst v8  }
0x3c7: {  	[tilespmem:s28+$0x1020] =	vst v8  }
0x3c8: {  	[tilespmem:s28+$0x1030] =	vst v8  }
0x3c9: {  	[tilespmem:s28+$0x1040] =	vst v8  }
0x3ca: {  	[tilespmem:s28+$0x1050] =	vst v8  }
0x3cb: {  	[tilespmem:s28+$0x1060] =	vst v8;
	s28 =	simm.s32 $0x0  }
0x3cc: {  	[tilespmem:s28], [sflag:$0x1] =	stream.linear.gather [hbm4b:s7+s28], $0x7D0, $0x38;
	[tilespmem:$0x1A000] =	vst v63  }
0x3cd: {  	_ =	swait.ge [sflag:s23], $0x7D0  }
0x3ce: {  	[sflag:s23] =	ssyncset.done $0x0  }
0x3cf: {  	[sflag:s23] =	ssyncadd.s32 $0xFFFFF830  }
0x3d0: {  	[tilespmem:s24], [sflag:$0x1] =	stream.linear.gather [hbm4b:s1+s28], $0x7D0, $0x38;
	[tilespmem:$0x1A000] =	vst v63  }
0x3d1: {  	_ =	swait.ge [sflag:s23], $0x7D0  }
0x3d2: {  	[sflag:s23] =	ssyncset.done $0x0  }
0x3d3: {  	s29 =	simm.s32 $0x0;
	s28 =	simm.s32 $0x40;
	[sflag:s23] =	ssyncadd.s32 $0xFFFFF830  }
.LBB2_70:
0x3d4: {  	p0 =	sne.s32 s28, $0x1F00;
	v10 =	vld [tilespmem:s29+$0x800];
	_ =	sdelay $0x1  }
0x3d5: {  	v11 =	vld [tilespmem:s29+$0x0];
	_ =	sdelay $0x2  }
0x3d6: {  	v10 =	vsub.s32 v10, v3  }
0x3d7: {  	v12 =	vmul.u32 $0x500, v10  }
0x3d8: {  	v11 =	vadd.s32 v7, v11  }
0x3d9: {  	vm0 =	vlt.u32 v10, $0x50;
	v10 =	vadd.s32 v12, v11  }
0x3da: {  	v10 =	vnsel vm0, $0x0, v10  }
.Ltmp34:
0x3db: {  	(pc) =	sbr.rel @p0 .LBB2_70-.Ltmp34, $2  }
0x3dc: {  	_ =	sdelay $0x2  }
0x3dd: {  	s29 =	sshra.s32 s28, $0x2;
	s28 =	sadd.s32 $0x40, s28;
	[tilespmem:v10+s25+$0x0] =	vst.idx.add.f32.msk vm0, v9  }
0x3de: {  	v10 =	vld [tilespmem:s29+$0x800];
	_ =	sdelay $0x1  }
0x3df: {  	v11 =	vld [tilespmem:s29+$0x0];
	_ =	sdelay $0x2  }
0x3e0: {  	v10 =	vsub.s32 v10, v3  }
0x3e1: {  	v12 =	vmul.u32 $0x500, v10  }
0x3e2: {  	v11 =	vadd.s32 v7, v11  }
0x3e3: {  	vm0 =	vlt.u32 v10, $0x50;
	v10 =	vadd.s32 v12, v11  }
0x3e4: {  	v10 =	vnsel vm0, $0x0, v10;
	_ =	sdelay $0x2  }
0x3e5: {  	s29 =	sld [smem:$0x7FB];
	_ =	sdelay $0x1  }
0x3e6: {  	s28 =	simm.s32 $0x0;
	[tilespmem:v10+s25+$0x0] =	vst.idx.add.f32.msk vm0, v9  }
0x3e7: {  	[tilespmem:s28], [sflag:$0x1] =	stream.linear.gather [hbm4b:s29+s28], $0x7D0, $0x38;
	[tilespmem:$0x1A000] =	vst v63  }
0x3e8: {  	_ =	swait.ge [sflag:s23], $0x7D0  }
0x3e9: {  	[sflag:s23] =	ssyncset.done $0x0  }
0x3ea: {  	[sflag:s23] =	ssyncadd.s32 $0xFFFFF830  }
0x3eb: {  	[tilespmem:s24], [sflag:$0x1] =	stream.linear.gather [hbm4b:s31+s28], $0x7D0, $0x38;
	[tilespmem:$0x1A000] =	vst v63  }
0x3ec: {  	_ =	swait.ge [sflag:s23], $0x7D0  }
0x3ed: {  	[sflag:s23] =	ssyncset.done $0x0  }
0x3ee: {  	s29 =	simm.s32 $0x0;
	s28 =	simm.s32 $0x40;
	[sflag:s23] =	ssyncadd.s32 $0xFFFFF830  }
.LBB2_72:
0x3ef: {  	p0 =	sne.s32 s28, $0x1F00;
	v10 =	vld [tilespmem:s29+$0x800];
	_ =	sdelay $0x1  }
0x3f0: {  	v11 =	vld [tilespmem:s29+$0x0];
	_ =	sdelay $0x2  }
0x3f1: {  	v10 =	vsub.s32 v10, v3  }
0x3f2: {  	v12 =	vmul.u32 $0x500, v10  }
0x3f3: {  	v11 =	vadd.s32 v7, v11  }
0x3f4: {  	vm0 =	vlt.u32 v10, $0x50;
	v10 =	vadd.s32 v12, v11  }
0x3f5: {  	v10 =	vnsel vm0, $0x0, v10  }
.Ltmp35:
0x3f6: {  	(pc) =	sbr.rel @p0 .LBB2_72-.Ltmp35, $2  }
0x3f7: {  	_ =	sdelay $0x2  }
0x3f8: {  	s29 =	sshra.s32 s28, $0x2;
	s28 =	sadd.s32 $0x40, s28;
	[tilespmem:v10+s25+$0x0] =	vst.idx.add.f32.msk vm0, v9  }
0x3f9: {  	v10 =	vld [tilespmem:s29+$0x800];
	_ =	sdelay $0x1  }
0x3fa: {  	v11 =	vld [tilespmem:s29+$0x0];
	_ =	sdelay $0x2  }
0x3fb: {  	v10 =	vsub.s32 v10, v3  }
0x3fc: {  	v12 =	vmul.u32 $0x500, v10  }
0x3fd: {  	v11 =	vadd.s32 v7, v11  }
0x3fe: {  	vm0 =	vlt.u32 v10, $0x50;
	v10 =	vadd.s32 v12, v11  }
0x3ff: {  	v10 =	vnsel vm0, $0x0, v10;
	_ =	sdelay $0x4  }
0x400: {  	s28 =	simm.s32 $0x0;
	[tilespmem:v10+s25+$0x0] =	vst.idx.add.f32.msk vm0, v9  }
0x401: {  	[tilespmem:s28], [sflag:$0x1] =	stream.linear.gather [hbm4b:s0+s28], $0x7D0, $0x38;
	[tilespmem:$0x1A000] =	vst v63  }
0x402: {  	_ =	swait.ge [sflag:s23], $0x7D0  }
0x403: {  	[sflag:s23] =	ssyncset.done $0x0  }
0x404: {  	[sflag:s23] =	ssyncadd.s32 $0xFFFFF830  }
0x405: {  	[tilespmem:s24], [sflag:$0x1] =	stream.linear.gather [hbm4b:s2+s28], $0x7D0, $0x38;
	[tilespmem:$0x1A000] =	vst v63  }
0x406: {  	_ =	swait.ge [sflag:s23], $0x7D0  }
0x407: {  	[sflag:s23] =	ssyncset.done $0x0  }
0x408: {  	s29 =	simm.s32 $0x0;
	s28 =	simm.s32 $0x40;
	[sflag:s23] =	ssyncadd.s32 $0xFFFFF830  }
.LBB2_74:
0x409: {  	p0 =	sne.s32 s28, $0x1F00;
	v10 =	vld [tilespmem:s29+$0x800];
	_ =	sdelay $0x1  }
0x40a: {  	v11 =	vld [tilespmem:s29+$0x0];
	_ =	sdelay $0x2  }
0x40b: {  	v10 =	vsub.s32 v10, v3  }
0x40c: {  	v12 =	vmul.u32 $0x500, v10  }
0x40d: {  	v11 =	vadd.s32 v7, v11  }
0x40e: {  	vm0 =	vlt.u32 v10, $0x50;
	v10 =	vadd.s32 v12, v11  }
0x40f: {  	v10 =	vnsel vm0, $0x0, v10  }
.Ltmp36:
0x410: {  	(pc) =	sbr.rel @p0 .LBB2_74-.Ltmp36, $2  }
0x411: {  	_ =	sdelay $0x2  }
0x412: {  	s29 =	sshra.s32 s28, $0x2;
	s28 =	sadd.s32 $0x40, s28;
	[tilespmem:v10+s25+$0x0] =	vst.idx.add.f32.msk vm0, v9  }
0x413: {  	v10 =	vld [tilespmem:s29+$0x800];
	_ =	sdelay $0x1  }
0x414: {  	v11 =	vld [tilespmem:s29+$0x0];
	_ =	sdelay $0x2  }
0x415: {  	v10 =	vsub.s32 v10, v3  }
0x416: {  	v12 =	vmul.u32 $0x500, v10  }
0x417: {  	v11 =	vadd.s32 v7, v11  }
0x418: {  	vm0 =	vlt.u32 v10, $0x50;
	v10 =	vadd.s32 v12, v11  }
0x419: {  	v10 =	vnsel vm0, $0x0, v10;
	_ =	sdelay $0x4  }
0x41a: {  	s28 =	simm.s32 $0x0;
	[tilespmem:v10+s25+$0x0] =	vst.idx.add.f32.msk vm0, v9  }
0x41b: {  	[tilespmem:s28], [sflag:$0x1] =	stream.linear.gather [hbm4b:s4+s28], $0x7D0, $0x38;
	[tilespmem:$0x1A000] =	vst v63  }
0x41c: {  	_ =	swait.ge [sflag:s23], $0x7D0  }
0x41d: {  	[sflag:s23] =	ssyncset.done $0x0  }
0x41e: {  	[sflag:s23] =	ssyncadd.s32 $0xFFFFF830  }
0x41f: {  	[tilespmem:s24], [sflag:$0x1] =	stream.linear.gather [hbm4b:s6+s28], $0x7D0, $0x38;
	[tilespmem:$0x1A000] =	vst v63  }
0x420: {  	_ =	swait.ge [sflag:s23], $0x7D0  }
0x421: {  	[sflag:s23] =	ssyncset.done $0x0  }
0x422: {  	s29 =	simm.s32 $0x0;
	s28 =	simm.s32 $0x40;
	[sflag:s23] =	ssyncadd.s32 $0xFFFFF830  }
.LBB2_76:
0x423: {  	p0 =	sne.s32 s28, $0x1F00;
	v10 =	vld [tilespmem:s29+$0x800];
	_ =	sdelay $0x1  }
0x424: {  	v11 =	vld [tilespmem:s29+$0x0];
	_ =	sdelay $0x2  }
0x425: {  	v10 =	vsub.s32 v10, v3  }
0x426: {  	v12 =	vmul.u32 $0x500, v10  }
0x427: {  	v11 =	vadd.s32 v7, v11  }
0x428: {  	vm0 =	vlt.u32 v10, $0x50;
	v10 =	vadd.s32 v12, v11  }
0x429: {  	v10 =	vnsel vm0, $0x0, v10  }
.Ltmp37:
0x42a: {  	(pc) =	sbr.rel @p0 .LBB2_76-.Ltmp37, $2  }
0x42b: {  	_ =	sdelay $0x2  }
0x42c: {  	s29 =	sshra.s32 s28, $0x2;
	s28 =	sadd.s32 $0x40, s28;
	[tilespmem:v10+s25+$0x0] =	vst.idx.add.f32.msk vm0, v9  }
0x42d: {  	v10 =	vld [tilespmem:s29+$0x800];
	_ =	sdelay $0x1  }
0x42e: {  	v11 =	vld [tilespmem:s29+$0x0];
	_ =	sdelay $0x2  }
0x42f: {  	v10 =	vsub.s32 v10, v3  }
0x430: {  	v12 =	vmul.u32 $0x500, v10  }
0x431: {  	v11 =	vadd.s32 v7, v11  }
0x432: {  	vm0 =	vlt.u32 v10, $0x50;
	v10 =	vadd.s32 v12, v11  }
0x433: {  	v10 =	vnsel vm0, $0x0, v10;
	_ =	sdelay $0x4  }
0x434: {  	s28 =	simm.s32 $0x0;
	[tilespmem:v10+s25+$0x0] =	vst.idx.add.f32.msk vm0, v9  }
0x435: {  	[tilespmem:s28], [sflag:$0x1] =	stream.linear.gather [hbm4b:s8+s28], $0x7D0, $0x38;
	[tilespmem:$0x1A000] =	vst v63  }
0x436: {  	_ =	swait.ge [sflag:s23], $0x7D0  }
0x437: {  	[sflag:s23] =	ssyncset.done $0x0  }
0x438: {  	[sflag:s23] =	ssyncadd.s32 $0xFFFFF830  }
0x439: {  	[tilespmem:s24], [sflag:$0x1] =	stream.linear.gather [hbm4b:s10+s28], $0x7D0, $0x38;
	[tilespmem:$0x1A000] =	vst v63  }
0x43a: {  	_ =	swait.ge [sflag:s23], $0x7D0  }
0x43b: {  	[sflag:s23] =	ssyncset.done $0x0  }
0x43c: {  	s29 =	simm.s32 $0x0;
	s28 =	simm.s32 $0x40;
	[sflag:s23] =	ssyncadd.s32 $0xFFFFF830  }
.LBB2_78:
0x43d: {  	p0 =	sne.s32 s28, $0x1F00;
	v10 =	vld [tilespmem:s29+$0x800];
	_ =	sdelay $0x1  }
0x43e: {  	v11 =	vld [tilespmem:s29+$0x0];
	_ =	sdelay $0x2  }
0x43f: {  	v10 =	vsub.s32 v10, v3  }
0x440: {  	v12 =	vmul.u32 $0x500, v10  }
0x441: {  	v11 =	vadd.s32 v7, v11  }
0x442: {  	vm0 =	vlt.u32 v10, $0x50;
	v10 =	vadd.s32 v12, v11  }
0x443: {  	v10 =	vnsel vm0, $0x0, v10  }
.Ltmp38:
0x444: {  	(pc) =	sbr.rel @p0 .LBB2_78-.Ltmp38, $2  }
0x445: {  	_ =	sdelay $0x2  }
0x446: {  	s29 =	sshra.s32 s28, $0x2;
	s28 =	sadd.s32 $0x40, s28;
	[tilespmem:v10+s25+$0x0] =	vst.idx.add.f32.msk vm0, v9  }
0x447: {  	v10 =	vld [tilespmem:s29+$0x800];
	_ =	sdelay $0x1  }
0x448: {  	v11 =	vld [tilespmem:s29+$0x0];
	_ =	sdelay $0x2  }
0x449: {  	v10 =	vsub.s32 v10, v3  }
0x44a: {  	v12 =	vmul.u32 $0x500, v10  }
0x44b: {  	v11 =	vadd.s32 v7, v11  }
0x44c: {  	vm0 =	vlt.u32 v10, $0x50;
	v10 =	vadd.s32 v12, v11  }
0x44d: {  	v10 =	vnsel vm0, $0x0, v10;
	_ =	sdelay $0x4  }
0x44e: {  	s28 =	simm.s32 $0x0;
	[tilespmem:v10+s25+$0x0] =	vst.idx.add.f32.msk vm0, v9  }
0x44f: {  	[tilespmem:s28], [sflag:$0x1] =	stream.linear.gather [hbm4b:s12+s28], $0x7D0, $0x38;
	[tilespmem:$0x1A000] =	vst v63  }
0x450: {  	_ =	swait.ge [sflag:s23], $0x7D0  }
0x451: {  	[sflag:s23] =	ssyncset.done $0x0  }
0x452: {  	[sflag:s23] =	ssyncadd.s32 $0xFFFFF830  }
0x453: {  	[tilespmem:s24], [sflag:$0x1] =	stream.linear.gather [hbm4b:s14+s28], $0x7D0, $0x38;
	[tilespmem:$0x1A000] =	vst v63  }
0x454: {  	_ =	swait.ge [sflag:s23], $0x7D0  }
0x455: {  	[sflag:s23] =	ssyncset.done $0x0  }
0x456: {  	s29 =	simm.s32 $0x0;
	s28 =	simm.s32 $0x40;
	[sflag:s23] =	ssyncadd.s32 $0xFFFFF830  }
.LBB2_80:
0x457: {  	p0 =	sne.s32 s28, $0x1F00;
	v10 =	vld [tilespmem:s29+$0x800];
	_ =	sdelay $0x1  }
0x458: {  	v11 =	vld [tilespmem:s29+$0x0];
	_ =	sdelay $0x2  }
0x459: {  	v10 =	vsub.s32 v10, v3  }
0x45a: {  	v12 =	vmul.u32 $0x500, v10  }
0x45b: {  	v11 =	vadd.s32 v7, v11  }
0x45c: {  	vm0 =	vlt.u32 v10, $0x50;
	v10 =	vadd.s32 v12, v11  }
0x45d: {  	v10 =	vnsel vm0, $0x0, v10  }
.Ltmp39:
0x45e: {  	(pc) =	sbr.rel @p0 .LBB2_80-.Ltmp39, $2  }
0x45f: {  	_ =	sdelay $0x2  }
0x460: {  	s29 =	sshra.s32 s28, $0x2;
	s28 =	sadd.s32 $0x40, s28;
	[tilespmem:v10+s25+$0x0] =	vst.idx.add.f32.msk vm0, v9  }
0x461: {  	v10 =	vld [tilespmem:s29+$0x800];
	_ =	sdelay $0x1  }
0x462: {  	v11 =	vld [tilespmem:s29+$0x0];
	_ =	sdelay $0x2  }
0x463: {  	v10 =	vsub.s32 v10, v3  }
0x464: {  	v12 =	vmul.u32 $0x500, v10  }
0x465: {  	v11 =	vadd.s32 v7, v11  }
0x466: {  	vm0 =	vlt.u32 v10, $0x50;
	v10 =	vadd.s32 v12, v11  }
0x467: {  	v10 =	vnsel vm0, $0x0, v10;
	_ =	sdelay $0x4  }
0x468: {  	s28 =	simm.s32 $0x0;
	[tilespmem:v10+s25+$0x0] =	vst.idx.add.f32.msk vm0, v9  }
0x469: {  	[tilespmem:s28], [sflag:$0x1] =	stream.linear.gather [hbm4b:s15+s28], $0x7D0, $0x38;
	[tilespmem:$0x1A000] =	vst v63  }
0x46a: {  	_ =	swait.ge [sflag:s23], $0x7D0  }
0x46b: {  	[sflag:s23] =	ssyncset.done $0x0  }
0x46c: {  	[sflag:s23] =	ssyncadd.s32 $0xFFFFF830  }
0x46d: {  	[tilespmem:s24], [sflag:$0x1] =	stream.linear.gather [hbm4b:s9+s28], $0x7D0, $0x38;
	[tilespmem:$0x1A000] =	vst v63  }
0x46e: {  	_ =	swait.ge [sflag:s23], $0x7D0  }
0x46f: {  	[sflag:s23] =	ssyncset.done $0x0  }
0x470: {  	s29 =	simm.s32 $0x0;
	s28 =	simm.s32 $0x40;
	[sflag:s23] =	ssyncadd.s32 $0xFFFFF830  }
.LBB2_82:
0x471: {  	p0 =	sne.s32 s28, $0x1F00;
	v10 =	vld [tilespmem:s29+$0x800];
	_ =	sdelay $0x1  }
0x472: {  	v11 =	vld [tilespmem:s29+$0x0];
	_ =	sdelay $0x2  }
0x473: {  	v10 =	vsub.s32 v10, v3  }
0x474: {  	v12 =	vmul.u32 $0x500, v10  }
0x475: {  	v11 =	vadd.s32 v7, v11  }
0x476: {  	vm0 =	vlt.u32 v10, $0x50;
	v10 =	vadd.s32 v12, v11  }
0x477: {  	v10 =	vnsel vm0, $0x0, v10  }
.Ltmp40:
0x478: {  	(pc) =	sbr.rel @p0 .LBB2_82-.Ltmp40, $2  }
0x479: {  	_ =	sdelay $0x2  }
0x47a: {  	s29 =	sshra.s32 s28, $0x2;
	s28 =	sadd.s32 $0x40, s28;
	[tilespmem:v10+s25+$0x0] =	vst.idx.add.f32.msk vm0, v9  }
0x47b: {  	v10 =	vld [tilespmem:s29+$0x800];
	_ =	sdelay $0x1  }
0x47c: {  	v11 =	vld [tilespmem:s29+$0x0];
	_ =	sdelay $0x2  }
0x47d: {  	v10 =	vsub.s32 v10, v3  }
0x47e: {  	v12 =	vmul.u32 $0x500, v10  }
0x47f: {  	v11 =	vadd.s32 v7, v11  }
0x480: {  	vm0 =	vlt.u32 v10, $0x50;
	v10 =	vadd.s32 v12, v11  }
0x481: {  	v10 =	vnsel vm0, $0x0, v10;
	_ =	sdelay $0x4  }
0x482: {  	s28 =	simm.s32 $0x0;
	[tilespmem:v10+s25+$0x0] =	vst.idx.add.f32.msk vm0, v9  }
0x483: {  	[tilespmem:s28], [sflag:$0x1] =	stream.linear.gather [hbm4b:s5+s28], $0x7D0, $0x38;
	[tilespmem:$0x1A000] =	vst v63  }
0x484: {  	_ =	swait.ge [sflag:s23], $0x7D0  }
0x485: {  	[sflag:s23] =	ssyncset.done $0x0  }
0x486: {  	[sflag:s23] =	ssyncadd.s32 $0xFFFFF830  }
0x487: {  	[tilespmem:s24], [sflag:$0x1] =	stream.linear.gather [hbm4b:s11+s28], $0x7D0, $0x38;
	[tilespmem:$0x1A000] =	vst v63  }
0x488: {  	_ =	swait.ge [sflag:s23], $0x7D0  }
0x489: {  	[sflag:s23] =	ssyncset.done $0x0  }
0x48a: {  	s29 =	simm.s32 $0x0;
	s28 =	simm.s32 $0x40;
	[sflag:s23] =	ssyncadd.s32 $0xFFFFF830  }
.LBB2_84:
0x48b: {  	p0 =	sne.s32 s28, $0x1F00;
	v10 =	vld [tilespmem:s29+$0x800];
	_ =	sdelay $0x1  }
0x48c: {  	v11 =	vld [tilespmem:s29+$0x0];
	_ =	sdelay $0x2  }
0x48d: {  	v10 =	vsub.s32 v10, v3  }
0x48e: {  	v12 =	vmul.u32 $0x500, v10  }
0x48f: {  	v11 =	vadd.s32 v7, v11  }
0x490: {  	vm0 =	vlt.u32 v10, $0x50;
	v10 =	vadd.s32 v12, v11  }
0x491: {  	v10 =	vnsel vm0, $0x0, v10  }
.Ltmp41:
0x492: {  	(pc) =	sbr.rel @p0 .LBB2_84-.Ltmp41, $2  }
0x493: {  	_ =	sdelay $0x2  }
0x494: {  	s29 =	sshra.s32 s28, $0x2;
	s28 =	sadd.s32 $0x40, s28;
	[tilespmem:v10+s25+$0x0] =	vst.idx.add.f32.msk vm0, v9  }
0x495: {  	v10 =	vld [tilespmem:s29+$0x800];
	_ =	sdelay $0x1  }
0x496: {  	v11 =	vld [tilespmem:s29+$0x0];
	_ =	sdelay $0x2  }
0x497: {  	v10 =	vsub.s32 v10, v3  }
0x498: {  	v12 =	vmul.u32 $0x500, v10  }
0x499: {  	v11 =	vadd.s32 v7, v11  }
0x49a: {  	vm0 =	vlt.u32 v10, $0x50;
	v10 =	vadd.s32 v12, v11  }
0x49b: {  	v10 =	vnsel vm0, $0x0, v10;
	_ =	sdelay $0x4  }
0x49c: {  	s28 =	simm.s32 $0x0;
	[tilespmem:v10+s25+$0x0] =	vst.idx.add.f32.msk vm0, v9  }
0x49d: {  	[tilespmem:s28], [sflag:$0x1] =	stream.linear.gather [hbm4b:s3+s28], $0x7D0, $0x38;
	[tilespmem:$0x1A000] =	vst v63  }
0x49e: {  	_ =	swait.ge [sflag:s23], $0x7D0  }
0x49f: {  	[sflag:s23] =	ssyncset.done $0x0  }
0x4a0: {  	[sflag:s23] =	ssyncadd.s32 $0xFFFFF830  }
0x4a1: {  	[tilespmem:s24], [sflag:$0x1] =	stream.linear.gather [hbm4b:s13+s28], $0x7D0, $0x38;
	[tilespmem:$0x1A000] =	vst v63  }
0x4a2: {  	_ =	swait.ge [sflag:s23], $0x7D0  }
0x4a3: {  	[sflag:s23] =	ssyncset.done $0x0  }
0x4a4: {  	s29 =	simm.s32 $0x0;
	s28 =	simm.s32 $0x40;
	[sflag:s23] =	ssyncadd.s32 $0xFFFFF830  }
.LBB2_86:
0x4a5: {  	p0 =	sne.s32 s28, $0x1F00;
	v10 =	vld [tilespmem:s29+$0x800];
	_ =	sdelay $0x1  }
0x4a6: {  	v11 =	vld [tilespmem:s29+$0x0];
	_ =	sdelay $0x2  }
0x4a7: {  	v10 =	vsub.s32 v10, v3  }
0x4a8: {  	v12 =	vmul.u32 $0x500, v10  }
0x4a9: {  	v11 =	vadd.s32 v7, v11  }
0x4aa: {  	vm0 =	vlt.u32 v10, $0x50;
	v10 =	vadd.s32 v12, v11  }
0x4ab: {  	v10 =	vnsel vm0, $0x0, v10  }
.Ltmp42:
0x4ac: {  	(pc) =	sbr.rel @p0 .LBB2_86-.Ltmp42, $2  }
0x4ad: {  	_ =	sdelay $0x2  }
0x4ae: {  	s29 =	sshra.s32 s28, $0x2;
	s28 =	sadd.s32 $0x40, s28;
	[tilespmem:v10+s25+$0x0] =	vst.idx.add.f32.msk vm0, v9  }
0x4af: {  	v10 =	vld [tilespmem:s29+$0x800];
	_ =	sdelay $0x1  }
0x4b0: {  	v11 =	vld [tilespmem:s29+$0x0];
	_ =	sdelay $0x2  }
0x4b1: {  	v10 =	vsub.s32 v10, v3  }
0x4b2: {  	v12 =	vmul.u32 $0x500, v10  }
0x4b3: {  	v11 =	vadd.s32 v7, v11  }
0x4b4: {  	vm0 =	vlt.u32 v10, $0x50;
	v10 =	vadd.s32 v12, v11  }
0x4b5: {  	v10 =	vnsel vm0, $0x0, v10;
	_ =	sdelay $0x4  }
0x4b6: {  	s28 =	simm.s32 $0x0;
	[tilespmem:v10+s25+$0x0] =	vst.idx.add.f32.msk vm0, v9  }
0x4b7: {  	[tilespmem:s28], [sflag:$0x1] =	stream.linear.gather [hbm4b:s16+s28], $0x7D0, $0x38;
	[tilespmem:$0x1A000] =	vst v63  }
0x4b8: {  	_ =	swait.ge [sflag:s23], $0x7D0  }
0x4b9: {  	[sflag:s23] =	ssyncset.done $0x0  }
0x4ba: {  	[sflag:s23] =	ssyncadd.s32 $0xFFFFF830  }
0x4bb: {  	[tilespmem:s24], [sflag:$0x1] =	stream.linear.gather [hbm4b:s17+s28], $0x7D0, $0x38;
	[tilespmem:$0x1A000] =	vst v63  }
0x4bc: {  	_ =	swait.ge [sflag:s23], $0x7D0  }
0x4bd: {  	[sflag:s23] =	ssyncset.done $0x0  }
0x4be: {  	s29 =	simm.s32 $0x0;
	s28 =	simm.s32 $0x40;
	[sflag:s23] =	ssyncadd.s32 $0xFFFFF830  }
.LBB2_88:
0x4bf: {  	p0 =	sne.s32 s28, $0x1F00;
	v10 =	vld [tilespmem:s29+$0x800];
	_ =	sdelay $0x1  }
0x4c0: {  	v11 =	vld [tilespmem:s29+$0x0];
	_ =	sdelay $0x2  }
0x4c1: {  	v10 =	vsub.s32 v10, v3  }
0x4c2: {  	v12 =	vmul.u32 $0x500, v10  }
0x4c3: {  	v11 =	vadd.s32 v7, v11  }
0x4c4: {  	vm0 =	vlt.u32 v10, $0x50;
	v10 =	vadd.s32 v12, v11  }
0x4c5: {  	v10 =	vnsel vm0, $0x0, v10  }
.Ltmp43:
0x4c6: {  	(pc) =	sbr.rel @p0 .LBB2_88-.Ltmp43, $2  }
0x4c7: {  	_ =	sdelay $0x2  }
0x4c8: {  	s29 =	sshra.s32 s28, $0x2;
	s28 =	sadd.s32 $0x40, s28;
	[tilespmem:v10+s25+$0x0] =	vst.idx.add.f32.msk vm0, v9  }
0x4c9: {  	v10 =	vld [tilespmem:s29+$0x800];
	_ =	sdelay $0x1  }
0x4ca: {  	v11 =	vld [tilespmem:s29+$0x0];
	_ =	sdelay $0x2  }
0x4cb: {  	v10 =	vsub.s32 v10, v3  }
0x4cc: {  	v12 =	vmul.u32 $0x500, v10  }
0x4cd: {  	v11 =	vadd.s32 v7, v11  }
0x4ce: {  	vm0 =	vlt.u32 v10, $0x50;
	v10 =	vadd.s32 v12, v11  }
0x4cf: {  	v10 =	vnsel vm0, $0x0, v10;
	_ =	sdelay $0x2  }
0x4d0: {  	s26 =	sadd.s32 $0x1, s26  }
0x4d1: {  	p0 =	sne.s32 s26, s22  }
.Ltmp44:
0x4d2: {  	s28 =	simm.s32 $0x0;
	[tilespmem:v10+s25+$0x0] =	vst.idx.add.f32.msk vm0, v9;
	(pc) =	sbr.rel @p0 .LBB2_1-.Ltmp44, $4  }
0x4d3: {  	[hbm4b:s21+s28] =	stream.linear.scatter [tilespmem:s25], [sflag:$0x1], $0x19000, $0x38;
	[tilespmem:$0x1A000] =	vst v63  }
0x4d4: {  	_ =	swait.ge [sflag:s23], $0x19000  }
0x4d5: {  	[sflag:s23] =	ssyncset.done $0x0  }
0x4d6: {  	[sflag:s23] =	ssyncadd.s32 $0xFFFE7000  }
0x4d7: {  	_ =	sfence.sel $0x180000  }
0x4d8: {  	[bflag:$0x0] =	sbarrier.arrive $0xFFFF  }
0x4d9: {  	_ =	strace $0x90000047  }
0x4da: {  	s0 =	stileid.u32;
	[bflag:$0x2] =	sbarrier.arrive $0xFFFF  }
0x4db: {  	p0 =	sne.s32 s0, $0x0;
	s0 =	rddreg [dreg:$0x1]  }
0x4dc: {  	s0 =	sadd.s32 @!p0 $0x100000, s0  }
0x4dd: {  	[sflag:s0] =	ssyncadd.tile.s32 @!p0 $0x1;
	_ =	shalt  }
.Lfunc_end2:
_tile_overlayer_lowered:
.L_overlay_start_2:
0x4de: {  	(tag) =	ssettag $0x2  }
0x4df: {  	s0 =	rddreg [dreg:$0x0];
	s2 =	stileid.u32  }
0x4e0: {  	s1 =	rddreg [dreg:$0x1];
	p0 =	sne.s32 s2, $0x0  }
0x4e1: {  	s3 =	rddreg [dreg:$0x2];
	[bflag:$0x3] =	sbarrier.arrive $0xFFFF;
	s2 =	simm.s32 @!p0 $0x1C01  }
0x4e2: {  	[timem:s3], [sflag:s2] =	dma.local @!p0 [hbm:s0], s1  }
0x4e3: {  	s0 =	simm.s32 @!p0 $0x1  }
0x4e4: {  	_ =	swait.ge @!p0 [sflag:s0], s1  }
0x4e5: {  	s1 =	ssub.s32 @!p0 $0x0, s1;
	[sflag:s0] =	ssyncset.done @!p0 $0x0  }
0x4e6: {  	[sflag:s0] =	ssyncadd.s32 @!p0 s1  }
0x4e7: {  	[bflag:$0x3] =	sbarrier.arrive $0xFFFF  }
0x4e8: {  	_ =	shalt  }

</sc_bundles>
